<compile_context>
chip_gen: v7x
topology: tpu7x:2x2x1
jax: 0.10.2.dev20260603
libtpu: 0.0.44.dev20260713+nightly
codegen_flags: <defaults>
</compile_context>

<pallas_src>
import functools

import jax
import jax.numpy as jnp
from jax import lax
from jax.experimental import pallas as pl
from jax.experimental.pallas import tpu as pltpu
from jax.experimental.pallas import tpu_sc as plsc

D = 32
L = 16
IC = 128
W = 128


@functools.lru_cache(maxsize=None)
def _build(B, NU4, NB):
    info = plsc.get_sparse_core_info()
    NC, NS = info.num_cores, info.num_subcores
    NW = NC * NS
    BW = B // NW
    NCH = BW // IC
    mesh = plsc.VectorSubcoreMesh(core_axis_name="c", subcore_axis_name="s")

    idx_scratch = []
    for _ in range(NCH):
        idx_scratch += [
            pltpu.VMEM((IC,), jnp.int32),
            pltpu.VMEM((IC,), jnp.int32),
            pltpu.VMEM((IC,), jnp.int32),
            pltpu.VMEM((IC,), jnp.int32),
            pltpu.VMEM((IC,), jnp.int32),
            pltpu.VMEM((IC,), jnp.int32),
        ]

    @functools.partial(
        pl.kernel,
        mesh=mesh,
        compiler_params=pltpu.CompilerParams(needs_layout_passes=False),
        out_type=jax.ShapeDtypeStruct((B,), jnp.float32),
        scratch_types=idx_scratch + [
            pltpu.VMEM((IC, W), jnp.float32),
            pltpu.VMEM((IC, W), jnp.float32),
            pltpu.VMEM((IC, W), jnp.float32),
            pltpu.VMEM((IC, W), jnp.float32),
            pltpu.VMEM((L,), jnp.float32),
            pltpu.VMEM((BW,), jnp.float32),
            pltpu.SemaphoreType.DMA,
        ],
    )
    def mf_kernel(u_hbm, i_hbm, U_hbm, V_hbm, bu_hbm, bi_hbm, gb_hbm,
                  out_hbm, *refs):
        idx = refs[:6 * NCH]
        urows, vrows, burows, birows, gbv, outb, sem = refs[6 * NCH:]
        wid = lax.axis_index("s") * NC + lax.axis_index("c")
        base = wid * BW
        pltpu.sync_copy(gb_hbm, gbv)
        iota = lax.iota(jnp.int32, L)

        for j in range(NCH):
            uj, ij, uej, iej, ubj, ibj = idx[6 * j:6 * j + 6]
            pltpu.sync_copy(u_hbm.at[pl.ds(base + j * IC, IC)], uj)
            pltpu.sync_copy(i_hbm.at[pl.ds(base + j * IC, IC)], ij)
            for t in range(IC // L):
                sl = t * L + iota
                uv = plsc.load_gather(uj, [sl])
                iv = plsc.load_gather(ij, [sl])
                plsc.store_scatter(uej, [sl], lax.shift_right_logical(uv, 2))
                plsc.store_scatter(iej, [sl], lax.shift_right_logical(iv, 2))
                plsc.store_scatter(ubj, [sl], lax.shift_right_logical(uv, 7))
                plsc.store_scatter(ibj, [sl], lax.shift_right_logical(iv, 7))

        gb = gbv[...]
        for j in range(NCH):
            uj, ij, uej, iej, ubj, ibj = idx[6 * j:6 * j + 6]
            cs = [pltpu.async_copy(U_hbm.at[uej], urows, sem),
                  pltpu.async_copy(V_hbm.at[iej], vrows, sem),
                  pltpu.async_copy(bu_hbm.at[ubj], burows, sem),
                  pltpu.async_copy(bi_hbm.at[ibj], birows, sem)]
            for c in cs:
                c.wait()

            def group(g, carry, _uj=uj, _ij=ij, _j=j):
                rows = g * L + iota
                uraw = plsc.load_gather(_uj, [rows])
                iraw = plsc.load_gather(_ij, [rows])
                ucol = (uraw & 3) * D
                icol = (iraw & 3) * D
                acc = gb
                for d in range(D):
                    acc = acc + (plsc.load_gather(urows, [rows, ucol + d])
                                 * plsc.load_gather(vrows, [rows, icol + d]))
                acc = (acc + plsc.load_gather(burows, [rows, uraw & 127])
                       + plsc.load_gather(birows, [rows, iraw & 127]))
                res = 1.0 + 4.0 / (1.0 + jnp.exp(-acc))
                plsc.store_scatter(outb, [_j * IC + rows], res)
                return carry

            lax.fori_loop(0, IC // L, group, 0)

        pltpu.sync_copy(outb, out_hbm.at[pl.ds(base, BW)])

    return mf_kernel


def kernel(u, i, U, V, bu, bi, global_b):
    B = u.shape[0]
    NU, _ = U.shape
    NB = -(-NU // W)
    pad = NB * W - NU
    f = _build(B, NU // 4, NB)
    def rows128(T):
        return (T.T.reshape(D, NU // 4, 4).transpose(1, 2, 0)
                .reshape(NU // 4, W))

    U128 = rows128(U)
    V128 = V.reshape(NU // 4, W)
    bup = jnp.pad(bu, ((0, pad), (0, 0))).reshape(NB, W)
    bip = jnp.pad(bi, ((0, pad), (0, 0))).reshape(NB, W)
    gb = jnp.broadcast_to(global_b.astype(jnp.float32), (L,))
    return f(u.astype(jnp.int32), i.astype(jnp.int32), U128, V128,
             bup, bip, gb)

# --- scband reference (transcript-rebuilt; emitter-appended) ---
"""Pipeline reference for scband-mf-2422361555836 (READ-ONLY COPY).

The authoritative reference and input builder live on the scoring server;
editing this copy changes nothing except your own understanding.
"""

import jax, jax.numpy as jnp
import numpy as np

N_U = 1000000
N_I = 1000000
D = 32
B = 16384

def setup_inputs(seed: int = 0) -> dict:
    key = jax.random.key(seed)
    k_u, k_i, k_U, k_V, k_bu, k_bi = jax.random.split(key, 6)
    u = jax.random.randint(k_u, (B,), 0, N_U, dtype=jnp.int64) if jax.config.jax_enable_x64 else jax.random.randint(k_u, (B,), 0, N_U).astype(jnp.int32)
    i = jax.random.randint(k_i, (B,), 0, N_I).astype(u.dtype)
    # xavier normal for U, V: std = sqrt(2/(fan_in+fan_out))
    std_U = float(np.sqrt(2.0 / (N_U + D)))
    std_V = float(np.sqrt(2.0 / (N_I + D)))
    U = jax.random.normal(k_U, (N_U, D), dtype=jnp.float32) * std_U
    V = jax.random.normal(k_V, (N_I, D), dtype=jnp.float32) * std_V
    bu = jax.random.normal(k_bu, (N_U, 1), dtype=jnp.float32) * 0.01
    bi = jax.random.normal(k_bi, (N_I, 1), dtype=jnp.float32) * 0.01
    global_b = jnp.zeros((1,), dtype=jnp.float32)
    return {"u": u, "i": i, "U": U, "V": V, "bu": bu, "bi": bi, "global_b": global_b}

def reference(u, i, U, V, bu, bi, global_b):
    u_emb = jnp.take(U, u, axis=0)           # [B, D]
    v_emb = jnp.take(V, i, axis=0)           # [B, D]
    x = jnp.sum(u_emb * v_emb, axis=-1)      # [B]
    x = x + jnp.take(bu, u, axis=0).squeeze(-1) + jnp.take(bi, i, axis=0).squeeze(-1) + global_b
    return 1.0 + 4.0 * jax.nn.sigmoid(x)

if __name__ == "__main__":
    import jax
    _d = setup_inputs()
    print(jax.jit(kernel)(*tuple(_d.values())))

</pallas_src>

<mosaic_0001>
#map = affine_map<(d0, d1) -> (0)>
#map1 = affine_map<(d0, d1) -> (0, 0)>
module attributes {stable_mosaic.version = 14 : i64} {
  func.func @mf_kernel(%arg0: i32, %arg1: i32, %arg2: memref<16384xi32, #tpu.memory_space<hbm>>, %arg3: memref<16384xi32, #tpu.memory_space<hbm>>, %arg4: memref<250000x128xf32, #tpu.memory_space<hbm>>, %arg5: memref<250000x128xf32, #tpu.memory_space<hbm>>, %arg6: memref<7813x128xf32, #tpu.memory_space<hbm>>, %arg7: memref<7813x128xf32, #tpu.memory_space<hbm>>, %arg8: memref<16xf32, #tpu.memory_space<hbm>>, %arg9: memref<16384xf32, #tpu.memory_space<hbm>>, %arg10: memref<128xi32, #tpu.memory_space<vmem>>, %arg11: memref<128xi32, #tpu.memory_space<vmem>>, %arg12: memref<128xi32, #tpu.memory_space<vmem>>, %arg13: memref<128xi32, #tpu.memory_space<vmem>>, %arg14: memref<128xi32, #tpu.memory_space<vmem>>, %arg15: memref<128xi32, #tpu.memory_space<vmem>>, %arg16: memref<128xi32, #tpu.memory_space<vmem>>, %arg17: memref<128xi32, #tpu.memory_space<vmem>>, %arg18: memref<128xi32, #tpu.memory_space<vmem>>, %arg19: memref<128xi32, #tpu.memory_space<vmem>>, %arg20: memref<128xi32, #tpu.memory_space<vmem>>, %arg21: memref<128xi32, #tpu.memory_space<vmem>>, %arg22: memref<128xi32, #tpu.memory_space<vmem>>, %arg23: memref<128xi32, #tpu.memory_space<vmem>>, %arg24: memref<128xi32, #tpu.memory_space<vmem>>, %arg25: memref<128xi32, #tpu.memory_space<vmem>>, %arg26: memref<128xi32, #tpu.memory_space<vmem>>, %arg27: memref<128xi32, #tpu.memory_space<vmem>>, %arg28: memref<128xi32, #tpu.memory_space<vmem>>, %arg29: memref<128xi32, #tpu.memory_space<vmem>>, %arg30: memref<128xi32, #tpu.memory_space<vmem>>, %arg31: memref<128xi32, #tpu.memory_space<vmem>>, %arg32: memref<128xi32, #tpu.memory_space<vmem>>, %arg33: memref<128xi32, #tpu.memory_space<vmem>>, %arg34: memref<128x128xf32, #tpu.memory_space<vmem>>, %arg35: memref<128x128xf32, #tpu.memory_space<vmem>>, %arg36: memref<128x128xf32, #tpu.memory_space<vmem>>, %arg37: memref<128x128xf32, #tpu.memory_space<vmem>>, %arg38: memref<16xf32, #tpu.memory_space<vmem>>, %arg39: memref<512xf32, #tpu.memory_space<vmem>>, %arg40: memref<!tpu.dma_semaphore, #tpu.memory_space<semaphore_mem>>) attributes {dimension_semantics = [#tpu.dimension_semantics<core_parallel>, #tpu.dimension_semantics<subcore_parallel>], iteration_bounds = array<i64: 2, 16>, scalar_prefetch = 0 : i64, scratch_operands = 31 : i64, tpu.core_type = #tpu.core_type<sc_vector_subcore>, window_params = [{transform_indices = #map}, {transform_indices = #map}, {transform_indices = #map1}, {transform_indices = #map1}, {transform_indices = #map1}, {transform_indices = #map1}, {transform_indices = #map}, {transform_indices = #map}]} {
    %mul3A = arith.constant 2 : i32
    %mul3A_0 = arith.muli %arg1, %mul3A : i32
    %add3A = arith.addi %mul3A_0, %arg0 : i32
    %mul3A_1 = arith.constant 512 : i32
    %mul3A_2 = arith.muli %add3A, %mul3A_1 : i32
    "tpu.region"() ({
      %run_scoped3A = tpu.sem_alloc : memref<!tpu.dma_semaphore, #tpu.memory_space<semaphore_mem>>
      tpu.enqueue_dma source(%arg8 : memref<16xf32, #tpu.memory_space<hbm>>) target(%arg38 : memref<16xf32, #tpu.memory_space<vmem>>) target_semaphore(%run_scoped3A : memref<!tpu.dma_semaphore, #tpu.memory_space<semaphore_mem>>)
      tpu.wait_dma2 semaphore(%run_scoped3A : memref<!tpu.dma_semaphore, #tpu.memory_space<semaphore_mem>>) src(%arg8 : memref<16xf32, #tpu.memory_space<hbm>>) dst(%arg38 : memref<16xf32, #tpu.memory_space<vmem>>)
      tpu.yield
    }) : () -> ()
    %iota3A = tpu.iota {dimensions = array<i32: 0>} : vector<16xi32>
    %add3A_3 = arith.constant 0 : i32
    %add3A_4 = arith.addi %mul3A_2, %add3A_3 : i32
    "tpu.region"() ({
      %run_scoped3A = tpu.sem_alloc : memref<!tpu.dma_semaphore, #tpu.memory_space<semaphore_mem>>
      %dma_start3A_679 = tpu.memref_slice %arg2[%add3A_4] : memref<16384xi32, #tpu.memory_space<hbm>> -> memref<128xi32, #tpu.memory_space<hbm>>
      %dma_start3A_680 = tpu.memref_slice %arg2[%add3A_4] : memref<16384xi32, #tpu.memory_space<hbm>> -> memref<128xi32, #tpu.memory_space<hbm>>
      tpu.enqueue_dma source(%dma_start3A_680 : memref<128xi32, #tpu.memory_space<hbm>>) target(%arg10 : memref<128xi32, #tpu.memory_space<vmem>>) target_semaphore(%run_scoped3A : memref<!tpu.dma_semaphore, #tpu.memory_space<semaphore_mem>>)
      %dma_wait3A_681 = tpu.memref_slice %arg2[%add3A_4] : memref<16384xi32, #tpu.memory_space<hbm>> -> memref<128xi32, #tpu.memory_space<hbm>>
      %dma_wait3A_682 = tpu.memref_slice %arg2[%add3A_4] : memref<16384xi32, #tpu.memory_space<hbm>> -> memref<128xi32, #tpu.memory_space<hbm>>
      tpu.wait_dma2 semaphore(%run_scoped3A : memref<!tpu.dma_semaphore, #tpu.memory_space<semaphore_mem>>) src(%dma_wait3A_682 : memref<128xi32, #tpu.memory_space<hbm>>) dst(%arg10 : memref<128xi32, #tpu.memory_space<vmem>>)
      tpu.yield
    }) : () -> ()
    %add3A_5 = arith.constant 0 : i32
    %add3A_6 = arith.addi %mul3A_2, %add3A_5 : i32
    "tpu.region"() ({
      %run_scoped3A = tpu.sem_alloc : memref<!tpu.dma_semaphore, #tpu.memory_space<semaphore_mem>>
      %dma_start3A_679 = tpu.memref_slice %arg3[%add3A_6] : memref<16384xi32, #tpu.memory_space<hbm>> -> memref<128xi32, #tpu.memory_space<hbm>>
      %dma_start3A_680 = tpu.memref_slice %arg3[%add3A_6] : memref<16384xi32, #tpu.memory_space<hbm>> -> memref<128xi32, #tpu.memory_space<hbm>>
      tpu.enqueue_dma source(%dma_start3A_680 : memref<128xi32, #tpu.memory_space<hbm>>) target(%arg11 : memref<128xi32, #tpu.memory_space<vmem>>) target_semaphore(%run_scoped3A : memref<!tpu.dma_semaphore, #tpu.memory_space<semaphore_mem>>)
      %dma_wait3A_681 = tpu.memref_slice %arg3[%add3A_6] : memref<16384xi32, #tpu.memory_space<hbm>> -> memref<128xi32, #tpu.memory_space<hbm>>
      %dma_wait3A_682 = tpu.memref_slice %arg3[%add3A_6] : memref<16384xi32, #tpu.memory_space<hbm>> -> memref<128xi32, #tpu.memory_space<hbm>>
      tpu.wait_dma2 semaphore(%run_scoped3A : memref<!tpu.dma_semaphore, #tpu.memory_space<semaphore_mem>>) src(%dma_wait3A_682 : memref<128xi32, #tpu.memory_space<hbm>>) dst(%arg11 : memref<128xi32, #tpu.memory_space<vmem>>)
      tpu.yield
    }) : () -> ()
    %add3A_7 = arith.constant 0 : i32
    %add3A_8 = vector.broadcast %add3A_7 : i32 to vector<16xi32>
    %add3A_9 = arith.addi %add3A_8, %iota3A : vector<16xi32>
    %gather3A = tpu.vector_load_idx %arg10[%add3A_9] : memref<128xi32, #tpu.memory_space<vmem>>[vector<16xi32>], vector<16xi32>,
    %gather3A_10 = tpu.vector_load_idx %arg11[%add3A_9] : memref<128xi32, #tpu.memory_space<vmem>>[vector<16xi32>], vector<16xi32>,
    %shift_right_logical3A = arith.constant 2 : i32
    %shift_right_logical3A_11 = vector.broadcast %shift_right_logical3A : i32 to vector<16xi32>
    %shift_right_logical3A_12 = arith.shrui %gather3A, %shift_right_logical3A_11 : vector<16xi32>
    tpu.vector_store_idx %arg12[%add3A_9], %shift_right_logical3A_12 : memref<128xi32, #tpu.memory_space<vmem>>[vector<16xi32>], vector<16xi32>,
    %shift_right_logical3A_13 = arith.constant 2 : i32
    %shift_right_logical3A_14 = vector.broadcast %shift_right_logical3A_13 : i32 to vector<16xi32>
    %shift_right_logical3A_15 = arith.shrui %gather3A_10, %shift_right_logical3A_14 : vector<16xi32>
    tpu.vector_store_idx %arg13[%add3A_9], %shift_right_logical3A_15 : memref<128xi32, #tpu.memory_space<vmem>>[vector<16xi32>], vector<16xi32>,
    %shift_right_logical3A_16 = arith.constant 7 : i32
    %shift_right_logical3A_17 = vector.broadcast %shift_right_logical3A_16 : i32 to vector<16xi32>
    %shift_right_logical3A_18 = arith.shrui %gather3A, %shift_right_logical3A_17 : vector<16xi32>
    tpu.vector_store_idx %arg14[%add3A_9], %shift_right_logical3A_18 : memref<128xi32, #tpu.memory_space<vmem>>[vector<16xi32>], vector<16xi32>,
    %shift_right_logical3A_19 = arith.constant 7 : i32
    %shift_right_logical3A_20 = vector.broadcast %shift_right_logical3A_19 : i32 to vector<16xi32>
    %shift_right_logical3A_21 = arith.shrui %gather3A_10, %shift_right_logical3A_20 : vector<16xi32>
    tpu.vector_store_idx %arg15[%add3A_9], %shift_right_logical3A_21 : memref<128xi32, #tpu.memory_space<vmem>>[vector<16xi32>], vector<16xi32>,
    %add3A_22 = arith.constant 16 : i32
    %add3A_23 = vector.broadcast %add3A_22 : i32 to vector<16xi32>
    %add3A_24 = arith.addi %add3A_23, %iota3A : vector<16xi32>
    %gather3A_25 = tpu.vector_load_idx %arg10[%add3A_24] : memref<128xi32, #tpu.memory_space<vmem>>[vector<16xi32>], vector<16xi32>,
    %gather3A_26 = tpu.vector_load_idx %arg11[%add3A_24] : memref<128xi32, #tpu.memory_space<vmem>>[vector<16xi32>], vector<16xi32>,
    %shift_right_logical3A_27 = arith.constant 2 : i32
    %shift_right_logical3A_28 = vector.broadcast %shift_right_logical3A_27 : i32 to vector<16xi32>
    %shift_right_logical3A_29 = arith.shrui %gather3A_25, %shift_right_logical3A_28 : vector<16xi32>
    tpu.vector_store_idx %arg12[%add3A_24], %shift_right_logical3A_29 : memref<128xi32, #tpu.memory_space<vmem>>[vector<16xi32>], vector<16xi32>,
    %shift_right_logical3A_30 = arith.constant 2 : i32
    %shift_right_logical3A_31 = vector.broadcast %shift_right_logical3A_30 : i32 to vector<16xi32>
    %shift_right_logical3A_32 = arith.shrui %gather3A_26, %shift_right_logical3A_31 : vector<16xi32>
    tpu.vector_store_idx %arg13[%add3A_24], %shift_right_logical3A_32 : memref<128xi32, #tpu.memory_space<vmem>>[vector<16xi32>], vector<16xi32>,
    %shift_right_logical3A_33 = arith.constant 7 : i32
    %shift_right_logical3A_34 = vector.broadcast %shift_right_logical3A_33 : i32 to vector<16xi32>
    %shift_right_logical3A_35 = arith.shrui %gather3A_25, %shift_right_logical3A_34 : vector<16xi32>
    tpu.vector_store_idx %arg14[%add3A_24], %shift_right_logical3A_35 : memref<128xi32, #tpu.memory_space<vmem>>[vector<16xi32>], vector<16xi32>,
    %shift_right_logical3A_36 = arith.constant 7 : i32
    %shift_right_logical3A_37 = vector.broadcast %shift_right_logical3A_36 : i32 to vector<16xi32>
    %shift_right_logical3A_38 = arith.shrui %gather3A_26, %shift_right_logical3A_37 : vector<16xi32>
    tpu.vector_store_idx %arg15[%add3A_24], %shift_right_logical3A_38 : memref<128xi32, #tpu.memory_space<vmem>>[vector<16xi32>], vector<16xi32>,
    %add3A_39 = arith.constant 32 : i32
    %add3A_40 = vector.broadcast %add3A_39 : i32 to vector<16xi32>
    %add3A_41 = arith.addi %add3A_40, %iota3A : vector<16xi32>
    %gather3A_42 = tpu.vector_load_idx %arg10[%add3A_41] : memref<128xi32, #tpu.memory_space<vmem>>[vector<16xi32>], vector<16xi32>,
    %gather3A_43 = tpu.vector_load_idx %arg11[%add3A_41] : memref<128xi32, #tpu.memory_space<vmem>>[vector<16xi32>], vector<16xi32>,
    %shift_right_logical3A_44 = arith.constant 2 : i32
    %shift_right_logical3A_45 = vector.broadcast %shift_right_logical3A_44 : i32 to vector<16xi32>
    %shift_right_logical3A_46 = arith.shrui %gather3A_42, %shift_right_logical3A_45 : vector<16xi32>
    tpu.vector_store_idx %arg12[%add3A_41], %shift_right_logical3A_46 : memref<128xi32, #tpu.memory_space<vmem>>[vector<16xi32>], vector<16xi32>,
    %shift_right_logical3A_47 = arith.constant 2 : i32
    %shift_right_logical3A_48 = vector.broadcast %shift_right_logical3A_47 : i32 to vector<16xi32>
    %shift_right_logical3A_49 = arith.shrui %gather3A_43, %shift_right_logical3A_48 : vector<16xi32>
    tpu.vector_store_idx %arg13[%add3A_41], %shift_right_logical3A_49 : memref<128xi32, #tpu.memory_space<vmem>>[vector<16xi32>], vector<16xi32>,
    %shift_right_logical3A_50 = arith.constant 7 : i32
    %shift_right_logical3A_51 = vector.broadcast %shift_right_logical3A_50 : i32 to vector<16xi32>
    %shift_right_logical3A_52 = arith.shrui %gather3A_42, %shift_right_logical3A_51 : vector<16xi32>
    tpu.vector_store_idx %arg14[%add3A_41], %shift_right_logical3A_52 : memref<128xi32, #tpu.memory_space<vmem>>[vector<16xi32>], vector<16xi32>,
    %shift_right_logical3A_53 = arith.constant 7 : i32
    %shift_right_logical3A_54 = vector.broadcast %shift_right_logical3A_53 : i32 to vector<16xi32>
    %shift_right_logical3A_55 = arith.shrui %gather3A_43, %shift_right_logical3A_54 : vector<16xi32>
    tpu.vector_store_idx %arg15[%add3A_41], %shift_right_logical3A_55 : memref<128xi32, #tpu.memory_space<vmem>>[vector<16xi32>], vector<16xi32>,
    %add3A_56 = arith.constant 48 : i32
    %add3A_57 = vector.broadcast %add3A_56 : i32 to vector<16xi32>
    %add3A_58 = arith.addi %add3A_57, %iota3A : vector<16xi32>
    %gather3A_59 = tpu.vector_load_idx %arg10[%add3A_58] : memref<128xi32, #tpu.memory_space<vmem>>[vector<16xi32>], vector<16xi32>,
    %gather3A_60 = tpu.vector_load_idx %arg11[%add3A_58] : memref<128xi32, #tpu.memory_space<vmem>>[vector<16xi32>], vector<16xi32>,
    %shift_right_logical3A_61 = arith.constant 2 : i32
    %shift_right_logical3A_62 = vector.broadcast %shift_right_logical3A_61 : i32 to vector<16xi32>
    %shift_right_logical3A_63 = arith.shrui %gather3A_59, %shift_right_logical3A_62 : vector<16xi32>
    tpu.vector_store_idx %arg12[%add3A_58], %shift_right_logical3A_63 : memref<128xi32, #tpu.memory_space<vmem>>[vector<16xi32>], vector<16xi32>,
    %shift_right_logical3A_64 = arith.constant 2 : i32
    %shift_right_logical3A_65 = vector.broadcast %shift_right_logical3A_64 : i32 to vector<16xi32>
    %shift_right_logical3A_66 = arith.shrui %gather3A_60, %shift_right_logical3A_65 : vector<16xi32>
    tpu.vector_store_idx %arg13[%add3A_58], %shift_right_logical3A_66 : memref<128xi32, #tpu.memory_space<vmem>>[vector<16xi32>], vector<16xi32>,
    %shift_right_logical3A_67 = arith.constant 7 : i32
    %shift_right_logical3A_68 = vector.broadcast %shift_right_logical3A_67 : i32 to vector<16xi32>
    %shift_right_logical3A_69 = arith.shrui %gather3A_59, %shift_right_logical3A_68 : vector<16xi32>
    tpu.vector_store_idx %arg14[%add3A_58], %shift_right_logical3A_69 : memref<128xi32, #tpu.memory_space<vmem>>[vector<16xi32>], vector<16xi32>,
    %shift_right_logical3A_70 = arith.constant 7 : i32
    %shift_right_logical3A_71 = vector.broadcast %shift_right_logical3A_70 : i32 to vector<16xi32>
    %shift_right_logical3A_72 = arith.shrui %gather3A_60, %shift_right_logical3A_71 : vector<16xi32>
    tpu.vector_store_idx %arg15[%add3A_58], %shift_right_logical3A_72 : memref<128xi32, #tpu.memory_space<vmem>>[vector<16xi32>], vector<16xi32>,
    %add3A_73 = arith.constant 64 : i32
    %add3A_74 = vector.broadcast %add3A_73 : i32 to vector<16xi32>
    %add3A_75 = arith.addi %add3A_74, %iota3A : vector<16xi32>
    %gather3A_76 = tpu.vector_load_idx %arg10[%add3A_75] : memref<128xi32, #tpu.memory_space<vmem>>[vector<16xi32>], vector<16xi32>,
    %gather3A_77 = tpu.vector_load_idx %arg11[%add3A_75] : memref<128xi32, #tpu.memory_space<vmem>>[vector<16xi32>], vector<16xi32>,
    %shift_right_logical3A_78 = arith.constant 2 : i32
    %shift_right_logical3A_79 = vector.broadcast %shift_right_logical3A_78 : i32 to vector<16xi32>
    %shift_right_logical3A_80 = arith.shrui %gather3A_76, %shift_right_logical3A_79 : vector<16xi32>
    tpu.vector_store_idx %arg12[%add3A_75], %shift_right_logical3A_80 : memref<128xi32, #tpu.memory_space<vmem>>[vector<16xi32>], vector<16xi32>,
    %shift_right_logical3A_81 = arith.constant 2 : i32
    %shift_right_logical3A_82 = vector.broadcast %shift_right_logical3A_81 : i32 to vector<16xi32>
    %shift_right_logical3A_83 = arith.shrui %gather3A_77, %shift_right_logical3A_82 : vector<16xi32>
    tpu.vector_store_idx %arg13[%add3A_75], %shift_right_logical3A_83 : memref<128xi32, #tpu.memory_space<vmem>>[vector<16xi32>], vector<16xi32>,
    %shift_right_logical3A_84 = arith.constant 7 : i32
    %shift_right_logical3A_85 = vector.broadcast %shift_right_logical3A_84 : i32 to vector<16xi32>
    %shift_right_logical3A_86 = arith.shrui %gather3A_76, %shift_right_logical3A_85 : vector<16xi32>
    tpu.vector_store_idx %arg14[%add3A_75], %shift_right_logical3A_86 : memref<128xi32, #tpu.memory_space<vmem>>[vector<16xi32>], vector<16xi32>,
    %shift_right_logical3A_87 = arith.constant 7 : i32
    %shift_right_logical3A_88 = vector.broadcast %shift_right_logical3A_87 : i32 to vector<16xi32>
    %shift_right_logical3A_89 = arith.shrui %gather3A_77, %shift_right_logical3A_88 : vector<16xi32>
    tpu.vector_store_idx %arg15[%add3A_75], %shift_right_logical3A_89 : memref<128xi32, #tpu.memory_space<vmem>>[vector<16xi32>], vector<16xi32>,
    %add3A_90 = arith.constant 80 : i32
    %add3A_91 = vector.broadcast %add3A_90 : i32 to vector<16xi32>
    %add3A_92 = arith.addi %add3A_91, %iota3A : vector<16xi32>
    %gather3A_93 = tpu.vector_load_idx %arg10[%add3A_92] : memref<128xi32, #tpu.memory_space<vmem>>[vector<16xi32>], vector<16xi32>,
    %gather3A_94 = tpu.vector_load_idx %arg11[%add3A_92] : memref<128xi32, #tpu.memory_space<vmem>>[vector<16xi32>], vector<16xi32>,
    %shift_right_logical3A_95 = arith.constant 2 : i32
    %shift_right_logical3A_96 = vector.broadcast %shift_right_logical3A_95 : i32 to vector<16xi32>
    %shift_right_logical3A_97 = arith.shrui %gather3A_93, %shift_right_logical3A_96 : vector<16xi32>
    tpu.vector_store_idx %arg12[%add3A_92], %shift_right_logical3A_97 : memref<128xi32, #tpu.memory_space<vmem>>[vector<16xi32>], vector<16xi32>,
    %shift_right_logical3A_98 = arith.constant 2 : i32
    %shift_right_logical3A_99 = vector.broadcast %shift_right_logical3A_98 : i32 to vector<16xi32>
    %shift_right_logical3A_100 = arith.shrui %gather3A_94, %shift_right_logical3A_99 : vector<16xi32>
    tpu.vector_store_idx %arg13[%add3A_92], %shift_right_logical3A_100 : memref<128xi32, #tpu.memory_space<vmem>>[vector<16xi32>], vector<16xi32>,
    %shift_right_logical3A_101 = arith.constant 7 : i32
    %shift_right_logical3A_102 = vector.broadcast %shift_right_logical3A_101 : i32 to vector<16xi32>
    %shift_right_logical3A_103 = arith.shrui %gather3A_93, %shift_right_logical3A_102 : vector<16xi32>
    tpu.vector_store_idx %arg14[%add3A_92], %shift_right_logical3A_103 : memref<128xi32, #tpu.memory_space<vmem>>[vector<16xi32>], vector<16xi32>,
    %shift_right_logical3A_104 = arith.constant 7 : i32
    %shift_right_logical3A_105 = vector.broadcast %shift_right_logical3A_104 : i32 to vector<16xi32>
    %shift_right_logical3A_106 = arith.shrui %gather3A_94, %shift_right_logical3A_105 : vector<16xi32>
    tpu.vector_store_idx %arg15[%add3A_92], %shift_right_logical3A_106 : memref<128xi32, #tpu.memory_space<vmem>>[vector<16xi32>], vector<16xi32>,
    %add3A_107 = arith.constant 96 : i32
    %add3A_108 = vector.broadcast %add3A_107 : i32 to vector<16xi32>
    %add3A_109 = arith.addi %add3A_108, %iota3A : vector<16xi32>
    %gather3A_110 = tpu.vector_load_idx %arg10[%add3A_109] : memref<128xi32, #tpu.memory_space<vmem>>[vector<16xi32>], vector<16xi32>,
    %gather3A_111 = tpu.vector_load_idx %arg11[%add3A_109] : memref<128xi32, #tpu.memory_space<vmem>>[vector<16xi32>], vector<16xi32>,
    %shift_right_logical3A_112 = arith.constant 2 : i32
    %shift_right_logical3A_113 = vector.broadcast %shift_right_logical3A_112 : i32 to vector<16xi32>
    %shift_right_logical3A_114 = arith.shrui %gather3A_110, %shift_right_logical3A_113 : vector<16xi32>
    tpu.vector_store_idx %arg12[%add3A_109], %shift_right_logical3A_114 : memref<128xi32, #tpu.memory_space<vmem>>[vector<16xi32>], vector<16xi32>,
    %shift_right_logical3A_115 = arith.constant 2 : i32
    %shift_right_logical3A_116 = vector.broadcast %shift_right_logical3A_115 : i32 to vector<16xi32>
    %shift_right_logical3A_117 = arith.shrui %gather3A_111, %shift_right_logical3A_116 : vector<16xi32>
    tpu.vector_store_idx %arg13[%add3A_109], %shift_right_logical3A_117 : memref<128xi32, #tpu.memory_space<vmem>>[vector<16xi32>], vector<16xi32>,
    %shift_right_logical3A_118 = arith.constant 7 : i32
    %shift_right_logical3A_119 = vector.broadcast %shift_right_logical3A_118 : i32 to vector<16xi32>
    %shift_right_logical3A_120 = arith.shrui %gather3A_110, %shift_right_logical3A_119 : vector<16xi32>
    tpu.vector_store_idx %arg14[%add3A_109], %shift_right_logical3A_120 : memref<128xi32, #tpu.memory_space<vmem>>[vector<16xi32>], vector<16xi32>,
    %shift_right_logical3A_121 = arith.constant 7 : i32
    %shift_right_logical3A_122 = vector.broadcast %shift_right_logical3A_121 : i32 to vector<16xi32>
    %shift_right_logical3A_123 = arith.shrui %gather3A_111, %shift_right_logical3A_122 : vector<16xi32>
    tpu.vector_store_idx %arg15[%add3A_109], %shift_right_logical3A_123 : memref<128xi32, #tpu.memory_space<vmem>>[vector<16xi32>], vector<16xi32>,
    %add3A_124 = arith.constant 112 : i32
    %add3A_125 = vector.broadcast %add3A_124 : i32 to vector<16xi32>
    %add3A_126 = arith.addi %add3A_125, %iota3A : vector<16xi32>
    %gather3A_127 = tpu.vector_load_idx %arg10[%add3A_126] : memref<128xi32, #tpu.memory_space<vmem>>[vector<16xi32>], vector<16xi32>,
    %gather3A_128 = tpu.vector_load_idx %arg11[%add3A_126] : memref<128xi32, #tpu.memory_space<vmem>>[vector<16xi32>], vector<16xi32>,
    %shift_right_logical3A_129 = arith.constant 2 : i32
    %shift_right_logical3A_130 = vector.broadcast %shift_right_logical3A_129 : i32 to vector<16xi32>
    %shift_right_logical3A_131 = arith.shrui %gather3A_127, %shift_right_logical3A_130 : vector<16xi32>
    tpu.vector_store_idx %arg12[%add3A_126], %shift_right_logical3A_131 : memref<128xi32, #tpu.memory_space<vmem>>[vector<16xi32>], vector<16xi32>,
    %shift_right_logical3A_132 = arith.constant 2 : i32
    %shift_right_logical3A_133 = vector.broadcast %shift_right_logical3A_132 : i32 to vector<16xi32>
    %shift_right_logical3A_134 = arith.shrui %gather3A_128, %shift_right_logical3A_133 : vector<16xi32>
    tpu.vector_store_idx %arg13[%add3A_126], %shift_right_logical3A_134 : memref<128xi32, #tpu.memory_space<vmem>>[vector<16xi32>], vector<16xi32>,
    %shift_right_logical3A_135 = arith.constant 7 : i32
    %shift_right_logical3A_136 = vector.broadcast %shift_right_logical3A_135 : i32 to vector<16xi32>
    %shift_right_logical3A_137 = arith.shrui %gather3A_127, %shift_right_logical3A_136 : vector<16xi32>
    tpu.vector_store_idx %arg14[%add3A_126], %shift_right_logical3A_137 : memref<128xi32, #tpu.memory_space<vmem>>[vector<16xi32>], vector<16xi32>,
    %shift_right_logical3A_138 = arith.constant 7 : i32
    %shift_right_logical3A_139 = vector.broadcast %shift_right_logical3A_138 : i32 to vector<16xi32>
    %shift_right_logical3A_140 = arith.shrui %gather3A_128, %shift_right_logical3A_139 : vector<16xi32>
    tpu.vector_store_idx %arg15[%add3A_126], %shift_right_logical3A_140 : memref<128xi32, #tpu.memory_space<vmem>>[vector<16xi32>], vector<16xi32>,
    %add3A_141 = arith.constant 128 : i32
    %add3A_142 = arith.addi %mul3A_2, %add3A_141 : i32
    "tpu.region"() ({
      %run_scoped3A = tpu.sem_alloc : memref<!tpu.dma_semaphore, #tpu.memory_space<semaphore_mem>>
      %dma_start3A_679 = tpu.memref_slice %arg2[%add3A_142] : memref<16384xi32, #tpu.memory_space<hbm>> -> memref<128xi32, #tpu.memory_space<hbm>>
      %dma_start3A_680 = tpu.memref_slice %arg2[%add3A_142] : memref<16384xi32, #tpu.memory_space<hbm>> -> memref<128xi32, #tpu.memory_space<hbm>>
      tpu.enqueue_dma source(%dma_start3A_680 : memref<128xi32, #tpu.memory_space<hbm>>) target(%arg16 : memref<128xi32, #tpu.memory_space<vmem>>) target_semaphore(%run_scoped3A : memref<!tpu.dma_semaphore, #tpu.memory_space<semaphore_mem>>)
      %dma_wait3A_681 = tpu.memref_slice %arg2[%add3A_142] : memref<16384xi32, #tpu.memory_space<hbm>> -> memref<128xi32, #tpu.memory_space<hbm>>
      %dma_wait3A_682 = tpu.memref_slice %arg2[%add3A_142] : memref<16384xi32, #tpu.memory_space<hbm>> -> memref<128xi32, #tpu.memory_space<hbm>>
      tpu.wait_dma2 semaphore(%run_scoped3A : memref<!tpu.dma_semaphore, #tpu.memory_space<semaphore_mem>>) src(%dma_wait3A_682 : memref<128xi32, #tpu.memory_space<hbm>>) dst(%arg16 : memref<128xi32, #tpu.memory_space<vmem>>)
      tpu.yield
    }) : () -> ()
    %add3A_143 = arith.constant 128 : i32
    %add3A_144 = arith.addi %mul3A_2, %add3A_143 : i32
    "tpu.region"() ({
      %run_scoped3A = tpu.sem_alloc : memref<!tpu.dma_semaphore, #tpu.memory_space<semaphore_mem>>
      %dma_start3A_679 = tpu.memref_slice %arg3[%add3A_144] : memref<16384xi32, #tpu.memory_space<hbm>> -> memref<128xi32, #tpu.memory_space<hbm>>
      %dma_start3A_680 = tpu.memref_slice %arg3[%add3A_144] : memref<16384xi32, #tpu.memory_space<hbm>> -> memref<128xi32, #tpu.memory_space<hbm>>
      tpu.enqueue_dma source(%dma_start3A_680 : memref<128xi32, #tpu.memory_space<hbm>>) target(%arg17 : memref<128xi32, #tpu.memory_space<vmem>>) target_semaphore(%run_scoped3A : memref<!tpu.dma_semaphore, #tpu.memory_space<semaphore_mem>>)
      %dma_wait3A_681 = tpu.memref_slice %arg3[%add3A_144] : memref<16384xi32, #tpu.memory_space<hbm>> -> memref<128xi32, #tpu.memory_space<hbm>>
      %dma_wait3A_682 = tpu.memref_slice %arg3[%add3A_144] : memref<16384xi32, #tpu.memory_space<hbm>> -> memref<128xi32, #tpu.memory_space<hbm>>
      tpu.wait_dma2 semaphore(%run_scoped3A : memref<!tpu.dma_semaphore, #tpu.memory_space<semaphore_mem>>) src(%dma_wait3A_682 : memref<128xi32, #tpu.memory_space<hbm>>) dst(%arg17 : memref<128xi32, #tpu.memory_space<vmem>>)
      tpu.yield
    }) : () -> ()
    %add3A_145 = arith.constant 0 : i32
    %add3A_146 = vector.broadcast %add3A_145 : i32 to vector<16xi32>
    %add3A_147 = arith.addi %add3A_146, %iota3A : vector<16xi32>
    %gather3A_148 = tpu.vector_load_idx %arg16[%add3A_147] : memref<128xi32, #tpu.memory_space<vmem>>[vector<16xi32>], vector<16xi32>,
    %gather3A_149 = tpu.vector_load_idx %arg17[%add3A_147] : memref<128xi32, #tpu.memory_space<vmem>>[vector<16xi32>], vector<16xi32>,
    %shift_right_logical3A_150 = arith.constant 2 : i32
    %shift_right_logical3A_151 = vector.broadcast %shift_right_logical3A_150 : i32 to vector<16xi32>
    %shift_right_logical3A_152 = arith.shrui %gather3A_148, %shift_right_logical3A_151 : vector<16xi32>
    tpu.vector_store_idx %arg18[%add3A_147], %shift_right_logical3A_152 : memref<128xi32, #tpu.memory_space<vmem>>[vector<16xi32>], vector<16xi32>,
    %shift_right_logical3A_153 = arith.constant 2 : i32
    %shift_right_logical3A_154 = vector.broadcast %shift_right_logical3A_153 : i32 to vector<16xi32>
    %shift_right_logical3A_155 = arith.shrui %gather3A_149, %shift_right_logical3A_154 : vector<16xi32>
    tpu.vector_store_idx %arg19[%add3A_147], %shift_right_logical3A_155 : memref<128xi32, #tpu.memory_space<vmem>>[vector<16xi32>], vector<16xi32>,
    %shift_right_logical3A_156 = arith.constant 7 : i32
    %shift_right_logical3A_157 = vector.broadcast %shift_right_logical3A_156 : i32 to vector<16xi32>
    %shift_right_logical3A_158 = arith.shrui %gather3A_148, %shift_right_logical3A_157 : vector<16xi32>
    tpu.vector_store_idx %arg20[%add3A_147], %shift_right_logical3A_158 : memref<128xi32, #tpu.memory_space<vmem>>[vector<16xi32>], vector<16xi32>,
    %shift_right_logical3A_159 = arith.constant 7 : i32
    %shift_right_logical3A_160 = vector.broadcast %shift_right_logical3A_159 : i32 to vector<16xi32>
    %shift_right_logical3A_161 = arith.shrui %gather3A_149, %shift_right_logical3A_160 : vector<16xi32>
    tpu.vector_store_idx %arg21[%add3A_147], %shift_right_logical3A_161 : memref<128xi32, #tpu.memory_space<vmem>>[vector<16xi32>], vector<16xi32>,
    %add3A_162 = arith.constant 16 : i32
    %add3A_163 = vector.broadcast %add3A_162 : i32 to vector<16xi32>
    %add3A_164 = arith.addi %add3A_163, %iota3A : vector<16xi32>
    %gather3A_165 = tpu.vector_load_idx %arg16[%add3A_164] : memref<128xi32, #tpu.memory_space<vmem>>[vector<16xi32>], vector<16xi32>,
    %gather3A_166 = tpu.vector_load_idx %arg17[%add3A_164] : memref<128xi32, #tpu.memory_space<vmem>>[vector<16xi32>], vector<16xi32>,
    %shift_right_logical3A_167 = arith.constant 2 : i32
    %shift_right_logical3A_168 = vector.broadcast %shift_right_logical3A_167 : i32 to vector<16xi32>
    %shift_right_logical3A_169 = arith.shrui %gather3A_165, %shift_right_logical3A_168 : vector<16xi32>
    tpu.vector_store_idx %arg18[%add3A_164], %shift_right_logical3A_169 : memref<128xi32, #tpu.memory_space<vmem>>[vector<16xi32>], vector<16xi32>,
    %shift_right_logical3A_170 = arith.constant 2 : i32
    %shift_right_logical3A_171 = vector.broadcast %shift_right_logical3A_170 : i32 to vector<16xi32>
    %shift_right_logical3A_172 = arith.shrui %gather3A_166, %shift_right_logical3A_171 : vector<16xi32>
    tpu.vector_store_idx %arg19[%add3A_164], %shift_right_logical3A_172 : memref<128xi32, #tpu.memory_space<vmem>>[vector<16xi32>], vector<16xi32>,
    %shift_right_logical3A_173 = arith.constant 7 : i32
    %shift_right_logical3A_174 = vector.broadcast %shift_right_logical3A_173 : i32 to vector<16xi32>
    %shift_right_logical3A_175 = arith.shrui %gather3A_165, %shift_right_logical3A_174 : vector<16xi32>
    tpu.vector_store_idx %arg20[%add3A_164], %shift_right_logical3A_175 : memref<128xi32, #tpu.memory_space<vmem>>[vector<16xi32>], vector<16xi32>,
    %shift_right_logical3A_176 = arith.constant 7 : i32
    %shift_right_logical3A_177 = vector.broadcast %shift_right_logical3A_176 : i32 to vector<16xi32>
    %shift_right_logical3A_178 = arith.shrui %gather3A_166, %shift_right_logical3A_177 : vector<16xi32>
    tpu.vector_store_idx %arg21[%add3A_164], %shift_right_logical3A_178 : memref<128xi32, #tpu.memory_space<vmem>>[vector<16xi32>], vector<16xi32>,
    %add3A_179 = arith.constant 32 : i32
    %add3A_180 = vector.broadcast %add3A_179 : i32 to vector<16xi32>
    %add3A_181 = arith.addi %add3A_180, %iota3A : vector<16xi32>
    %gather3A_182 = tpu.vector_load_idx %arg16[%add3A_181] : memref<128xi32, #tpu.memory_space<vmem>>[vector<16xi32>], vector<16xi32>,
    %gather3A_183 = tpu.vector_load_idx %arg17[%add3A_181] : memref<128xi32, #tpu.memory_space<vmem>>[vector<16xi32>], vector<16xi32>,
    %shift_right_logical3A_184 = arith.constant 2 : i32
    %shift_right_logical3A_185 = vector.broadcast %shift_right_logical3A_184 : i32 to vector<16xi32>
    %shift_right_logical3A_186 = arith.shrui %gather3A_182, %shift_right_logical3A_185 : vector<16xi32>
    tpu.vector_store_idx %arg18[%add3A_181], %shift_right_logical3A_186 : memref<128xi32, #tpu.memory_space<vmem>>[vector<16xi32>], vector<16xi32>,
    %shift_right_logical3A_187 = arith.constant 2 : i32
    %shift_right_logical3A_188 = vector.broadcast %shift_right_logical3A_187 : i32 to vector<16xi32>
    %shift_right_logical3A_189 = arith.shrui %gather3A_183, %shift_right_logical3A_188 : vector<16xi32>
    tpu.vector_store_idx %arg19[%add3A_181], %shift_right_logical3A_189 : memref<128xi32, #tpu.memory_space<vmem>>[vector<16xi32>], vector<16xi32>,
    %shift_right_logical3A_190 = arith.constant 7 : i32
    %shift_right_logical3A_191 = vector.broadcast %shift_right_logical3A_190 : i32 to vector<16xi32>
    %shift_right_logical3A_192 = arith.shrui %gather3A_182, %shift_right_logical3A_191 : vector<16xi32>
    tpu.vector_store_idx %arg20[%add3A_181], %shift_right_logical3A_192 : memref<128xi32, #tpu.memory_space<vmem>>[vector<16xi32>], vector<16xi32>,
    %shift_right_logical3A_193 = arith.constant 7 : i32
    %shift_right_logical3A_194 = vector.broadcast %shift_right_logical3A_193 : i32 to vector<16xi32>
    %shift_right_logical3A_195 = arith.shrui %gather3A_183, %shift_right_logical3A_194 : vector<16xi32>
    tpu.vector_store_idx %arg21[%add3A_181], %shift_right_logical3A_195 : memref<128xi32, #tpu.memory_space<vmem>>[vector<16xi32>], vector<16xi32>,
    %add3A_196 = arith.constant 48 : i32
    %add3A_197 = vector.broadcast %add3A_196 : i32 to vector<16xi32>
    %add3A_198 = arith.addi %add3A_197, %iota3A : vector<16xi32>
    %gather3A_199 = tpu.vector_load_idx %arg16[%add3A_198] : memref<128xi32, #tpu.memory_space<vmem>>[vector<16xi32>], vector<16xi32>,
    %gather3A_200 = tpu.vector_load_idx %arg17[%add3A_198] : memref<128xi32, #tpu.memory_space<vmem>>[vector<16xi32>], vector<16xi32>,
    %shift_right_logical3A_201 = arith.constant 2 : i32
    %shift_right_logical3A_202 = vector.broadcast %shift_right_logical3A_201 : i32 to vector<16xi32>
    %shift_right_logical3A_203 = arith.shrui %gather3A_199, %shift_right_logical3A_202 : vector<16xi32>
    tpu.vector_store_idx %arg18[%add3A_198], %shift_right_logical3A_203 : memref<128xi32, #tpu.memory_space<vmem>>[vector<16xi32>], vector<16xi32>,
    %shift_right_logical3A_204 = arith.constant 2 : i32
    %shift_right_logical3A_205 = vector.broadcast %shift_right_logical3A_204 : i32 to vector<16xi32>
    %shift_right_logical3A_206 = arith.shrui %gather3A_200, %shift_right_logical3A_205 : vector<16xi32>
    tpu.vector_store_idx %arg19[%add3A_198], %shift_right_logical3A_206 : memref<128xi32, #tpu.memory_space<vmem>>[vector<16xi32>], vector<16xi32>,
    %shift_right_logical3A_207 = arith.constant 7 : i32
    %shift_right_logical3A_208 = vector.broadcast %shift_right_logical3A_207 : i32 to vector<16xi32>
    %shift_right_logical3A_209 = arith.shrui %gather3A_199, %shift_right_logical3A_208 : vector<16xi32>
    tpu.vector_store_idx %arg20[%add3A_198], %shift_right_logical3A_209 : memref<128xi32, #tpu.memory_space<vmem>>[vector<16xi32>], vector<16xi32>,
    %shift_right_logical3A_210 = arith.constant 7 : i32
    %shift_right_logical3A_211 = vector.broadcast %shift_right_logical3A_210 : i32 to vector<16xi32>
    %shift_right_logical3A_212 = arith.shrui %gather3A_200, %shift_right_logical3A_211 : vector<16xi32>
    tpu.vector_store_idx %arg21[%add3A_198], %shift_right_logical3A_212 : memref<128xi32, #tpu.memory_space<vmem>>[vector<16xi32>], vector<16xi32>,
    %add3A_213 = arith.constant 64 : i32
    %add3A_214 = vector.broadcast %add3A_213 : i32 to vector<16xi32>
    %add3A_215 = arith.addi %add3A_214, %iota3A : vector<16xi32>
    %gather3A_216 = tpu.vector_load_idx %arg16[%add3A_215] : memref<128xi32, #tpu.memory_space<vmem>>[vector<16xi32>], vector<16xi32>,
    %gather3A_217 = tpu.vector_load_idx %arg17[%add3A_215] : memref<128xi32, #tpu.memory_space<vmem>>[vector<16xi32>], vector<16xi32>,
    %shift_right_logical3A_218 = arith.constant 2 : i32
    %shift_right_logical3A_219 = vector.broadcast %shift_right_logical3A_218 : i32 to vector<16xi32>
    %shift_right_logical3A_220 = arith.shrui %gather3A_216, %shift_right_logical3A_219 : vector<16xi32>
    tpu.vector_store_idx %arg18[%add3A_215], %shift_right_logical3A_220 : memref<128xi32, #tpu.memory_space<vmem>>[vector<16xi32>], vector<16xi32>,
    %shift_right_logical3A_221 = arith.constant 2 : i32
    %shift_right_logical3A_222 = vector.broadcast %shift_right_logical3A_221 : i32 to vector<16xi32>
    %shift_right_logical3A_223 = arith.shrui %gather3A_217, %shift_right_logical3A_222 : vector<16xi32>
    tpu.vector_store_idx %arg19[%add3A_215], %shift_right_logical3A_223 : memref<128xi32, #tpu.memory_space<vmem>>[vector<16xi32>], vector<16xi32>,
    %shift_right_logical3A_224 = arith.constant 7 : i32
    %shift_right_logical3A_225 = vector.broadcast %shift_right_logical3A_224 : i32 to vector<16xi32>
    %shift_right_logical3A_226 = arith.shrui %gather3A_216, %shift_right_logical3A_225 : vector<16xi32>
    tpu.vector_store_idx %arg20[%add3A_215], %shift_right_logical3A_226 : memref<128xi32, #tpu.memory_space<vmem>>[vector<16xi32>], vector<16xi32>,
    %shift_right_logical3A_227 = arith.constant 7 : i32
    %shift_right_logical3A_228 = vector.broadcast %shift_right_logical3A_227 : i32 to vector<16xi32>
    %shift_right_logical3A_229 = arith.shrui %gather3A_217, %shift_right_logical3A_228 : vector<16xi32>
    tpu.vector_store_idx %arg21[%add3A_215], %shift_right_logical3A_229 : memref<128xi32, #tpu.memory_space<vmem>>[vector<16xi32>], vector<16xi32>,
    %add3A_230 = arith.constant 80 : i32
    %add3A_231 = vector.broadcast %add3A_230 : i32 to vector<16xi32>
    %add3A_232 = arith.addi %add3A_231, %iota3A : vector<16xi32>
    %gather3A_233 = tpu.vector_load_idx %arg16[%add3A_232] : memref<128xi32, #tpu.memory_space<vmem>>[vector<16xi32>], vector<16xi32>,
    %gather3A_234 = tpu.vector_load_idx %arg17[%add3A_232] : memref<128xi32, #tpu.memory_space<vmem>>[vector<16xi32>], vector<16xi32>,
    %shift_right_logical3A_235 = arith.constant 2 : i32
    %shift_right_logical3A_236 = vector.broadcast %shift_right_logical3A_235 : i32 to vector<16xi32>
    %shift_right_logical3A_237 = arith.shrui %gather3A_233, %shift_right_logical3A_236 : vector<16xi32>
    tpu.vector_store_idx %arg18[%add3A_232], %shift_right_logical3A_237 : memref<128xi32, #tpu.memory_space<vmem>>[vector<16xi32>], vector<16xi32>,
    %shift_right_logical3A_238 = arith.constant 2 : i32
    %shift_right_logical3A_239 = vector.broadcast %shift_right_logical3A_238 : i32 to vector<16xi32>
    %shift_right_logical3A_240 = arith.shrui %gather3A_234, %shift_right_logical3A_239 : vector<16xi32>
    tpu.vector_store_idx %arg19[%add3A_232], %shift_right_logical3A_240 : memref<128xi32, #tpu.memory_space<vmem>>[vector<16xi32>], vector<16xi32>,
    %shift_right_logical3A_241 = arith.constant 7 : i32
    %shift_right_logical3A_242 = vector.broadcast %shift_right_logical3A_241 : i32 to vector<16xi32>
    %shift_right_logical3A_243 = arith.shrui %gather3A_233, %shift_right_logical3A_242 : vector<16xi32>
    tpu.vector_store_idx %arg20[%add3A_232], %shift_right_logical3A_243 : memref<128xi32, #tpu.memory_space<vmem>>[vector<16xi32>], vector<16xi32>,
    %shift_right_logical3A_244 = arith.constant 7 : i32
    %shift_right_logical3A_245 = vector.broadcast %shift_right_logical3A_244 : i32 to vector<16xi32>
    %shift_right_logical3A_246 = arith.shrui %gather3A_234, %shift_right_logical3A_245 : vector<16xi32>
    tpu.vector_store_idx %arg21[%add3A_232], %shift_right_logical3A_246 : memref<128xi32, #tpu.memory_space<vmem>>[vector<16xi32>], vector<16xi32>,
    %add3A_247 = arith.constant 96 : i32
    %add3A_248 = vector.broadcast %add3A_247 : i32 to vector<16xi32>
    %add3A_249 = arith.addi %add3A_248, %iota3A : vector<16xi32>
    %gather3A_250 = tpu.vector_load_idx %arg16[%add3A_249] : memref<128xi32, #tpu.memory_space<vmem>>[vector<16xi32>], vector<16xi32>,
    %gather3A_251 = tpu.vector_load_idx %arg17[%add3A_249] : memref<128xi32, #tpu.memory_space<vmem>>[vector<16xi32>], vector<16xi32>,
    %shift_right_logical3A_252 = arith.constant 2 : i32
    %shift_right_logical3A_253 = vector.broadcast %shift_right_logical3A_252 : i32 to vector<16xi32>
    %shift_right_logical3A_254 = arith.shrui %gather3A_250, %shift_right_logical3A_253 : vector<16xi32>
    tpu.vector_store_idx %arg18[%add3A_249], %shift_right_logical3A_254 : memref<128xi32, #tpu.memory_space<vmem>>[vector<16xi32>], vector<16xi32>,
    %shift_right_logical3A_255 = arith.constant 2 : i32
    %shift_right_logical3A_256 = vector.broadcast %shift_right_logical3A_255 : i32 to vector<16xi32>
    %shift_right_logical3A_257 = arith.shrui %gather3A_251, %shift_right_logical3A_256 : vector<16xi32>
    tpu.vector_store_idx %arg19[%add3A_249], %shift_right_logical3A_257 : memref<128xi32, #tpu.memory_space<vmem>>[vector<16xi32>], vector<16xi32>,
    %shift_right_logical3A_258 = arith.constant 7 : i32
    %shift_right_logical3A_259 = vector.broadcast %shift_right_logical3A_258 : i32 to vector<16xi32>
    %shift_right_logical3A_260 = arith.shrui %gather3A_250, %shift_right_logical3A_259 : vector<16xi32>
    tpu.vector_store_idx %arg20[%add3A_249], %shift_right_logical3A_260 : memref<128xi32, #tpu.memory_space<vmem>>[vector<16xi32>], vector<16xi32>,
    %shift_right_logical3A_261 = arith.constant 7 : i32
    %shift_right_logical3A_262 = vector.broadcast %shift_right_logical3A_261 : i32 to vector<16xi32>
    %shift_right_logical3A_263 = arith.shrui %gather3A_251, %shift_right_logical3A_262 : vector<16xi32>
    tpu.vector_store_idx %arg21[%add3A_249], %shift_right_logical3A_263 : memref<128xi32, #tpu.memory_space<vmem>>[vector<16xi32>], vector<16xi32>,
    %add3A_264 = arith.constant 112 : i32
    %add3A_265 = vector.broadcast %add3A_264 : i32 to vector<16xi32>
    %add3A_266 = arith.addi %add3A_265, %iota3A : vector<16xi32>
    %gather3A_267 = tpu.vector_load_idx %arg16[%add3A_266] : memref<128xi32, #tpu.memory_space<vmem>>[vector<16xi32>], vector<16xi32>,
    %gather3A_268 = tpu.vector_load_idx %arg17[%add3A_266] : memref<128xi32, #tpu.memory_space<vmem>>[vector<16xi32>], vector<16xi32>,
    %shift_right_logical3A_269 = arith.constant 2 : i32
    %shift_right_logical3A_270 = vector.broadcast %shift_right_logical3A_269 : i32 to vector<16xi32>
    %shift_right_logical3A_271 = arith.shrui %gather3A_267, %shift_right_logical3A_270 : vector<16xi32>
    tpu.vector_store_idx %arg18[%add3A_266], %shift_right_logical3A_271 : memref<128xi32, #tpu.memory_space<vmem>>[vector<16xi32>], vector<16xi32>,
    %shift_right_logical3A_272 = arith.constant 2 : i32
    %shift_right_logical3A_273 = vector.broadcast %shift_right_logical3A_272 : i32 to vector<16xi32>
    %shift_right_logical3A_274 = arith.shrui %gather3A_268, %shift_right_logical3A_273 : vector<16xi32>
    tpu.vector_store_idx %arg19[%add3A_266], %shift_right_logical3A_274 : memref<128xi32, #tpu.memory_space<vmem>>[vector<16xi32>], vector<16xi32>,
    %shift_right_logical3A_275 = arith.constant 7 : i32
    %shift_right_logical3A_276 = vector.broadcast %shift_right_logical3A_275 : i32 to vector<16xi32>
    %shift_right_logical3A_277 = arith.shrui %gather3A_267, %shift_right_logical3A_276 : vector<16xi32>
    tpu.vector_store_idx %arg20[%add3A_266], %shift_right_logical3A_277 : memref<128xi32, #tpu.memory_space<vmem>>[vector<16xi32>], vector<16xi32>,
    %shift_right_logical3A_278 = arith.constant 7 : i32
    %shift_right_logical3A_279 = vector.broadcast %shift_right_logical3A_278 : i32 to vector<16xi32>
    %shift_right_logical3A_280 = arith.shrui %gather3A_268, %shift_right_logical3A_279 : vector<16xi32>
    tpu.vector_store_idx %arg21[%add3A_266], %shift_right_logical3A_280 : memref<128xi32, #tpu.memory_space<vmem>>[vector<16xi32>], vector<16xi32>,
    %add3A_281 = arith.constant 256 : i32
    %add3A_282 = arith.addi %mul3A_2, %add3A_281 : i32
    "tpu.region"() ({
      %run_scoped3A = tpu.sem_alloc : memref<!tpu.dma_semaphore, #tpu.memory_space<semaphore_mem>>
      %dma_start3A_679 = tpu.memref_slice %arg2[%add3A_282] : memref<16384xi32, #tpu.memory_space<hbm>> -> memref<128xi32, #tpu.memory_space<hbm>>
      %dma_start3A_680 = tpu.memref_slice %arg2[%add3A_282] : memref<16384xi32, #tpu.memory_space<hbm>> -> memref<128xi32, #tpu.memory_space<hbm>>
      tpu.enqueue_dma source(%dma_start3A_680 : memref<128xi32, #tpu.memory_space<hbm>>) target(%arg22 : memref<128xi32, #tpu.memory_space<vmem>>) target_semaphore(%run_scoped3A : memref<!tpu.dma_semaphore, #tpu.memory_space<semaphore_mem>>)
      %dma_wait3A_681 = tpu.memref_slice %arg2[%add3A_282] : memref<16384xi32, #tpu.memory_space<hbm>> -> memref<128xi32, #tpu.memory_space<hbm>>
      %dma_wait3A_682 = tpu.memref_slice %arg2[%add3A_282] : memref<16384xi32, #tpu.memory_space<hbm>> -> memref<128xi32, #tpu.memory_space<hbm>>
      tpu.wait_dma2 semaphore(%run_scoped3A : memref<!tpu.dma_semaphore, #tpu.memory_space<semaphore_mem>>) src(%dma_wait3A_682 : memref<128xi32, #tpu.memory_space<hbm>>) dst(%arg22 : memref<128xi32, #tpu.memory_space<vmem>>)
      tpu.yield
    }) : () -> ()
    %add3A_283 = arith.constant 256 : i32
    %add3A_284 = arith.addi %mul3A_2, %add3A_283 : i32
    "tpu.region"() ({
      %run_scoped3A = tpu.sem_alloc : memref<!tpu.dma_semaphore, #tpu.memory_space<semaphore_mem>>
      %dma_start3A_679 = tpu.memref_slice %arg3[%add3A_284] : memref<16384xi32, #tpu.memory_space<hbm>> -> memref<128xi32, #tpu.memory_space<hbm>>
      %dma_start3A_680 = tpu.memref_slice %arg3[%add3A_284] : memref<16384xi32, #tpu.memory_space<hbm>> -> memref<128xi32, #tpu.memory_space<hbm>>
      tpu.enqueue_dma source(%dma_start3A_680 : memref<128xi32, #tpu.memory_space<hbm>>) target(%arg23 : memref<128xi32, #tpu.memory_space<vmem>>) target_semaphore(%run_scoped3A : memref<!tpu.dma_semaphore, #tpu.memory_space<semaphore_mem>>)
      %dma_wait3A_681 = tpu.memref_slice %arg3[%add3A_284] : memref<16384xi32, #tpu.memory_space<hbm>> -> memref<128xi32, #tpu.memory_space<hbm>>
      %dma_wait3A_682 = tpu.memref_slice %arg3[%add3A_284] : memref<16384xi32, #tpu.memory_space<hbm>> -> memref<128xi32, #tpu.memory_space<hbm>>
      tpu.wait_dma2 semaphore(%run_scoped3A : memref<!tpu.dma_semaphore, #tpu.memory_space<semaphore_mem>>) src(%dma_wait3A_682 : memref<128xi32, #tpu.memory_space<hbm>>) dst(%arg23 : memref<128xi32, #tpu.memory_space<vmem>>)
      tpu.yield
    }) : () -> ()
    %add3A_285 = arith.constant 0 : i32
    %add3A_286 = vector.broadcast %add3A_285 : i32 to vector<16xi32>
    %add3A_287 = arith.addi %add3A_286, %iota3A : vector<16xi32>
    %gather3A_288 = tpu.vector_load_idx %arg22[%add3A_287] : memref<128xi32, #tpu.memory_space<vmem>>[vector<16xi32>], vector<16xi32>,
    %gather3A_289 = tpu.vector_load_idx %arg23[%add3A_287] : memref<128xi32, #tpu.memory_space<vmem>>[vector<16xi32>], vector<16xi32>,
    %shift_right_logical3A_290 = arith.constant 2 : i32
    %shift_right_logical3A_291 = vector.broadcast %shift_right_logical3A_290 : i32 to vector<16xi32>
    %shift_right_logical3A_292 = arith.shrui %gather3A_288, %shift_right_logical3A_291 : vector<16xi32>
    tpu.vector_store_idx %arg24[%add3A_287], %shift_right_logical3A_292 : memref<128xi32, #tpu.memory_space<vmem>>[vector<16xi32>], vector<16xi32>,
    %shift_right_logical3A_293 = arith.constant 2 : i32
    %shift_right_logical3A_294 = vector.broadcast %shift_right_logical3A_293 : i32 to vector<16xi32>
    %shift_right_logical3A_295 = arith.shrui %gather3A_289, %shift_right_logical3A_294 : vector<16xi32>
    tpu.vector_store_idx %arg25[%add3A_287], %shift_right_logical3A_295 : memref<128xi32, #tpu.memory_space<vmem>>[vector<16xi32>], vector<16xi32>,
    %shift_right_logical3A_296 = arith.constant 7 : i32
    %shift_right_logical3A_297 = vector.broadcast %shift_right_logical3A_296 : i32 to vector<16xi32>
    %shift_right_logical3A_298 = arith.shrui %gather3A_288, %shift_right_logical3A_297 : vector<16xi32>
    tpu.vector_store_idx %arg26[%add3A_287], %shift_right_logical3A_298 : memref<128xi32, #tpu.memory_space<vmem>>[vector<16xi32>], vector<16xi32>,
    %shift_right_logical3A_299 = arith.constant 7 : i32
    %shift_right_logical3A_300 = vector.broadcast %shift_right_logical3A_299 : i32 to vector<16xi32>
    %shift_right_logical3A_301 = arith.shrui %gather3A_289, %shift_right_logical3A_300 : vector<16xi32>
    tpu.vector_store_idx %arg27[%add3A_287], %shift_right_logical3A_301 : memref<128xi32, #tpu.memory_space<vmem>>[vector<16xi32>], vector<16xi32>,
    %add3A_302 = arith.constant 16 : i32
    %add3A_303 = vector.broadcast %add3A_302 : i32 to vector<16xi32>
    %add3A_304 = arith.addi %add3A_303, %iota3A : vector<16xi32>
    %gather3A_305 = tpu.vector_load_idx %arg22[%add3A_304] : memref<128xi32, #tpu.memory_space<vmem>>[vector<16xi32>], vector<16xi32>,
    %gather3A_306 = tpu.vector_load_idx %arg23[%add3A_304] : memref<128xi32, #tpu.memory_space<vmem>>[vector<16xi32>], vector<16xi32>,
    %shift_right_logical3A_307 = arith.constant 2 : i32
    %shift_right_logical3A_308 = vector.broadcast %shift_right_logical3A_307 : i32 to vector<16xi32>
    %shift_right_logical3A_309 = arith.shrui %gather3A_305, %shift_right_logical3A_308 : vector<16xi32>
    tpu.vector_store_idx %arg24[%add3A_304], %shift_right_logical3A_309 : memref<128xi32, #tpu.memory_space<vmem>>[vector<16xi32>], vector<16xi32>,
    %shift_right_logical3A_310 = arith.constant 2 : i32
    %shift_right_logical3A_311 = vector.broadcast %shift_right_logical3A_310 : i32 to vector<16xi32>
    %shift_right_logical3A_312 = arith.shrui %gather3A_306, %shift_right_logical3A_311 : vector<16xi32>
    tpu.vector_store_idx %arg25[%add3A_304], %shift_right_logical3A_312 : memref<128xi32, #tpu.memory_space<vmem>>[vector<16xi32>], vector<16xi32>,
    %shift_right_logical3A_313 = arith.constant 7 : i32
    %shift_right_logical3A_314 = vector.broadcast %shift_right_logical3A_313 : i32 to vector<16xi32>
    %shift_right_logical3A_315 = arith.shrui %gather3A_305, %shift_right_logical3A_314 : vector<16xi32>
    tpu.vector_store_idx %arg26[%add3A_304], %shift_right_logical3A_315 : memref<128xi32, #tpu.memory_space<vmem>>[vector<16xi32>], vector<16xi32>,
    %shift_right_logical3A_316 = arith.constant 7 : i32
    %shift_right_logical3A_317 = vector.broadcast %shift_right_logical3A_316 : i32 to vector<16xi32>
    %shift_right_logical3A_318 = arith.shrui %gather3A_306, %shift_right_logical3A_317 : vector<16xi32>
    tpu.vector_store_idx %arg27[%add3A_304], %shift_right_logical3A_318 : memref<128xi32, #tpu.memory_space<vmem>>[vector<16xi32>], vector<16xi32>,
    %add3A_319 = arith.constant 32 : i32
    %add3A_320 = vector.broadcast %add3A_319 : i32 to vector<16xi32>
    %add3A_321 = arith.addi %add3A_320, %iota3A : vector<16xi32>
    %gather3A_322 = tpu.vector_load_idx %arg22[%add3A_321] : memref<128xi32, #tpu.memory_space<vmem>>[vector<16xi32>], vector<16xi32>,
    %gather3A_323 = tpu.vector_load_idx %arg23[%add3A_321] : memref<128xi32, #tpu.memory_space<vmem>>[vector<16xi32>], vector<16xi32>,
    %shift_right_logical3A_324 = arith.constant 2 : i32
    %shift_right_logical3A_325 = vector.broadcast %shift_right_logical3A_324 : i32 to vector<16xi32>
    %shift_right_logical3A_326 = arith.shrui %gather3A_322, %shift_right_logical3A_325 : vector<16xi32>
    tpu.vector_store_idx %arg24[%add3A_321], %shift_right_logical3A_326 : memref<128xi32, #tpu.memory_space<vmem>>[vector<16xi32>], vector<16xi32>,
    %shift_right_logical3A_327 = arith.constant 2 : i32
    %shift_right_logical3A_328 = vector.broadcast %shift_right_logical3A_327 : i32 to vector<16xi32>
    %shift_right_logical3A_329 = arith.shrui %gather3A_323, %shift_right_logical3A_328 : vector<16xi32>
    tpu.vector_store_idx %arg25[%add3A_321], %shift_right_logical3A_329 : memref<128xi32, #tpu.memory_space<vmem>>[vector<16xi32>], vector<16xi32>,
    %shift_right_logical3A_330 = arith.constant 7 : i32
    %shift_right_logical3A_331 = vector.broadcast %shift_right_logical3A_330 : i32 to vector<16xi32>
    %shift_right_logical3A_332 = arith.shrui %gather3A_322, %shift_right_logical3A_331 : vector<16xi32>
    tpu.vector_store_idx %arg26[%add3A_321], %shift_right_logical3A_332 : memref<128xi32, #tpu.memory_space<vmem>>[vector<16xi32>], vector<16xi32>,
    %shift_right_logical3A_333 = arith.constant 7 : i32
    %shift_right_logical3A_334 = vector.broadcast %shift_right_logical3A_333 : i32 to vector<16xi32>
    %shift_right_logical3A_335 = arith.shrui %gather3A_323, %shift_right_logical3A_334 : vector<16xi32>
    tpu.vector_store_idx %arg27[%add3A_321], %shift_right_logical3A_335 : memref<128xi32, #tpu.memory_space<vmem>>[vector<16xi32>], vector<16xi32>,
    %add3A_336 = arith.constant 48 : i32
    %add3A_337 = vector.broadcast %add3A_336 : i32 to vector<16xi32>
    %add3A_338 = arith.addi %add3A_337, %iota3A : vector<16xi32>
    %gather3A_339 = tpu.vector_load_idx %arg22[%add3A_338] : memref<128xi32, #tpu.memory_space<vmem>>[vector<16xi32>], vector<16xi32>,
    %gather3A_340 = tpu.vector_load_idx %arg23[%add3A_338] : memref<128xi32, #tpu.memory_space<vmem>>[vector<16xi32>], vector<16xi32>,
    %shift_right_logical3A_341 = arith.constant 2 : i32
    %shift_right_logical3A_342 = vector.broadcast %shift_right_logical3A_341 : i32 to vector<16xi32>
    %shift_right_logical3A_343 = arith.shrui %gather3A_339, %shift_right_logical3A_342 : vector<16xi32>
    tpu.vector_store_idx %arg24[%add3A_338], %shift_right_logical3A_343 : memref<128xi32, #tpu.memory_space<vmem>>[vector<16xi32>], vector<16xi32>,
    %shift_right_logical3A_344 = arith.constant 2 : i32
    %shift_right_logical3A_345 = vector.broadcast %shift_right_logical3A_344 : i32 to vector<16xi32>
    %shift_right_logical3A_346 = arith.shrui %gather3A_340, %shift_right_logical3A_345 : vector<16xi32>
    tpu.vector_store_idx %arg25[%add3A_338], %shift_right_logical3A_346 : memref<128xi32, #tpu.memory_space<vmem>>[vector<16xi32>], vector<16xi32>,
    %shift_right_logical3A_347 = arith.constant 7 : i32
    %shift_right_logical3A_348 = vector.broadcast %shift_right_logical3A_347 : i32 to vector<16xi32>
    %shift_right_logical3A_349 = arith.shrui %gather3A_339, %shift_right_logical3A_348 : vector<16xi32>
    tpu.vector_store_idx %arg26[%add3A_338], %shift_right_logical3A_349 : memref<128xi32, #tpu.memory_space<vmem>>[vector<16xi32>], vector<16xi32>,
    %shift_right_logical3A_350 = arith.constant 7 : i32
    %shift_right_logical3A_351 = vector.broadcast %shift_right_logical3A_350 : i32 to vector<16xi32>
    %shift_right_logical3A_352 = arith.shrui %gather3A_340, %shift_right_logical3A_351 : vector<16xi32>
    tpu.vector_store_idx %arg27[%add3A_338], %shift_right_logical3A_352 : memref<128xi32, #tpu.memory_space<vmem>>[vector<16xi32>], vector<16xi32>,
    %add3A_353 = arith.constant 64 : i32
    %add3A_354 = vector.broadcast %add3A_353 : i32 to vector<16xi32>
    %add3A_355 = arith.addi %add3A_354, %iota3A : vector<16xi32>
    %gather3A_356 = tpu.vector_load_idx %arg22[%add3A_355] : memref<128xi32, #tpu.memory_space<vmem>>[vector<16xi32>], vector<16xi32>,
    %gather3A_357 = tpu.vector_load_idx %arg23[%add3A_355] : memref<128xi32, #tpu.memory_space<vmem>>[vector<16xi32>], vector<16xi32>,
    %shift_right_logical3A_358 = arith.constant 2 : i32
    %shift_right_logical3A_359 = vector.broadcast %shift_right_logical3A_358 : i32 to vector<16xi32>
    %shift_right_logical3A_360 = arith.shrui %gather3A_356, %shift_right_logical3A_359 : vector<16xi32>
    tpu.vector_store_idx %arg24[%add3A_355], %shift_right_logical3A_360 : memref<128xi32, #tpu.memory_space<vmem>>[vector<16xi32>], vector<16xi32>,
    %shift_right_logical3A_361 = arith.constant 2 : i32
    %shift_right_logical3A_362 = vector.broadcast %shift_right_logical3A_361 : i32 to vector<16xi32>
    %shift_right_logical3A_363 = arith.shrui %gather3A_357, %shift_right_logical3A_362 : vector<16xi32>
    tpu.vector_store_idx %arg25[%add3A_355], %shift_right_logical3A_363 : memref<128xi32, #tpu.memory_space<vmem>>[vector<16xi32>], vector<16xi32>,
    %shift_right_logical3A_364 = arith.constant 7 : i32
    %shift_right_logical3A_365 = vector.broadcast %shift_right_logical3A_364 : i32 to vector<16xi32>
    %shift_right_logical3A_366 = arith.shrui %gather3A_356, %shift_right_logical3A_365 : vector<16xi32>
    tpu.vector_store_idx %arg26[%add3A_355], %shift_right_logical3A_366 : memref<128xi32, #tpu.memory_space<vmem>>[vector<16xi32>], vector<16xi32>,
    %shift_right_logical3A_367 = arith.constant 7 : i32
    %shift_right_logical3A_368 = vector.broadcast %shift_right_logical3A_367 : i32 to vector<16xi32>
    %shift_right_logical3A_369 = arith.shrui %gather3A_357, %shift_right_logical3A_368 : vector<16xi32>
    tpu.vector_store_idx %arg27[%add3A_355], %shift_right_logical3A_369 : memref<128xi32, #tpu.memory_space<vmem>>[vector<16xi32>], vector<16xi32>,
    %add3A_370 = arith.constant 80 : i32
    %add3A_371 = vector.broadcast %add3A_370 : i32 to vector<16xi32>
    %add3A_372 = arith.addi %add3A_371, %iota3A : vector<16xi32>
    %gather3A_373 = tpu.vector_load_idx %arg22[%add3A_372] : memref<128xi32, #tpu.memory_space<vmem>>[vector<16xi32>], vector<16xi32>,
    %gather3A_374 = tpu.vector_load_idx %arg23[%add3A_372] : memref<128xi32, #tpu.memory_space<vmem>>[vector<16xi32>], vector<16xi32>,
    %shift_right_logical3A_375 = arith.constant 2 : i32
    %shift_right_logical3A_376 = vector.broadcast %shift_right_logical3A_375 : i32 to vector<16xi32>
    %shift_right_logical3A_377 = arith.shrui %gather3A_373, %shift_right_logical3A_376 : vector<16xi32>
    tpu.vector_store_idx %arg24[%add3A_372], %shift_right_logical3A_377 : memref<128xi32, #tpu.memory_space<vmem>>[vector<16xi32>], vector<16xi32>,
    %shift_right_logical3A_378 = arith.constant 2 : i32
    %shift_right_logical3A_379 = vector.broadcast %shift_right_logical3A_378 : i32 to vector<16xi32>
    %shift_right_logical3A_380 = arith.shrui %gather3A_374, %shift_right_logical3A_379 : vector<16xi32>
    tpu.vector_store_idx %arg25[%add3A_372], %shift_right_logical3A_380 : memref<128xi32, #tpu.memory_space<vmem>>[vector<16xi32>], vector<16xi32>,
    %shift_right_logical3A_381 = arith.constant 7 : i32
    %shift_right_logical3A_382 = vector.broadcast %shift_right_logical3A_381 : i32 to vector<16xi32>
    %shift_right_logical3A_383 = arith.shrui %gather3A_373, %shift_right_logical3A_382 : vector<16xi32>
    tpu.vector_store_idx %arg26[%add3A_372], %shift_right_logical3A_383 : memref<128xi32, #tpu.memory_space<vmem>>[vector<16xi32>], vector<16xi32>,
    %shift_right_logical3A_384 = arith.constant 7 : i32
    %shift_right_logical3A_385 = vector.broadcast %shift_right_logical3A_384 : i32 to vector<16xi32>
    %shift_right_logical3A_386 = arith.shrui %gather3A_374, %shift_right_logical3A_385 : vector<16xi32>
    tpu.vector_store_idx %arg27[%add3A_372], %shift_right_logical3A_386 : memref<128xi32, #tpu.memory_space<vmem>>[vector<16xi32>], vector<16xi32>,
    %add3A_387 = arith.constant 96 : i32
    %add3A_388 = vector.broadcast %add3A_387 : i32 to vector<16xi32>
    %add3A_389 = arith.addi %add3A_388, %iota3A : vector<16xi32>
    %gather3A_390 = tpu.vector_load_idx %arg22[%add3A_389] : memref<128xi32, #tpu.memory_space<vmem>>[vector<16xi32>], vector<16xi32>,
    %gather3A_391 = tpu.vector_load_idx %arg23[%add3A_389] : memref<128xi32, #tpu.memory_space<vmem>>[vector<16xi32>], vector<16xi32>,
    %shift_right_logical3A_392 = arith.constant 2 : i32
    %shift_right_logical3A_393 = vector.broadcast %shift_right_logical3A_392 : i32 to vector<16xi32>
    %shift_right_logical3A_394 = arith.shrui %gather3A_390, %shift_right_logical3A_393 : vector<16xi32>
    tpu.vector_store_idx %arg24[%add3A_389], %shift_right_logical3A_394 : memref<128xi32, #tpu.memory_space<vmem>>[vector<16xi32>], vector<16xi32>,
    %shift_right_logical3A_395 = arith.constant 2 : i32
    %shift_right_logical3A_396 = vector.broadcast %shift_right_logical3A_395 : i32 to vector<16xi32>
    %shift_right_logical3A_397 = arith.shrui %gather3A_391, %shift_right_logical3A_396 : vector<16xi32>
    tpu.vector_store_idx %arg25[%add3A_389], %shift_right_logical3A_397 : memref<128xi32, #tpu.memory_space<vmem>>[vector<16xi32>], vector<16xi32>,
    %shift_right_logical3A_398 = arith.constant 7 : i32
    %shift_right_logical3A_399 = vector.broadcast %shift_right_logical3A_398 : i32 to vector<16xi32>
    %shift_right_logical3A_400 = arith.shrui %gather3A_390, %shift_right_logical3A_399 : vector<16xi32>
    tpu.vector_store_idx %arg26[%add3A_389], %shift_right_logical3A_400 : memref<128xi32, #tpu.memory_space<vmem>>[vector<16xi32>], vector<16xi32>,
    %shift_right_logical3A_401 = arith.constant 7 : i32
    %shift_right_logical3A_402 = vector.broadcast %shift_right_logical3A_401 : i32 to vector<16xi32>
    %shift_right_logical3A_403 = arith.shrui %gather3A_391, %shift_right_logical3A_402 : vector<16xi32>
    tpu.vector_store_idx %arg27[%add3A_389], %shift_right_logical3A_403 : memref<128xi32, #tpu.memory_space<vmem>>[vector<16xi32>], vector<16xi32>,
    %add3A_404 = arith.constant 112 : i32
    %add3A_405 = vector.broadcast %add3A_404 : i32 to vector<16xi32>
    %add3A_406 = arith.addi %add3A_405, %iota3A : vector<16xi32>
    %gather3A_407 = tpu.vector_load_idx %arg22[%add3A_406] : memref<128xi32, #tpu.memory_space<vmem>>[vector<16xi32>], vector<16xi32>,
    %gather3A_408 = tpu.vector_load_idx %arg23[%add3A_406] : memref<128xi32, #tpu.memory_space<vmem>>[vector<16xi32>], vector<16xi32>,
    %shift_right_logical3A_409 = arith.constant 2 : i32
    %shift_right_logical3A_410 = vector.broadcast %shift_right_logical3A_409 : i32 to vector<16xi32>
    %shift_right_logical3A_411 = arith.shrui %gather3A_407, %shift_right_logical3A_410 : vector<16xi32>
    tpu.vector_store_idx %arg24[%add3A_406], %shift_right_logical3A_411 : memref<128xi32, #tpu.memory_space<vmem>>[vector<16xi32>], vector<16xi32>,
    %shift_right_logical3A_412 = arith.constant 2 : i32
    %shift_right_logical3A_413 = vector.broadcast %shift_right_logical3A_412 : i32 to vector<16xi32>
    %shift_right_logical3A_414 = arith.shrui %gather3A_408, %shift_right_logical3A_413 : vector<16xi32>
    tpu.vector_store_idx %arg25[%add3A_406], %shift_right_logical3A_414 : memref<128xi32, #tpu.memory_space<vmem>>[vector<16xi32>], vector<16xi32>,
    %shift_right_logical3A_415 = arith.constant 7 : i32
    %shift_right_logical3A_416 = vector.broadcast %shift_right_logical3A_415 : i32 to vector<16xi32>
    %shift_right_logical3A_417 = arith.shrui %gather3A_407, %shift_right_logical3A_416 : vector<16xi32>
    tpu.vector_store_idx %arg26[%add3A_406], %shift_right_logical3A_417 : memref<128xi32, #tpu.memory_space<vmem>>[vector<16xi32>], vector<16xi32>,
    %shift_right_logical3A_418 = arith.constant 7 : i32
    %shift_right_logical3A_419 = vector.broadcast %shift_right_logical3A_418 : i32 to vector<16xi32>
    %shift_right_logical3A_420 = arith.shrui %gather3A_408, %shift_right_logical3A_419 : vector<16xi32>
    tpu.vector_store_idx %arg27[%add3A_406], %shift_right_logical3A_420 : memref<128xi32, #tpu.memory_space<vmem>>[vector<16xi32>], vector<16xi32>,
    %add3A_421 = arith.constant 384 : i32
    %add3A_422 = arith.addi %mul3A_2, %add3A_421 : i32
    "tpu.region"() ({
      %run_scoped3A = tpu.sem_alloc : memref<!tpu.dma_semaphore, #tpu.memory_space<semaphore_mem>>
      %dma_start3A_679 = tpu.memref_slice %arg2[%add3A_422] : memref<16384xi32, #tpu.memory_space<hbm>> -> memref<128xi32, #tpu.memory_space<hbm>>
      %dma_start3A_680 = tpu.memref_slice %arg2[%add3A_422] : memref<16384xi32, #tpu.memory_space<hbm>> -> memref<128xi32, #tpu.memory_space<hbm>>
      tpu.enqueue_dma source(%dma_start3A_680 : memref<128xi32, #tpu.memory_space<hbm>>) target(%arg28 : memref<128xi32, #tpu.memory_space<vmem>>) target_semaphore(%run_scoped3A : memref<!tpu.dma_semaphore, #tpu.memory_space<semaphore_mem>>)
      %dma_wait3A_681 = tpu.memref_slice %arg2[%add3A_422] : memref<16384xi32, #tpu.memory_space<hbm>> -> memref<128xi32, #tpu.memory_space<hbm>>
      %dma_wait3A_682 = tpu.memref_slice %arg2[%add3A_422] : memref<16384xi32, #tpu.memory_space<hbm>> -> memref<128xi32, #tpu.memory_space<hbm>>
      tpu.wait_dma2 semaphore(%run_scoped3A : memref<!tpu.dma_semaphore, #tpu.memory_space<semaphore_mem>>) src(%dma_wait3A_682 : memref<128xi32, #tpu.memory_space<hbm>>) dst(%arg28 : memref<128xi32, #tpu.memory_space<vmem>>)
      tpu.yield
    }) : () -> ()
    %add3A_423 = arith.constant 384 : i32
    %add3A_424 = arith.addi %mul3A_2, %add3A_423 : i32
    "tpu.region"() ({
      %run_scoped3A = tpu.sem_alloc : memref<!tpu.dma_semaphore, #tpu.memory_space<semaphore_mem>>
      %dma_start3A_679 = tpu.memref_slice %arg3[%add3A_424] : memref<16384xi32, #tpu.memory_space<hbm>> -> memref<128xi32, #tpu.memory_space<hbm>>
      %dma_start3A_680 = tpu.memref_slice %arg3[%add3A_424] : memref<16384xi32, #tpu.memory_space<hbm>> -> memref<128xi32, #tpu.memory_space<hbm>>
      tpu.enqueue_dma source(%dma_start3A_680 : memref<128xi32, #tpu.memory_space<hbm>>) target(%arg29 : memref<128xi32, #tpu.memory_space<vmem>>) target_semaphore(%run_scoped3A : memref<!tpu.dma_semaphore, #tpu.memory_space<semaphore_mem>>)
      %dma_wait3A_681 = tpu.memref_slice %arg3[%add3A_424] : memref<16384xi32, #tpu.memory_space<hbm>> -> memref<128xi32, #tpu.memory_space<hbm>>
      %dma_wait3A_682 = tpu.memref_slice %arg3[%add3A_424] : memref<16384xi32, #tpu.memory_space<hbm>> -> memref<128xi32, #tpu.memory_space<hbm>>
      tpu.wait_dma2 semaphore(%run_scoped3A : memref<!tpu.dma_semaphore, #tpu.memory_space<semaphore_mem>>) src(%dma_wait3A_682 : memref<128xi32, #tpu.memory_space<hbm>>) dst(%arg29 : memref<128xi32, #tpu.memory_space<vmem>>)
      tpu.yield
    }) : () -> ()
    %add3A_425 = arith.constant 0 : i32
    %add3A_426 = vector.broadcast %add3A_425 : i32 to vector<16xi32>
    %add3A_427 = arith.addi %add3A_426, %iota3A : vector<16xi32>
    %gather3A_428 = tpu.vector_load_idx %arg28[%add3A_427] : memref<128xi32, #tpu.memory_space<vmem>>[vector<16xi32>], vector<16xi32>,
    %gather3A_429 = tpu.vector_load_idx %arg29[%add3A_427] : memref<128xi32, #tpu.memory_space<vmem>>[vector<16xi32>], vector<16xi32>,
    %shift_right_logical3A_430 = arith.constant 2 : i32
    %shift_right_logical3A_431 = vector.broadcast %shift_right_logical3A_430 : i32 to vector<16xi32>
    %shift_right_logical3A_432 = arith.shrui %gather3A_428, %shift_right_logical3A_431 : vector<16xi32>
    tpu.vector_store_idx %arg30[%add3A_427], %shift_right_logical3A_432 : memref<128xi32, #tpu.memory_space<vmem>>[vector<16xi32>], vector<16xi32>,
    %shift_right_logical3A_433 = arith.constant 2 : i32
    %shift_right_logical3A_434 = vector.broadcast %shift_right_logical3A_433 : i32 to vector<16xi32>
    %shift_right_logical3A_435 = arith.shrui %gather3A_429, %shift_right_logical3A_434 : vector<16xi32>
    tpu.vector_store_idx %arg31[%add3A_427], %shift_right_logical3A_435 : memref<128xi32, #tpu.memory_space<vmem>>[vector<16xi32>], vector<16xi32>,
    %shift_right_logical3A_436 = arith.constant 7 : i32
    %shift_right_logical3A_437 = vector.broadcast %shift_right_logical3A_436 : i32 to vector<16xi32>
    %shift_right_logical3A_438 = arith.shrui %gather3A_428, %shift_right_logical3A_437 : vector<16xi32>
    tpu.vector_store_idx %arg32[%add3A_427], %shift_right_logical3A_438 : memref<128xi32, #tpu.memory_space<vmem>>[vector<16xi32>], vector<16xi32>,
    %shift_right_logical3A_439 = arith.constant 7 : i32
    %shift_right_logical3A_440 = vector.broadcast %shift_right_logical3A_439 : i32 to vector<16xi32>
    %shift_right_logical3A_441 = arith.shrui %gather3A_429, %shift_right_logical3A_440 : vector<16xi32>
    tpu.vector_store_idx %arg33[%add3A_427], %shift_right_logical3A_441 : memref<128xi32, #tpu.memory_space<vmem>>[vector<16xi32>], vector<16xi32>,
    %add3A_442 = arith.constant 16 : i32
    %add3A_443 = vector.broadcast %add3A_442 : i32 to vector<16xi32>
    %add3A_444 = arith.addi %add3A_443, %iota3A : vector<16xi32>
    %gather3A_445 = tpu.vector_load_idx %arg28[%add3A_444] : memref<128xi32, #tpu.memory_space<vmem>>[vector<16xi32>], vector<16xi32>,
    %gather3A_446 = tpu.vector_load_idx %arg29[%add3A_444] : memref<128xi32, #tpu.memory_space<vmem>>[vector<16xi32>], vector<16xi32>,
    %shift_right_logical3A_447 = arith.constant 2 : i32
    %shift_right_logical3A_448 = vector.broadcast %shift_right_logical3A_447 : i32 to vector<16xi32>
    %shift_right_logical3A_449 = arith.shrui %gather3A_445, %shift_right_logical3A_448 : vector<16xi32>
    tpu.vector_store_idx %arg30[%add3A_444], %shift_right_logical3A_449 : memref<128xi32, #tpu.memory_space<vmem>>[vector<16xi32>], vector<16xi32>,
    %shift_right_logical3A_450 = arith.constant 2 : i32
    %shift_right_logical3A_451 = vector.broadcast %shift_right_logical3A_450 : i32 to vector<16xi32>
    %shift_right_logical3A_452 = arith.shrui %gather3A_446, %shift_right_logical3A_451 : vector<16xi32>
    tpu.vector_store_idx %arg31[%add3A_444], %shift_right_logical3A_452 : memref<128xi32, #tpu.memory_space<vmem>>[vector<16xi32>], vector<16xi32>,
    %shift_right_logical3A_453 = arith.constant 7 : i32
    %shift_right_logical3A_454 = vector.broadcast %shift_right_logical3A_453 : i32 to vector<16xi32>
    %shift_right_logical3A_455 = arith.shrui %gather3A_445, %shift_right_logical3A_454 : vector<16xi32>
    tpu.vector_store_idx %arg32[%add3A_444], %shift_right_logical3A_455 : memref<128xi32, #tpu.memory_space<vmem>>[vector<16xi32>], vector<16xi32>,
    %shift_right_logical3A_456 = arith.constant 7 : i32
    %shift_right_logical3A_457 = vector.broadcast %shift_right_logical3A_456 : i32 to vector<16xi32>
    %shift_right_logical3A_458 = arith.shrui %gather3A_446, %shift_right_logical3A_457 : vector<16xi32>
    tpu.vector_store_idx %arg33[%add3A_444], %shift_right_logical3A_458 : memref<128xi32, #tpu.memory_space<vmem>>[vector<16xi32>], vector<16xi32>,
    %add3A_459 = arith.constant 32 : i32
    %add3A_460 = vector.broadcast %add3A_459 : i32 to vector<16xi32>
    %add3A_461 = arith.addi %add3A_460, %iota3A : vector<16xi32>
    %gather3A_462 = tpu.vector_load_idx %arg28[%add3A_461] : memref<128xi32, #tpu.memory_space<vmem>>[vector<16xi32>], vector<16xi32>,
    %gather3A_463 = tpu.vector_load_idx %arg29[%add3A_461] : memref<128xi32, #tpu.memory_space<vmem>>[vector<16xi32>], vector<16xi32>,
    %shift_right_logical3A_464 = arith.constant 2 : i32
    %shift_right_logical3A_465 = vector.broadcast %shift_right_logical3A_464 : i32 to vector<16xi32>
    %shift_right_logical3A_466 = arith.shrui %gather3A_462, %shift_right_logical3A_465 : vector<16xi32>
    tpu.vector_store_idx %arg30[%add3A_461], %shift_right_logical3A_466 : memref<128xi32, #tpu.memory_space<vmem>>[vector<16xi32>], vector<16xi32>,
    %shift_right_logical3A_467 = arith.constant 2 : i32
    %shift_right_logical3A_468 = vector.broadcast %shift_right_logical3A_467 : i32 to vector<16xi32>
    %shift_right_logical3A_469 = arith.shrui %gather3A_463, %shift_right_logical3A_468 : vector<16xi32>
    tpu.vector_store_idx %arg31[%add3A_461], %shift_right_logical3A_469 : memref<128xi32, #tpu.memory_space<vmem>>[vector<16xi32>], vector<16xi32>,
    %shift_right_logical3A_470 = arith.constant 7 : i32
    %shift_right_logical3A_471 = vector.broadcast %shift_right_logical3A_470 : i32 to vector<16xi32>
    %shift_right_logical3A_472 = arith.shrui %gather3A_462, %shift_right_logical3A_471 : vector<16xi32>
    tpu.vector_store_idx %arg32[%add3A_461], %shift_right_logical3A_472 : memref<128xi32, #tpu.memory_space<vmem>>[vector<16xi32>], vector<16xi32>,
    %shift_right_logical3A_473 = arith.constant 7 : i32
    %shift_right_logical3A_474 = vector.broadcast %shift_right_logical3A_473 : i32 to vector<16xi32>
    %shift_right_logical3A_475 = arith.shrui %gather3A_463, %shift_right_logical3A_474 : vector<16xi32>
    tpu.vector_store_idx %arg33[%add3A_461], %shift_right_logical3A_475 : memref<128xi32, #tpu.memory_space<vmem>>[vector<16xi32>], vector<16xi32>,
    %add3A_476 = arith.constant 48 : i32
    %add3A_477 = vector.broadcast %add3A_476 : i32 to vector<16xi32>
    %add3A_478 = arith.addi %add3A_477, %iota3A : vector<16xi32>
    %gather3A_479 = tpu.vector_load_idx %arg28[%add3A_478] : memref<128xi32, #tpu.memory_space<vmem>>[vector<16xi32>], vector<16xi32>,
    %gather3A_480 = tpu.vector_load_idx %arg29[%add3A_478] : memref<128xi32, #tpu.memory_space<vmem>>[vector<16xi32>], vector<16xi32>,
    %shift_right_logical3A_481 = arith.constant 2 : i32
    %shift_right_logical3A_482 = vector.broadcast %shift_right_logical3A_481 : i32 to vector<16xi32>
    %shift_right_logical3A_483 = arith.shrui %gather3A_479, %shift_right_logical3A_482 : vector<16xi32>
    tpu.vector_store_idx %arg30[%add3A_478], %shift_right_logical3A_483 : memref<128xi32, #tpu.memory_space<vmem>>[vector<16xi32>], vector<16xi32>,
    %shift_right_logical3A_484 = arith.constant 2 : i32
    %shift_right_logical3A_485 = vector.broadcast %shift_right_logical3A_484 : i32 to vector<16xi32>
    %shift_right_logical3A_486 = arith.shrui %gather3A_480, %shift_right_logical3A_485 : vector<16xi32>
    tpu.vector_store_idx %arg31[%add3A_478], %shift_right_logical3A_486 : memref<128xi32, #tpu.memory_space<vmem>>[vector<16xi32>], vector<16xi32>,
    %shift_right_logical3A_487 = arith.constant 7 : i32
    %shift_right_logical3A_488 = vector.broadcast %shift_right_logical3A_487 : i32 to vector<16xi32>
    %shift_right_logical3A_489 = arith.shrui %gather3A_479, %shift_right_logical3A_488 : vector<16xi32>
    tpu.vector_store_idx %arg32[%add3A_478], %shift_right_logical3A_489 : memref<128xi32, #tpu.memory_space<vmem>>[vector<16xi32>], vector<16xi32>,
    %shift_right_logical3A_490 = arith.constant 7 : i32
    %shift_right_logical3A_491 = vector.broadcast %shift_right_logical3A_490 : i32 to vector<16xi32>
    %shift_right_logical3A_492 = arith.shrui %gather3A_480, %shift_right_logical3A_491 : vector<16xi32>
    tpu.vector_store_idx %arg33[%add3A_478], %shift_right_logical3A_492 : memref<128xi32, #tpu.memory_space<vmem>>[vector<16xi32>], vector<16xi32>,
    %add3A_493 = arith.constant 64 : i32
    %add3A_494 = vector.broadcast %add3A_493 : i32 to vector<16xi32>
    %add3A_495 = arith.addi %add3A_494, %iota3A : vector<16xi32>
    %gather3A_496 = tpu.vector_load_idx %arg28[%add3A_495] : memref<128xi32, #tpu.memory_space<vmem>>[vector<16xi32>], vector<16xi32>,
    %gather3A_497 = tpu.vector_load_idx %arg29[%add3A_495] : memref<128xi32, #tpu.memory_space<vmem>>[vector<16xi32>], vector<16xi32>,
    %shift_right_logical3A_498 = arith.constant 2 : i32
    %shift_right_logical3A_499 = vector.broadcast %shift_right_logical3A_498 : i32 to vector<16xi32>
    %shift_right_logical3A_500 = arith.shrui %gather3A_496, %shift_right_logical3A_499 : vector<16xi32>
    tpu.vector_store_idx %arg30[%add3A_495], %shift_right_logical3A_500 : memref<128xi32, #tpu.memory_space<vmem>>[vector<16xi32>], vector<16xi32>,
    %shift_right_logical3A_501 = arith.constant 2 : i32
    %shift_right_logical3A_502 = vector.broadcast %shift_right_logical3A_501 : i32 to vector<16xi32>
    %shift_right_logical3A_503 = arith.shrui %gather3A_497, %shift_right_logical3A_502 : vector<16xi32>
    tpu.vector_store_idx %arg31[%add3A_495], %shift_right_logical3A_503 : memref<128xi32, #tpu.memory_space<vmem>>[vector<16xi32>], vector<16xi32>,
    %shift_right_logical3A_504 = arith.constant 7 : i32
    %shift_right_logical3A_505 = vector.broadcast %shift_right_logical3A_504 : i32 to vector<16xi32>
    %shift_right_logical3A_506 = arith.shrui %gather3A_496, %shift_right_logical3A_505 : vector<16xi32>
    tpu.vector_store_idx %arg32[%add3A_495], %shift_right_logical3A_506 : memref<128xi32, #tpu.memory_space<vmem>>[vector<16xi32>], vector<16xi32>,
    %shift_right_logical3A_507 = arith.constant 7 : i32
    %shift_right_logical3A_508 = vector.broadcast %shift_right_logical3A_507 : i32 to vector<16xi32>
    %shift_right_logical3A_509 = arith.shrui %gather3A_497, %shift_right_logical3A_508 : vector<16xi32>
    tpu.vector_store_idx %arg33[%add3A_495], %shift_right_logical3A_509 : memref<128xi32, #tpu.memory_space<vmem>>[vector<16xi32>], vector<16xi32>,
    %add3A_510 = arith.constant 80 : i32
    %add3A_511 = vector.broadcast %add3A_510 : i32 to vector<16xi32>
    %add3A_512 = arith.addi %add3A_511, %iota3A : vector<16xi32>
    %gather3A_513 = tpu.vector_load_idx %arg28[%add3A_512] : memref<128xi32, #tpu.memory_space<vmem>>[vector<16xi32>], vector<16xi32>,
    %gather3A_514 = tpu.vector_load_idx %arg29[%add3A_512] : memref<128xi32, #tpu.memory_space<vmem>>[vector<16xi32>], vector<16xi32>,
    %shift_right_logical3A_515 = arith.constant 2 : i32
    %shift_right_logical3A_516 = vector.broadcast %shift_right_logical3A_515 : i32 to vector<16xi32>
    %shift_right_logical3A_517 = arith.shrui %gather3A_513, %shift_right_logical3A_516 : vector<16xi32>
    tpu.vector_store_idx %arg30[%add3A_512], %shift_right_logical3A_517 : memref<128xi32, #tpu.memory_space<vmem>>[vector<16xi32>], vector<16xi32>,
    %shift_right_logical3A_518 = arith.constant 2 : i32
    %shift_right_logical3A_519 = vector.broadcast %shift_right_logical3A_518 : i32 to vector<16xi32>
    %shift_right_logical3A_520 = arith.shrui %gather3A_514, %shift_right_logical3A_519 : vector<16xi32>
    tpu.vector_store_idx %arg31[%add3A_512], %shift_right_logical3A_520 : memref<128xi32, #tpu.memory_space<vmem>>[vector<16xi32>], vector<16xi32>,
    %shift_right_logical3A_521 = arith.constant 7 : i32
    %shift_right_logical3A_522 = vector.broadcast %shift_right_logical3A_521 : i32 to vector<16xi32>
    %shift_right_logical3A_523 = arith.shrui %gather3A_513, %shift_right_logical3A_522 : vector<16xi32>
    tpu.vector_store_idx %arg32[%add3A_512], %shift_right_logical3A_523 : memref<128xi32, #tpu.memory_space<vmem>>[vector<16xi32>], vector<16xi32>,
    %shift_right_logical3A_524 = arith.constant 7 : i32
    %shift_right_logical3A_525 = vector.broadcast %shift_right_logical3A_524 : i32 to vector<16xi32>
    %shift_right_logical3A_526 = arith.shrui %gather3A_514, %shift_right_logical3A_525 : vector<16xi32>
    tpu.vector_store_idx %arg33[%add3A_512], %shift_right_logical3A_526 : memref<128xi32, #tpu.memory_space<vmem>>[vector<16xi32>], vector<16xi32>,
    %add3A_527 = arith.constant 96 : i32
    %add3A_528 = vector.broadcast %add3A_527 : i32 to vector<16xi32>
    %add3A_529 = arith.addi %add3A_528, %iota3A : vector<16xi32>
    %gather3A_530 = tpu.vector_load_idx %arg28[%add3A_529] : memref<128xi32, #tpu.memory_space<vmem>>[vector<16xi32>], vector<16xi32>,
    %gather3A_531 = tpu.vector_load_idx %arg29[%add3A_529] : memref<128xi32, #tpu.memory_space<vmem>>[vector<16xi32>], vector<16xi32>,
    %shift_right_logical3A_532 = arith.constant 2 : i32
    %shift_right_logical3A_533 = vector.broadcast %shift_right_logical3A_532 : i32 to vector<16xi32>
    %shift_right_logical3A_534 = arith.shrui %gather3A_530, %shift_right_logical3A_533 : vector<16xi32>
    tpu.vector_store_idx %arg30[%add3A_529], %shift_right_logical3A_534 : memref<128xi32, #tpu.memory_space<vmem>>[vector<16xi32>], vector<16xi32>,
    %shift_right_logical3A_535 = arith.constant 2 : i32
    %shift_right_logical3A_536 = vector.broadcast %shift_right_logical3A_535 : i32 to vector<16xi32>
    %shift_right_logical3A_537 = arith.shrui %gather3A_531, %shift_right_logical3A_536 : vector<16xi32>
    tpu.vector_store_idx %arg31[%add3A_529], %shift_right_logical3A_537 : memref<128xi32, #tpu.memory_space<vmem>>[vector<16xi32>], vector<16xi32>,
    %shift_right_logical3A_538 = arith.constant 7 : i32
    %shift_right_logical3A_539 = vector.broadcast %shift_right_logical3A_538 : i32 to vector<16xi32>
    %shift_right_logical3A_540 = arith.shrui %gather3A_530, %shift_right_logical3A_539 : vector<16xi32>
    tpu.vector_store_idx %arg32[%add3A_529], %shift_right_logical3A_540 : memref<128xi32, #tpu.memory_space<vmem>>[vector<16xi32>], vector<16xi32>,
    %shift_right_logical3A_541 = arith.constant 7 : i32
    %shift_right_logical3A_542 = vector.broadcast %shift_right_logical3A_541 : i32 to vector<16xi32>
    %shift_right_logical3A_543 = arith.shrui %gather3A_531, %shift_right_logical3A_542 : vector<16xi32>
    tpu.vector_store_idx %arg33[%add3A_529], %shift_right_logical3A_543 : memref<128xi32, #tpu.memory_space<vmem>>[vector<16xi32>], vector<16xi32>,
    %add3A_544 = arith.constant 112 : i32
    %add3A_545 = vector.broadcast %add3A_544 : i32 to vector<16xi32>
    %add3A_546 = arith.addi %add3A_545, %iota3A : vector<16xi32>
    %gather3A_547 = tpu.vector_load_idx %arg28[%add3A_546] : memref<128xi32, #tpu.memory_space<vmem>>[vector<16xi32>], vector<16xi32>,
    %gather3A_548 = tpu.vector_load_idx %arg29[%add3A_546] : memref<128xi32, #tpu.memory_space<vmem>>[vector<16xi32>], vector<16xi32>,
    %shift_right_logical3A_549 = arith.constant 2 : i32
    %shift_right_logical3A_550 = vector.broadcast %shift_right_logical3A_549 : i32 to vector<16xi32>
    %shift_right_logical3A_551 = arith.shrui %gather3A_547, %shift_right_logical3A_550 : vector<16xi32>
    tpu.vector_store_idx %arg30[%add3A_546], %shift_right_logical3A_551 : memref<128xi32, #tpu.memory_space<vmem>>[vector<16xi32>], vector<16xi32>,
    %shift_right_logical3A_552 = arith.constant 2 : i32
    %shift_right_logical3A_553 = vector.broadcast %shift_right_logical3A_552 : i32 to vector<16xi32>
    %shift_right_logical3A_554 = arith.shrui %gather3A_548, %shift_right_logical3A_553 : vector<16xi32>
    tpu.vector_store_idx %arg31[%add3A_546], %shift_right_logical3A_554 : memref<128xi32, #tpu.memory_space<vmem>>[vector<16xi32>], vector<16xi32>,
    %shift_right_logical3A_555 = arith.constant 7 : i32
    %shift_right_logical3A_556 = vector.broadcast %shift_right_logical3A_555 : i32 to vector<16xi32>
    %shift_right_logical3A_557 = arith.shrui %gather3A_547, %shift_right_logical3A_556 : vector<16xi32>
    tpu.vector_store_idx %arg32[%add3A_546], %shift_right_logical3A_557 : memref<128xi32, #tpu.memory_space<vmem>>[vector<16xi32>], vector<16xi32>,
    %shift_right_logical3A_558 = arith.constant 7 : i32
    %shift_right_logical3A_559 = vector.broadcast %shift_right_logical3A_558 : i32 to vector<16xi32>
    %shift_right_logical3A_560 = arith.shrui %gather3A_548, %shift_right_logical3A_559 : vector<16xi32>
    tpu.vector_store_idx %arg33[%add3A_546], %shift_right_logical3A_560 : memref<128xi32, #tpu.memory_space<vmem>>[vector<16xi32>], vector<16xi32>,
    %get3A = arith.constant 0 : index
    %get3A_561 = tpu.vector_load %arg38[%get3A] {strides = array<i32>} : memref<16xf32, #tpu.memory_space<vmem>>, vector<16xf32>,
    %dma_start3A = arith.constant 0 : i32
    %dma_start3A_562 = arith.constant 0 : i32
    %dma_start3A_563 = tpu.memref_slice %arg4[%dma_start3A, %dma_start3A_562] : memref<250000x128xf32, #tpu.memory_space<hbm>> -> memref<250000x128xf32, #tpu.memory_space<hbm>>
    tpu.enqueue_indirect_dma source(%dma_start3A_563 : memref<250000x128xf32, #tpu.memory_space<hbm>>) target(%arg34 : memref<128x128xf32, #tpu.memory_space<vmem>>) offsets(%arg12 : memref<128xi32, #tpu.memory_space<vmem>>) semaphore(%arg40 : memref<!tpu.dma_semaphore, #tpu.memory_space<semaphore_mem>>)
    %dma_start3A_564 = arith.constant 0 : i32
    %dma_start3A_565 = arith.constant 0 : i32
    %dma_start3A_566 = tpu.memref_slice %arg5[%dma_start3A_564, %dma_start3A_565] : memref<250000x128xf32, #tpu.memory_space<hbm>> -> memref<250000x128xf32, #tpu.memory_space<hbm>>
    tpu.enqueue_indirect_dma source(%dma_start3A_566 : memref<250000x128xf32, #tpu.memory_space<hbm>>) target(%arg35 : memref<128x128xf32, #tpu.memory_space<vmem>>) offsets(%arg13 : memref<128xi32, #tpu.memory_space<vmem>>) semaphore(%arg40 : memref<!tpu.dma_semaphore, #tpu.memory_space<semaphore_mem>>)
    %dma_start3A_567 = arith.constant 0 : i32
    %dma_start3A_568 = arith.constant 0 : i32
    %dma_start3A_569 = tpu.memref_slice %arg6[%dma_start3A_567, %dma_start3A_568] : memref<7813x128xf32, #tpu.memory_space<hbm>> -> memref<7813x128xf32, #tpu.memory_space<hbm>>
    tpu.enqueue_indirect_dma source(%dma_start3A_569 : memref<7813x128xf32, #tpu.memory_space<hbm>>) target(%arg36 : memref<128x128xf32, #tpu.memory_space<vmem>>) offsets(%arg14 : memref<128xi32, #tpu.memory_space<vmem>>) semaphore(%arg40 : memref<!tpu.dma_semaphore, #tpu.memory_space<semaphore_mem>>)
    %dma_start3A_570 = arith.constant 0 : i32
    %dma_start3A_571 = arith.constant 0 : i32
    %dma_start3A_572 = tpu.memref_slice %arg7[%dma_start3A_570, %dma_start3A_571] : memref<7813x128xf32, #tpu.memory_space<hbm>> -> memref<7813x128xf32, #tpu.memory_space<hbm>>
    tpu.enqueue_indirect_dma source(%dma_start3A_572 : memref<7813x128xf32, #tpu.memory_space<hbm>>) target(%arg37 : memref<128x128xf32, #tpu.memory_space<vmem>>) offsets(%arg15 : memref<128xi32, #tpu.memory_space<vmem>>) semaphore(%arg40 : memref<!tpu.dma_semaphore, #tpu.memory_space<semaphore_mem>>)
    %dma_wait3A = arith.constant 0 : i32
    %dma_wait3A_573 = arith.constant 0 : i32
    %dma_wait3A_574 = tpu.memref_slice %arg4[%dma_wait3A, %dma_wait3A_573] : memref<250000x128xf32, #tpu.memory_space<hbm>> -> memref<250000x128xf32, #tpu.memory_space<hbm>>
    tpu.wait_indirect_dma semaphore(%arg40 : memref<!tpu.dma_semaphore, #tpu.memory_space<semaphore_mem>>) src(%dma_wait3A_574 : memref<250000x128xf32, #tpu.memory_space<hbm>>) dst(%arg34 : memref<128x128xf32, #tpu.memory_space<vmem>>)
    %dma_wait3A_575 = arith.constant 0 : i32
    %dma_wait3A_576 = arith.constant 0 : i32
    %dma_wait3A_577 = tpu.memref_slice %arg5[%dma_wait3A_575, %dma_wait3A_576] : memref<250000x128xf32, #tpu.memory_space<hbm>> -> memref<250000x128xf32, #tpu.memory_space<hbm>>
    tpu.wait_indirect_dma semaphore(%arg40 : memref<!tpu.dma_semaphore, #tpu.memory_space<semaphore_mem>>) src(%dma_wait3A_577 : memref<250000x128xf32, #tpu.memory_space<hbm>>) dst(%arg35 : memref<128x128xf32, #tpu.memory_space<vmem>>)
    %dma_wait3A_578 = arith.constant 0 : i32
    %dma_wait3A_579 = arith.constant 0 : i32
    %dma_wait3A_580 = tpu.memref_slice %arg6[%dma_wait3A_578, %dma_wait3A_579] : memref<7813x128xf32, #tpu.memory_space<hbm>> -> memref<7813x128xf32, #tpu.memory_space<hbm>>
    tpu.wait_indirect_dma semaphore(%arg40 : memref<!tpu.dma_semaphore, #tpu.memory_space<semaphore_mem>>) src(%dma_wait3A_580 : memref<7813x128xf32, #tpu.memory_space<hbm>>) dst(%arg36 : memref<128x128xf32, #tpu.memory_space<vmem>>)
    %dma_wait3A_581 = arith.constant 0 : i32
    %dma_wait3A_582 = arith.constant 0 : i32
    %dma_wait3A_583 = tpu.memref_slice %arg7[%dma_wait3A_581, %dma_wait3A_582] : memref<7813x128xf32, #tpu.memory_space<hbm>> -> memref<7813x128xf32, #tpu.memory_space<hbm>>
    tpu.wait_indirect_dma semaphore(%arg40 : memref<!tpu.dma_semaphore, #tpu.memory_space<semaphore_mem>>) src(%dma_wait3A_583 : memref<7813x128xf32, #tpu.memory_space<hbm>>) dst(%arg37 : memref<128x128xf32, #tpu.memory_space<vmem>>)
    %scan3A = arith.constant 0 : i32
    %scan3A_584 = arith.constant 0 : i32
    %scan3A_585 = arith.constant 8 : i32
    %scan3A_586 = arith.addi %scan3A_584, %scan3A_585 : i32
    %scan3A_587 = arith.constant 1 : i32
    scf.for %scan3A_679 = %scan3A_584 to %scan3A_586 step %scan3A_587  : i32 {
      %mul3A_680 = arith.constant 16 : i32
      %mul3A_681 = arith.muli %scan3A_679, %mul3A_680 : i32
      %add3A_682 = vector.broadcast %mul3A_681 : i32 to vector<16xi32>
      %add3A_683 = arith.addi %add3A_682, %iota3A : vector<16xi32>
      %gather3A_684 = tpu.vector_load_idx %arg10[%add3A_683] : memref<128xi32, #tpu.memory_space<vmem>>[vector<16xi32>], vector<16xi32>,
      %gather3A_685 = tpu.vector_load_idx %arg11[%add3A_683] : memref<128xi32, #tpu.memory_space<vmem>>[vector<16xi32>], vector<16xi32>,
      %and3A = arith.constant 3 : i32
      %and3A_686 = vector.broadcast %and3A : i32 to vector<16xi32>
      %and3A_687 = arith.andi %gather3A_684, %and3A_686 : vector<16xi32>
      %mul3A_688 = arith.constant 32 : i32
      %mul3A_689 = vector.broadcast %mul3A_688 : i32 to vector<16xi32>
      %mul3A_690 = arith.muli %and3A_687, %mul3A_689 : vector<16xi32>
      %and3A_691 = arith.constant 3 : i32
      %and3A_692 = vector.broadcast %and3A_691 : i32 to vector<16xi32>
      %and3A_693 = arith.andi %gather3A_685, %and3A_692 : vector<16xi32>
      %mul3A_694 = arith.constant 32 : i32
      %mul3A_695 = vector.broadcast %mul3A_694 : i32 to vector<16xi32>
      %mul3A_696 = arith.muli %and3A_693, %mul3A_695 : vector<16xi32>
      %add3A_697 = arith.constant 0 : i32
      %add3A_698 = vector.broadcast %add3A_697 : i32 to vector<16xi32>
      %add3A_699 = arith.addi %mul3A_690, %add3A_698 : vector<16xi32>
      %gather3A_700 = tpu.vector_load_idx %arg34[%add3A_683, %add3A_699] : memref<128x128xf32, #tpu.memory_space<vmem>>[vector<16xi32>, vector<16xi32>], vector<16xf32>,
      %add3A_701 = arith.constant 0 : i32
      %add3A_702 = vector.broadcast %add3A_701 : i32 to vector<16xi32>
      %add3A_703 = arith.addi %mul3A_696, %add3A_702 : vector<16xi32>
      %gather3A_704 = tpu.vector_load_idx %arg35[%add3A_683, %add3A_703] : memref<128x128xf32, #tpu.memory_space<vmem>>[vector<16xi32>, vector<16xi32>], vector<16xf32>,
      %mul3A_705 = arith.mulf %gather3A_700, %gather3A_704 : vector<16xf32>
      %add3A_706 = arith.addf %get3A_561, %mul3A_705 : vector<16xf32>
      %add3A_707 = arith.constant 1 : i32
      %add3A_708 = vector.broadcast %add3A_707 : i32 to vector<16xi32>
      %add3A_709 = arith.addi %mul3A_690, %add3A_708 : vector<16xi32>
      %gather3A_710 = tpu.vector_load_idx %arg34[%add3A_683, %add3A_709] : memref<128x128xf32, #tpu.memory_space<vmem>>[vector<16xi32>, vector<16xi32>], vector<16xf32>,
      %add3A_711 = arith.constant 1 : i32
      %add3A_712 = vector.broadcast %add3A_711 : i32 to vector<16xi32>
      %add3A_713 = arith.addi %mul3A_696, %add3A_712 : vector<16xi32>
      %gather3A_714 = tpu.vector_load_idx %arg35[%add3A_683, %add3A_713] : memref<128x128xf32, #tpu.memory_space<vmem>>[vector<16xi32>, vector<16xi32>], vector<16xf32>,
      %mul3A_715 = arith.mulf %gather3A_710, %gather3A_714 : vector<16xf32>
      %add3A_716 = arith.addf %add3A_706, %mul3A_715 : vector<16xf32>
      %add3A_717 = arith.constant 2 : i32
      %add3A_718 = vector.broadcast %add3A_717 : i32 to vector<16xi32>
      %add3A_719 = arith.addi %mul3A_690, %add3A_718 : vector<16xi32>
      %gather3A_720 = tpu.vector_load_idx %arg34[%add3A_683, %add3A_719] : memref<128x128xf32, #tpu.memory_space<vmem>>[vector<16xi32>, vector<16xi32>], vector<16xf32>,
      %add3A_721 = arith.constant 2 : i32
      %add3A_722 = vector.broadcast %add3A_721 : i32 to vector<16xi32>
      %add3A_723 = arith.addi %mul3A_696, %add3A_722 : vector<16xi32>
      %gather3A_724 = tpu.vector_load_idx %arg35[%add3A_683, %add3A_723] : memref<128x128xf32, #tpu.memory_space<vmem>>[vector<16xi32>, vector<16xi32>], vector<16xf32>,
      %mul3A_725 = arith.mulf %gather3A_720, %gather3A_724 : vector<16xf32>
      %add3A_726 = arith.addf %add3A_716, %mul3A_725 : vector<16xf32>
      %add3A_727 = arith.constant 3 : i32
      %add3A_728 = vector.broadcast %add3A_727 : i32 to vector<16xi32>
      %add3A_729 = arith.addi %mul3A_690, %add3A_728 : vector<16xi32>
      %gather3A_730 = tpu.vector_load_idx %arg34[%add3A_683, %add3A_729] : memref<128x128xf32, #tpu.memory_space<vmem>>[vector<16xi32>, vector<16xi32>], vector<16xf32>,
      %add3A_731 = arith.constant 3 : i32
      %add3A_732 = vector.broadcast %add3A_731 : i32 to vector<16xi32>
      %add3A_733 = arith.addi %mul3A_696, %add3A_732 : vector<16xi32>
      %gather3A_734 = tpu.vector_load_idx %arg35[%add3A_683, %add3A_733] : memref<128x128xf32, #tpu.memory_space<vmem>>[vector<16xi32>, vector<16xi32>], vector<16xf32>,
      %mul3A_735 = arith.mulf %gather3A_730, %gather3A_734 : vector<16xf32>
      %add3A_736 = arith.addf %add3A_726, %mul3A_735 : vector<16xf32>
      %add3A_737 = arith.constant 4 : i32
      %add3A_738 = vector.broadcast %add3A_737 : i32 to vector<16xi32>
      %add3A_739 = arith.addi %mul3A_690, %add3A_738 : vector<16xi32>
      %gather3A_740 = tpu.vector_load_idx %arg34[%add3A_683, %add3A_739] : memref<128x128xf32, #tpu.memory_space<vmem>>[vector<16xi32>, vector<16xi32>], vector<16xf32>,
      %add3A_741 = arith.constant 4 : i32
      %add3A_742 = vector.broadcast %add3A_741 : i32 to vector<16xi32>
      %add3A_743 = arith.addi %mul3A_696, %add3A_742 : vector<16xi32>
      %gather3A_744 = tpu.vector_load_idx %arg35[%add3A_683, %add3A_743] : memref<128x128xf32, #tpu.memory_space<vmem>>[vector<16xi32>, vector<16xi32>], vector<16xf32>,
      %mul3A_745 = arith.mulf %gather3A_740, %gather3A_744 : vector<16xf32>
      %add3A_746 = arith.addf %add3A_736, %mul3A_745 : vector<16xf32>
      %add3A_747 = arith.constant 5 : i32
      %add3A_748 = vector.broadcast %add3A_747 : i32 to vector<16xi32>
      %add3A_749 = arith.addi %mul3A_690, %add3A_748 : vector<16xi32>
      %gather3A_750 = tpu.vector_load_idx %arg34[%add3A_683, %add3A_749] : memref<128x128xf32, #tpu.memory_space<vmem>>[vector<16xi32>, vector<16xi32>], vector<16xf32>,
      %add3A_751 = arith.constant 5 : i32
      %add3A_752 = vector.broadcast %add3A_751 : i32 to vector<16xi32>
      %add3A_753 = arith.addi %mul3A_696, %add3A_752 : vector<16xi32>
      %gather3A_754 = tpu.vector_load_idx %arg35[%add3A_683, %add3A_753] : memref<128x128xf32, #tpu.memory_space<vmem>>[vector<16xi32>, vector<16xi32>], vector<16xf32>,
      %mul3A_755 = arith.mulf %gather3A_750, %gather3A_754 : vector<16xf32>
      %add3A_756 = arith.addf %add3A_746, %mul3A_755 : vector<16xf32>
      %add3A_757 = arith.constant 6 : i32
      %add3A_758 = vector.broadcast %add3A_757 : i32 to vector<16xi32>
      %add3A_759 = arith.addi %mul3A_690, %add3A_758 : vector<16xi32>
      %gather3A_760 = tpu.vector_load_idx %arg34[%add3A_683, %add3A_759] : memref<128x128xf32, #tpu.memory_space<vmem>>[vector<16xi32>, vector<16xi32>], vector<16xf32>,
      %add3A_761 = arith.constant 6 : i32
      %add3A_762 = vector.broadcast %add3A_761 : i32 to vector<16xi32>
      %add3A_763 = arith.addi %mul3A_696, %add3A_762 : vector<16xi32>
      %gather3A_764 = tpu.vector_load_idx %arg35[%add3A_683, %add3A_763] : memref<128x128xf32, #tpu.memory_space<vmem>>[vector<16xi32>, vector<16xi32>], vector<16xf32>,
      %mul3A_765 = arith.mulf %gather3A_760, %gather3A_764 : vector<16xf32>
      %add3A_766 = arith.addf %add3A_756, %mul3A_765 : vector<16xf32>
      %add3A_767 = arith.constant 7 : i32
      %add3A_768 = vector.broadcast %add3A_767 : i32 to vector<16xi32>
      %add3A_769 = arith.addi %mul3A_690, %add3A_768 : vector<16xi32>
      %gather3A_770 = tpu.vector_load_idx %arg34[%add3A_683, %add3A_769] : memref<128x128xf32, #tpu.memory_space<vmem>>[vector<16xi32>, vector<16xi32>], vector<16xf32>,
      %add3A_771 = arith.constant 7 : i32
      %add3A_772 = vector.broadcast %add3A_771 : i32 to vector<16xi32>
      %add3A_773 = arith.addi %mul3A_696, %add3A_772 : vector<16xi32>
      %gather3A_774 = tpu.vector_load_idx %arg35[%add3A_683, %add3A_773] : memref<128x128xf32, #tpu.memory_space<vmem>>[vector<16xi32>, vector<16xi32>], vector<16xf32>,
      %mul3A_775 = arith.mulf %gather3A_770, %gather3A_774 : vector<16xf32>
      %add3A_776 = arith.addf %add3A_766, %mul3A_775 : vector<16xf32>
      %add3A_777 = arith.constant 8 : i32
      %add3A_778 = vector.broadcast %add3A_777 : i32 to vector<16xi32>
      %add3A_779 = arith.addi %mul3A_690, %add3A_778 : vector<16xi32>
      %gather3A_780 = tpu.vector_load_idx %arg34[%add3A_683, %add3A_779] : memref<128x128xf32, #tpu.memory_space<vmem>>[vector<16xi32>, vector<16xi32>], vector<16xf32>,
      %add3A_781 = arith.constant 8 : i32
      %add3A_782 = vector.broadcast %add3A_781 : i32 to vector<16xi32>
      %add3A_783 = arith.addi %mul3A_696, %add3A_782 : vector<16xi32>
      %gather3A_784 = tpu.vector_load_idx %arg35[%add3A_683, %add3A_783] : memref<128x128xf32, #tpu.memory_space<vmem>>[vector<16xi32>, vector<16xi32>], vector<16xf32>,
      %mul3A_785 = arith.mulf %gather3A_780, %gather3A_784 : vector<16xf32>
      %add3A_786 = arith.addf %add3A_776, %mul3A_785 : vector<16xf32>
      %add3A_787 = arith.constant 9 : i32
      %add3A_788 = vector.broadcast %add3A_787 : i32 to vector<16xi32>
      %add3A_789 = arith.addi %mul3A_690, %add3A_788 : vector<16xi32>
      %gather3A_790 = tpu.vector_load_idx %arg34[%add3A_683, %add3A_789] : memref<128x128xf32, #tpu.memory_space<vmem>>[vector<16xi32>, vector<16xi32>], vector<16xf32>,
      %add3A_791 = arith.constant 9 : i32
      %add3A_792 = vector.broadcast %add3A_791 : i32 to vector<16xi32>
      %add3A_793 = arith.addi %mul3A_696, %add3A_792 : vector<16xi32>
      %gather3A_794 = tpu.vector_load_idx %arg35[%add3A_683, %add3A_793] : memref<128x128xf32, #tpu.memory_space<vmem>>[vector<16xi32>, vector<16xi32>], vector<16xf32>,
      %mul3A_795 = arith.mulf %gather3A_790, %gather3A_794 : vector<16xf32>
      %add3A_796 = arith.addf %add3A_786, %mul3A_795 : vector<16xf32>
      %add3A_797 = arith.constant 10 : i32
      %add3A_798 = vector.broadcast %add3A_797 : i32 to vector<16xi32>
      %add3A_799 = arith.addi %mul3A_690, %add3A_798 : vector<16xi32>
      %gather3A_800 = tpu.vector_load_idx %arg34[%add3A_683, %add3A_799] : memref<128x128xf32, #tpu.memory_space<vmem>>[vector<16xi32>, vector<16xi32>], vector<16xf32>,
      %add3A_801 = arith.constant 10 : i32
      %add3A_802 = vector.broadcast %add3A_801 : i32 to vector<16xi32>
      %add3A_803 = arith.addi %mul3A_696, %add3A_802 : vector<16xi32>
      %gather3A_804 = tpu.vector_load_idx %arg35[%add3A_683, %add3A_803] : memref<128x128xf32, #tpu.memory_space<vmem>>[vector<16xi32>, vector<16xi32>], vector<16xf32>,
      %mul3A_805 = arith.mulf %gather3A_800, %gather3A_804 : vector<16xf32>
      %add3A_806 = arith.addf %add3A_796, %mul3A_805 : vector<16xf32>
      %add3A_807 = arith.constant 11 : i32
      %add3A_808 = vector.broadcast %add3A_807 : i32 to vector<16xi32>
      %add3A_809 = arith.addi %mul3A_690, %add3A_808 : vector<16xi32>
      %gather3A_810 = tpu.vector_load_idx %arg34[%add3A_683, %add3A_809] : memref<128x128xf32, #tpu.memory_space<vmem>>[vector<16xi32>, vector<16xi32>], vector<16xf32>,
      %add3A_811 = arith.constant 11 : i32
      %add3A_812 = vector.broadcast %add3A_811 : i32 to vector<16xi32>
      %add3A_813 = arith.addi %mul3A_696, %add3A_812 : vector<16xi32>
      %gather3A_814 = tpu.vector_load_idx %arg35[%add3A_683, %add3A_813] : memref<128x128xf32, #tpu.memory_space<vmem>>[vector<16xi32>, vector<16xi32>], vector<16xf32>,
      %mul3A_815 = arith.mulf %gather3A_810, %gather3A_814 : vector<16xf32>
      %add3A_816 = arith.addf %add3A_806, %mul3A_815 : vector<16xf32>
      %add3A_817 = arith.constant 12 : i32
      %add3A_818 = vector.broadcast %add3A_817 : i32 to vector<16xi32>
      %add3A_819 = arith.addi %mul3A_690, %add3A_818 : vector<16xi32>
      %gather3A_820 = tpu.vector_load_idx %arg34[%add3A_683, %add3A_819] : memref<128x128xf32, #tpu.memory_space<vmem>>[vector<16xi32>, vector<16xi32>], vector<16xf32>,
      %add3A_821 = arith.constant 12 : i32
      %add3A_822 = vector.broadcast %add3A_821 : i32 to vector<16xi32>
      %add3A_823 = arith.addi %mul3A_696, %add3A_822 : vector<16xi32>
      %gather3A_824 = tpu.vector_load_idx %arg35[%add3A_683, %add3A_823] : memref<128x128xf32, #tpu.memory_space<vmem>>[vector<16xi32>, vector<16xi32>], vector<16xf32>,
      %mul3A_825 = arith.mulf %gather3A_820, %gather3A_824 : vector<16xf32>
      %add3A_826 = arith.addf %add3A_816, %mul3A_825 : vector<16xf32>
      %add3A_827 = arith.constant 13 : i32
      %add3A_828 = vector.broadcast %add3A_827 : i32 to vector<16xi32>
      %add3A_829 = arith.addi %mul3A_690, %add3A_828 : vector<16xi32>
      %gather3A_830 = tpu.vector_load_idx %arg34[%add3A_683, %add3A_829] : memref<128x128xf32, #tpu.memory_space<vmem>>[vector<16xi32>, vector<16xi32>], vector<16xf32>,
      %add3A_831 = arith.constant 13 : i32
      %add3A_832 = vector.broadcast %add3A_831 : i32 to vector<16xi32>
      %add3A_833 = arith.addi %mul3A_696, %add3A_832 : vector<16xi32>
      %gather3A_834 = tpu.vector_load_idx %arg35[%add3A_683, %add3A_833] : memref<128x128xf32, #tpu.memory_space<vmem>>[vector<16xi32>, vector<16xi32>], vector<16xf32>,
      %mul3A_835 = arith.mulf %gather3A_830, %gather3A_834 : vector<16xf32>
      %add3A_836 = arith.addf %add3A_826, %mul3A_835 : vector<16xf32>
      %add3A_837 = arith.constant 14 : i32
      %add3A_838 = vector.broadcast %add3A_837 : i32 to vector<16xi32>
      %add3A_839 = arith.addi %mul3A_690, %add3A_838 : vector<16xi32>
      %gather3A_840 = tpu.vector_load_idx %arg34[%add3A_683, %add3A_839] : memref<128x128xf32, #tpu.memory_space<vmem>>[vector<16xi32>, vector<16xi32>], vector<16xf32>,
      %add3A_841 = arith.constant 14 : i32
      %add3A_842 = vector.broadcast %add3A_841 : i32 to vector<16xi32>
      %add3A_843 = arith.addi %mul3A_696, %add3A_842 : vector<16xi32>
      %gather3A_844 = tpu.vector_load_idx %arg35[%add3A_683, %add3A_843] : memref<128x128xf32, #tpu.memory_space<vmem>>[vector<16xi32>, vector<16xi32>], vector<16xf32>,
      %mul3A_845 = arith.mulf %gather3A_840, %gather3A_844 : vector<16xf32>
      %add3A_846 = arith.addf %add3A_836, %mul3A_845 : vector<16xf32>
      %add3A_847 = arith.constant 15 : i32
      %add3A_848 = vector.broadcast %add3A_847 : i32 to vector<16xi32>
      %add3A_849 = arith.addi %mul3A_690, %add3A_848 : vector<16xi32>
      %gather3A_850 = tpu.vector_load_idx %arg34[%add3A_683, %add3A_849] : memref<128x128xf32, #tpu.memory_space<vmem>>[vector<16xi32>, vector<16xi32>], vector<16xf32>,
      %add3A_851 = arith.constant 15 : i32
      %add3A_852 = vector.broadcast %add3A_851 : i32 to vector<16xi32>
      %add3A_853 = arith.addi %mul3A_696, %add3A_852 : vector<16xi32>
      %gather3A_854 = tpu.vector_load_idx %arg35[%add3A_683, %add3A_853] : memref<128x128xf32, #tpu.memory_space<vmem>>[vector<16xi32>, vector<16xi32>], vector<16xf32>,
      %mul3A_855 = arith.mulf %gather3A_850, %gather3A_854 : vector<16xf32>
      %add3A_856 = arith.addf %add3A_846, %mul3A_855 : vector<16xf32>
      %add3A_857 = arith.constant 16 : i32
      %add3A_858 = vector.broadcast %add3A_857 : i32 to vector<16xi32>
      %add3A_859 = arith.addi %mul3A_690, %add3A_858 : vector<16xi32>
      %gather3A_860 = tpu.vector_load_idx %arg34[%add3A_683, %add3A_859] : memref<128x128xf32, #tpu.memory_space<vmem>>[vector<16xi32>, vector<16xi32>], vector<16xf32>,
      %add3A_861 = arith.constant 16 : i32
      %add3A_862 = vector.broadcast %add3A_861 : i32 to vector<16xi32>
      %add3A_863 = arith.addi %mul3A_696, %add3A_862 : vector<16xi32>
      %gather3A_864 = tpu.vector_load_idx %arg35[%add3A_683, %add3A_863] : memref<128x128xf32, #tpu.memory_space<vmem>>[vector<16xi32>, vector<16xi32>], vector<16xf32>,
      %mul3A_865 = arith.mulf %gather3A_860, %gather3A_864 : vector<16xf32>
      %add3A_866 = arith.addf %add3A_856, %mul3A_865 : vector<16xf32>
      %add3A_867 = arith.constant 17 : i32
      %add3A_868 = vector.broadcast %add3A_867 : i32 to vector<16xi32>
      %add3A_869 = arith.addi %mul3A_690, %add3A_868 : vector<16xi32>
      %gather3A_870 = tpu.vector_load_idx %arg34[%add3A_683, %add3A_869] : memref<128x128xf32, #tpu.memory_space<vmem>>[vector<16xi32>, vector<16xi32>], vector<16xf32>,
      %add3A_871 = arith.constant 17 : i32
      %add3A_872 = vector.broadcast %add3A_871 : i32 to vector<16xi32>
      %add3A_873 = arith.addi %mul3A_696, %add3A_872 : vector<16xi32>
      %gather3A_874 = tpu.vector_load_idx %arg35[%add3A_683, %add3A_873] : memref<128x128xf32, #tpu.memory_space<vmem>>[vector<16xi32>, vector<16xi32>], vector<16xf32>,
      %mul3A_875 = arith.mulf %gather3A_870, %gather3A_874 : vector<16xf32>
      %add3A_876 = arith.addf %add3A_866, %mul3A_875 : vector<16xf32>
      %add3A_877 = arith.constant 18 : i32
      %add3A_878 = vector.broadcast %add3A_877 : i32 to vector<16xi32>
      %add3A_879 = arith.addi %mul3A_690, %add3A_878 : vector<16xi32>
      %gather3A_880 = tpu.vector_load_idx %arg34[%add3A_683, %add3A_879] : memref<128x128xf32, #tpu.memory_space<vmem>>[vector<16xi32>, vector<16xi32>], vector<16xf32>,
      %add3A_881 = arith.constant 18 : i32
      %add3A_882 = vector.broadcast %add3A_881 : i32 to vector<16xi32>
      %add3A_883 = arith.addi %mul3A_696, %add3A_882 : vector<16xi32>
      %gather3A_884 = tpu.vector_load_idx %arg35[%add3A_683, %add3A_883] : memref<128x128xf32, #tpu.memory_space<vmem>>[vector<16xi32>, vector<16xi32>], vector<16xf32>,
      %mul3A_885 = arith.mulf %gather3A_880, %gather3A_884 : vector<16xf32>
      %add3A_886 = arith.addf %add3A_876, %mul3A_885 : vector<16xf32>
      %add3A_887 = arith.constant 19 : i32
      %add3A_888 = vector.broadcast %add3A_887 : i32 to vector<16xi32>
      %add3A_889 = arith.addi %mul3A_690, %add3A_888 : vector<16xi32>
      %gather3A_890 = tpu.vector_load_idx %arg34[%add3A_683, %add3A_889] : memref<128x128xf32, #tpu.memory_space<vmem>>[vector<16xi32>, vector<16xi32>], vector<16xf32>,
      %add3A_891 = arith.constant 19 : i32
      %add3A_892 = vector.broadcast %add3A_891 : i32 to vector<16xi32>
      %add3A_893 = arith.addi %mul3A_696, %add3A_892 : vector<16xi32>
      %gather3A_894 = tpu.vector_load_idx %arg35[%add3A_683, %add3A_893] : memref<128x128xf32, #tpu.memory_space<vmem>>[vector<16xi32>, vector<16xi32>], vector<16xf32>,
      %mul3A_895 = arith.mulf %gather3A_890, %gather3A_894 : vector<16xf32>
      %add3A_896 = arith.addf %add3A_886, %mul3A_895 : vector<16xf32>
      %add3A_897 = arith.constant 20 : i32
      %add3A_898 = vector.broadcast %add3A_897 : i32 to vector<16xi32>
      %add3A_899 = arith.addi %mul3A_690, %add3A_898 : vector<16xi32>
      %gather3A_900 = tpu.vector_load_idx %arg34[%add3A_683, %add3A_899] : memref<128x128xf32, #tpu.memory_space<vmem>>[vector<16xi32>, vector<16xi32>], vector<16xf32>,
      %add3A_901 = arith.constant 20 : i32
      %add3A_902 = vector.broadcast %add3A_901 : i32 to vector<16xi32>
      %add3A_903 = arith.addi %mul3A_696, %add3A_902 : vector<16xi32>
      %gather3A_904 = tpu.vector_load_idx %arg35[%add3A_683, %add3A_903] : memref<128x128xf32, #tpu.memory_space<vmem>>[vector<16xi32>, vector<16xi32>], vector<16xf32>,
      %mul3A_905 = arith.mulf %gather3A_900, %gather3A_904 : vector<16xf32>
      %add3A_906 = arith.addf %add3A_896, %mul3A_905 : vector<16xf32>
      %add3A_907 = arith.constant 21 : i32
      %add3A_908 = vector.broadcast %add3A_907 : i32 to vector<16xi32>
      %add3A_909 = arith.addi %mul3A_690, %add3A_908 : vector<16xi32>
      %gather3A_910 = tpu.vector_load_idx %arg34[%add3A_683, %add3A_909] : memref<128x128xf32, #tpu.memory_space<vmem>>[vector<16xi32>, vector<16xi32>], vector<16xf32>,
      %add3A_911 = arith.constant 21 : i32
      %add3A_912 = vector.broadcast %add3A_911 : i32 to vector<16xi32>
      %add3A_913 = arith.addi %mul3A_696, %add3A_912 : vector<16xi32>
      %gather3A_914 = tpu.vector_load_idx %arg35[%add3A_683, %add3A_913] : memref<128x128xf32, #tpu.memory_space<vmem>>[vector<16xi32>, vector<16xi32>], vector<16xf32>,
      %mul3A_915 = arith.mulf %gather3A_910, %gather3A_914 : vector<16xf32>
      %add3A_916 = arith.addf %add3A_906, %mul3A_915 : vector<16xf32>
      %add3A_917 = arith.constant 22 : i32
      %add3A_918 = vector.broadcast %add3A_917 : i32 to vector<16xi32>
      %add3A_919 = arith.addi %mul3A_690, %add3A_918 : vector<16xi32>
      %gather3A_920 = tpu.vector_load_idx %arg34[%add3A_683, %add3A_919] : memref<128x128xf32, #tpu.memory_space<vmem>>[vector<16xi32>, vector<16xi32>], vector<16xf32>,
      %add3A_921 = arith.constant 22 : i32
      %add3A_922 = vector.broadcast %add3A_921 : i32 to vector<16xi32>
      %add3A_923 = arith.addi %mul3A_696, %add3A_922 : vector<16xi32>
      %gather3A_924 = tpu.vector_load_idx %arg35[%add3A_683, %add3A_923] : memref<128x128xf32, #tpu.memory_space<vmem>>[vector<16xi32>, vector<16xi32>], vector<16xf32>,
      %mul3A_925 = arith.mulf %gather3A_920, %gather3A_924 : vector<16xf32>
      %add3A_926 = arith.addf %add3A_916, %mul3A_925 : vector<16xf32>
      %add3A_927 = arith.constant 23 : i32
      %add3A_928 = vector.broadcast %add3A_927 : i32 to vector<16xi32>
      %add3A_929 = arith.addi %mul3A_690, %add3A_928 : vector<16xi32>
      %gather3A_930 = tpu.vector_load_idx %arg34[%add3A_683, %add3A_929] : memref<128x128xf32, #tpu.memory_space<vmem>>[vector<16xi32>, vector<16xi32>], vector<16xf32>,
      %add3A_931 = arith.constant 23 : i32
      %add3A_932 = vector.broadcast %add3A_931 : i32 to vector<16xi32>
      %add3A_933 = arith.addi %mul3A_696, %add3A_932 : vector<16xi32>
      %gather3A_934 = tpu.vector_load_idx %arg35[%add3A_683, %add3A_933] : memref<128x128xf32, #tpu.memory_space<vmem>>[vector<16xi32>, vector<16xi32>], vector<16xf32>,
      %mul3A_935 = arith.mulf %gather3A_930, %gather3A_934 : vector<16xf32>
      %add3A_936 = arith.addf %add3A_926, %mul3A_935 : vector<16xf32>
      %add3A_937 = arith.constant 24 : i32
      %add3A_938 = vector.broadcast %add3A_937 : i32 to vector<16xi32>
      %add3A_939 = arith.addi %mul3A_690, %add3A_938 : vector<16xi32>
      %gather3A_940 = tpu.vector_load_idx %arg34[%add3A_683, %add3A_939] : memref<128x128xf32, #tpu.memory_space<vmem>>[vector<16xi32>, vector<16xi32>], vector<16xf32>,
      %add3A_941 = arith.constant 24 : i32
      %add3A_942 = vector.broadcast %add3A_941 : i32 to vector<16xi32>
      %add3A_943 = arith.addi %mul3A_696, %add3A_942 : vector<16xi32>
      %gather3A_944 = tpu.vector_load_idx %arg35[%add3A_683, %add3A_943] : memref<128x128xf32, #tpu.memory_space<vmem>>[vector<16xi32>, vector<16xi32>], vector<16xf32>,
      %mul3A_945 = arith.mulf %gather3A_940, %gather3A_944 : vector<16xf32>
      %add3A_946 = arith.addf %add3A_936, %mul3A_945 : vector<16xf32>
      %add3A_947 = arith.constant 25 : i32
      %add3A_948 = vector.broadcast %add3A_947 : i32 to vector<16xi32>
      %add3A_949 = arith.addi %mul3A_690, %add3A_948 : vector<16xi32>
      %gather3A_950 = tpu.vector_load_idx %arg34[%add3A_683, %add3A_949] : memref<128x128xf32, #tpu.memory_space<vmem>>[vector<16xi32>, vector<16xi32>], vector<16xf32>,
      %add3A_951 = arith.constant 25 : i32
      %add3A_952 = vector.broadcast %add3A_951 : i32 to vector<16xi32>
      %add3A_953 = arith.addi %mul3A_696, %add3A_952 : vector<16xi32>
      %gather3A_954 = tpu.vector_load_idx %arg35[%add3A_683, %add3A_953] : memref<128x128xf32, #tpu.memory_space<vmem>>[vector<16xi32>, vector<16xi32>], vector<16xf32>,
      %mul3A_955 = arith.mulf %gather3A_950, %gather3A_954 : vector<16xf32>
      %add3A_956 = arith.addf %add3A_946, %mul3A_955 : vector<16xf32>
      %add3A_957 = arith.constant 26 : i32
      %add3A_958 = vector.broadcast %add3A_957 : i32 to vector<16xi32>
      %add3A_959 = arith.addi %mul3A_690, %add3A_958 : vector<16xi32>
      %gather3A_960 = tpu.vector_load_idx %arg34[%add3A_683, %add3A_959] : memref<128x128xf32, #tpu.memory_space<vmem>>[vector<16xi32>, vector<16xi32>], vector<16xf32>,
      %add3A_961 = arith.constant 26 : i32
      %add3A_962 = vector.broadcast %add3A_961 : i32 to vector<16xi32>
      %add3A_963 = arith.addi %mul3A_696, %add3A_962 : vector<16xi32>
      %gather3A_964 = tpu.vector_load_idx %arg35[%add3A_683, %add3A_963] : memref<128x128xf32, #tpu.memory_space<vmem>>[vector<16xi32>, vector<16xi32>], vector<16xf32>,
      %mul3A_965 = arith.mulf %gather3A_960, %gather3A_964 : vector<16xf32>
      %add3A_966 = arith.addf %add3A_956, %mul3A_965 : vector<16xf32>
      %add3A_967 = arith.constant 27 : i32
      %add3A_968 = vector.broadcast %add3A_967 : i32 to vector<16xi32>
      %add3A_969 = arith.addi %mul3A_690, %add3A_968 : vector<16xi32>
      %gather3A_970 = tpu.vector_load_idx %arg34[%add3A_683, %add3A_969] : memref<128x128xf32, #tpu.memory_space<vmem>>[vector<16xi32>, vector<16xi32>], vector<16xf32>,
      %add3A_971 = arith.constant 27 : i32
      %add3A_972 = vector.broadcast %add3A_971 : i32 to vector<16xi32>
      %add3A_973 = arith.addi %mul3A_696, %add3A_972 : vector<16xi32>
      %gather3A_974 = tpu.vector_load_idx %arg35[%add3A_683, %add3A_973] : memref<128x128xf32, #tpu.memory_space<vmem>>[vector<16xi32>, vector<16xi32>], vector<16xf32>,
      %mul3A_975 = arith.mulf %gather3A_970, %gather3A_974 : vector<16xf32>
      %add3A_976 = arith.addf %add3A_966, %mul3A_975 : vector<16xf32>
      %add3A_977 = arith.constant 28 : i32
      %add3A_978 = vector.broadcast %add3A_977 : i32 to vector<16xi32>
      %add3A_979 = arith.addi %mul3A_690, %add3A_978 : vector<16xi32>
      %gather3A_980 = tpu.vector_load_idx %arg34[%add3A_683, %add3A_979] : memref<128x128xf32, #tpu.memory_space<vmem>>[vector<16xi32>, vector<16xi32>], vector<16xf32>,
      %add3A_981 = arith.constant 28 : i32
      %add3A_982 = vector.broadcast %add3A_981 : i32 to vector<16xi32>
      %add3A_983 = arith.addi %mul3A_696, %add3A_982 : vector<16xi32>
      %gather3A_984 = tpu.vector_load_idx %arg35[%add3A_683, %add3A_983] : memref<128x128xf32, #tpu.memory_space<vmem>>[vector<16xi32>, vector<16xi32>], vector<16xf32>,
      %mul3A_985 = arith.mulf %gather3A_980, %gather3A_984 : vector<16xf32>
      %add3A_986 = arith.addf %add3A_976, %mul3A_985 : vector<16xf32>
      %add3A_987 = arith.constant 29 : i32
      %add3A_988 = vector.broadcast %add3A_987 : i32 to vector<16xi32>
      %add3A_989 = arith.addi %mul3A_690, %add3A_988 : vector<16xi32>
      %gather3A_990 = tpu.vector_load_idx %arg34[%add3A_683, %add3A_989] : memref<128x128xf32, #tpu.memory_space<vmem>>[vector<16xi32>, vector<16xi32>], vector<16xf32>,
      %add3A_991 = arith.constant 29 : i32
      %add3A_992 = vector.broadcast %add3A_991 : i32 to vector<16xi32>
      %add3A_993 = arith.addi %mul3A_696, %add3A_992 : vector<16xi32>
      %gather3A_994 = tpu.vector_load_idx %arg35[%add3A_683, %add3A_993] : memref<128x128xf32, #tpu.memory_space<vmem>>[vector<16xi32>, vector<16xi32>], vector<16xf32>,
      %mul3A_995 = arith.mulf %gather3A_990, %gather3A_994 : vector<16xf32>
      %add3A_996 = arith.addf %add3A_986, %mul3A_995 : vector<16xf32>
      %add3A_997 = arith.constant 30 : i32
      %add3A_998 = vector.broadcast %add3A_997 : i32 to vector<16xi32>
      %add3A_999 = arith.addi %mul3A_690, %add3A_998 : vector<16xi32>
      %gather3A_1000 = tpu.vector_load_idx %arg34[%add3A_683, %add3A_999] : memref<128x128xf32, #tpu.memory_space<vmem>>[vector<16xi32>, vector<16xi32>], vector<16xf32>,
      %add3A_1001 = arith.constant 30 : i32
      %add3A_1002 = vector.broadcast %add3A_1001 : i32 to vector<16xi32>
      %add3A_1003 = arith.addi %mul3A_696, %add3A_1002 : vector<16xi32>
      %gather3A_1004 = tpu.vector_load_idx %arg35[%add3A_683, %add3A_1003] : memref<128x128xf32, #tpu.memory_space<vmem>>[vector<16xi32>, vector<16xi32>], vector<16xf32>,
      %mul3A_1005 = arith.mulf %gather3A_1000, %gather3A_1004 : vector<16xf32>
      %add3A_1006 = arith.addf %add3A_996, %mul3A_1005 : vector<16xf32>
      %add3A_1007 = arith.constant 31 : i32
      %add3A_1008 = vector.broadcast %add3A_1007 : i32 to vector<16xi32>
      %add3A_1009 = arith.addi %mul3A_690, %add3A_1008 : vector<16xi32>
      %gather3A_1010 = tpu.vector_load_idx %arg34[%add3A_683, %add3A_1009] : memref<128x128xf32, #tpu.memory_space<vmem>>[vector<16xi32>, vector<16xi32>], vector<16xf32>,
      %add3A_1011 = arith.constant 31 : i32
      %add3A_1012 = vector.broadcast %add3A_1011 : i32 to vector<16xi32>
      %add3A_1013 = arith.addi %mul3A_696, %add3A_1012 : vector<16xi32>
      %gather3A_1014 = tpu.vector_load_idx %arg35[%add3A_683, %add3A_1013] : memref<128x128xf32, #tpu.memory_space<vmem>>[vector<16xi32>, vector<16xi32>], vector<16xf32>,
      %mul3A_1015 = arith.mulf %gather3A_1010, %gather3A_1014 : vector<16xf32>
      %add3A_1016 = arith.addf %add3A_1006, %mul3A_1015 : vector<16xf32>
      %and3A_1017 = arith.constant 127 : i32
      %and3A_1018 = vector.broadcast %and3A_1017 : i32 to vector<16xi32>
      %and3A_1019 = arith.andi %gather3A_684, %and3A_1018 : vector<16xi32>
      %gather3A_1020 = tpu.vector_load_idx %arg36[%add3A_683, %and3A_1019] : memref<128x128xf32, #tpu.memory_space<vmem>>[vector<16xi32>, vector<16xi32>], vector<16xf32>,
      %add3A_1021 = arith.addf %add3A_1016, %gather3A_1020 : vector<16xf32>
      %and3A_1022 = arith.constant 127 : i32
      %and3A_1023 = vector.broadcast %and3A_1022 : i32 to vector<16xi32>
      %and3A_1024 = arith.andi %gather3A_685, %and3A_1023 : vector<16xi32>
      %gather3A_1025 = tpu.vector_load_idx %arg37[%add3A_683, %and3A_1024] : memref<128x128xf32, #tpu.memory_space<vmem>>[vector<16xi32>, vector<16xi32>], vector<16xf32>,
      %add3A_1026 = arith.addf %add3A_1021, %gather3A_1025 : vector<16xf32>
      %neg3A = arith.constant 0.000000e+00 : f32
      %neg3A_1027 = vector.broadcast %neg3A : f32 to vector<16xf32>
      %neg3A_1028 = arith.subf %neg3A_1027, %add3A_1026 : vector<16xf32>
      %exp3A = math.exp %neg3A_1028 : vector<16xf32>
      %add3A_1029 = arith.constant 1.000000e+00 : f32
      %add3A_1030 = vector.broadcast %add3A_1029 : f32 to vector<16xf32>
      %add3A_1031 = arith.addf %add3A_1030, %exp3A : vector<16xf32>
      %div3A = arith.constant 4.000000e+00 : f32
      %div3A_1032 = vector.broadcast %div3A : f32 to vector<16xf32>
      %div3A_1033 = arith.divf %div3A_1032, %add3A_1031 : vector<16xf32>
      %add3A_1034 = arith.constant 1.000000e+00 : f32
      %add3A_1035 = vector.broadcast %add3A_1034 : f32 to vector<16xf32>
      %add3A_1036 = arith.addf %add3A_1035, %div3A_1033 : vector<16xf32>
      %add3A_1037 = arith.constant 0 : i32
      %add3A_1038 = vector.broadcast %add3A_1037 : i32 to vector<16xi32>
      %add3A_1039 = arith.addi %add3A_1038, %add3A_683 : vector<16xi32>
      tpu.vector_store_idx %arg39[%add3A_1039], %add3A_1036 : memref<512xf32, #tpu.memory_space<vmem>>[vector<16xi32>], vector<16xf32>,
    }
    %scan3A_588 = arith.constant 8 : i32
    %dma_start3A_589 = arith.constant 0 : i32
    %dma_start3A_590 = arith.constant 0 : i32
    %dma_start3A_591 = tpu.memref_slice %arg4[%dma_start3A_589, %dma_start3A_590] : memref<250000x128xf32, #tpu.memory_space<hbm>> -> memref<250000x128xf32, #tpu.memory_space<hbm>>
    tpu.enqueue_indirect_dma source(%dma_start3A_591 : memref<250000x128xf32, #tpu.memory_space<hbm>>) target(%arg34 : memref<128x128xf32, #tpu.memory_space<vmem>>) offsets(%arg18 : memref<128xi32, #tpu.memory_space<vmem>>) semaphore(%arg40 : memref<!tpu.dma_semaphore, #tpu.memory_space<semaphore_mem>>)
    %dma_start3A_592 = arith.constant 0 : i32
    %dma_start3A_593 = arith.constant 0 : i32
    %dma_start3A_594 = tpu.memref_slice %arg5[%dma_start3A_592, %dma_start3A_593] : memref<250000x128xf32, #tpu.memory_space<hbm>> -> memref<250000x128xf32, #tpu.memory_space<hbm>>
    tpu.enqueue_indirect_dma source(%dma_start3A_594 : memref<250000x128xf32, #tpu.memory_space<hbm>>) target(%arg35 : memref<128x128xf32, #tpu.memory_space<vmem>>) offsets(%arg19 : memref<128xi32, #tpu.memory_space<vmem>>) semaphore(%arg40 : memref<!tpu.dma_semaphore, #tpu.memory_space<semaphore_mem>>)
    %dma_start3A_595 = arith.constant 0 : i32
    %dma_start3A_596 = arith.constant 0 : i32
    %dma_start3A_597 = tpu.memref_slice %arg6[%dma_start3A_595, %dma_start3A_596] : memref<7813x128xf32, #tpu.memory_space<hbm>> -> memref<7813x128xf32, #tpu.memory_space<hbm>>
    tpu.enqueue_indirect_dma source(%dma_start3A_597 : memref<7813x128xf32, #tpu.memory_space<hbm>>) target(%arg36 : memref<128x128xf32, #tpu.memory_space<vmem>>) offsets(%arg20 : memref<128xi32, #tpu.memory_space<vmem>>) semaphore(%arg40 : memref<!tpu.dma_semaphore, #tpu.memory_space<semaphore_mem>>)
    %dma_start3A_598 = arith.constant 0 : i32
    %dma_start3A_599 = arith.constant 0 : i32
    %dma_start3A_600 = tpu.memref_slice %arg7[%dma_start3A_598, %dma_start3A_599] : memref<7813x128xf32, #tpu.memory_space<hbm>> -> memref<7813x128xf32, #tpu.memory_space<hbm>>
    tpu.enqueue_indirect_dma source(%dma_start3A_600 : memref<7813x128xf32, #tpu.memory_space<hbm>>) target(%arg37 : memref<128x128xf32, #tpu.memory_space<vmem>>) offsets(%arg21 : memref<128xi32, #tpu.memory_space<vmem>>) semaphore(%arg40 : memref<!tpu.dma_semaphore, #tpu.memory_space<semaphore_mem>>)
    %dma_wait3A_601 = arith.constant 0 : i32
    %dma_wait3A_602 = arith.constant 0 : i32
    %dma_wait3A_603 = tpu.memref_slice %arg4[%dma_wait3A_601, %dma_wait3A_602] : memref<250000x128xf32, #tpu.memory_space<hbm>> -> memref<250000x128xf32, #tpu.memory_space<hbm>>
    tpu.wait_indirect_dma semaphore(%arg40 : memref<!tpu.dma_semaphore, #tpu.memory_space<semaphore_mem>>) src(%dma_wait3A_603 : memref<250000x128xf32, #tpu.memory_space<hbm>>) dst(%arg34 : memref<128x128xf32, #tpu.memory_space<vmem>>)
    %dma_wait3A_604 = arith.constant 0 : i32
    %dma_wait3A_605 = arith.constant 0 : i32
    %dma_wait3A_606 = tpu.memref_slice %arg5[%dma_wait3A_604, %dma_wait3A_605] : memref<250000x128xf32, #tpu.memory_space<hbm>> -> memref<250000x128xf32, #tpu.memory_space<hbm>>
    tpu.wait_indirect_dma semaphore(%arg40 : memref<!tpu.dma_semaphore, #tpu.memory_space<semaphore_mem>>) src(%dma_wait3A_606 : memref<250000x128xf32, #tpu.memory_space<hbm>>) dst(%arg35 : memref<128x128xf32, #tpu.memory_space<vmem>>)
    %dma_wait3A_607 = arith.constant 0 : i32
    %dma_wait3A_608 = arith.constant 0 : i32
    %dma_wait3A_609 = tpu.memref_slice %arg6[%dma_wait3A_607, %dma_wait3A_608] : memref<7813x128xf32, #tpu.memory_space<hbm>> -> memref<7813x128xf32, #tpu.memory_space<hbm>>
    tpu.wait_indirect_dma semaphore(%arg40 : memref<!tpu.dma_semaphore, #tpu.memory_space<semaphore_mem>>) src(%dma_wait3A_609 : memref<7813x128xf32, #tpu.memory_space<hbm>>) dst(%arg36 : memref<128x128xf32, #tpu.memory_space<vmem>>)
    %dma_wait3A_610 = arith.constant 0 : i32
    %dma_wait3A_611 = arith.constant 0 : i32
    %dma_wait3A_612 = tpu.memref_slice %arg7[%dma_wait3A_610, %dma_wait3A_611] : memref<7813x128xf32, #tpu.memory_space<hbm>> -> memref<7813x128xf32, #tpu.memory_space<hbm>>
    tpu.wait_indirect_dma semaphore(%arg40 : memref<!tpu.dma_semaphore, #tpu.memory_space<semaphore_mem>>) src(%dma_wait3A_612 : memref<7813x128xf32, #tpu.memory_space<hbm>>) dst(%arg37 : memref<128x128xf32, #tpu.memory_space<vmem>>)
    %scan3A_613 = arith.constant 0 : i32
    %scan3A_614 = arith.constant 0 : i32
    %scan3A_615 = arith.constant 8 : i32
    %scan3A_616 = arith.addi %scan3A_614, %scan3A_615 : i32
    %scan3A_617 = arith.constant 1 : i32
    scf.for %scan3A_679 = %scan3A_614 to %scan3A_616 step %scan3A_617  : i32 {
      %mul3A_680 = arith.constant 16 : i32
      %mul3A_681 = arith.muli %scan3A_679, %mul3A_680 : i32
      %add3A_682 = vector.broadcast %mul3A_681 : i32 to vector<16xi32>
      %add3A_683 = arith.addi %add3A_682, %iota3A : vector<16xi32>
      %gather3A_684 = tpu.vector_load_idx %arg16[%add3A_683] : memref<128xi32, #tpu.memory_space<vmem>>[vector<16xi32>], vector<16xi32>,
      %gather3A_685 = tpu.vector_load_idx %arg17[%add3A_683] : memref<128xi32, #tpu.memory_space<vmem>>[vector<16xi32>], vector<16xi32>,
      %and3A = arith.constant 3 : i32
      %and3A_686 = vector.broadcast %and3A : i32 to vector<16xi32>
      %and3A_687 = arith.andi %gather3A_684, %and3A_686 : vector<16xi32>
      %mul3A_688 = arith.constant 32 : i32
      %mul3A_689 = vector.broadcast %mul3A_688 : i32 to vector<16xi32>
      %mul3A_690 = arith.muli %and3A_687, %mul3A_689 : vector<16xi32>
      %and3A_691 = arith.constant 3 : i32
      %and3A_692 = vector.broadcast %and3A_691 : i32 to vector<16xi32>
      %and3A_693 = arith.andi %gather3A_685, %and3A_692 : vector<16xi32>
      %mul3A_694 = arith.constant 32 : i32
      %mul3A_695 = vector.broadcast %mul3A_694 : i32 to vector<16xi32>
      %mul3A_696 = arith.muli %and3A_693, %mul3A_695 : vector<16xi32>
      %add3A_697 = arith.constant 0 : i32
      %add3A_698 = vector.broadcast %add3A_697 : i32 to vector<16xi32>
      %add3A_699 = arith.addi %mul3A_690, %add3A_698 : vector<16xi32>
      %gather3A_700 = tpu.vector_load_idx %arg34[%add3A_683, %add3A_699] : memref<128x128xf32, #tpu.memory_space<vmem>>[vector<16xi32>, vector<16xi32>], vector<16xf32>,
      %add3A_701 = arith.constant 0 : i32
      %add3A_702 = vector.broadcast %add3A_701 : i32 to vector<16xi32>
      %add3A_703 = arith.addi %mul3A_696, %add3A_702 : vector<16xi32>
      %gather3A_704 = tpu.vector_load_idx %arg35[%add3A_683, %add3A_703] : memref<128x128xf32, #tpu.memory_space<vmem>>[vector<16xi32>, vector<16xi32>], vector<16xf32>,
      %mul3A_705 = arith.mulf %gather3A_700, %gather3A_704 : vector<16xf32>
      %add3A_706 = arith.addf %get3A_561, %mul3A_705 : vector<16xf32>
      %add3A_707 = arith.constant 1 : i32
      %add3A_708 = vector.broadcast %add3A_707 : i32 to vector<16xi32>
      %add3A_709 = arith.addi %mul3A_690, %add3A_708 : vector<16xi32>
      %gather3A_710 = tpu.vector_load_idx %arg34[%add3A_683, %add3A_709] : memref<128x128xf32, #tpu.memory_space<vmem>>[vector<16xi32>, vector<16xi32>], vector<16xf32>,
      %add3A_711 = arith.constant 1 : i32
      %add3A_712 = vector.broadcast %add3A_711 : i32 to vector<16xi32>
      %add3A_713 = arith.addi %mul3A_696, %add3A_712 : vector<16xi32>
      %gather3A_714 = tpu.vector_load_idx %arg35[%add3A_683, %add3A_713] : memref<128x128xf32, #tpu.memory_space<vmem>>[vector<16xi32>, vector<16xi32>], vector<16xf32>,
      %mul3A_715 = arith.mulf %gather3A_710, %gather3A_714 : vector<16xf32>
      %add3A_716 = arith.addf %add3A_706, %mul3A_715 : vector<16xf32>
      %add3A_717 = arith.constant 2 : i32
      %add3A_718 = vector.broadcast %add3A_717 : i32 to vector<16xi32>
      %add3A_719 = arith.addi %mul3A_690, %add3A_718 : vector<16xi32>
      %gather3A_720 = tpu.vector_load_idx %arg34[%add3A_683, %add3A_719] : memref<128x128xf32, #tpu.memory_space<vmem>>[vector<16xi32>, vector<16xi32>], vector<16xf32>,
      %add3A_721 = arith.constant 2 : i32
      %add3A_722 = vector.broadcast %add3A_721 : i32 to vector<16xi32>
      %add3A_723 = arith.addi %mul3A_696, %add3A_722 : vector<16xi32>
      %gather3A_724 = tpu.vector_load_idx %arg35[%add3A_683, %add3A_723] : memref<128x128xf32, #tpu.memory_space<vmem>>[vector<16xi32>, vector<16xi32>], vector<16xf32>,
      %mul3A_725 = arith.mulf %gather3A_720, %gather3A_724 : vector<16xf32>
      %add3A_726 = arith.addf %add3A_716, %mul3A_725 : vector<16xf32>
      %add3A_727 = arith.constant 3 : i32
      %add3A_728 = vector.broadcast %add3A_727 : i32 to vector<16xi32>
      %add3A_729 = arith.addi %mul3A_690, %add3A_728 : vector<16xi32>
      %gather3A_730 = tpu.vector_load_idx %arg34[%add3A_683, %add3A_729] : memref<128x128xf32, #tpu.memory_space<vmem>>[vector<16xi32>, vector<16xi32>], vector<16xf32>,
      %add3A_731 = arith.constant 3 : i32
      %add3A_732 = vector.broadcast %add3A_731 : i32 to vector<16xi32>
      %add3A_733 = arith.addi %mul3A_696, %add3A_732 : vector<16xi32>
      %gather3A_734 = tpu.vector_load_idx %arg35[%add3A_683, %add3A_733] : memref<128x128xf32, #tpu.memory_space<vmem>>[vector<16xi32>, vector<16xi32>], vector<16xf32>,
      %mul3A_735 = arith.mulf %gather3A_730, %gather3A_734 : vector<16xf32>
      %add3A_736 = arith.addf %add3A_726, %mul3A_735 : vector<16xf32>
      %add3A_737 = arith.constant 4 : i32
      %add3A_738 = vector.broadcast %add3A_737 : i32 to vector<16xi32>
      %add3A_739 = arith.addi %mul3A_690, %add3A_738 : vector<16xi32>
      %gather3A_740 = tpu.vector_load_idx %arg34[%add3A_683, %add3A_739] : memref<128x128xf32, #tpu.memory_space<vmem>>[vector<16xi32>, vector<16xi32>], vector<16xf32>,
      %add3A_741 = arith.constant 4 : i32
      %add3A_742 = vector.broadcast %add3A_741 : i32 to vector<16xi32>
      %add3A_743 = arith.addi %mul3A_696, %add3A_742 : vector<16xi32>
      %gather3A_744 = tpu.vector_load_idx %arg35[%add3A_683, %add3A_743] : memref<128x128xf32, #tpu.memory_space<vmem>>[vector<16xi32>, vector<16xi32>], vector<16xf32>,
      %mul3A_745 = arith.mulf %gather3A_740, %gather3A_744 : vector<16xf32>
      %add3A_746 = arith.addf %add3A_736, %mul3A_745 : vector<16xf32>
      %add3A_747 = arith.constant 5 : i32
      %add3A_748 = vector.broadcast %add3A_747 : i32 to vector<16xi32>
      %add3A_749 = arith.addi %mul3A_690, %add3A_748 : vector<16xi32>
      %gather3A_750 = tpu.vector_load_idx %arg34[%add3A_683, %add3A_749] : memref<128x128xf32, #tpu.memory_space<vmem>>[vector<16xi32>, vector<16xi32>], vector<16xf32>,
      %add3A_751 = arith.constant 5 : i32
      %add3A_752 = vector.broadcast %add3A_751 : i32 to vector<16xi32>
      %add3A_753 = arith.addi %mul3A_696, %add3A_752 : vector<16xi32>
      %gather3A_754 = tpu.vector_load_idx %arg35[%add3A_683, %add3A_753] : memref<128x128xf32, #tpu.memory_space<vmem>>[vector<16xi32>, vector<16xi32>], vector<16xf32>,
      %mul3A_755 = arith.mulf %gather3A_750, %gather3A_754 : vector<16xf32>
      %add3A_756 = arith.addf %add3A_746, %mul3A_755 : vector<16xf32>
      %add3A_757 = arith.constant 6 : i32
      %add3A_758 = vector.broadcast %add3A_757 : i32 to vector<16xi32>
      %add3A_759 = arith.addi %mul3A_690, %add3A_758 : vector<16xi32>
      %gather3A_760 = tpu.vector_load_idx %arg34[%add3A_683, %add3A_759] : memref<128x128xf32, #tpu.memory_space<vmem>>[vector<16xi32>, vector<16xi32>], vector<16xf32>,
      %add3A_761 = arith.constant 6 : i32
      %add3A_762 = vector.broadcast %add3A_761 : i32 to vector<16xi32>
      %add3A_763 = arith.addi %mul3A_696, %add3A_762 : vector<16xi32>
      %gather3A_764 = tpu.vector_load_idx %arg35[%add3A_683, %add3A_763] : memref<128x128xf32, #tpu.memory_space<vmem>>[vector<16xi32>, vector<16xi32>], vector<16xf32>,
      %mul3A_765 = arith.mulf %gather3A_760, %gather3A_764 : vector<16xf32>
      %add3A_766 = arith.addf %add3A_756, %mul3A_765 : vector<16xf32>
      %add3A_767 = arith.constant 7 : i32
      %add3A_768 = vector.broadcast %add3A_767 : i32 to vector<16xi32>
      %add3A_769 = arith.addi %mul3A_690, %add3A_768 : vector<16xi32>
      %gather3A_770 = tpu.vector_load_idx %arg34[%add3A_683, %add3A_769] : memref<128x128xf32, #tpu.memory_space<vmem>>[vector<16xi32>, vector<16xi32>], vector<16xf32>,
      %add3A_771 = arith.constant 7 : i32
      %add3A_772 = vector.broadcast %add3A_771 : i32 to vector<16xi32>
      %add3A_773 = arith.addi %mul3A_696, %add3A_772 : vector<16xi32>
      %gather3A_774 = tpu.vector_load_idx %arg35[%add3A_683, %add3A_773] : memref<128x128xf32, #tpu.memory_space<vmem>>[vector<16xi32>, vector<16xi32>], vector<16xf32>,
      %mul3A_775 = arith.mulf %gather3A_770, %gather3A_774 : vector<16xf32>
      %add3A_776 = arith.addf %add3A_766, %mul3A_775 : vector<16xf32>
      %add3A_777 = arith.constant 8 : i32
      %add3A_778 = vector.broadcast %add3A_777 : i32 to vector<16xi32>
      %add3A_779 = arith.addi %mul3A_690, %add3A_778 : vector<16xi32>
      %gather3A_780 = tpu.vector_load_idx %arg34[%add3A_683, %add3A_779] : memref<128x128xf32, #tpu.memory_space<vmem>>[vector<16xi32>, vector<16xi32>], vector<16xf32>,
      %add3A_781 = arith.constant 8 : i32
      %add3A_782 = vector.broadcast %add3A_781 : i32 to vector<16xi32>
      %add3A_783 = arith.addi %mul3A_696, %add3A_782 : vector<16xi32>
      %gather3A_784 = tpu.vector_load_idx %arg35[%add3A_683, %add3A_783] : memref<128x128xf32, #tpu.memory_space<vmem>>[vector<16xi32>, vector<16xi32>], vector<16xf32>,
      %mul3A_785 = arith.mulf %gather3A_780, %gather3A_784 : vector<16xf32>
      %add3A_786 = arith.addf %add3A_776, %mul3A_785 : vector<16xf32>
      %add3A_787 = arith.constant 9 : i32
      %add3A_788 = vector.broadcast %add3A_787 : i32 to vector<16xi32>
      %add3A_789 = arith.addi %mul3A_690, %add3A_788 : vector<16xi32>
      %gather3A_790 = tpu.vector_load_idx %arg34[%add3A_683, %add3A_789] : memref<128x128xf32, #tpu.memory_space<vmem>>[vector<16xi32>, vector<16xi32>], vector<16xf32>,
      %add3A_791 = arith.constant 9 : i32
      %add3A_792 = vector.broadcast %add3A_791 : i32 to vector<16xi32>
      %add3A_793 = arith.addi %mul3A_696, %add3A_792 : vector<16xi32>
      %gather3A_794 = tpu.vector_load_idx %arg35[%add3A_683, %add3A_793] : memref<128x128xf32, #tpu.memory_space<vmem>>[vector<16xi32>, vector<16xi32>], vector<16xf32>,
      %mul3A_795 = arith.mulf %gather3A_790, %gather3A_794 : vector<16xf32>
      %add3A_796 = arith.addf %add3A_786, %mul3A_795 : vector<16xf32>
      %add3A_797 = arith.constant 10 : i32
      %add3A_798 = vector.broadcast %add3A_797 : i32 to vector<16xi32>
      %add3A_799 = arith.addi %mul3A_690, %add3A_798 : vector<16xi32>
      %gather3A_800 = tpu.vector_load_idx %arg34[%add3A_683, %add3A_799] : memref<128x128xf32, #tpu.memory_space<vmem>>[vector<16xi32>, vector<16xi32>], vector<16xf32>,
      %add3A_801 = arith.constant 10 : i32
      %add3A_802 = vector.broadcast %add3A_801 : i32 to vector<16xi32>
      %add3A_803 = arith.addi %mul3A_696, %add3A_802 : vector<16xi32>
      %gather3A_804 = tpu.vector_load_idx %arg35[%add3A_683, %add3A_803] : memref<128x128xf32, #tpu.memory_space<vmem>>[vector<16xi32>, vector<16xi32>], vector<16xf32>,
      %mul3A_805 = arith.mulf %gather3A_800, %gather3A_804 : vector<16xf32>
      %add3A_806 = arith.addf %add3A_796, %mul3A_805 : vector<16xf32>
      %add3A_807 = arith.constant 11 : i32
      %add3A_808 = vector.broadcast %add3A_807 : i32 to vector<16xi32>
      %add3A_809 = arith.addi %mul3A_690, %add3A_808 : vector<16xi32>
      %gather3A_810 = tpu.vector_load_idx %arg34[%add3A_683, %add3A_809] : memref<128x128xf32, #tpu.memory_space<vmem>>[vector<16xi32>, vector<16xi32>], vector<16xf32>,
      %add3A_811 = arith.constant 11 : i32
      %add3A_812 = vector.broadcast %add3A_811 : i32 to vector<16xi32>
      %add3A_813 = arith.addi %mul3A_696, %add3A_812 : vector<16xi32>
      %gather3A_814 = tpu.vector_load_idx %arg35[%add3A_683, %add3A_813] : memref<128x128xf32, #tpu.memory_space<vmem>>[vector<16xi32>, vector<16xi32>], vector<16xf32>,
      %mul3A_815 = arith.mulf %gather3A_810, %gather3A_814 : vector<16xf32>
      %add3A_816 = arith.addf %add3A_806, %mul3A_815 : vector<16xf32>
      %add3A_817 = arith.constant 12 : i32
      %add3A_818 = vector.broadcast %add3A_817 : i32 to vector<16xi32>
      %add3A_819 = arith.addi %mul3A_690, %add3A_818 : vector<16xi32>
      %gather3A_820 = tpu.vector_load_idx %arg34[%add3A_683, %add3A_819] : memref<128x128xf32, #tpu.memory_space<vmem>>[vector<16xi32>, vector<16xi32>], vector<16xf32>,
      %add3A_821 = arith.constant 12 : i32
      %add3A_822 = vector.broadcast %add3A_821 : i32 to vector<16xi32>
      %add3A_823 = arith.addi %mul3A_696, %add3A_822 : vector<16xi32>
      %gather3A_824 = tpu.vector_load_idx %arg35[%add3A_683, %add3A_823] : memref<128x128xf32, #tpu.memory_space<vmem>>[vector<16xi32>, vector<16xi32>], vector<16xf32>,
      %mul3A_825 = arith.mulf %gather3A_820, %gather3A_824 : vector<16xf32>
      %add3A_826 = arith.addf %add3A_816, %mul3A_825 : vector<16xf32>
      %add3A_827 = arith.constant 13 : i32
      %add3A_828 = vector.broadcast %add3A_827 : i32 to vector<16xi32>
      %add3A_829 = arith.addi %mul3A_690, %add3A_828 : vector<16xi32>
      %gather3A_830 = tpu.vector_load_idx %arg34[%add3A_683, %add3A_829] : memref<128x128xf32, #tpu.memory_space<vmem>>[vector<16xi32>, vector<16xi32>], vector<16xf32>,
      %add3A_831 = arith.constant 13 : i32
      %add3A_832 = vector.broadcast %add3A_831 : i32 to vector<16xi32>
      %add3A_833 = arith.addi %mul3A_696, %add3A_832 : vector<16xi32>
      %gather3A_834 = tpu.vector_load_idx %arg35[%add3A_683, %add3A_833] : memref<128x128xf32, #tpu.memory_space<vmem>>[vector<16xi32>, vector<16xi32>], vector<16xf32>,
      %mul3A_835 = arith.mulf %gather3A_830, %gather3A_834 : vector<16xf32>
      %add3A_836 = arith.addf %add3A_826, %mul3A_835 : vector<16xf32>
      %add3A_837 = arith.constant 14 : i32
      %add3A_838 = vector.broadcast %add3A_837 : i32 to vector<16xi32>
      %add3A_839 = arith.addi %mul3A_690, %add3A_838 : vector<16xi32>
      %gather3A_840 = tpu.vector_load_idx %arg34[%add3A_683, %add3A_839] : memref<128x128xf32, #tpu.memory_space<vmem>>[vector<16xi32>, vector<16xi32>], vector<16xf32>,
      %add3A_841 = arith.constant 14 : i32
      %add3A_842 = vector.broadcast %add3A_841 : i32 to vector<16xi32>
      %add3A_843 = arith.addi %mul3A_696, %add3A_842 : vector<16xi32>
      %gather3A_844 = tpu.vector_load_idx %arg35[%add3A_683, %add3A_843] : memref<128x128xf32, #tpu.memory_space<vmem>>[vector<16xi32>, vector<16xi32>], vector<16xf32>,
      %mul3A_845 = arith.mulf %gather3A_840, %gather3A_844 : vector<16xf32>
      %add3A_846 = arith.addf %add3A_836, %mul3A_845 : vector<16xf32>
      %add3A_847 = arith.constant 15 : i32
      %add3A_848 = vector.broadcast %add3A_847 : i32 to vector<16xi32>
      %add3A_849 = arith.addi %mul3A_690, %add3A_848 : vector<16xi32>
      %gather3A_850 = tpu.vector_load_idx %arg34[%add3A_683, %add3A_849] : memref<128x128xf32, #tpu.memory_space<vmem>>[vector<16xi32>, vector<16xi32>], vector<16xf32>,
      %add3A_851 = arith.constant 15 : i32
      %add3A_852 = vector.broadcast %add3A_851 : i32 to vector<16xi32>
      %add3A_853 = arith.addi %mul3A_696, %add3A_852 : vector<16xi32>
      %gather3A_854 = tpu.vector_load_idx %arg35[%add3A_683, %add3A_853] : memref<128x128xf32, #tpu.memory_space<vmem>>[vector<16xi32>, vector<16xi32>], vector<16xf32>,
      %mul3A_855 = arith.mulf %gather3A_850, %gather3A_854 : vector<16xf32>
      %add3A_856 = arith.addf %add3A_846, %mul3A_855 : vector<16xf32>
      %add3A_857 = arith.constant 16 : i32
      %add3A_858 = vector.broadcast %add3A_857 : i32 to vector<16xi32>
      %add3A_859 = arith.addi %mul3A_690, %add3A_858 : vector<16xi32>
      %gather3A_860 = tpu.vector_load_idx %arg34[%add3A_683, %add3A_859] : memref<128x128xf32, #tpu.memory_space<vmem>>[vector<16xi32>, vector<16xi32>], vector<16xf32>,
      %add3A_861 = arith.constant 16 : i32
      %add3A_862 = vector.broadcast %add3A_861 : i32 to vector<16xi32>
      %add3A_863 = arith.addi %mul3A_696, %add3A_862 : vector<16xi32>
      %gather3A_864 = tpu.vector_load_idx %arg35[%add3A_683, %add3A_863] : memref<128x128xf32, #tpu.memory_space<vmem>>[vector<16xi32>, vector<16xi32>], vector<16xf32>,
      %mul3A_865 = arith.mulf %gather3A_860, %gather3A_864 : vector<16xf32>
      %add3A_866 = arith.addf %add3A_856, %mul3A_865 : vector<16xf32>
      %add3A_867 = arith.constant 17 : i32
      %add3A_868 = vector.broadcast %add3A_867 : i32 to vector<16xi32>
      %add3A_869 = arith.addi %mul3A_690, %add3A_868 : vector<16xi32>
      %gather3A_870 = tpu.vector_load_idx %arg34[%add3A_683, %add3A_869] : memref<128x128xf32, #tpu.memory_space<vmem>>[vector<16xi32>, vector<16xi32>], vector<16xf32>,
      %add3A_871 = arith.constant 17 : i32
      %add3A_872 = vector.broadcast %add3A_871 : i32 to vector<16xi32>
      %add3A_873 = arith.addi %mul3A_696, %add3A_872 : vector<16xi32>
      %gather3A_874 = tpu.vector_load_idx %arg35[%add3A_683, %add3A_873] : memref<128x128xf32, #tpu.memory_space<vmem>>[vector<16xi32>, vector<16xi32>], vector<16xf32>,
      %mul3A_875 = arith.mulf %gather3A_870, %gather3A_874 : vector<16xf32>
      %add3A_876 = arith.addf %add3A_866, %mul3A_875 : vector<16xf32>
      %add3A_877 = arith.constant 18 : i32
      %add3A_878 = vector.broadcast %add3A_877 : i32 to vector<16xi32>
      %add3A_879 = arith.addi %mul3A_690, %add3A_878 : vector<16xi32>
      %gather3A_880 = tpu.vector_load_idx %arg34[%add3A_683, %add3A_879] : memref<128x128xf32, #tpu.memory_space<vmem>>[vector<16xi32>, vector<16xi32>], vector<16xf32>,
      %add3A_881 = arith.constant 18 : i32
      %add3A_882 = vector.broadcast %add3A_881 : i32 to vector<16xi32>
      %add3A_883 = arith.addi %mul3A_696, %add3A_882 : vector<16xi32>
      %gather3A_884 = tpu.vector_load_idx %arg35[%add3A_683, %add3A_883] : memref<128x128xf32, #tpu.memory_space<vmem>>[vector<16xi32>, vector<16xi32>], vector<16xf32>,
      %mul3A_885 = arith.mulf %gather3A_880, %gather3A_884 : vector<16xf32>
      %add3A_886 = arith.addf %add3A_876, %mul3A_885 : vector<16xf32>
      %add3A_887 = arith.constant 19 : i32
      %add3A_888 = vector.broadcast %add3A_887 : i32 to vector<16xi32>
      %add3A_889 = arith.addi %mul3A_690, %add3A_888 : vector<16xi32>
      %gather3A_890 = tpu.vector_load_idx %arg34[%add3A_683, %add3A_889] : memref<128x128xf32, #tpu.memory_space<vmem>>[vector<16xi32>, vector<16xi32>], vector<16xf32>,
      %add3A_891 = arith.constant 19 : i32
      %add3A_892 = vector.broadcast %add3A_891 : i32 to vector<16xi32>
      %add3A_893 = arith.addi %mul3A_696, %add3A_892 : vector<16xi32>
      %gather3A_894 = tpu.vector_load_idx %arg35[%add3A_683, %add3A_893] : memref<128x128xf32, #tpu.memory_space<vmem>>[vector<16xi32>, vector<16xi32>], vector<16xf32>,
      %mul3A_895 = arith.mulf %gather3A_890, %gather3A_894 : vector<16xf32>
      %add3A_896 = arith.addf %add3A_886, %mul3A_895 : vector<16xf32>
      %add3A_897 = arith.constant 20 : i32
      %add3A_898 = vector.broadcast %add3A_897 : i32 to vector<16xi32>
      %add3A_899 = arith.addi %mul3A_690, %add3A_898 : vector<16xi32>
      %gather3A_900 = tpu.vector_load_idx %arg34[%add3A_683, %add3A_899] : memref<128x128xf32, #tpu.memory_space<vmem>>[vector<16xi32>, vector<16xi32>], vector<16xf32>,
      %add3A_901 = arith.constant 20 : i32
      %add3A_902 = vector.broadcast %add3A_901 : i32 to vector<16xi32>
      %add3A_903 = arith.addi %mul3A_696, %add3A_902 : vector<16xi32>
      %gather3A_904 = tpu.vector_load_idx %arg35[%add3A_683, %add3A_903] : memref<128x128xf32, #tpu.memory_space<vmem>>[vector<16xi32>, vector<16xi32>], vector<16xf32>,
      %mul3A_905 = arith.mulf %gather3A_900, %gather3A_904 : vector<16xf32>
      %add3A_906 = arith.addf %add3A_896, %mul3A_905 : vector<16xf32>
      %add3A_907 = arith.constant 21 : i32
      %add3A_908 = vector.broadcast %add3A_907 : i32 to vector<16xi32>
      %add3A_909 = arith.addi %mul3A_690, %add3A_908 : vector<16xi32>
      %gather3A_910 = tpu.vector_load_idx %arg34[%add3A_683, %add3A_909] : memref<128x128xf32, #tpu.memory_space<vmem>>[vector<16xi32>, vector<16xi32>], vector<16xf32>,
      %add3A_911 = arith.constant 21 : i32
      %add3A_912 = vector.broadcast %add3A_911 : i32 to vector<16xi32>
      %add3A_913 = arith.addi %mul3A_696, %add3A_912 : vector<16xi32>
      %gather3A_914 = tpu.vector_load_idx %arg35[%add3A_683, %add3A_913] : memref<128x128xf32, #tpu.memory_space<vmem>>[vector<16xi32>, vector<16xi32>], vector<16xf32>,
      %mul3A_915 = arith.mulf %gather3A_910, %gather3A_914 : vector<16xf32>
      %add3A_916 = arith.addf %add3A_906, %mul3A_915 : vector<16xf32>
      %add3A_917 = arith.constant 22 : i32
      %add3A_918 = vector.broadcast %add3A_917 : i32 to vector<16xi32>
      %add3A_919 = arith.addi %mul3A_690, %add3A_918 : vector<16xi32>
      %gather3A_920 = tpu.vector_load_idx %arg34[%add3A_683, %add3A_919] : memref<128x128xf32, #tpu.memory_space<vmem>>[vector<16xi32>, vector<16xi32>], vector<16xf32>,
      %add3A_921 = arith.constant 22 : i32
      %add3A_922 = vector.broadcast %add3A_921 : i32 to vector<16xi32>
      %add3A_923 = arith.addi %mul3A_696, %add3A_922 : vector<16xi32>
      %gather3A_924 = tpu.vector_load_idx %arg35[%add3A_683, %add3A_923] : memref<128x128xf32, #tpu.memory_space<vmem>>[vector<16xi32>, vector<16xi32>], vector<16xf32>,
      %mul3A_925 = arith.mulf %gather3A_920, %gather3A_924 : vector<16xf32>
      %add3A_926 = arith.addf %add3A_916, %mul3A_925 : vector<16xf32>
      %add3A_927 = arith.constant 23 : i32
      %add3A_928 = vector.broadcast %add3A_927 : i32 to vector<16xi32>
      %add3A_929 = arith.addi %mul3A_690, %add3A_928 : vector<16xi32>
      %gather3A_930 = tpu.vector_load_idx %arg34[%add3A_683, %add3A_929] : memref<128x128xf32, #tpu.memory_space<vmem>>[vector<16xi32>, vector<16xi32>], vector<16xf32>,
      %add3A_931 = arith.constant 23 : i32
      %add3A_932 = vector.broadcast %add3A_931 : i32 to vector<16xi32>
      %add3A_933 = arith.addi %mul3A_696, %add3A_932 : vector<16xi32>
      %gather3A_934 = tpu.vector_load_idx %arg35[%add3A_683, %add3A_933] : memref<128x128xf32, #tpu.memory_space<vmem>>[vector<16xi32>, vector<16xi32>], vector<16xf32>,
      %mul3A_935 = arith.mulf %gather3A_930, %gather3A_934 : vector<16xf32>
      %add3A_936 = arith.addf %add3A_926, %mul3A_935 : vector<16xf32>
      %add3A_937 = arith.constant 24 : i32
      %add3A_938 = vector.broadcast %add3A_937 : i32 to vector<16xi32>
      %add3A_939 = arith.addi %mul3A_690, %add3A_938 : vector<16xi32>
      %gather3A_940 = tpu.vector_load_idx %arg34[%add3A_683, %add3A_939] : memref<128x128xf32, #tpu.memory_space<vmem>>[vector<16xi32>, vector<16xi32>], vector<16xf32>,
      %add3A_941 = arith.constant 24 : i32
      %add3A_942 = vector.broadcast %add3A_941 : i32 to vector<16xi32>
      %add3A_943 = arith.addi %mul3A_696, %add3A_942 : vector<16xi32>
      %gather3A_944 = tpu.vector_load_idx %arg35[%add3A_683, %add3A_943] : memref<128x128xf32, #tpu.memory_space<vmem>>[vector<16xi32>, vector<16xi32>], vector<16xf32>,
      %mul3A_945 = arith.mulf %gather3A_940, %gather3A_944 : vector<16xf32>
      %add3A_946 = arith.addf %add3A_936, %mul3A_945 : vector<16xf32>
      %add3A_947 = arith.constant 25 : i32
      %add3A_948 = vector.broadcast %add3A_947 : i32 to vector<16xi32>
      %add3A_949 = arith.addi %mul3A_690, %add3A_948 : vector<16xi32>
      %gather3A_950 = tpu.vector_load_idx %arg34[%add3A_683, %add3A_949] : memref<128x128xf32, #tpu.memory_space<vmem>>[vector<16xi32>, vector<16xi32>], vector<16xf32>,
      %add3A_951 = arith.constant 25 : i32
      %add3A_952 = vector.broadcast %add3A_951 : i32 to vector<16xi32>
      %add3A_953 = arith.addi %mul3A_696, %add3A_952 : vector<16xi32>
      %gather3A_954 = tpu.vector_load_idx %arg35[%add3A_683, %add3A_953] : memref<128x128xf32, #tpu.memory_space<vmem>>[vector<16xi32>, vector<16xi32>], vector<16xf32>,
      %mul3A_955 = arith.mulf %gather3A_950, %gather3A_954 : vector<16xf32>
      %add3A_956 = arith.addf %add3A_946, %mul3A_955 : vector<16xf32>
      %add3A_957 = arith.constant 26 : i32
      %add3A_958 = vector.broadcast %add3A_957 : i32 to vector<16xi32>
      %add3A_959 = arith.addi %mul3A_690, %add3A_958 : vector<16xi32>
      %gather3A_960 = tpu.vector_load_idx %arg34[%add3A_683, %add3A_959] : memref<128x128xf32, #tpu.memory_space<vmem>>[vector<16xi32>, vector<16xi32>], vector<16xf32>,
      %add3A_961 = arith.constant 26 : i32
      %add3A_962 = vector.broadcast %add3A_961 : i32 to vector<16xi32>
      %add3A_963 = arith.addi %mul3A_696, %add3A_962 : vector<16xi32>
      %gather3A_964 = tpu.vector_load_idx %arg35[%add3A_683, %add3A_963] : memref<128x128xf32, #tpu.memory_space<vmem>>[vector<16xi32>, vector<16xi32>], vector<16xf32>,
      %mul3A_965 = arith.mulf %gather3A_960, %gather3A_964 : vector<16xf32>
      %add3A_966 = arith.addf %add3A_956, %mul3A_965 : vector<16xf32>
      %add3A_967 = arith.constant 27 : i32
      %add3A_968 = vector.broadcast %add3A_967 : i32 to vector<16xi32>
      %add3A_969 = arith.addi %mul3A_690, %add3A_968 : vector<16xi32>
      %gather3A_970 = tpu.vector_load_idx %arg34[%add3A_683, %add3A_969] : memref<128x128xf32, #tpu.memory_space<vmem>>[vector<16xi32>, vector<16xi32>], vector<16xf32>,
      %add3A_971 = arith.constant 27 : i32
      %add3A_972 = vector.broadcast %add3A_971 : i32 to vector<16xi32>
      %add3A_973 = arith.addi %mul3A_696, %add3A_972 : vector<16xi32>
      %gather3A_974 = tpu.vector_load_idx %arg35[%add3A_683, %add3A_973] : memref<128x128xf32, #tpu.memory_space<vmem>>[vector<16xi32>, vector<16xi32>], vector<16xf32>,
      %mul3A_975 = arith.mulf %gather3A_970, %gather3A_974 : vector<16xf32>
      %add3A_976 = arith.addf %add3A_966, %mul3A_975 : vector<16xf32>
      %add3A_977 = arith.constant 28 : i32
      %add3A_978 = vector.broadcast %add3A_977 : i32 to vector<16xi32>
      %add3A_979 = arith.addi %mul3A_690, %add3A_978 : vector<16xi32>
      %gather3A_980 = tpu.vector_load_idx %arg34[%add3A_683, %add3A_979] : memref<128x128xf32, #tpu.memory_space<vmem>>[vector<16xi32>, vector<16xi32>], vector<16xf32>,
      %add3A_981 = arith.constant 28 : i32
      %add3A_982 = vector.broadcast %add3A_981 : i32 to vector<16xi32>
      %add3A_983 = arith.addi %mul3A_696, %add3A_982 : vector<16xi32>
      %gather3A_984 = tpu.vector_load_idx %arg35[%add3A_683, %add3A_983] : memref<128x128xf32, #tpu.memory_space<vmem>>[vector<16xi32>, vector<16xi32>], vector<16xf32>,
      %mul3A_985 = arith.mulf %gather3A_980, %gather3A_984 : vector<16xf32>
      %add3A_986 = arith.addf %add3A_976, %mul3A_985 : vector<16xf32>
      %add3A_987 = arith.constant 29 : i32
      %add3A_988 = vector.broadcast %add3A_987 : i32 to vector<16xi32>
      %add3A_989 = arith.addi %mul3A_690, %add3A_988 : vector<16xi32>
      %gather3A_990 = tpu.vector_load_idx %arg34[%add3A_683, %add3A_989] : memref<128x128xf32, #tpu.memory_space<vmem>>[vector<16xi32>, vector<16xi32>], vector<16xf32>,
      %add3A_991 = arith.constant 29 : i32
      %add3A_992 = vector.broadcast %add3A_991 : i32 to vector<16xi32>
      %add3A_993 = arith.addi %mul3A_696, %add3A_992 : vector<16xi32>
      %gather3A_994 = tpu.vector_load_idx %arg35[%add3A_683, %add3A_993] : memref<128x128xf32, #tpu.memory_space<vmem>>[vector<16xi32>, vector<16xi32>], vector<16xf32>,
      %mul3A_995 = arith.mulf %gather3A_990, %gather3A_994 : vector<16xf32>
      %add3A_996 = arith.addf %add3A_986, %mul3A_995 : vector<16xf32>
      %add3A_997 = arith.constant 30 : i32
      %add3A_998 = vector.broadcast %add3A_997 : i32 to vector<16xi32>
      %add3A_999 = arith.addi %mul3A_690, %add3A_998 : vector<16xi32>
      %gather3A_1000 = tpu.vector_load_idx %arg34[%add3A_683, %add3A_999] : memref<128x128xf32, #tpu.memory_space<vmem>>[vector<16xi32>, vector<16xi32>], vector<16xf32>,
      %add3A_1001 = arith.constant 30 : i32
      %add3A_1002 = vector.broadcast %add3A_1001 : i32 to vector<16xi32>
      %add3A_1003 = arith.addi %mul3A_696, %add3A_1002 : vector<16xi32>
      %gather3A_1004 = tpu.vector_load_idx %arg35[%add3A_683, %add3A_1003] : memref<128x128xf32, #tpu.memory_space<vmem>>[vector<16xi32>, vector<16xi32>], vector<16xf32>,
      %mul3A_1005 = arith.mulf %gather3A_1000, %gather3A_1004 : vector<16xf32>
      %add3A_1006 = arith.addf %add3A_996, %mul3A_1005 : vector<16xf32>
      %add3A_1007 = arith.constant 31 : i32
      %add3A_1008 = vector.broadcast %add3A_1007 : i32 to vector<16xi32>
      %add3A_1009 = arith.addi %mul3A_690, %add3A_1008 : vector<16xi32>
      %gather3A_1010 = tpu.vector_load_idx %arg34[%add3A_683, %add3A_1009] : memref<128x128xf32, #tpu.memory_space<vmem>>[vector<16xi32>, vector<16xi32>], vector<16xf32>,
      %add3A_1011 = arith.constant 31 : i32
      %add3A_1012 = vector.broadcast %add3A_1011 : i32 to vector<16xi32>
      %add3A_1013 = arith.addi %mul3A_696, %add3A_1012 : vector<16xi32>
      %gather3A_1014 = tpu.vector_load_idx %arg35[%add3A_683, %add3A_1013] : memref<128x128xf32, #tpu.memory_space<vmem>>[vector<16xi32>, vector<16xi32>], vector<16xf32>,
      %mul3A_1015 = arith.mulf %gather3A_1010, %gather3A_1014 : vector<16xf32>
      %add3A_1016 = arith.addf %add3A_1006, %mul3A_1015 : vector<16xf32>
      %and3A_1017 = arith.constant 127 : i32
      %and3A_1018 = vector.broadcast %and3A_1017 : i32 to vector<16xi32>
      %and3A_1019 = arith.andi %gather3A_684, %and3A_1018 : vector<16xi32>
      %gather3A_1020 = tpu.vector_load_idx %arg36[%add3A_683, %and3A_1019] : memref<128x128xf32, #tpu.memory_space<vmem>>[vector<16xi32>, vector<16xi32>], vector<16xf32>,
      %add3A_1021 = arith.addf %add3A_1016, %gather3A_1020 : vector<16xf32>
      %and3A_1022 = arith.constant 127 : i32
      %and3A_1023 = vector.broadcast %and3A_1022 : i32 to vector<16xi32>
      %and3A_1024 = arith.andi %gather3A_685, %and3A_1023 : vector<16xi32>
      %gather3A_1025 = tpu.vector_load_idx %arg37[%add3A_683, %and3A_1024] : memref<128x128xf32, #tpu.memory_space<vmem>>[vector<16xi32>, vector<16xi32>], vector<16xf32>,
      %add3A_1026 = arith.addf %add3A_1021, %gather3A_1025 : vector<16xf32>
      %neg3A = arith.constant 0.000000e+00 : f32
      %neg3A_1027 = vector.broadcast %neg3A : f32 to vector<16xf32>
      %neg3A_1028 = arith.subf %neg3A_1027, %add3A_1026 : vector<16xf32>
      %exp3A = math.exp %neg3A_1028 : vector<16xf32>
      %add3A_1029 = arith.constant 1.000000e+00 : f32
      %add3A_1030 = vector.broadcast %add3A_1029 : f32 to vector<16xf32>
      %add3A_1031 = arith.addf %add3A_1030, %exp3A : vector<16xf32>
      %div3A = arith.constant 4.000000e+00 : f32
      %div3A_1032 = vector.broadcast %div3A : f32 to vector<16xf32>
      %div3A_1033 = arith.divf %div3A_1032, %add3A_1031 : vector<16xf32>
      %add3A_1034 = arith.constant 1.000000e+00 : f32
      %add3A_1035 = vector.broadcast %add3A_1034 : f32 to vector<16xf32>
      %add3A_1036 = arith.addf %add3A_1035, %div3A_1033 : vector<16xf32>
      %add3A_1037 = arith.constant 128 : i32
      %add3A_1038 = vector.broadcast %add3A_1037 : i32 to vector<16xi32>
      %add3A_1039 = arith.addi %add3A_1038, %add3A_683 : vector<16xi32>
      tpu.vector_store_idx %arg39[%add3A_1039], %add3A_1036 : memref<512xf32, #tpu.memory_space<vmem>>[vector<16xi32>], vector<16xf32>,
    }
    %scan3A_618 = arith.constant 8 : i32
    %dma_start3A_619 = arith.constant 0 : i32
    %dma_start3A_620 = arith.constant 0 : i32
    %dma_start3A_621 = tpu.memref_slice %arg4[%dma_start3A_619, %dma_start3A_620] : memref<250000x128xf32, #tpu.memory_space<hbm>> -> memref<250000x128xf32, #tpu.memory_space<hbm>>
    tpu.enqueue_indirect_dma source(%dma_start3A_621 : memref<250000x128xf32, #tpu.memory_space<hbm>>) target(%arg34 : memref<128x128xf32, #tpu.memory_space<vmem>>) offsets(%arg24 : memref<128xi32, #tpu.memory_space<vmem>>) semaphore(%arg40 : memref<!tpu.dma_semaphore, #tpu.memory_space<semaphore_mem>>)
    %dma_start3A_622 = arith.constant 0 : i32
    %dma_start3A_623 = arith.constant 0 : i32
    %dma_start3A_624 = tpu.memref_slice %arg5[%dma_start3A_622, %dma_start3A_623] : memref<250000x128xf32, #tpu.memory_space<hbm>> -> memref<250000x128xf32, #tpu.memory_space<hbm>>
    tpu.enqueue_indirect_dma source(%dma_start3A_624 : memref<250000x128xf32, #tpu.memory_space<hbm>>) target(%arg35 : memref<128x128xf32, #tpu.memory_space<vmem>>) offsets(%arg25 : memref<128xi32, #tpu.memory_space<vmem>>) semaphore(%arg40 : memref<!tpu.dma_semaphore, #tpu.memory_space<semaphore_mem>>)
    %dma_start3A_625 = arith.constant 0 : i32
    %dma_start3A_626 = arith.constant 0 : i32
    %dma_start3A_627 = tpu.memref_slice %arg6[%dma_start3A_625, %dma_start3A_626] : memref<7813x128xf32, #tpu.memory_space<hbm>> -> memref<7813x128xf32, #tpu.memory_space<hbm>>
    tpu.enqueue_indirect_dma source(%dma_start3A_627 : memref<7813x128xf32, #tpu.memory_space<hbm>>) target(%arg36 : memref<128x128xf32, #tpu.memory_space<vmem>>) offsets(%arg26 : memref<128xi32, #tpu.memory_space<vmem>>) semaphore(%arg40 : memref<!tpu.dma_semaphore, #tpu.memory_space<semaphore_mem>>)
    %dma_start3A_628 = arith.constant 0 : i32
    %dma_start3A_629 = arith.constant 0 : i32
    %dma_start3A_630 = tpu.memref_slice %arg7[%dma_start3A_628, %dma_start3A_629] : memref<7813x128xf32, #tpu.memory_space<hbm>> -> memref<7813x128xf32, #tpu.memory_space<hbm>>
    tpu.enqueue_indirect_dma source(%dma_start3A_630 : memref<7813x128xf32, #tpu.memory_space<hbm>>) target(%arg37 : memref<128x128xf32, #tpu.memory_space<vmem>>) offsets(%arg27 : memref<128xi32, #tpu.memory_space<vmem>>) semaphore(%arg40 : memref<!tpu.dma_semaphore, #tpu.memory_space<semaphore_mem>>)
    %dma_wait3A_631 = arith.constant 0 : i32
    %dma_wait3A_632 = arith.constant 0 : i32
    %dma_wait3A_633 = tpu.memref_slice %arg4[%dma_wait3A_631, %dma_wait3A_632] : memref<250000x128xf32, #tpu.memory_space<hbm>> -> memref<250000x128xf32, #tpu.memory_space<hbm>>
    tpu.wait_indirect_dma semaphore(%arg40 : memref<!tpu.dma_semaphore, #tpu.memory_space<semaphore_mem>>) src(%dma_wait3A_633 : memref<250000x128xf32, #tpu.memory_space<hbm>>) dst(%arg34 : memref<128x128xf32, #tpu.memory_space<vmem>>)
    %dma_wait3A_634 = arith.constant 0 : i32
    %dma_wait3A_635 = arith.constant 0 : i32
    %dma_wait3A_636 = tpu.memref_slice %arg5[%dma_wait3A_634, %dma_wait3A_635] : memref<250000x128xf32, #tpu.memory_space<hbm>> -> memref<250000x128xf32, #tpu.memory_space<hbm>>
    tpu.wait_indirect_dma semaphore(%arg40 : memref<!tpu.dma_semaphore, #tpu.memory_space<semaphore_mem>>) src(%dma_wait3A_636 : memref<250000x128xf32, #tpu.memory_space<hbm>>) dst(%arg35 : memref<128x128xf32, #tpu.memory_space<vmem>>)
    %dma_wait3A_637 = arith.constant 0 : i32
    %dma_wait3A_638 = arith.constant 0 : i32
    %dma_wait3A_639 = tpu.memref_slice %arg6[%dma_wait3A_637, %dma_wait3A_638] : memref<7813x128xf32, #tpu.memory_space<hbm>> -> memref<7813x128xf32, #tpu.memory_space<hbm>>
    tpu.wait_indirect_dma semaphore(%arg40 : memref<!tpu.dma_semaphore, #tpu.memory_space<semaphore_mem>>) src(%dma_wait3A_639 : memref<7813x128xf32, #tpu.memory_space<hbm>>) dst(%arg36 : memref<128x128xf32, #tpu.memory_space<vmem>>)
    %dma_wait3A_640 = arith.constant 0 : i32
    %dma_wait3A_641 = arith.constant 0 : i32
    %dma_wait3A_642 = tpu.memref_slice %arg7[%dma_wait3A_640, %dma_wait3A_641] : memref<7813x128xf32, #tpu.memory_space<hbm>> -> memref<7813x128xf32, #tpu.memory_space<hbm>>
    tpu.wait_indirect_dma semaphore(%arg40 : memref<!tpu.dma_semaphore, #tpu.memory_space<semaphore_mem>>) src(%dma_wait3A_642 : memref<7813x128xf32, #tpu.memory_space<hbm>>) dst(%arg37 : memref<128x128xf32, #tpu.memory_space<vmem>>)
    %scan3A_643 = arith.constant 0 : i32
    %scan3A_644 = arith.constant 0 : i32
    %scan3A_645 = arith.constant 8 : i32
    %scan3A_646 = arith.addi %scan3A_644, %scan3A_645 : i32
    %scan3A_647 = arith.constant 1 : i32
    scf.for %scan3A_679 = %scan3A_644 to %scan3A_646 step %scan3A_647  : i32 {
      %mul3A_680 = arith.constant 16 : i32
      %mul3A_681 = arith.muli %scan3A_679, %mul3A_680 : i32
      %add3A_682 = vector.broadcast %mul3A_681 : i32 to vector<16xi32>
      %add3A_683 = arith.addi %add3A_682, %iota3A : vector<16xi32>
      %gather3A_684 = tpu.vector_load_idx %arg22[%add3A_683] : memref<128xi32, #tpu.memory_space<vmem>>[vector<16xi32>], vector<16xi32>,
      %gather3A_685 = tpu.vector_load_idx %arg23[%add3A_683] : memref<128xi32, #tpu.memory_space<vmem>>[vector<16xi32>], vector<16xi32>,
      %and3A = arith.constant 3 : i32
      %and3A_686 = vector.broadcast %and3A : i32 to vector<16xi32>
      %and3A_687 = arith.andi %gather3A_684, %and3A_686 : vector<16xi32>
      %mul3A_688 = arith.constant 32 : i32
      %mul3A_689 = vector.broadcast %mul3A_688 : i32 to vector<16xi32>
      %mul3A_690 = arith.muli %and3A_687, %mul3A_689 : vector<16xi32>
      %and3A_691 = arith.constant 3 : i32
      %and3A_692 = vector.broadcast %and3A_691 : i32 to vector<16xi32>
      %and3A_693 = arith.andi %gather3A_685, %and3A_692 : vector<16xi32>
      %mul3A_694 = arith.constant 32 : i32
      %mul3A_695 = vector.broadcast %mul3A_694 : i32 to vector<16xi32>
      %mul3A_696 = arith.muli %and3A_693, %mul3A_695 : vector<16xi32>
      %add3A_697 = arith.constant 0 : i32
      %add3A_698 = vector.broadcast %add3A_697 : i32 to vector<16xi32>
      %add3A_699 = arith.addi %mul3A_690, %add3A_698 : vector<16xi32>
      %gather3A_700 = tpu.vector_load_idx %arg34[%add3A_683, %add3A_699] : memref<128x128xf32, #tpu.memory_space<vmem>>[vector<16xi32>, vector<16xi32>], vector<16xf32>,
      %add3A_701 = arith.constant 0 : i32
      %add3A_702 = vector.broadcast %add3A_701 : i32 to vector<16xi32>
      %add3A_703 = arith.addi %mul3A_696, %add3A_702 : vector<16xi32>
      %gather3A_704 = tpu.vector_load_idx %arg35[%add3A_683, %add3A_703] : memref<128x128xf32, #tpu.memory_space<vmem>>[vector<16xi32>, vector<16xi32>], vector<16xf32>,
      %mul3A_705 = arith.mulf %gather3A_700, %gather3A_704 : vector<16xf32>
      %add3A_706 = arith.addf %get3A_561, %mul3A_705 : vector<16xf32>
      %add3A_707 = arith.constant 1 : i32
      %add3A_708 = vector.broadcast %add3A_707 : i32 to vector<16xi32>
      %add3A_709 = arith.addi %mul3A_690, %add3A_708 : vector<16xi32>
      %gather3A_710 = tpu.vector_load_idx %arg34[%add3A_683, %add3A_709] : memref<128x128xf32, #tpu.memory_space<vmem>>[vector<16xi32>, vector<16xi32>], vector<16xf32>,
      %add3A_711 = arith.constant 1 : i32
      %add3A_712 = vector.broadcast %add3A_711 : i32 to vector<16xi32>
      %add3A_713 = arith.addi %mul3A_696, %add3A_712 : vector<16xi32>
      %gather3A_714 = tpu.vector_load_idx %arg35[%add3A_683, %add3A_713] : memref<128x128xf32, #tpu.memory_space<vmem>>[vector<16xi32>, vector<16xi32>], vector<16xf32>,
      %mul3A_715 = arith.mulf %gather3A_710, %gather3A_714 : vector<16xf32>
      %add3A_716 = arith.addf %add3A_706, %mul3A_715 : vector<16xf32>
      %add3A_717 = arith.constant 2 : i32
      %add3A_718 = vector.broadcast %add3A_717 : i32 to vector<16xi32>
      %add3A_719 = arith.addi %mul3A_690, %add3A_718 : vector<16xi32>
      %gather3A_720 = tpu.vector_load_idx %arg34[%add3A_683, %add3A_719] : memref<128x128xf32, #tpu.memory_space<vmem>>[vector<16xi32>, vector<16xi32>], vector<16xf32>,
      %add3A_721 = arith.constant 2 : i32
      %add3A_722 = vector.broadcast %add3A_721 : i32 to vector<16xi32>
      %add3A_723 = arith.addi %mul3A_696, %add3A_722 : vector<16xi32>
      %gather3A_724 = tpu.vector_load_idx %arg35[%add3A_683, %add3A_723] : memref<128x128xf32, #tpu.memory_space<vmem>>[vector<16xi32>, vector<16xi32>], vector<16xf32>,
      %mul3A_725 = arith.mulf %gather3A_720, %gather3A_724 : vector<16xf32>
      %add3A_726 = arith.addf %add3A_716, %mul3A_725 : vector<16xf32>
      %add3A_727 = arith.constant 3 : i32
      %add3A_728 = vector.broadcast %add3A_727 : i32 to vector<16xi32>
      %add3A_729 = arith.addi %mul3A_690, %add3A_728 : vector<16xi32>
      %gather3A_730 = tpu.vector_load_idx %arg34[%add3A_683, %add3A_729] : memref<128x128xf32, #tpu.memory_space<vmem>>[vector<16xi32>, vector<16xi32>], vector<16xf32>,
      %add3A_731 = arith.constant 3 : i32
      %add3A_732 = vector.broadcast %add3A_731 : i32 to vector<16xi32>
      %add3A_733 = arith.addi %mul3A_696, %add3A_732 : vector<16xi32>
      %gather3A_734 = tpu.vector_load_idx %arg35[%add3A_683, %add3A_733] : memref<128x128xf32, #tpu.memory_space<vmem>>[vector<16xi32>, vector<16xi32>], vector<16xf32>,
      %mul3A_735 = arith.mulf %gather3A_730, %gather3A_734 : vector<16xf32>
      %add3A_736 = arith.addf %add3A_726, %mul3A_735 : vector<16xf32>
      %add3A_737 = arith.constant 4 : i32
      %add3A_738 = vector.broadcast %add3A_737 : i32 to vector<16xi32>
      %add3A_739 = arith.addi %mul3A_690, %add3A_738 : vector<16xi32>
      %gather3A_740 = tpu.vector_load_idx %arg34[%add3A_683, %add3A_739] : memref<128x128xf32, #tpu.memory_space<vmem>>[vector<16xi32>, vector<16xi32>], vector<16xf32>,
      %add3A_741 = arith.constant 4 : i32
      %add3A_742 = vector.broadcast %add3A_741 : i32 to vector<16xi32>
      %add3A_743 = arith.addi %mul3A_696, %add3A_742 : vector<16xi32>
      %gather3A_744 = tpu.vector_load_idx %arg35[%add3A_683, %add3A_743] : memref<128x128xf32, #tpu.memory_space<vmem>>[vector<16xi32>, vector<16xi32>], vector<16xf32>,
      %mul3A_745 = arith.mulf %gather3A_740, %gather3A_744 : vector<16xf32>
      %add3A_746 = arith.addf %add3A_736, %mul3A_745 : vector<16xf32>
      %add3A_747 = arith.constant 5 : i32
      %add3A_748 = vector.broadcast %add3A_747 : i32 to vector<16xi32>
      %add3A_749 = arith.addi %mul3A_690, %add3A_748 : vector<16xi32>
      %gather3A_750 = tpu.vector_load_idx %arg34[%add3A_683, %add3A_749] : memref<128x128xf32, #tpu.memory_space<vmem>>[vector<16xi32>, vector<16xi32>], vector<16xf32>,
      %add3A_751 = arith.constant 5 : i32
      %add3A_752 = vector.broadcast %add3A_751 : i32 to vector<16xi32>
      %add3A_753 = arith.addi %mul3A_696, %add3A_752 : vector<16xi32>
      %gather3A_754 = tpu.vector_load_idx %arg35[%add3A_683, %add3A_753] : memref<128x128xf32, #tpu.memory_space<vmem>>[vector<16xi32>, vector<16xi32>], vector<16xf32>,
      %mul3A_755 = arith.mulf %gather3A_750, %gather3A_754 : vector<16xf32>
      %add3A_756 = arith.addf %add3A_746, %mul3A_755 : vector<16xf32>
      %add3A_757 = arith.constant 6 : i32
      %add3A_758 = vector.broadcast %add3A_757 : i32 to vector<16xi32>
      %add3A_759 = arith.addi %mul3A_690, %add3A_758 : vector<16xi32>
      %gather3A_760 = tpu.vector_load_idx %arg34[%add3A_683, %add3A_759] : memref<128x128xf32, #tpu.memory_space<vmem>>[vector<16xi32>, vector<16xi32>], vector<16xf32>,
      %add3A_761 = arith.constant 6 : i32
      %add3A_762 = vector.broadcast %add3A_761 : i32 to vector<16xi32>
      %add3A_763 = arith.addi %mul3A_696, %add3A_762 : vector<16xi32>
      %gather3A_764 = tpu.vector_load_idx %arg35[%add3A_683, %add3A_763] : memref<128x128xf32, #tpu.memory_space<vmem>>[vector<16xi32>, vector<16xi32>], vector<16xf32>,
      %mul3A_765 = arith.mulf %gather3A_760, %gather3A_764 : vector<16xf32>
      %add3A_766 = arith.addf %add3A_756, %mul3A_765 : vector<16xf32>
      %add3A_767 = arith.constant 7 : i32
      %add3A_768 = vector.broadcast %add3A_767 : i32 to vector<16xi32>
      %add3A_769 = arith.addi %mul3A_690, %add3A_768 : vector<16xi32>
      %gather3A_770 = tpu.vector_load_idx %arg34[%add3A_683, %add3A_769] : memref<128x128xf32, #tpu.memory_space<vmem>>[vector<16xi32>, vector<16xi32>], vector<16xf32>,
      %add3A_771 = arith.constant 7 : i32
      %add3A_772 = vector.broadcast %add3A_771 : i32 to vector<16xi32>
      %add3A_773 = arith.addi %mul3A_696, %add3A_772 : vector<16xi32>
      %gather3A_774 = tpu.vector_load_idx %arg35[%add3A_683, %add3A_773] : memref<128x128xf32, #tpu.memory_space<vmem>>[vector<16xi32>, vector<16xi32>], vector<16xf32>,
      %mul3A_775 = arith.mulf %gather3A_770, %gather3A_774 : vector<16xf32>
      %add3A_776 = arith.addf %add3A_766, %mul3A_775 : vector<16xf32>
      %add3A_777 = arith.constant 8 : i32
      %add3A_778 = vector.broadcast %add3A_777 : i32 to vector<16xi32>
      %add3A_779 = arith.addi %mul3A_690, %add3A_778 : vector<16xi32>
      %gather3A_780 = tpu.vector_load_idx %arg34[%add3A_683, %add3A_779] : memref<128x128xf32, #tpu.memory_space<vmem>>[vector<16xi32>, vector<16xi32>], vector<16xf32>,
      %add3A_781 = arith.constant 8 : i32
      %add3A_782 = vector.broadcast %add3A_781 : i32 to vector<16xi32>
      %add3A_783 = arith.addi %mul3A_696, %add3A_782 : vector<16xi32>
      %gather3A_784 = tpu.vector_load_idx %arg35[%add3A_683, %add3A_783] : memref<128x128xf32, #tpu.memory_space<vmem>>[vector<16xi32>, vector<16xi32>], vector<16xf32>,
      %mul3A_785 = arith.mulf %gather3A_780, %gather3A_784 : vector<16xf32>
      %add3A_786 = arith.addf %add3A_776, %mul3A_785 : vector<16xf32>
      %add3A_787 = arith.constant 9 : i32
      %add3A_788 = vector.broadcast %add3A_787 : i32 to vector<16xi32>
      %add3A_789 = arith.addi %mul3A_690, %add3A_788 : vector<16xi32>
      %gather3A_790 = tpu.vector_load_idx %arg34[%add3A_683, %add3A_789] : memref<128x128xf32, #tpu.memory_space<vmem>>[vector<16xi32>, vector<16xi32>], vector<16xf32>,
      %add3A_791 = arith.constant 9 : i32
      %add3A_792 = vector.broadcast %add3A_791 : i32 to vector<16xi32>
      %add3A_793 = arith.addi %mul3A_696, %add3A_792 : vector<16xi32>
      %gather3A_794 = tpu.vector_load_idx %arg35[%add3A_683, %add3A_793] : memref<128x128xf32, #tpu.memory_space<vmem>>[vector<16xi32>, vector<16xi32>], vector<16xf32>,
      %mul3A_795 = arith.mulf %gather3A_790, %gather3A_794 : vector<16xf32>
      %add3A_796 = arith.addf %add3A_786, %mul3A_795 : vector<16xf32>
      %add3A_797 = arith.constant 10 : i32
      %add3A_798 = vector.broadcast %add3A_797 : i32 to vector<16xi32>
      %add3A_799 = arith.addi %mul3A_690, %add3A_798 : vector<16xi32>
      %gather3A_800 = tpu.vector_load_idx %arg34[%add3A_683, %add3A_799] : memref<128x128xf32, #tpu.memory_space<vmem>>[vector<16xi32>, vector<16xi32>], vector<16xf32>,
      %add3A_801 = arith.constant 10 : i32
      %add3A_802 = vector.broadcast %add3A_801 : i32 to vector<16xi32>
      %add3A_803 = arith.addi %mul3A_696, %add3A_802 : vector<16xi32>
      %gather3A_804 = tpu.vector_load_idx %arg35[%add3A_683, %add3A_803] : memref<128x128xf32, #tpu.memory_space<vmem>>[vector<16xi32>, vector<16xi32>], vector<16xf32>,
      %mul3A_805 = arith.mulf %gather3A_800, %gather3A_804 : vector<16xf32>
      %add3A_806 = arith.addf %add3A_796, %mul3A_805 : vector<16xf32>
      %add3A_807 = arith.constant 11 : i32
      %add3A_808 = vector.broadcast %add3A_807 : i32 to vector<16xi32>
      %add3A_809 = arith.addi %mul3A_690, %add3A_808 : vector<16xi32>
      %gather3A_810 = tpu.vector_load_idx %arg34[%add3A_683, %add3A_809] : memref<128x128xf32, #tpu.memory_space<vmem>>[vector<16xi32>, vector<16xi32>], vector<16xf32>,
      %add3A_811 = arith.constant 11 : i32
      %add3A_812 = vector.broadcast %add3A_811 : i32 to vector<16xi32>
      %add3A_813 = arith.addi %mul3A_696, %add3A_812 : vector<16xi32>
      %gather3A_814 = tpu.vector_load_idx %arg35[%add3A_683, %add3A_813] : memref<128x128xf32, #tpu.memory_space<vmem>>[vector<16xi32>, vector<16xi32>], vector<16xf32>,
      %mul3A_815 = arith.mulf %gather3A_810, %gather3A_814 : vector<16xf32>
      %add3A_816 = arith.addf %add3A_806, %mul3A_815 : vector<16xf32>
      %add3A_817 = arith.constant 12 : i32
      %add3A_818 = vector.broadcast %add3A_817 : i32 to vector<16xi32>
      %add3A_819 = arith.addi %mul3A_690, %add3A_818 : vector<16xi32>
      %gather3A_820 = tpu.vector_load_idx %arg34[%add3A_683, %add3A_819] : memref<128x128xf32, #tpu.memory_space<vmem>>[vector<16xi32>, vector<16xi32>], vector<16xf32>,
      %add3A_821 = arith.constant 12 : i32
      %add3A_822 = vector.broadcast %add3A_821 : i32 to vector<16xi32>
      %add3A_823 = arith.addi %mul3A_696, %add3A_822 : vector<16xi32>
      %gather3A_824 = tpu.vector_load_idx %arg35[%add3A_683, %add3A_823] : memref<128x128xf32, #tpu.memory_space<vmem>>[vector<16xi32>, vector<16xi32>], vector<16xf32>,
      %mul3A_825 = arith.mulf %gather3A_820, %gather3A_824 : vector<16xf32>
      %add3A_826 = arith.addf %add3A_816, %mul3A_825 : vector<16xf32>
      %add3A_827 = arith.constant 13 : i32
      %add3A_828 = vector.broadcast %add3A_827 : i32 to vector<16xi32>
      %add3A_829 = arith.addi %mul3A_690, %add3A_828 : vector<16xi32>
      %gather3A_830 = tpu.vector_load_idx %arg34[%add3A_683, %add3A_829] : memref<128x128xf32, #tpu.memory_space<vmem>>[vector<16xi32>, vector<16xi32>], vector<16xf32>,
      %add3A_831 = arith.constant 13 : i32
      %add3A_832 = vector.broadcast %add3A_831 : i32 to vector<16xi32>
      %add3A_833 = arith.addi %mul3A_696, %add3A_832 : vector<16xi32>
      %gather3A_834 = tpu.vector_load_idx %arg35[%add3A_683, %add3A_833] : memref<128x128xf32, #tpu.memory_space<vmem>>[vector<16xi32>, vector<16xi32>], vector<16xf32>,
      %mul3A_835 = arith.mulf %gather3A_830, %gather3A_834 : vector<16xf32>
      %add3A_836 = arith.addf %add3A_826, %mul3A_835 : vector<16xf32>
      %add3A_837 = arith.constant 14 : i32
      %add3A_838 = vector.broadcast %add3A_837 : i32 to vector<16xi32>
      %add3A_839 = arith.addi %mul3A_690, %add3A_838 : vector<16xi32>
      %gather3A_840 = tpu.vector_load_idx %arg34[%add3A_683, %add3A_839] : memref<128x128xf32, #tpu.memory_space<vmem>>[vector<16xi32>, vector<16xi32>], vector<16xf32>,
      %add3A_841 = arith.constant 14 : i32
      %add3A_842 = vector.broadcast %add3A_841 : i32 to vector<16xi32>
      %add3A_843 = arith.addi %mul3A_696, %add3A_842 : vector<16xi32>
      %gather3A_844 = tpu.vector_load_idx %arg35[%add3A_683, %add3A_843] : memref<128x128xf32, #tpu.memory_space<vmem>>[vector<16xi32>, vector<16xi32>], vector<16xf32>,
      %mul3A_845 = arith.mulf %gather3A_840, %gather3A_844 : vector<16xf32>
      %add3A_846 = arith.addf %add3A_836, %mul3A_845 : vector<16xf32>
      %add3A_847 = arith.constant 15 : i32
      %add3A_848 = vector.broadcast %add3A_847 : i32 to vector<16xi32>
      %add3A_849 = arith.addi %mul3A_690, %add3A_848 : vector<16xi32>
      %gather3A_850 = tpu.vector_load_idx %arg34[%add3A_683, %add3A_849] : memref<128x128xf32, #tpu.memory_space<vmem>>[vector<16xi32>, vector<16xi32>], vector<16xf32>,
      %add3A_851 = arith.constant 15 : i32
      %add3A_852 = vector.broadcast %add3A_851 : i32 to vector<16xi32>
      %add3A_853 = arith.addi %mul3A_696, %add3A_852 : vector<16xi32>
      %gather3A_854 = tpu.vector_load_idx %arg35[%add3A_683, %add3A_853] : memref<128x128xf32, #tpu.memory_space<vmem>>[vector<16xi32>, vector<16xi32>], vector<16xf32>,
      %mul3A_855 = arith.mulf %gather3A_850, %gather3A_854 : vector<16xf32>
      %add3A_856 = arith.addf %add3A_846, %mul3A_855 : vector<16xf32>
      %add3A_857 = arith.constant 16 : i32
      %add3A_858 = vector.broadcast %add3A_857 : i32 to vector<16xi32>
      %add3A_859 = arith.addi %mul3A_690, %add3A_858 : vector<16xi32>
      %gather3A_860 = tpu.vector_load_idx %arg34[%add3A_683, %add3A_859] : memref<128x128xf32, #tpu.memory_space<vmem>>[vector<16xi32>, vector<16xi32>], vector<16xf32>,
      %add3A_861 = arith.constant 16 : i32
      %add3A_862 = vector.broadcast %add3A_861 : i32 to vector<16xi32>
      %add3A_863 = arith.addi %mul3A_696, %add3A_862 : vector<16xi32>
      %gather3A_864 = tpu.vector_load_idx %arg35[%add3A_683, %add3A_863] : memref<128x128xf32, #tpu.memory_space<vmem>>[vector<16xi32>, vector<16xi32>], vector<16xf32>,
      %mul3A_865 = arith.mulf %gather3A_860, %gather3A_864 : vector<16xf32>
      %add3A_866 = arith.addf %add3A_856, %mul3A_865 : vector<16xf32>
      %add3A_867 = arith.constant 17 : i32
      %add3A_868 = vector.broadcast %add3A_867 : i32 to vector<16xi32>
      %add3A_869 = arith.addi %mul3A_690, %add3A_868 : vector<16xi32>
      %gather3A_870 = tpu.vector_load_idx %arg34[%add3A_683, %add3A_869] : memref<128x128xf32, #tpu.memory_space<vmem>>[vector<16xi32>, vector<16xi32>], vector<16xf32>,
      %add3A_871 = arith.constant 17 : i32
      %add3A_872 = vector.broadcast %add3A_871 : i32 to vector<16xi32>
      %add3A_873 = arith.addi %mul3A_696, %add3A_872 : vector<16xi32>
      %gather3A_874 = tpu.vector_load_idx %arg35[%add3A_683, %add3A_873] : memref<128x128xf32, #tpu.memory_space<vmem>>[vector<16xi32>, vector<16xi32>], vector<16xf32>,
      %mul3A_875 = arith.mulf %gather3A_870, %gather3A_874 : vector<16xf32>
      %add3A_876 = arith.addf %add3A_866, %mul3A_875 : vector<16xf32>
      %add3A_877 = arith.constant 18 : i32
      %add3A_878 = vector.broadcast %add3A_877 : i32 to vector<16xi32>
      %add3A_879 = arith.addi %mul3A_690, %add3A_878 : vector<16xi32>
      %gather3A_880 = tpu.vector_load_idx %arg34[%add3A_683, %add3A_879] : memref<128x128xf32, #tpu.memory_space<vmem>>[vector<16xi32>, vector<16xi32>], vector<16xf32>,
      %add3A_881 = arith.constant 18 : i32
      %add3A_882 = vector.broadcast %add3A_881 : i32 to vector<16xi32>
      %add3A_883 = arith.addi %mul3A_696, %add3A_882 : vector<16xi32>
      %gather3A_884 = tpu.vector_load_idx %arg35[%add3A_683, %add3A_883] : memref<128x128xf32, #tpu.memory_space<vmem>>[vector<16xi32>, vector<16xi32>], vector<16xf32>,
      %mul3A_885 = arith.mulf %gather3A_880, %gather3A_884 : vector<16xf32>
      %add3A_886 = arith.addf %add3A_876, %mul3A_885 : vector<16xf32>
      %add3A_887 = arith.constant 19 : i32
      %add3A_888 = vector.broadcast %add3A_887 : i32 to vector<16xi32>
      %add3A_889 = arith.addi %mul3A_690, %add3A_888 : vector<16xi32>
      %gather3A_890 = tpu.vector_load_idx %arg34[%add3A_683, %add3A_889] : memref<128x128xf32, #tpu.memory_space<vmem>>[vector<16xi32>, vector<16xi32>], vector<16xf32>,
      %add3A_891 = arith.constant 19 : i32
      %add3A_892 = vector.broadcast %add3A_891 : i32 to vector<16xi32>
      %add3A_893 = arith.addi %mul3A_696, %add3A_892 : vector<16xi32>
      %gather3A_894 = tpu.vector_load_idx %arg35[%add3A_683, %add3A_893] : memref<128x128xf32, #tpu.memory_space<vmem>>[vector<16xi32>, vector<16xi32>], vector<16xf32>,
      %mul3A_895 = arith.mulf %gather3A_890, %gather3A_894 : vector<16xf32>
      %add3A_896 = arith.addf %add3A_886, %mul3A_895 : vector<16xf32>
      %add3A_897 = arith.constant 20 : i32
      %add3A_898 = vector.broadcast %add3A_897 : i32 to vector<16xi32>
      %add3A_899 = arith.addi %mul3A_690, %add3A_898 : vector<16xi32>
      %gather3A_900 = tpu.vector_load_idx %arg34[%add3A_683, %add3A_899] : memref<128x128xf32, #tpu.memory_space<vmem>>[vector<16xi32>, vector<16xi32>], vector<16xf32>,
      %add3A_901 = arith.constant 20 : i32
      %add3A_902 = vector.broadcast %add3A_901 : i32 to vector<16xi32>
      %add3A_903 = arith.addi %mul3A_696, %add3A_902 : vector<16xi32>
      %gather3A_904 = tpu.vector_load_idx %arg35[%add3A_683, %add3A_903] : memref<128x128xf32, #tpu.memory_space<vmem>>[vector<16xi32>, vector<16xi32>], vector<16xf32>,
      %mul3A_905 = arith.mulf %gather3A_900, %gather3A_904 : vector<16xf32>
      %add3A_906 = arith.addf %add3A_896, %mul3A_905 : vector<16xf32>
      %add3A_907 = arith.constant 21 : i32
      %add3A_908 = vector.broadcast %add3A_907 : i32 to vector<16xi32>
      %add3A_909 = arith.addi %mul3A_690, %add3A_908 : vector<16xi32>
      %gather3A_910 = tpu.vector_load_idx %arg34[%add3A_683, %add3A_909] : memref<128x128xf32, #tpu.memory_space<vmem>>[vector<16xi32>, vector<16xi32>], vector<16xf32>,
      %add3A_911 = arith.constant 21 : i32
      %add3A_912 = vector.broadcast %add3A_911 : i32 to vector<16xi32>
      %add3A_913 = arith.addi %mul3A_696, %add3A_912 : vector<16xi32>
      %gather3A_914 = tpu.vector_load_idx %arg35[%add3A_683, %add3A_913] : memref<128x128xf32, #tpu.memory_space<vmem>>[vector<16xi32>, vector<16xi32>], vector<16xf32>,
      %mul3A_915 = arith.mulf %gather3A_910, %gather3A_914 : vector<16xf32>
      %add3A_916 = arith.addf %add3A_906, %mul3A_915 : vector<16xf32>
      %add3A_917 = arith.constant 22 : i32
      %add3A_918 = vector.broadcast %add3A_917 : i32 to vector<16xi32>
      %add3A_919 = arith.addi %mul3A_690, %add3A_918 : vector<16xi32>
      %gather3A_920 = tpu.vector_load_idx %arg34[%add3A_683, %add3A_919] : memref<128x128xf32, #tpu.memory_space<vmem>>[vector<16xi32>, vector<16xi32>], vector<16xf32>,
      %add3A_921 = arith.constant 22 : i32
      %add3A_922 = vector.broadcast %add3A_921 : i32 to vector<16xi32>
      %add3A_923 = arith.addi %mul3A_696, %add3A_922 : vector<16xi32>
      %gather3A_924 = tpu.vector_load_idx %arg35[%add3A_683, %add3A_923] : memref<128x128xf32, #tpu.memory_space<vmem>>[vector<16xi32>, vector<16xi32>], vector<16xf32>,
      %mul3A_925 = arith.mulf %gather3A_920, %gather3A_924 : vector<16xf32>
      %add3A_926 = arith.addf %add3A_916, %mul3A_925 : vector<16xf32>
      %add3A_927 = arith.constant 23 : i32
      %add3A_928 = vector.broadcast %add3A_927 : i32 to vector<16xi32>
      %add3A_929 = arith.addi %mul3A_690, %add3A_928 : vector<16xi32>
      %gather3A_930 = tpu.vector_load_idx %arg34[%add3A_683, %add3A_929] : memref<128x128xf32, #tpu.memory_space<vmem>>[vector<16xi32>, vector<16xi32>], vector<16xf32>,
      %add3A_931 = arith.constant 23 : i32
      %add3A_932 = vector.broadcast %add3A_931 : i32 to vector<16xi32>
      %add3A_933 = arith.addi %mul3A_696, %add3A_932 : vector<16xi32>
      %gather3A_934 = tpu.vector_load_idx %arg35[%add3A_683, %add3A_933] : memref<128x128xf32, #tpu.memory_space<vmem>>[vector<16xi32>, vector<16xi32>], vector<16xf32>,
      %mul3A_935 = arith.mulf %gather3A_930, %gather3A_934 : vector<16xf32>
      %add3A_936 = arith.addf %add3A_926, %mul3A_935 : vector<16xf32>
      %add3A_937 = arith.constant 24 : i32
      %add3A_938 = vector.broadcast %add3A_937 : i32 to vector<16xi32>
      %add3A_939 = arith.addi %mul3A_690, %add3A_938 : vector<16xi32>
      %gather3A_940 = tpu.vector_load_idx %arg34[%add3A_683, %add3A_939] : memref<128x128xf32, #tpu.memory_space<vmem>>[vector<16xi32>, vector<16xi32>], vector<16xf32>,
      %add3A_941 = arith.constant 24 : i32
      %add3A_942 = vector.broadcast %add3A_941 : i32 to vector<16xi32>
      %add3A_943 = arith.addi %mul3A_696, %add3A_942 : vector<16xi32>
      %gather3A_944 = tpu.vector_load_idx %arg35[%add3A_683, %add3A_943] : memref<128x128xf32, #tpu.memory_space<vmem>>[vector<16xi32>, vector<16xi32>], vector<16xf32>,
      %mul3A_945 = arith.mulf %gather3A_940, %gather3A_944 : vector<16xf32>
      %add3A_946 = arith.addf %add3A_936, %mul3A_945 : vector<16xf32>
      %add3A_947 = arith.constant 25 : i32
      %add3A_948 = vector.broadcast %add3A_947 : i32 to vector<16xi32>
      %add3A_949 = arith.addi %mul3A_690, %add3A_948 : vector<16xi32>
      %gather3A_950 = tpu.vector_load_idx %arg34[%add3A_683, %add3A_949] : memref<128x128xf32, #tpu.memory_space<vmem>>[vector<16xi32>, vector<16xi32>], vector<16xf32>,
      %add3A_951 = arith.constant 25 : i32
      %add3A_952 = vector.broadcast %add3A_951 : i32 to vector<16xi32>
      %add3A_953 = arith.addi %mul3A_696, %add3A_952 : vector<16xi32>
      %gather3A_954 = tpu.vector_load_idx %arg35[%add3A_683, %add3A_953] : memref<128x128xf32, #tpu.memory_space<vmem>>[vector<16xi32>, vector<16xi32>], vector<16xf32>,
      %mul3A_955 = arith.mulf %gather3A_950, %gather3A_954 : vector<16xf32>
      %add3A_956 = arith.addf %add3A_946, %mul3A_955 : vector<16xf32>
      %add3A_957 = arith.constant 26 : i32
      %add3A_958 = vector.broadcast %add3A_957 : i32 to vector<16xi32>
      %add3A_959 = arith.addi %mul3A_690, %add3A_958 : vector<16xi32>
      %gather3A_960 = tpu.vector_load_idx %arg34[%add3A_683, %add3A_959] : memref<128x128xf32, #tpu.memory_space<vmem>>[vector<16xi32>, vector<16xi32>], vector<16xf32>,
      %add3A_961 = arith.constant 26 : i32
      %add3A_962 = vector.broadcast %add3A_961 : i32 to vector<16xi32>
      %add3A_963 = arith.addi %mul3A_696, %add3A_962 : vector<16xi32>
      %gather3A_964 = tpu.vector_load_idx %arg35[%add3A_683, %add3A_963] : memref<128x128xf32, #tpu.memory_space<vmem>>[vector<16xi32>, vector<16xi32>], vector<16xf32>,
      %mul3A_965 = arith.mulf %gather3A_960, %gather3A_964 : vector<16xf32>
      %add3A_966 = arith.addf %add3A_956, %mul3A_965 : vector<16xf32>
      %add3A_967 = arith.constant 27 : i32
      %add3A_968 = vector.broadcast %add3A_967 : i32 to vector<16xi32>
      %add3A_969 = arith.addi %mul3A_690, %add3A_968 : vector<16xi32>
      %gather3A_970 = tpu.vector_load_idx %arg34[%add3A_683, %add3A_969] : memref<128x128xf32, #tpu.memory_space<vmem>>[vector<16xi32>, vector<16xi32>], vector<16xf32>,
      %add3A_971 = arith.constant 27 : i32
      %add3A_972 = vector.broadcast %add3A_971 : i32 to vector<16xi32>
      %add3A_973 = arith.addi %mul3A_696, %add3A_972 : vector<16xi32>
      %gather3A_974 = tpu.vector_load_idx %arg35[%add3A_683, %add3A_973] : memref<128x128xf32, #tpu.memory_space<vmem>>[vector<16xi32>, vector<16xi32>], vector<16xf32>,
      %mul3A_975 = arith.mulf %gather3A_970, %gather3A_974 : vector<16xf32>
      %add3A_976 = arith.addf %add3A_966, %mul3A_975 : vector<16xf32>
      %add3A_977 = arith.constant 28 : i32
      %add3A_978 = vector.broadcast %add3A_977 : i32 to vector<16xi32>
      %add3A_979 = arith.addi %mul3A_690, %add3A_978 : vector<16xi32>
      %gather3A_980 = tpu.vector_load_idx %arg34[%add3A_683, %add3A_979] : memref<128x128xf32, #tpu.memory_space<vmem>>[vector<16xi32>, vector<16xi32>], vector<16xf32>,
      %add3A_981 = arith.constant 28 : i32
      %add3A_982 = vector.broadcast %add3A_981 : i32 to vector<16xi32>
      %add3A_983 = arith.addi %mul3A_696, %add3A_982 : vector<16xi32>
      %gather3A_984 = tpu.vector_load_idx %arg35[%add3A_683, %add3A_983] : memref<128x128xf32, #tpu.memory_space<vmem>>[vector<16xi32>, vector<16xi32>], vector<16xf32>,
      %mul3A_985 = arith.mulf %gather3A_980, %gather3A_984 : vector<16xf32>
      %add3A_986 = arith.addf %add3A_976, %mul3A_985 : vector<16xf32>
      %add3A_987 = arith.constant 29 : i32
      %add3A_988 = vector.broadcast %add3A_987 : i32 to vector<16xi32>
      %add3A_989 = arith.addi %mul3A_690, %add3A_988 : vector<16xi32>
      %gather3A_990 = tpu.vector_load_idx %arg34[%add3A_683, %add3A_989] : memref<128x128xf32, #tpu.memory_space<vmem>>[vector<16xi32>, vector<16xi32>], vector<16xf32>,
      %add3A_991 = arith.constant 29 : i32
      %add3A_992 = vector.broadcast %add3A_991 : i32 to vector<16xi32>
      %add3A_993 = arith.addi %mul3A_696, %add3A_992 : vector<16xi32>
      %gather3A_994 = tpu.vector_load_idx %arg35[%add3A_683, %add3A_993] : memref<128x128xf32, #tpu.memory_space<vmem>>[vector<16xi32>, vector<16xi32>], vector<16xf32>,
      %mul3A_995 = arith.mulf %gather3A_990, %gather3A_994 : vector<16xf32>
      %add3A_996 = arith.addf %add3A_986, %mul3A_995 : vector<16xf32>
      %add3A_997 = arith.constant 30 : i32
      %add3A_998 = vector.broadcast %add3A_997 : i32 to vector<16xi32>
      %add3A_999 = arith.addi %mul3A_690, %add3A_998 : vector<16xi32>
      %gather3A_1000 = tpu.vector_load_idx %arg34[%add3A_683, %add3A_999] : memref<128x128xf32, #tpu.memory_space<vmem>>[vector<16xi32>, vector<16xi32>], vector<16xf32>,
      %add3A_1001 = arith.constant 30 : i32
      %add3A_1002 = vector.broadcast %add3A_1001 : i32 to vector<16xi32>
      %add3A_1003 = arith.addi %mul3A_696, %add3A_1002 : vector<16xi32>
      %gather3A_1004 = tpu.vector_load_idx %arg35[%add3A_683, %add3A_1003] : memref<128x128xf32, #tpu.memory_space<vmem>>[vector<16xi32>, vector<16xi32>], vector<16xf32>,
      %mul3A_1005 = arith.mulf %gather3A_1000, %gather3A_1004 : vector<16xf32>
      %add3A_1006 = arith.addf %add3A_996, %mul3A_1005 : vector<16xf32>
      %add3A_1007 = arith.constant 31 : i32
      %add3A_1008 = vector.broadcast %add3A_1007 : i32 to vector<16xi32>
      %add3A_1009 = arith.addi %mul3A_690, %add3A_1008 : vector<16xi32>
      %gather3A_1010 = tpu.vector_load_idx %arg34[%add3A_683, %add3A_1009] : memref<128x128xf32, #tpu.memory_space<vmem>>[vector<16xi32>, vector<16xi32>], vector<16xf32>,
      %add3A_1011 = arith.constant 31 : i32
      %add3A_1012 = vector.broadcast %add3A_1011 : i32 to vector<16xi32>
      %add3A_1013 = arith.addi %mul3A_696, %add3A_1012 : vector<16xi32>
      %gather3A_1014 = tpu.vector_load_idx %arg35[%add3A_683, %add3A_1013] : memref<128x128xf32, #tpu.memory_space<vmem>>[vector<16xi32>, vector<16xi32>], vector<16xf32>,
      %mul3A_1015 = arith.mulf %gather3A_1010, %gather3A_1014 : vector<16xf32>
      %add3A_1016 = arith.addf %add3A_1006, %mul3A_1015 : vector<16xf32>
      %and3A_1017 = arith.constant 127 : i32
      %and3A_1018 = vector.broadcast %and3A_1017 : i32 to vector<16xi32>
      %and3A_1019 = arith.andi %gather3A_684, %and3A_1018 : vector<16xi32>
      %gather3A_1020 = tpu.vector_load_idx %arg36[%add3A_683, %and3A_1019] : memref<128x128xf32, #tpu.memory_space<vmem>>[vector<16xi32>, vector<16xi32>], vector<16xf32>,
      %add3A_1021 = arith.addf %add3A_1016, %gather3A_1020 : vector<16xf32>
      %and3A_1022 = arith.constant 127 : i32
      %and3A_1023 = vector.broadcast %and3A_1022 : i32 to vector<16xi32>
      %and3A_1024 = arith.andi %gather3A_685, %and3A_1023 : vector<16xi32>
      %gather3A_1025 = tpu.vector_load_idx %arg37[%add3A_683, %and3A_1024] : memref<128x128xf32, #tpu.memory_space<vmem>>[vector<16xi32>, vector<16xi32>], vector<16xf32>,
      %add3A_1026 = arith.addf %add3A_1021, %gather3A_1025 : vector<16xf32>
      %neg3A = arith.constant 0.000000e+00 : f32
      %neg3A_1027 = vector.broadcast %neg3A : f32 to vector<16xf32>
      %neg3A_1028 = arith.subf %neg3A_1027, %add3A_1026 : vector<16xf32>
      %exp3A = math.exp %neg3A_1028 : vector<16xf32>
      %add3A_1029 = arith.constant 1.000000e+00 : f32
      %add3A_1030 = vector.broadcast %add3A_1029 : f32 to vector<16xf32>
      %add3A_1031 = arith.addf %add3A_1030, %exp3A : vector<16xf32>
      %div3A = arith.constant 4.000000e+00 : f32
      %div3A_1032 = vector.broadcast %div3A : f32 to vector<16xf32>
      %div3A_1033 = arith.divf %div3A_1032, %add3A_1031 : vector<16xf32>
      %add3A_1034 = arith.constant 1.000000e+00 : f32
      %add3A_1035 = vector.broadcast %add3A_1034 : f32 to vector<16xf32>
      %add3A_1036 = arith.addf %add3A_1035, %div3A_1033 : vector<16xf32>
      %add3A_1037 = arith.constant 256 : i32
      %add3A_1038 = vector.broadcast %add3A_1037 : i32 to vector<16xi32>
      %add3A_1039 = arith.addi %add3A_1038, %add3A_683 : vector<16xi32>
      tpu.vector_store_idx %arg39[%add3A_1039], %add3A_1036 : memref<512xf32, #tpu.memory_space<vmem>>[vector<16xi32>], vector<16xf32>,
    }
    %scan3A_648 = arith.constant 8 : i32
    %dma_start3A_649 = arith.constant 0 : i32
    %dma_start3A_650 = arith.constant 0 : i32
    %dma_start3A_651 = tpu.memref_slice %arg4[%dma_start3A_649, %dma_start3A_650] : memref<250000x128xf32, #tpu.memory_space<hbm>> -> memref<250000x128xf32, #tpu.memory_space<hbm>>
    tpu.enqueue_indirect_dma source(%dma_start3A_651 : memref<250000x128xf32, #tpu.memory_space<hbm>>) target(%arg34 : memref<128x128xf32, #tpu.memory_space<vmem>>) offsets(%arg30 : memref<128xi32, #tpu.memory_space<vmem>>) semaphore(%arg40 : memref<!tpu.dma_semaphore, #tpu.memory_space<semaphore_mem>>)
    %dma_start3A_652 = arith.constant 0 : i32
    %dma_start3A_653 = arith.constant 0 : i32
    %dma_start3A_654 = tpu.memref_slice %arg5[%dma_start3A_652, %dma_start3A_653] : memref<250000x128xf32, #tpu.memory_space<hbm>> -> memref<250000x128xf32, #tpu.memory_space<hbm>>
    tpu.enqueue_indirect_dma source(%dma_start3A_654 : memref<250000x128xf32, #tpu.memory_space<hbm>>) target(%arg35 : memref<128x128xf32, #tpu.memory_space<vmem>>) offsets(%arg31 : memref<128xi32, #tpu.memory_space<vmem>>) semaphore(%arg40 : memref<!tpu.dma_semaphore, #tpu.memory_space<semaphore_mem>>)
    %dma_start3A_655 = arith.constant 0 : i32
    %dma_start3A_656 = arith.constant 0 : i32
    %dma_start3A_657 = tpu.memref_slice %arg6[%dma_start3A_655, %dma_start3A_656] : memref<7813x128xf32, #tpu.memory_space<hbm>> -> memref<7813x128xf32, #tpu.memory_space<hbm>>
    tpu.enqueue_indirect_dma source(%dma_start3A_657 : memref<7813x128xf32, #tpu.memory_space<hbm>>) target(%arg36 : memref<128x128xf32, #tpu.memory_space<vmem>>) offsets(%arg32 : memref<128xi32, #tpu.memory_space<vmem>>) semaphore(%arg40 : memref<!tpu.dma_semaphore, #tpu.memory_space<semaphore_mem>>)
    %dma_start3A_658 = arith.constant 0 : i32
    %dma_start3A_659 = arith.constant 0 : i32
    %dma_start3A_660 = tpu.memref_slice %arg7[%dma_start3A_658, %dma_start3A_659] : memref<7813x128xf32, #tpu.memory_space<hbm>> -> memref<7813x128xf32, #tpu.memory_space<hbm>>
    tpu.enqueue_indirect_dma source(%dma_start3A_660 : memref<7813x128xf32, #tpu.memory_space<hbm>>) target(%arg37 : memref<128x128xf32, #tpu.memory_space<vmem>>) offsets(%arg33 : memref<128xi32, #tpu.memory_space<vmem>>) semaphore(%arg40 : memref<!tpu.dma_semaphore, #tpu.memory_space<semaphore_mem>>)
    %dma_wait3A_661 = arith.constant 0 : i32
    %dma_wait3A_662 = arith.constant 0 : i32
    %dma_wait3A_663 = tpu.memref_slice %arg4[%dma_wait3A_661, %dma_wait3A_662] : memref<250000x128xf32, #tpu.memory_space<hbm>> -> memref<250000x128xf32, #tpu.memory_space<hbm>>
    tpu.wait_indirect_dma semaphore(%arg40 : memref<!tpu.dma_semaphore, #tpu.memory_space<semaphore_mem>>) src(%dma_wait3A_663 : memref<250000x128xf32, #tpu.memory_space<hbm>>) dst(%arg34 : memref<128x128xf32, #tpu.memory_space<vmem>>)
    %dma_wait3A_664 = arith.constant 0 : i32
    %dma_wait3A_665 = arith.constant 0 : i32
    %dma_wait3A_666 = tpu.memref_slice %arg5[%dma_wait3A_664, %dma_wait3A_665] : memref<250000x128xf32, #tpu.memory_space<hbm>> -> memref<250000x128xf32, #tpu.memory_space<hbm>>
    tpu.wait_indirect_dma semaphore(%arg40 : memref<!tpu.dma_semaphore, #tpu.memory_space<semaphore_mem>>) src(%dma_wait3A_666 : memref<250000x128xf32, #tpu.memory_space<hbm>>) dst(%arg35 : memref<128x128xf32, #tpu.memory_space<vmem>>)
    %dma_wait3A_667 = arith.constant 0 : i32
    %dma_wait3A_668 = arith.constant 0 : i32
    %dma_wait3A_669 = tpu.memref_slice %arg6[%dma_wait3A_667, %dma_wait3A_668] : memref<7813x128xf32, #tpu.memory_space<hbm>> -> memref<7813x128xf32, #tpu.memory_space<hbm>>
    tpu.wait_indirect_dma semaphore(%arg40 : memref<!tpu.dma_semaphore, #tpu.memory_space<semaphore_mem>>) src(%dma_wait3A_669 : memref<7813x128xf32, #tpu.memory_space<hbm>>) dst(%arg36 : memref<128x128xf32, #tpu.memory_space<vmem>>)
    %dma_wait3A_670 = arith.constant 0 : i32
    %dma_wait3A_671 = arith.constant 0 : i32
    %dma_wait3A_672 = tpu.memref_slice %arg7[%dma_wait3A_670, %dma_wait3A_671] : memref<7813x128xf32, #tpu.memory_space<hbm>> -> memref<7813x128xf32, #tpu.memory_space<hbm>>
    tpu.wait_indirect_dma semaphore(%arg40 : memref<!tpu.dma_semaphore, #tpu.memory_space<semaphore_mem>>) src(%dma_wait3A_672 : memref<7813x128xf32, #tpu.memory_space<hbm>>) dst(%arg37 : memref<128x128xf32, #tpu.memory_space<vmem>>)
    %scan3A_673 = arith.constant 0 : i32
    %scan3A_674 = arith.constant 0 : i32
    %scan3A_675 = arith.constant 8 : i32
    %scan3A_676 = arith.addi %scan3A_674, %scan3A_675 : i32
    %scan3A_677 = arith.constant 1 : i32
    scf.for %scan3A_679 = %scan3A_674 to %scan3A_676 step %scan3A_677  : i32 {
      %mul3A_680 = arith.constant 16 : i32
      %mul3A_681 = arith.muli %scan3A_679, %mul3A_680 : i32
      %add3A_682 = vector.broadcast %mul3A_681 : i32 to vector<16xi32>
      %add3A_683 = arith.addi %add3A_682, %iota3A : vector<16xi32>
      %gather3A_684 = tpu.vector_load_idx %arg28[%add3A_683] : memref<128xi32, #tpu.memory_space<vmem>>[vector<16xi32>], vector<16xi32>,
      %gather3A_685 = tpu.vector_load_idx %arg29[%add3A_683] : memref<128xi32, #tpu.memory_space<vmem>>[vector<16xi32>], vector<16xi32>,
      %and3A = arith.constant 3 : i32
      %and3A_686 = vector.broadcast %and3A : i32 to vector<16xi32>
      %and3A_687 = arith.andi %gather3A_684, %and3A_686 : vector<16xi32>
      %mul3A_688 = arith.constant 32 : i32
      %mul3A_689 = vector.broadcast %mul3A_688 : i32 to vector<16xi32>
      %mul3A_690 = arith.muli %and3A_687, %mul3A_689 : vector<16xi32>
      %and3A_691 = arith.constant 3 : i32
      %and3A_692 = vector.broadcast %and3A_691 : i32 to vector<16xi32>
      %and3A_693 = arith.andi %gather3A_685, %and3A_692 : vector<16xi32>
      %mul3A_694 = arith.constant 32 : i32
      %mul3A_695 = vector.broadcast %mul3A_694 : i32 to vector<16xi32>
      %mul3A_696 = arith.muli %and3A_693, %mul3A_695 : vector<16xi32>
      %add3A_697 = arith.constant 0 : i32
      %add3A_698 = vector.broadcast %add3A_697 : i32 to vector<16xi32>
      %add3A_699 = arith.addi %mul3A_690, %add3A_698 : vector<16xi32>
      %gather3A_700 = tpu.vector_load_idx %arg34[%add3A_683, %add3A_699] : memref<128x128xf32, #tpu.memory_space<vmem>>[vector<16xi32>, vector<16xi32>], vector<16xf32>,
      %add3A_701 = arith.constant 0 : i32
      %add3A_702 = vector.broadcast %add3A_701 : i32 to vector<16xi32>
      %add3A_703 = arith.addi %mul3A_696, %add3A_702 : vector<16xi32>
      %gather3A_704 = tpu.vector_load_idx %arg35[%add3A_683, %add3A_703] : memref<128x128xf32, #tpu.memory_space<vmem>>[vector<16xi32>, vector<16xi32>], vector<16xf32>,
      %mul3A_705 = arith.mulf %gather3A_700, %gather3A_704 : vector<16xf32>
      %add3A_706 = arith.addf %get3A_561, %mul3A_705 : vector<16xf32>
      %add3A_707 = arith.constant 1 : i32
      %add3A_708 = vector.broadcast %add3A_707 : i32 to vector<16xi32>
      %add3A_709 = arith.addi %mul3A_690, %add3A_708 : vector<16xi32>
      %gather3A_710 = tpu.vector_load_idx %arg34[%add3A_683, %add3A_709] : memref<128x128xf32, #tpu.memory_space<vmem>>[vector<16xi32>, vector<16xi32>], vector<16xf32>,
      %add3A_711 = arith.constant 1 : i32
      %add3A_712 = vector.broadcast %add3A_711 : i32 to vector<16xi32>
      %add3A_713 = arith.addi %mul3A_696, %add3A_712 : vector<16xi32>
      %gather3A_714 = tpu.vector_load_idx %arg35[%add3A_683, %add3A_713] : memref<128x128xf32, #tpu.memory_space<vmem>>[vector<16xi32>, vector<16xi32>], vector<16xf32>,
      %mul3A_715 = arith.mulf %gather3A_710, %gather3A_714 : vector<16xf32>
      %add3A_716 = arith.addf %add3A_706, %mul3A_715 : vector<16xf32>
      %add3A_717 = arith.constant 2 : i32
      %add3A_718 = vector.broadcast %add3A_717 : i32 to vector<16xi32>
      %add3A_719 = arith.addi %mul3A_690, %add3A_718 : vector<16xi32>
      %gather3A_720 = tpu.vector_load_idx %arg34[%add3A_683, %add3A_719] : memref<128x128xf32, #tpu.memory_space<vmem>>[vector<16xi32>, vector<16xi32>], vector<16xf32>,
      %add3A_721 = arith.constant 2 : i32
      %add3A_722 = vector.broadcast %add3A_721 : i32 to vector<16xi32>
      %add3A_723 = arith.addi %mul3A_696, %add3A_722 : vector<16xi32>
      %gather3A_724 = tpu.vector_load_idx %arg35[%add3A_683, %add3A_723] : memref<128x128xf32, #tpu.memory_space<vmem>>[vector<16xi32>, vector<16xi32>], vector<16xf32>,
      %mul3A_725 = arith.mulf %gather3A_720, %gather3A_724 : vector<16xf32>
      %add3A_726 = arith.addf %add3A_716, %mul3A_725 : vector<16xf32>
      %add3A_727 = arith.constant 3 : i32
      %add3A_728 = vector.broadcast %add3A_727 : i32 to vector<16xi32>
      %add3A_729 = arith.addi %mul3A_690, %add3A_728 : vector<16xi32>
      %gather3A_730 = tpu.vector_load_idx %arg34[%add3A_683, %add3A_729] : memref<128x128xf32, #tpu.memory_space<vmem>>[vector<16xi32>, vector<16xi32>], vector<16xf32>,
      %add3A_731 = arith.constant 3 : i32
      %add3A_732 = vector.broadcast %add3A_731 : i32 to vector<16xi32>
      %add3A_733 = arith.addi %mul3A_696, %add3A_732 : vector<16xi32>
      %gather3A_734 = tpu.vector_load_idx %arg35[%add3A_683, %add3A_733] : memref<128x128xf32, #tpu.memory_space<vmem>>[vector<16xi32>, vector<16xi32>], vector<16xf32>,
      %mul3A_735 = arith.mulf %gather3A_730, %gather3A_734 : vector<16xf32>
      %add3A_736 = arith.addf %add3A_726, %mul3A_735 : vector<16xf32>
      %add3A_737 = arith.constant 4 : i32
      %add3A_738 = vector.broadcast %add3A_737 : i32 to vector<16xi32>
      %add3A_739 = arith.addi %mul3A_690, %add3A_738 : vector<16xi32>
      %gather3A_740 = tpu.vector_load_idx %arg34[%add3A_683, %add3A_739] : memref<128x128xf32, #tpu.memory_space<vmem>>[vector<16xi32>, vector<16xi32>], vector<16xf32>,
      %add3A_741 = arith.constant 4 : i32
      %add3A_742 = vector.broadcast %add3A_741 : i32 to vector<16xi32>
      %add3A_743 = arith.addi %mul3A_696, %add3A_742 : vector<16xi32>
      %gather3A_744 = tpu.vector_load_idx %arg35[%add3A_683, %add3A_743] : memref<128x128xf32, #tpu.memory_space<vmem>>[vector<16xi32>, vector<16xi32>], vector<16xf32>,
      %mul3A_745 = arith.mulf %gather3A_740, %gather3A_744 : vector<16xf32>
      %add3A_746 = arith.addf %add3A_736, %mul3A_745 : vector<16xf32>
      %add3A_747 = arith.constant 5 : i32
      %add3A_748 = vector.broadcast %add3A_747 : i32 to vector<16xi32>
      %add3A_749 = arith.addi %mul3A_690, %add3A_748 : vector<16xi32>
      %gather3A_750 = tpu.vector_load_idx %arg34[%add3A_683, %add3A_749] : memref<128x128xf32, #tpu.memory_space<vmem>>[vector<16xi32>, vector<16xi32>], vector<16xf32>,
      %add3A_751 = arith.constant 5 : i32
      %add3A_752 = vector.broadcast %add3A_751 : i32 to vector<16xi32>
      %add3A_753 = arith.addi %mul3A_696, %add3A_752 : vector<16xi32>
      %gather3A_754 = tpu.vector_load_idx %arg35[%add3A_683, %add3A_753] : memref<128x128xf32, #tpu.memory_space<vmem>>[vector<16xi32>, vector<16xi32>], vector<16xf32>,
      %mul3A_755 = arith.mulf %gather3A_750, %gather3A_754 : vector<16xf32>
      %add3A_756 = arith.addf %add3A_746, %mul3A_755 : vector<16xf32>
      %add3A_757 = arith.constant 6 : i32
      %add3A_758 = vector.broadcast %add3A_757 : i32 to vector<16xi32>
      %add3A_759 = arith.addi %mul3A_690, %add3A_758 : vector<16xi32>
      %gather3A_760 = tpu.vector_load_idx %arg34[%add3A_683, %add3A_759] : memref<128x128xf32, #tpu.memory_space<vmem>>[vector<16xi32>, vector<16xi32>], vector<16xf32>,
      %add3A_761 = arith.constant 6 : i32
      %add3A_762 = vector.broadcast %add3A_761 : i32 to vector<16xi32>
      %add3A_763 = arith.addi %mul3A_696, %add3A_762 : vector<16xi32>
      %gather3A_764 = tpu.vector_load_idx %arg35[%add3A_683, %add3A_763] : memref<128x128xf32, #tpu.memory_space<vmem>>[vector<16xi32>, vector<16xi32>], vector<16xf32>,
      %mul3A_765 = arith.mulf %gather3A_760, %gather3A_764 : vector<16xf32>
      %add3A_766 = arith.addf %add3A_756, %mul3A_765 : vector<16xf32>
      %add3A_767 = arith.constant 7 : i32
      %add3A_768 = vector.broadcast %add3A_767 : i32 to vector<16xi32>
      %add3A_769 = arith.addi %mul3A_690, %add3A_768 : vector<16xi32>
      %gather3A_770 = tpu.vector_load_idx %arg34[%add3A_683, %add3A_769] : memref<128x128xf32, #tpu.memory_space<vmem>>[vector<16xi32>, vector<16xi32>], vector<16xf32>,
      %add3A_771 = arith.constant 7 : i32
      %add3A_772 = vector.broadcast %add3A_771 : i32 to vector<16xi32>
      %add3A_773 = arith.addi %mul3A_696, %add3A_772 : vector<16xi32>
      %gather3A_774 = tpu.vector_load_idx %arg35[%add3A_683, %add3A_773] : memref<128x128xf32, #tpu.memory_space<vmem>>[vector<16xi32>, vector<16xi32>], vector<16xf32>,
      %mul3A_775 = arith.mulf %gather3A_770, %gather3A_774 : vector<16xf32>
      %add3A_776 = arith.addf %add3A_766, %mul3A_775 : vector<16xf32>
      %add3A_777 = arith.constant 8 : i32
      %add3A_778 = vector.broadcast %add3A_777 : i32 to vector<16xi32>
      %add3A_779 = arith.addi %mul3A_690, %add3A_778 : vector<16xi32>
      %gather3A_780 = tpu.vector_load_idx %arg34[%add3A_683, %add3A_779] : memref<128x128xf32, #tpu.memory_space<vmem>>[vector<16xi32>, vector<16xi32>], vector<16xf32>,
      %add3A_781 = arith.constant 8 : i32
      %add3A_782 = vector.broadcast %add3A_781 : i32 to vector<16xi32>
      %add3A_783 = arith.addi %mul3A_696, %add3A_782 : vector<16xi32>
      %gather3A_784 = tpu.vector_load_idx %arg35[%add3A_683, %add3A_783] : memref<128x128xf32, #tpu.memory_space<vmem>>[vector<16xi32>, vector<16xi32>], vector<16xf32>,
      %mul3A_785 = arith.mulf %gather3A_780, %gather3A_784 : vector<16xf32>
      %add3A_786 = arith.addf %add3A_776, %mul3A_785 : vector<16xf32>
      %add3A_787 = arith.constant 9 : i32
      %add3A_788 = vector.broadcast %add3A_787 : i32 to vector<16xi32>
      %add3A_789 = arith.addi %mul3A_690, %add3A_788 : vector<16xi32>
      %gather3A_790 = tpu.vector_load_idx %arg34[%add3A_683, %add3A_789] : memref<128x128xf32, #tpu.memory_space<vmem>>[vector<16xi32>, vector<16xi32>], vector<16xf32>,
      %add3A_791 = arith.constant 9 : i32
      %add3A_792 = vector.broadcast %add3A_791 : i32 to vector<16xi32>
      %add3A_793 = arith.addi %mul3A_696, %add3A_792 : vector<16xi32>
      %gather3A_794 = tpu.vector_load_idx %arg35[%add3A_683, %add3A_793] : memref<128x128xf32, #tpu.memory_space<vmem>>[vector<16xi32>, vector<16xi32>], vector<16xf32>,
      %mul3A_795 = arith.mulf %gather3A_790, %gather3A_794 : vector<16xf32>
      %add3A_796 = arith.addf %add3A_786, %mul3A_795 : vector<16xf32>
      %add3A_797 = arith.constant 10 : i32
      %add3A_798 = vector.broadcast %add3A_797 : i32 to vector<16xi32>
      %add3A_799 = arith.addi %mul3A_690, %add3A_798 : vector<16xi32>
      %gather3A_800 = tpu.vector_load_idx %arg34[%add3A_683, %add3A_799] : memref<128x128xf32, #tpu.memory_space<vmem>>[vector<16xi32>, vector<16xi32>], vector<16xf32>,
      %add3A_801 = arith.constant 10 : i32
      %add3A_802 = vector.broadcast %add3A_801 : i32 to vector<16xi32>
      %add3A_803 = arith.addi %mul3A_696, %add3A_802 : vector<16xi32>
      %gather3A_804 = tpu.vector_load_idx %arg35[%add3A_683, %add3A_803] : memref<128x128xf32, #tpu.memory_space<vmem>>[vector<16xi32>, vector<16xi32>], vector<16xf32>,
      %mul3A_805 = arith.mulf %gather3A_800, %gather3A_804 : vector<16xf32>
      %add3A_806 = arith.addf %add3A_796, %mul3A_805 : vector<16xf32>
      %add3A_807 = arith.constant 11 : i32
      %add3A_808 = vector.broadcast %add3A_807 : i32 to vector<16xi32>
      %add3A_809 = arith.addi %mul3A_690, %add3A_808 : vector<16xi32>
      %gather3A_810 = tpu.vector_load_idx %arg34[%add3A_683, %add3A_809] : memref<128x128xf32, #tpu.memory_space<vmem>>[vector<16xi32>, vector<16xi32>], vector<16xf32>,
      %add3A_811 = arith.constant 11 : i32
      %add3A_812 = vector.broadcast %add3A_811 : i32 to vector<16xi32>
      %add3A_813 = arith.addi %mul3A_696, %add3A_812 : vector<16xi32>
      %gather3A_814 = tpu.vector_load_idx %arg35[%add3A_683, %add3A_813] : memref<128x128xf32, #tpu.memory_space<vmem>>[vector<16xi32>, vector<16xi32>], vector<16xf32>,
      %mul3A_815 = arith.mulf %gather3A_810, %gather3A_814 : vector<16xf32>
      %add3A_816 = arith.addf %add3A_806, %mul3A_815 : vector<16xf32>
      %add3A_817 = arith.constant 12 : i32
      %add3A_818 = vector.broadcast %add3A_817 : i32 to vector<16xi32>
      %add3A_819 = arith.addi %mul3A_690, %add3A_818 : vector<16xi32>
      %gather3A_820 = tpu.vector_load_idx %arg34[%add3A_683, %add3A_819] : memref<128x128xf32, #tpu.memory_space<vmem>>[vector<16xi32>, vector<16xi32>], vector<16xf32>,
      %add3A_821 = arith.constant 12 : i32
      %add3A_822 = vector.broadcast %add3A_821 : i32 to vector<16xi32>
      %add3A_823 = arith.addi %mul3A_696, %add3A_822 : vector<16xi32>
      %gather3A_824 = tpu.vector_load_idx %arg35[%add3A_683, %add3A_823] : memref<128x128xf32, #tpu.memory_space<vmem>>[vector<16xi32>, vector<16xi32>], vector<16xf32>,
      %mul3A_825 = arith.mulf %gather3A_820, %gather3A_824 : vector<16xf32>
      %add3A_826 = arith.addf %add3A_816, %mul3A_825 : vector<16xf32>
      %add3A_827 = arith.constant 13 : i32
      %add3A_828 = vector.broadcast %add3A_827 : i32 to vector<16xi32>
      %add3A_829 = arith.addi %mul3A_690, %add3A_828 : vector<16xi32>
      %gather3A_830 = tpu.vector_load_idx %arg34[%add3A_683, %add3A_829] : memref<128x128xf32, #tpu.memory_space<vmem>>[vector<16xi32>, vector<16xi32>], vector<16xf32>,
      %add3A_831 = arith.constant 13 : i32
      %add3A_832 = vector.broadcast %add3A_831 : i32 to vector<16xi32>
      %add3A_833 = arith.addi %mul3A_696, %add3A_832 : vector<16xi32>
      %gather3A_834 = tpu.vector_load_idx %arg35[%add3A_683, %add3A_833] : memref<128x128xf32, #tpu.memory_space<vmem>>[vector<16xi32>, vector<16xi32>], vector<16xf32>,
      %mul3A_835 = arith.mulf %gather3A_830, %gather3A_834 : vector<16xf32>
      %add3A_836 = arith.addf %add3A_826, %mul3A_835 : vector<16xf32>
      %add3A_837 = arith.constant 14 : i32
      %add3A_838 = vector.broadcast %add3A_837 : i32 to vector<16xi32>
      %add3A_839 = arith.addi %mul3A_690, %add3A_838 : vector<16xi32>
      %gather3A_840 = tpu.vector_load_idx %arg34[%add3A_683, %add3A_839] : memref<128x128xf32, #tpu.memory_space<vmem>>[vector<16xi32>, vector<16xi32>], vector<16xf32>,
      %add3A_841 = arith.constant 14 : i32
      %add3A_842 = vector.broadcast %add3A_841 : i32 to vector<16xi32>
      %add3A_843 = arith.addi %mul3A_696, %add3A_842 : vector<16xi32>
      %gather3A_844 = tpu.vector_load_idx %arg35[%add3A_683, %add3A_843] : memref<128x128xf32, #tpu.memory_space<vmem>>[vector<16xi32>, vector<16xi32>], vector<16xf32>,
      %mul3A_845 = arith.mulf %gather3A_840, %gather3A_844 : vector<16xf32>
      %add3A_846 = arith.addf %add3A_836, %mul3A_845 : vector<16xf32>
      %add3A_847 = arith.constant 15 : i32
      %add3A_848 = vector.broadcast %add3A_847 : i32 to vector<16xi32>
      %add3A_849 = arith.addi %mul3A_690, %add3A_848 : vector<16xi32>
      %gather3A_850 = tpu.vector_load_idx %arg34[%add3A_683, %add3A_849] : memref<128x128xf32, #tpu.memory_space<vmem>>[vector<16xi32>, vector<16xi32>], vector<16xf32>,
      %add3A_851 = arith.constant 15 : i32
      %add3A_852 = vector.broadcast %add3A_851 : i32 to vector<16xi32>
      %add3A_853 = arith.addi %mul3A_696, %add3A_852 : vector<16xi32>
      %gather3A_854 = tpu.vector_load_idx %arg35[%add3A_683, %add3A_853] : memref<128x128xf32, #tpu.memory_space<vmem>>[vector<16xi32>, vector<16xi32>], vector<16xf32>,
      %mul3A_855 = arith.mulf %gather3A_850, %gather3A_854 : vector<16xf32>
      %add3A_856 = arith.addf %add3A_846, %mul3A_855 : vector<16xf32>
      %add3A_857 = arith.constant 16 : i32
      %add3A_858 = vector.broadcast %add3A_857 : i32 to vector<16xi32>
      %add3A_859 = arith.addi %mul3A_690, %add3A_858 : vector<16xi32>
      %gather3A_860 = tpu.vector_load_idx %arg34[%add3A_683, %add3A_859] : memref<128x128xf32, #tpu.memory_space<vmem>>[vector<16xi32>, vector<16xi32>], vector<16xf32>,
      %add3A_861 = arith.constant 16 : i32
      %add3A_862 = vector.broadcast %add3A_861 : i32 to vector<16xi32>
      %add3A_863 = arith.addi %mul3A_696, %add3A_862 : vector<16xi32>
      %gather3A_864 = tpu.vector_load_idx %arg35[%add3A_683, %add3A_863] : memref<128x128xf32, #tpu.memory_space<vmem>>[vector<16xi32>, vector<16xi32>], vector<16xf32>,
      %mul3A_865 = arith.mulf %gather3A_860, %gather3A_864 : vector<16xf32>
      %add3A_866 = arith.addf %add3A_856, %mul3A_865 : vector<16xf32>
      %add3A_867 = arith.constant 17 : i32
      %add3A_868 = vector.broadcast %add3A_867 : i32 to vector<16xi32>
      %add3A_869 = arith.addi %mul3A_690, %add3A_868 : vector<16xi32>
      %gather3A_870 = tpu.vector_load_idx %arg34[%add3A_683, %add3A_869] : memref<128x128xf32, #tpu.memory_space<vmem>>[vector<16xi32>, vector<16xi32>], vector<16xf32>,
      %add3A_871 = arith.constant 17 : i32
      %add3A_872 = vector.broadcast %add3A_871 : i32 to vector<16xi32>
      %add3A_873 = arith.addi %mul3A_696, %add3A_872 : vector<16xi32>
      %gather3A_874 = tpu.vector_load_idx %arg35[%add3A_683, %add3A_873] : memref<128x128xf32, #tpu.memory_space<vmem>>[vector<16xi32>, vector<16xi32>], vector<16xf32>,
      %mul3A_875 = arith.mulf %gather3A_870, %gather3A_874 : vector<16xf32>
      %add3A_876 = arith.addf %add3A_866, %mul3A_875 : vector<16xf32>
      %add3A_877 = arith.constant 18 : i32
      %add3A_878 = vector.broadcast %add3A_877 : i32 to vector<16xi32>
      %add3A_879 = arith.addi %mul3A_690, %add3A_878 : vector<16xi32>
      %gather3A_880 = tpu.vector_load_idx %arg34[%add3A_683, %add3A_879] : memref<128x128xf32, #tpu.memory_space<vmem>>[vector<16xi32>, vector<16xi32>], vector<16xf32>,
      %add3A_881 = arith.constant 18 : i32
      %add3A_882 = vector.broadcast %add3A_881 : i32 to vector<16xi32>
      %add3A_883 = arith.addi %mul3A_696, %add3A_882 : vector<16xi32>
      %gather3A_884 = tpu.vector_load_idx %arg35[%add3A_683, %add3A_883] : memref<128x128xf32, #tpu.memory_space<vmem>>[vector<16xi32>, vector<16xi32>], vector<16xf32>,
      %mul3A_885 = arith.mulf %gather3A_880, %gather3A_884 : vector<16xf32>
      %add3A_886 = arith.addf %add3A_876, %mul3A_885 : vector<16xf32>
      %add3A_887 = arith.constant 19 : i32
      %add3A_888 = vector.broadcast %add3A_887 : i32 to vector<16xi32>
      %add3A_889 = arith.addi %mul3A_690, %add3A_888 : vector<16xi32>
      %gather3A_890 = tpu.vector_load_idx %arg34[%add3A_683, %add3A_889] : memref<128x128xf32, #tpu.memory_space<vmem>>[vector<16xi32>, vector<16xi32>], vector<16xf32>,
      %add3A_891 = arith.constant 19 : i32
      %add3A_892 = vector.broadcast %add3A_891 : i32 to vector<16xi32>
      %add3A_893 = arith.addi %mul3A_696, %add3A_892 : vector<16xi32>
      %gather3A_894 = tpu.vector_load_idx %arg35[%add3A_683, %add3A_893] : memref<128x128xf32, #tpu.memory_space<vmem>>[vector<16xi32>, vector<16xi32>], vector<16xf32>,
      %mul3A_895 = arith.mulf %gather3A_890, %gather3A_894 : vector<16xf32>
      %add3A_896 = arith.addf %add3A_886, %mul3A_895 : vector<16xf32>
      %add3A_897 = arith.constant 20 : i32
      %add3A_898 = vector.broadcast %add3A_897 : i32 to vector<16xi32>
      %add3A_899 = arith.addi %mul3A_690, %add3A_898 : vector<16xi32>
      %gather3A_900 = tpu.vector_load_idx %arg34[%add3A_683, %add3A_899] : memref<128x128xf32, #tpu.memory_space<vmem>>[vector<16xi32>, vector<16xi32>], vector<16xf32>,
      %add3A_901 = arith.constant 20 : i32
      %add3A_902 = vector.broadcast %add3A_901 : i32 to vector<16xi32>
      %add3A_903 = arith.addi %mul3A_696, %add3A_902 : vector<16xi32>
      %gather3A_904 = tpu.vector_load_idx %arg35[%add3A_683, %add3A_903] : memref<128x128xf32, #tpu.memory_space<vmem>>[vector<16xi32>, vector<16xi32>], vector<16xf32>,
      %mul3A_905 = arith.mulf %gather3A_900, %gather3A_904 : vector<16xf32>
      %add3A_906 = arith.addf %add3A_896, %mul3A_905 : vector<16xf32>
      %add3A_907 = arith.constant 21 : i32
      %add3A_908 = vector.broadcast %add3A_907 : i32 to vector<16xi32>
      %add3A_909 = arith.addi %mul3A_690, %add3A_908 : vector<16xi32>
      %gather3A_910 = tpu.vector_load_idx %arg34[%add3A_683, %add3A_909] : memref<128x128xf32, #tpu.memory_space<vmem>>[vector<16xi32>, vector<16xi32>], vector<16xf32>,
      %add3A_911 = arith.constant 21 : i32
      %add3A_912 = vector.broadcast %add3A_911 : i32 to vector<16xi32>
      %add3A_913 = arith.addi %mul3A_696, %add3A_912 : vector<16xi32>
      %gather3A_914 = tpu.vector_load_idx %arg35[%add3A_683, %add3A_913] : memref<128x128xf32, #tpu.memory_space<vmem>>[vector<16xi32>, vector<16xi32>], vector<16xf32>,
      %mul3A_915 = arith.mulf %gather3A_910, %gather3A_914 : vector<16xf32>
      %add3A_916 = arith.addf %add3A_906, %mul3A_915 : vector<16xf32>
      %add3A_917 = arith.constant 22 : i32
      %add3A_918 = vector.broadcast %add3A_917 : i32 to vector<16xi32>
      %add3A_919 = arith.addi %mul3A_690, %add3A_918 : vector<16xi32>
      %gather3A_920 = tpu.vector_load_idx %arg34[%add3A_683, %add3A_919] : memref<128x128xf32, #tpu.memory_space<vmem>>[vector<16xi32>, vector<16xi32>], vector<16xf32>,
      %add3A_921 = arith.constant 22 : i32
      %add3A_922 = vector.broadcast %add3A_921 : i32 to vector<16xi32>
      %add3A_923 = arith.addi %mul3A_696, %add3A_922 : vector<16xi32>
      %gather3A_924 = tpu.vector_load_idx %arg35[%add3A_683, %add3A_923] : memref<128x128xf32, #tpu.memory_space<vmem>>[vector<16xi32>, vector<16xi32>], vector<16xf32>,
      %mul3A_925 = arith.mulf %gather3A_920, %gather3A_924 : vector<16xf32>
      %add3A_926 = arith.addf %add3A_916, %mul3A_925 : vector<16xf32>
      %add3A_927 = arith.constant 23 : i32
      %add3A_928 = vector.broadcast %add3A_927 : i32 to vector<16xi32>
      %add3A_929 = arith.addi %mul3A_690, %add3A_928 : vector<16xi32>
      %gather3A_930 = tpu.vector_load_idx %arg34[%add3A_683, %add3A_929] : memref<128x128xf32, #tpu.memory_space<vmem>>[vector<16xi32>, vector<16xi32>], vector<16xf32>,
      %add3A_931 = arith.constant 23 : i32
      %add3A_932 = vector.broadcast %add3A_931 : i32 to vector<16xi32>
      %add3A_933 = arith.addi %mul3A_696, %add3A_932 : vector<16xi32>
      %gather3A_934 = tpu.vector_load_idx %arg35[%add3A_683, %add3A_933] : memref<128x128xf32, #tpu.memory_space<vmem>>[vector<16xi32>, vector<16xi32>], vector<16xf32>,
      %mul3A_935 = arith.mulf %gather3A_930, %gather3A_934 : vector<16xf32>
      %add3A_936 = arith.addf %add3A_926, %mul3A_935 : vector<16xf32>
      %add3A_937 = arith.constant 24 : i32
      %add3A_938 = vector.broadcast %add3A_937 : i32 to vector<16xi32>
      %add3A_939 = arith.addi %mul3A_690, %add3A_938 : vector<16xi32>
      %gather3A_940 = tpu.vector_load_idx %arg34[%add3A_683, %add3A_939] : memref<128x128xf32, #tpu.memory_space<vmem>>[vector<16xi32>, vector<16xi32>], vector<16xf32>,
      %add3A_941 = arith.constant 24 : i32
      %add3A_942 = vector.broadcast %add3A_941 : i32 to vector<16xi32>
      %add3A_943 = arith.addi %mul3A_696, %add3A_942 : vector<16xi32>
      %gather3A_944 = tpu.vector_load_idx %arg35[%add3A_683, %add3A_943] : memref<128x128xf32, #tpu.memory_space<vmem>>[vector<16xi32>, vector<16xi32>], vector<16xf32>,
      %mul3A_945 = arith.mulf %gather3A_940, %gather3A_944 : vector<16xf32>
      %add3A_946 = arith.addf %add3A_936, %mul3A_945 : vector<16xf32>
      %add3A_947 = arith.constant 25 : i32
      %add3A_948 = vector.broadcast %add3A_947 : i32 to vector<16xi32>
      %add3A_949 = arith.addi %mul3A_690, %add3A_948 : vector<16xi32>
      %gather3A_950 = tpu.vector_load_idx %arg34[%add3A_683, %add3A_949] : memref<128x128xf32, #tpu.memory_space<vmem>>[vector<16xi32>, vector<16xi32>], vector<16xf32>,
      %add3A_951 = arith.constant 25 : i32
      %add3A_952 = vector.broadcast %add3A_951 : i32 to vector<16xi32>
      %add3A_953 = arith.addi %mul3A_696, %add3A_952 : vector<16xi32>
      %gather3A_954 = tpu.vector_load_idx %arg35[%add3A_683, %add3A_953] : memref<128x128xf32, #tpu.memory_space<vmem>>[vector<16xi32>, vector<16xi32>], vector<16xf32>,
      %mul3A_955 = arith.mulf %gather3A_950, %gather3A_954 : vector<16xf32>
      %add3A_956 = arith.addf %add3A_946, %mul3A_955 : vector<16xf32>
      %add3A_957 = arith.constant 26 : i32
      %add3A_958 = vector.broadcast %add3A_957 : i32 to vector<16xi32>
      %add3A_959 = arith.addi %mul3A_690, %add3A_958 : vector<16xi32>
      %gather3A_960 = tpu.vector_load_idx %arg34[%add3A_683, %add3A_959] : memref<128x128xf32, #tpu.memory_space<vmem>>[vector<16xi32>, vector<16xi32>], vector<16xf32>,
      %add3A_961 = arith.constant 26 : i32
      %add3A_962 = vector.broadcast %add3A_961 : i32 to vector<16xi32>
      %add3A_963 = arith.addi %mul3A_696, %add3A_962 : vector<16xi32>
      %gather3A_964 = tpu.vector_load_idx %arg35[%add3A_683, %add3A_963] : memref<128x128xf32, #tpu.memory_space<vmem>>[vector<16xi32>, vector<16xi32>], vector<16xf32>,
      %mul3A_965 = arith.mulf %gather3A_960, %gather3A_964 : vector<16xf32>
      %add3A_966 = arith.addf %add3A_956, %mul3A_965 : vector<16xf32>
      %add3A_967 = arith.constant 27 : i32
      %add3A_968 = vector.broadcast %add3A_967 : i32 to vector<16xi32>
      %add3A_969 = arith.addi %mul3A_690, %add3A_968 : vector<16xi32>
      %gather3A_970 = tpu.vector_load_idx %arg34[%add3A_683, %add3A_969] : memref<128x128xf32, #tpu.memory_space<vmem>>[vector<16xi32>, vector<16xi32>], vector<16xf32>,
      %add3A_971 = arith.constant 27 : i32
      %add3A_972 = vector.broadcast %add3A_971 : i32 to vector<16xi32>
      %add3A_973 = arith.addi %mul3A_696, %add3A_972 : vector<16xi32>
      %gather3A_974 = tpu.vector_load_idx %arg35[%add3A_683, %add3A_973] : memref<128x128xf32, #tpu.memory_space<vmem>>[vector<16xi32>, vector<16xi32>], vector<16xf32>,
      %mul3A_975 = arith.mulf %gather3A_970, %gather3A_974 : vector<16xf32>
      %add3A_976 = arith.addf %add3A_966, %mul3A_975 : vector<16xf32>
      %add3A_977 = arith.constant 28 : i32
      %add3A_978 = vector.broadcast %add3A_977 : i32 to vector<16xi32>
      %add3A_979 = arith.addi %mul3A_690, %add3A_978 : vector<16xi32>
      %gather3A_980 = tpu.vector_load_idx %arg34[%add3A_683, %add3A_979] : memref<128x128xf32, #tpu.memory_space<vmem>>[vector<16xi32>, vector<16xi32>], vector<16xf32>,
      %add3A_981 = arith.constant 28 : i32
      %add3A_982 = vector.broadcast %add3A_981 : i32 to vector<16xi32>
      %add3A_983 = arith.addi %mul3A_696, %add3A_982 : vector<16xi32>
      %gather3A_984 = tpu.vector_load_idx %arg35[%add3A_683, %add3A_983] : memref<128x128xf32, #tpu.memory_space<vmem>>[vector<16xi32>, vector<16xi32>], vector<16xf32>,
      %mul3A_985 = arith.mulf %gather3A_980, %gather3A_984 : vector<16xf32>
      %add3A_986 = arith.addf %add3A_976, %mul3A_985 : vector<16xf32>
      %add3A_987 = arith.constant 29 : i32
      %add3A_988 = vector.broadcast %add3A_987 : i32 to vector<16xi32>
      %add3A_989 = arith.addi %mul3A_690, %add3A_988 : vector<16xi32>
      %gather3A_990 = tpu.vector_load_idx %arg34[%add3A_683, %add3A_989] : memref<128x128xf32, #tpu.memory_space<vmem>>[vector<16xi32>, vector<16xi32>], vector<16xf32>,
      %add3A_991 = arith.constant 29 : i32
      %add3A_992 = vector.broadcast %add3A_991 : i32 to vector<16xi32>
      %add3A_993 = arith.addi %mul3A_696, %add3A_992 : vector<16xi32>
      %gather3A_994 = tpu.vector_load_idx %arg35[%add3A_683, %add3A_993] : memref<128x128xf32, #tpu.memory_space<vmem>>[vector<16xi32>, vector<16xi32>], vector<16xf32>,
      %mul3A_995 = arith.mulf %gather3A_990, %gather3A_994 : vector<16xf32>
      %add3A_996 = arith.addf %add3A_986, %mul3A_995 : vector<16xf32>
      %add3A_997 = arith.constant 30 : i32
      %add3A_998 = vector.broadcast %add3A_997 : i32 to vector<16xi32>
      %add3A_999 = arith.addi %mul3A_690, %add3A_998 : vector<16xi32>
      %gather3A_1000 = tpu.vector_load_idx %arg34[%add3A_683, %add3A_999] : memref<128x128xf32, #tpu.memory_space<vmem>>[vector<16xi32>, vector<16xi32>], vector<16xf32>,
      %add3A_1001 = arith.constant 30 : i32
      %add3A_1002 = vector.broadcast %add3A_1001 : i32 to vector<16xi32>
      %add3A_1003 = arith.addi %mul3A_696, %add3A_1002 : vector<16xi32>
      %gather3A_1004 = tpu.vector_load_idx %arg35[%add3A_683, %add3A_1003] : memref<128x128xf32, #tpu.memory_space<vmem>>[vector<16xi32>, vector<16xi32>], vector<16xf32>,
      %mul3A_1005 = arith.mulf %gather3A_1000, %gather3A_1004 : vector<16xf32>
      %add3A_1006 = arith.addf %add3A_996, %mul3A_1005 : vector<16xf32>
      %add3A_1007 = arith.constant 31 : i32
      %add3A_1008 = vector.broadcast %add3A_1007 : i32 to vector<16xi32>
      %add3A_1009 = arith.addi %mul3A_690, %add3A_1008 : vector<16xi32>
      %gather3A_1010 = tpu.vector_load_idx %arg34[%add3A_683, %add3A_1009] : memref<128x128xf32, #tpu.memory_space<vmem>>[vector<16xi32>, vector<16xi32>], vector<16xf32>,
      %add3A_1011 = arith.constant 31 : i32
      %add3A_1012 = vector.broadcast %add3A_1011 : i32 to vector<16xi32>
      %add3A_1013 = arith.addi %mul3A_696, %add3A_1012 : vector<16xi32>
      %gather3A_1014 = tpu.vector_load_idx %arg35[%add3A_683, %add3A_1013] : memref<128x128xf32, #tpu.memory_space<vmem>>[vector<16xi32>, vector<16xi32>], vector<16xf32>,
      %mul3A_1015 = arith.mulf %gather3A_1010, %gather3A_1014 : vector<16xf32>
      %add3A_1016 = arith.addf %add3A_1006, %mul3A_1015 : vector<16xf32>
      %and3A_1017 = arith.constant 127 : i32
      %and3A_1018 = vector.broadcast %and3A_1017 : i32 to vector<16xi32>
      %and3A_1019 = arith.andi %gather3A_684, %and3A_1018 : vector<16xi32>
      %gather3A_1020 = tpu.vector_load_idx %arg36[%add3A_683, %and3A_1019] : memref<128x128xf32, #tpu.memory_space<vmem>>[vector<16xi32>, vector<16xi32>], vector<16xf32>,
      %add3A_1021 = arith.addf %add3A_1016, %gather3A_1020 : vector<16xf32>
      %and3A_1022 = arith.constant 127 : i32
      %and3A_1023 = vector.broadcast %and3A_1022 : i32 to vector<16xi32>
      %and3A_1024 = arith.andi %gather3A_685, %and3A_1023 : vector<16xi32>
      %gather3A_1025 = tpu.vector_load_idx %arg37[%add3A_683, %and3A_1024] : memref<128x128xf32, #tpu.memory_space<vmem>>[vector<16xi32>, vector<16xi32>], vector<16xf32>,
      %add3A_1026 = arith.addf %add3A_1021, %gather3A_1025 : vector<16xf32>
      %neg3A = arith.constant 0.000000e+00 : f32
      %neg3A_1027 = vector.broadcast %neg3A : f32 to vector<16xf32>
      %neg3A_1028 = arith.subf %neg3A_1027, %add3A_1026 : vector<16xf32>
      %exp3A = math.exp %neg3A_1028 : vector<16xf32>
      %add3A_1029 = arith.constant 1.000000e+00 : f32
      %add3A_1030 = vector.broadcast %add3A_1029 : f32 to vector<16xf32>
      %add3A_1031 = arith.addf %add3A_1030, %exp3A : vector<16xf32>
      %div3A = arith.constant 4.000000e+00 : f32
      %div3A_1032 = vector.broadcast %div3A : f32 to vector<16xf32>
      %div3A_1033 = arith.divf %div3A_1032, %add3A_1031 : vector<16xf32>
      %add3A_1034 = arith.constant 1.000000e+00 : f32
      %add3A_1035 = vector.broadcast %add3A_1034 : f32 to vector<16xf32>
      %add3A_1036 = arith.addf %add3A_1035, %div3A_1033 : vector<16xf32>
      %add3A_1037 = arith.constant 384 : i32
      %add3A_1038 = vector.broadcast %add3A_1037 : i32 to vector<16xi32>
      %add3A_1039 = arith.addi %add3A_1038, %add3A_683 : vector<16xi32>
      tpu.vector_store_idx %arg39[%add3A_1039], %add3A_1036 : memref<512xf32, #tpu.memory_space<vmem>>[vector<16xi32>], vector<16xf32>,
    }
    %scan3A_678 = arith.constant 8 : i32
    "tpu.region"() ({
      %run_scoped3A = tpu.sem_alloc : memref<!tpu.dma_semaphore, #tpu.memory_space<semaphore_mem>>
      %dma_start3A_679 = tpu.memref_slice %arg9[%mul3A_2] : memref<16384xf32, #tpu.memory_space<hbm>> -> memref<512xf32, #tpu.memory_space<hbm>>
      %dma_start3A_680 = tpu.memref_slice %arg9[%mul3A_2] : memref<16384xf32, #tpu.memory_space<hbm>> -> memref<512xf32, #tpu.memory_space<hbm>>
      tpu.enqueue_dma source(%arg39 : memref<512xf32, #tpu.memory_space<vmem>>) target(%dma_start3A_680 : memref<512xf32, #tpu.memory_space<hbm>>) target_semaphore(%run_scoped3A : memref<!tpu.dma_semaphore, #tpu.memory_space<semaphore_mem>>)
      %dma_wait3A_681 = tpu.memref_slice %arg9[%mul3A_2] : memref<16384xf32, #tpu.memory_space<hbm>> -> memref<512xf32, #tpu.memory_space<hbm>>
      %dma_wait3A_682 = tpu.memref_slice %arg9[%mul3A_2] : memref<16384xf32, #tpu.memory_space<hbm>> -> memref<512xf32, #tpu.memory_space<hbm>>
      tpu.wait_dma2 semaphore(%run_scoped3A : memref<!tpu.dma_semaphore, #tpu.memory_space<semaphore_mem>>) src(%arg39 : memref<512xf32, #tpu.memory_space<vmem>>) dst(%dma_wait3A_682 : memref<512xf32, #tpu.memory_space<hbm>>)
      tpu.yield
    }) : () -> ()
    return
  }
}

</mosaic_0001>

<sc_bundles>
// kernel: kernel.3.cloned.1.call-start
scs
__scs_entry_jumppad:
0x0: {  	(pc) =	sbr.rel $0x88, $3  }
0x1: {  	(tag) =	ssettag $0x0;
	lr =	simm.s32 $0x1  }
0x2: {  	[smem:$0x3F9A] =	sst lr;
	_ =	strace $0xD0000000  }
0x3: {  	_ = 	snop  }
0x4: {  	_ = 	snop  }
0x5: {  	_ = 	snop  }
0x6: {  	_ = 	snop  }
0x7: {  	_ = 	snop  }
__scs_overlays_trampoline_lowered:
0x8: {  	[smem:$0x3FA9] =	sst s0  }
0x9: {  	[smem:$0x3FAA] =	sst s1  }
0xa: {  	[smem:$0x3FAB] =	sst s2  }
0xb: {  	[smem:$0x3FAC] =	sst s3  }
0xc: {  	[smem:$0x3FAD] =	sst s4  }
0xd: {  	[smem:$0x3FAE] =	sst s5  }
0xe: {  	[smem:$0x3FAF] =	sst s6  }
0xf: {  	[smem:$0x3FB0] =	sst s7  }
0x10: {  	[smem:$0x3FB1] =	sst s8  }
0x11: {  	[smem:$0x3FB2] =	sst s9;
	s0 =	simm.s32 @!p0 $0x0  }
0x12: {  	s1 =	sld [smem:$0x3F98];
	s0 =	simm.s32 @p0 $0x1  }
0x13: {  	[smem:$0x3FB3] =	sst s0;
	s0 =	simm.s32 @!p1 $0x0  }
0x14: {  	s2 =	sld [smem:$0x3F97];
	s0 =	simm.s32 @p1 $0x1  }
0x15: {  	[smem:$0x3FB4] =	sst s0;
	s0 =	simm.s32 @!p2 $0x0  }
0x16: {  	s3 =	sld [smem:$0x3FDB];
	s0 =	simm.s32 @p2 $0x1  }
0x17: {  	s4 =	simm.s32 $0x1BF5;
	[smem:$0x3FB6] =	sst s0  }
0x18: {  	s0 =	sld [smem:$0x3F99];
	_ =	swait.ge [sflag:s4], $0x0  }
0x19: {  	s7 =	sld [smem:$0x3F9A]  }
0x1a: {  	s8 =	sadd.s32 $0xFFFFE003, lr  }
0x1b: {  	s9 =	sadd.s32 $0xFFFFFEF7, lr;
	s5 =	simm.s32 $0xFFFFFFFF;
	p2 =	slt.u32 s8, $0xFFFFF086  }
0x1c: {  	p1 =	slt.u32 s9, $0xF7A;
	s5 =	simm.s32 @!p2 $0x0  }
0x1d: {  	s5 =	simm.s32 @p1 $0x1;
	p0 =	seq.s32 s7, s2  }
0x1e: {  	s7 =	smul.u32 @!p0 $0xF7A, s2;
	p2 =	seq.s32 @!p0 s5, $0x0  }
0x1f: {  	s9 =	smul.u32 $0xF7A, s1;
	s8 =	simm.s32 @!p0 $0x1BF5;
	p2 =	por !p2, p0  }
0x20: {  	[sflag:s8] =	ssyncset.s32 @!p0 $0xFFFFF086;
	s6 =	sadd.s32 @!p0 s3, s7;
	s7 =	simm.s32 @!p0 $0x108  }
0x21: {  	s3 =	sadd.s32 s3, s9;
	s6 =	sadd.s32 @!p0 $0x88, s6;
	s7 =	simm.s32 @p2 $0x1082  }
0x22: {  	[simem:s7], [sflag:s8] =	dma.local @!p0 [hbm:s6], $0xF7A  }
0x23: {  	s9 =	sor.u32 $0xD0000000, s2;
	s6 =	simm.s32 $0x108;
	_ =	swait.ge @!p0 [sflag:s8], $0x0  }
0x24: {  	s3 =	sadd.s32 $0x88, s3;
	s6 =	simm.s32 @!p1 $0x1082;
	[sflag:s4] =	ssyncset.s32 $0xFFFFF086  }
0x25: {  	[simem:s6], [sflag:s4] =	dma.local [hbm:s3], $0xF7A  }
0x26: {  	[smem:$0x3F9A] =	sst s1;
	(tag) =	ssettag s2;
	_ =	strace s9  }
0x27: {  	s1 =	sld [smem:$0x3FAA]  }
0x28: {  	s2 =	sld [smem:$0x3FAB]  }
0x29: {  	s4 =	sld [smem:$0x3FAD]  }
0x2a: {  	p0 =	seq.s32 s5, $0x0;
	s5 =	sld [smem:$0x3FAE]  }
0x2b: {  	s6 =	sld [smem:$0x3FAF]  }
0x2c: {  	s7 =	sld [smem:$0x3FB0]  }
0x2d: {  	s3 =	simm.s32 $0x108;
	s8 =	sld [smem:$0x3FB1]  }
0x2e: {  	s3 =	simm.s32 @!p0 $0x1082;
	s9 =	sld [smem:$0x3FB2]  }
0x2f: {  	lr =	sadd.s32 s0, s3;
	s0 =	sld [smem:$0x3FA9]  }
0x30: {  	s3 =	sld [smem:$0x3FAC]  }
0x31: {  	[smem:$0x3FB5] =	sst s10  }
0x32: {  	s10 =	sld [smem:$0x3FB3];
	_ =	sdelay $0x3  }
0x33: {  	p0 =	seq.s32 s10, $0x1;
	s10 =	sld [smem:$0x3FB5];
	_ =	sdelay $0x3  }
0x34: {  	[smem:$0x3FB5] =	sst s10  }
0x35: {  	s10 =	sld [smem:$0x3FB4];
	_ =	sdelay $0x3  }
0x36: {  	p1 =	seq.s32 s10, $0x1;
	s10 =	sld [smem:$0x3FB5];
	_ =	sdelay $0x3  }
0x37: {  	[smem:$0x3FB5] =	sst s10  }
0x38: {  	s10 =	sld [smem:$0x3FB6]  }
0x39: {  	_ = 	snop;
	(pc) =	sbr.ind lr, $3  }
0x3a: {  	_ = 	snop  }
0x3b: {  	_ = 	snop  }
0x3c: {  	p2 =	seq.s32 s10, $0x1;
	s10 =	sld [smem:$0x3FB5]  }
0x3d: {  	_ =	shalt  }
0x3e: {  	_ =	shalt  }
0x3f: {  	_ =	shalt  }
0x40: {  	_ =	shalt  }
0x41: {  	_ =	shalt  }
0x42: {  	_ =	shalt  }
0x43: {  	_ =	shalt  }
0x44: {  	_ =	shalt  }
0x45: {  	_ =	shalt  }
0x46: {  	_ =	shalt  }
0x47: {  	_ =	shalt  }
0x48: {  	_ =	shalt  }
0x49: {  	_ =	shalt  }
0x4a: {  	_ =	shalt  }
0x4b: {  	_ =	shalt  }
0x4c: {  	_ =	shalt  }
0x4d: {  	_ =	shalt  }
0x4e: {  	_ =	shalt  }
0x4f: {  	_ =	shalt  }
0x50: {  	_ =	shalt  }
0x51: {  	_ =	shalt  }
0x52: {  	_ =	shalt  }
0x53: {  	_ =	shalt  }
0x54: {  	_ =	shalt  }
0x55: {  	_ =	shalt  }
0x56: {  	_ =	shalt  }
0x57: {  	_ =	shalt  }
0x58: {  	_ =	shalt  }
0x59: {  	_ =	shalt  }
0x5a: {  	_ =	shalt  }
0x5b: {  	_ =	shalt  }
0x5c: {  	_ =	shalt  }
0x5d: {  	_ =	shalt  }
0x5e: {  	_ =	shalt  }
0x5f: {  	_ =	shalt  }
0x60: {  	_ =	shalt  }
0x61: {  	_ =	shalt  }
0x62: {  	_ =	shalt  }
0x63: {  	_ =	shalt  }
0x64: {  	_ =	shalt  }
0x65: {  	_ =	shalt  }
0x66: {  	_ =	shalt  }
0x67: {  	_ =	shalt  }
0x68: {  	_ =	shalt  }
0x69: {  	_ =	shalt  }
0x6a: {  	_ =	shalt  }
0x6b: {  	_ =	shalt  }
0x6c: {  	_ =	shalt  }
0x6d: {  	_ =	shalt  }
0x6e: {  	_ =	shalt  }
0x6f: {  	_ =	shalt  }
0x70: {  	_ =	shalt  }
0x71: {  	_ =	shalt  }
0x72: {  	_ =	shalt  }
0x73: {  	_ =	shalt  }
0x74: {  	_ =	shalt  }
0x75: {  	_ =	shalt  }
0x76: {  	_ =	shalt  }
0x77: {  	_ =	shalt  }
0x78: {  	_ =	shalt  }
0x79: {  	_ =	shalt  }
0x7a: {  	_ =	shalt  }
0x7b: {  	_ =	shalt  }
0x7c: {  	_ =	shalt  }
0x7d: {  	_ =	shalt  }
0x7e: {  	_ =	shalt  }
0x7f: {  	_ =	shalt  }
0x80: {  	_ =	shalt  }
0x81: {  	_ =	shalt  }
0x82: {  	_ =	shalt  }
0x83: {  	_ =	shalt  }
0x84: {  	_ =	shalt  }
0x85: {  	_ =	shalt  }
0x86: {  	_ =	shalt  }
0x87: {  	_ =	shalt  }
.Lfunc_end0:
.L_simem_size_0:
called_computation.2_lowered:
.L_overlay_start_0:
0x88: {  	s2 =	sld [smem:$0x3FD9]  }
0x89: {  	s3 =	sld [smem:$0x3FFE];
	_ =	sdelay $0x1  }
0x8a: {  	s1 =	srdreg.scid  }
0x8b: {  	s0 =	sand.u32 $0x1, s1  }
0x8c: {  	s17 =	sshll.u32 s0, $0xA;
	s2 =	sadd.s32 s3, s2  }
0x8d: {  	s2 =	sadd.s32 s2, s17  }
0x8e: {  	[smem:$0x3FC1] =	sst s2  }
0x8f: {  	_ = 	snop  }
0x90: {  	s2 =	sld [smem:$0x3FC9]  }
0x91: {  	s18 =	sld [smem:$0x3FC8]  }
0x92: {  	s4 =	sld [smem:$0x3FD0];
	(tm) =	ssettm $0x1  }
0x93: {  	s5 =	sld [smem:$0x3FFB];
	_ =	sdelay $0x3  }
0x94: {  	_ =	strace s5  }
0x95: {  	s5 =	sld [smem:$0x3FFC];
	_ =	sdelay $0x3  }
0x96: {  	_ =	strace s5  }
0x97: {  	s5 =	sld [smem:$0x3FFD];
	_ =	sdelay $0x3  }
0x98: {  	_ =	strace s5  }
0x99: {  	_ =	strace $0x8FFFFFFF  }
0x9a: {  	s19 =	sld [smem:$0x3FDB];
	_ =	sdelay $0x1  }
0x9b: {  	s6 =	simm.s32 $_scs_section_size  }
0x9c: {  	s7 =	simm.s32 $_size__tile_overlayer_lowered;
	s8 =	simm.s32 $_tile_overlayer_lowered  }
0x9d: {  	s22 =	simm.s32 $0x1BFF;
	s21 =	sshll.u32 s8, $0x1;
	s5 =	sadd.s32 s6, s19  }
0x9e: {  	s9 =	simm.s32 $0x0;
	s20 =	sshll.u32 s7, $0x1;
	s7 =	sadd.s32 s21, s5  }
0x9f: {  	[timem:s9], [sflag:s22] =	dma.local [hbm:s7], s20  }
0xa0: {  	_ =	swait.ge [sflag:s22], s20  }
0xa1: {  	s6 =	ssub.s32 $0x0, s20;
	[sflag:s22] =	ssyncset.done $0x0  }
0xa2: {  	[sflag:s22] =	ssyncadd.s32 s6;
	_ =	sdelay $0x1  }
0xa3: {  	s23 =	simm.s32 $0x1B8B  }
0xa4: {  	_ =	swait.ge [sflag:s23], $0x1  }
0xa5: {  	[sflag:s23] =	ssyncset.done $0x0  }
0xa6: {  	s25 =	simm.s32 $0x1B8E;
	s24 =	sld [smem:$0x3FFE];
	[sflag:s23] =	ssyncadd.s32 $0xFFFFFFFF  }
0xa7: {  	s26 =	simm.s32 $execute0_lowered;
	[smem:$0x3FD2] =	sst s25  }
0xa8: {  	s7 =	sshll.u32 s26, $0x1;
	_ =	strace $0x8000004C;
	[dreg:$0x1] =	wrdreg $0xFFFFFFFF  }
0xa9: {  	s28 =	simm.s32 $_size_execute0_lowered;
	s5 =	sadd.s32 s5, s7;
	[dreg:$0x0] =	wrdreg $0x0  }
0xaa: {  	s7 =	sshll.u32 s28, $0x1;
	[dreg:$0x2] =	wrdreg s5  }
0xab: {  	[dreg:$0x3] =	wrdreg s7  }
0xac: {  	[dreg:$0x4] =	wrdreg $0xC0  }
0xad: {  	_ =	task [dreg:s9], $0x5FFFF  }
0xae: {  	[dreg:$0x1] =	wrdreg $0xFFFFFFFF  }
0xaf: {  	[dreg:$0x0] =	wrdreg $0x60  }
0xb0: {  	[dreg:$0x2] =	wrdreg s2  }
0xb1: {  	[dreg:$0x3] =	wrdreg s18  }
0xb2: {  	[dreg:$0x4] =	wrdreg s24  }
0xb3: {  	[dreg:$0x5] =	wrdreg s4  }
0xb4: {  	[dreg:$0x6] =	wrdreg $0x9  }
0xb5: {  	_ =	task.clear_ibuf [dreg:s9], $0x7FFFF;
	_ =	strace $0x9000004C  }
0xb6: {  	s29 =	simm.s32 $0x9;
	_ =	strace $0x8000004E  }
0xb7: {  	_ =	swait.ge [sflag:s29], $0x1  }
0xb8: {  	[sflag:s29] =	ssyncadd.s32 $0xFFFFFFFF  }
0xb9: {  	_ =	strace $0x9000004E  }
0xba: {  	_ =	sfence  }
0xbb: {  	s30 =	sld [smem:$0x0];
	_ =	sdelay $0x2  }
0xbc: {  	s31 =	sshll.u32 s1, $0xD;
	s1 =	sshrl.u32 s1, $0x2  }
0xbd: {  	s3 =	sand.u32 $0x4000, s31;
	s1 =	sadd.s32 s1, s30  }
0xbe: {  	s0 =	sor.u32 s3, s0;
	s1 =	sshll.u32 s1, $0x11  }
0xbf: {  	s0 =	sor.u32 s1, s0  }
0xc0: {  	s0 =	sadd.s32 $0x8F2B, s0  }
0xc1: {  	[sflag:s0] =	ssyncadd.remote.s32 $0x1  }
0xc2: {  	_ =	sfence.sel $0xFFFF  }
0xc3: {  	[dreg:$0x0] =	wrdreg $0xFFFFFFFF;
	(pc) =	sbr.abs _section_cstart, $3  }
0xc4: {  	[dreg:$0x1] =	wrdreg $0xFFFFFFFF  }
0xc5: {  	_ =	task.clear_ibuf [dreg:s9], $0x2FFFF;
	_ =	strace $0x9FFFFFFF  }
0xc6: {  	(tm) =	ssettm $0x7FFFFFFF  }
0xc7: {  	_ =	shalt  }
tec
execute0_lowered:
.L_overlay_start_1:
0x0: {  	(tag) =	ssettag $0x1  }
0x1: {  	s0 =	rddreg [dreg:$0x0]  }
0x2: {  	s2 =	rddreg [dreg:$0x1]  }
0x3: {  	s3 =	rddreg [dreg:$0x2]  }
0x4: {  	s4 =	rddreg [dreg:$0x3];
	s1 =	simm.s32 $0x0  }
0x5: {  	s14 =	srdreg.scid;
	s8 =	stileid.u32;
	s9 =	simm.s32 $0x880  }
0x6: {  	s10 =	simm.s32 $0x900;
	s11 =	simm.s32 $0x980;
	s12 =	simm.s32 $0xA00  }
0x7: {  	s13 =	simm.s32 $0xA80;
	[smem:$0x7FF] =	sst s1;
	s5 =	sadd.s32 $0x1350E00, s3  }
0x8: {  	s6 =	sadd.s32 $0x2255E00, s3;
	_ =	strace $0x8000004D;
	[dreg:$0x5] =	wrdreg s5  }
0x9: {  	s28 =	simm.s32 $0x200;
	s15 =	sadd.s32 $0x1313A00, s3;
	[dreg:$0x6] =	wrdreg s6  }
0xa: {  	s29 =	simm.s32 $0x280;
	s16 =	sadd.s32 $0x1332400, s3;
	[dreg:$0x7] =	wrdreg s15  }
0xb: {  	s8 =	sshll.u32 s8, $0x7;
	s3 =	sadd.s32 $0x1721800, s3;
	[dreg:$0x8] =	wrdreg s16  }
0xc: {  	s5 =	sand.u32 $0x1, s14;
	[dreg:$0x9] =	wrdreg s3;
	s3 =	simm.s32 $0x680  }
0xd: {  	s14 =	simm.s32 $0xB00;
	s15 =	simm.s32 $0xB80;
	s17 =	ssub.s32 $0x2, s5  }
0xe: {  	s16 =	simm.s32 $0xC00;
	s5 =	sshll.u32 s5, $0x6;
	s7 =	sshrl.u32 s17, $0x1  }
0xf: {  	s5 =	sor.u32 s5, s8;
	s8 =	simm.s32 $0x800;
	s18 =	ssub.s32 s17, s7  }
0x10: {  	s19 =	sadd.s32 s0, s5;
	s20 =	sadd.s32 s2, s5;
	s21 =	sor.u32 $0x10, s5  }
0x11: {  	s23 =	sor.u32 $0x20, s5;
	s25 =	sor.u32 $0x30, s5;
	[dreg:$0xa] =	wrdreg s19  }
0x12: {  	s30 =	sadd.s32 s4, s5;
	s7 =	simm.s32 $0x780;
	[dreg:$0xb] =	wrdreg s20  }
0x13: {  	s17 =	simm.s32 $0x4C00;
	s22 =	sadd.s32 s0, s21;
	[dreg:$0x12] =	wrdreg s30  }
0x14: {  	s4 =	simm.s32 $0xCC00;
	s6 =	sadd.s32 s2, s21;
	[dreg:$0xc] =	wrdreg s22  }
0x15: {  	s5 =	simm.s32 $0x1;
	s24 =	sadd.s32 s0, s23;
	[dreg:$0xd] =	wrdreg s6  }
0x16: {  	s0 =	sadd.s32 s0, s25;
	s26 =	sadd.s32 s2, s25;
	[dreg:$0xe] =	wrdreg s24  }
0x17: {  	s31 =	smax.u32 s18, $0x1;
	s19 =	simm.s32 $0x2;
	[dreg:$0x10] =	wrdreg s0  }
0x18: {  	v0 =	vlaneseq.u32;
	s20 =	simm.s32 $0x80;
	s25 =	simm.s32 $0x300;
	[dreg:$0x11] =	wrdreg s26  }
0x19: {  	v1 =	vor.u32 $0x10, v0;
	s21 =	simm.s32 $0x0;
	s6 =	sadd.s32 s2, s23;
	[dreg:$0x13] =	wrdreg s31  }
0x1a: {  	v2 =	vor.u32 $0x20, v0;
	v3 =	vor.u32 $0x30, v0;
	v4 =	vor.u32 $0x40, v0;
	s26 =	simm.s32 $0x380;
	s0 =	simm.s32 $0x600;
	s2 =	simm.s32 $0x8C00  }
0x1b: {  	v5 =	vor.u32 $0x50, v0;
	v6 =	vor.u32 $0x60, v0;
	v7 =	vor.u32 $0x70, v0;
	s24 =	simm.s32 $0x180;
	[dreg:$0xf] =	wrdreg s6;
	s6 =	simm.s32 $0x10C80  }
.LBB2_1:
0x1c: {  	s22 =	rddreg [dreg:$0x9];
	s23 =	simm.s32 $0x10C00  }
0x1d: {  	[tilespmem:s23], [sflag:$0x2] =	stream.linear.gather [hbm4b:s22+s1], $0x80, $0x38;
	[tilespmem:$0x10E80] =	vst v63  }
0x1e: {  	_ =	swait.ge [sflag:s19], $0x80  }
0x1f: {  	[sflag:s19] =	ssyncset.done $0x0  }
0x20: {  	s18 =	rddreg [dreg:$0xa];
	[sflag:s19] =	ssyncadd.s32 $0xFFFFFF80  }
0x21: {  	[tilespmem:s1], [sflag:$0x2] =	stream.linear.gather [hbm4b:s18+s1], $0x80, $0x38;
	[tilespmem:$0x10E80] =	vst v63  }
0x22: {  	_ =	swait.ge [sflag:s19], $0x80  }
0x23: {  	[sflag:s19] =	ssyncset.done $0x0  }
0x24: {  	s23 =	rddreg [dreg:$0xb];
	[sflag:s19] =	ssyncadd.s32 $0xFFFFFF80  }
0x25: {  	[tilespmem:s20], [sflag:$0x2] =	stream.linear.gather [hbm4b:s23+s1], $0x80, $0x38;
	[tilespmem:$0x10E80] =	vst v63  }
0x26: {  	_ =	swait.ge [sflag:s19], $0x80  }
0x27: {  	[sflag:s19] =	ssyncset.done $0x0  }
0x28: {  	[sflag:s19] =	ssyncadd.s32 $0xFFFFFF80  }
0x29: {  	v8 =	vld.idx.msk [tilespmem:v0+s1+$0x0], $0xffff  }
0x2a: {  	v9 =	vld.idx.msk [tilespmem:v0+s20+$0x0], $0xffff;
	_ =	sdelay $0x3  }
0x2b: {  	s23 =	simm.s32 $0x100;
	v10 =	vshrl.u32 v8, $0x2  }
0x2c: {  	[tilespmem:v0+s23+$0x0] =	vst.idx.msk $0xffff, v10;
	v10 =	vshrl.u32 v9, $0x2  }
0x2d: {  	v8 =	vshrl.u32 v8, $0x7;
	[tilespmem:v0+s24+$0x0] =	vst.idx.msk $0xffff, v10  }
0x2e: {  	[tilespmem:v0+s28+$0x0] =	vst.idx.msk $0xffff, v8;
	v8 =	vshrl.u32 v9, $0x7  }
0x2f: {  	[tilespmem:v0+s29+$0x0] =	vst.idx.msk $0xffff, v8  }
0x30: {  	v8 =	vld.idx.msk [tilespmem:v1+s1+$0x0], $0xffff  }
0x31: {  	v9 =	vld.idx.msk [tilespmem:v1+s20+$0x0], $0xffff;
	_ =	sdelay $0x3  }
0x32: {  	v10 =	vshrl.u32 v8, $0x2  }
0x33: {  	[tilespmem:v1+s23+$0x0] =	vst.idx.msk $0xffff, v10;
	v10 =	vshrl.u32 v9, $0x2  }
0x34: {  	v8 =	vshrl.u32 v8, $0x7;
	[tilespmem:v1+s24+$0x0] =	vst.idx.msk $0xffff, v10  }
0x35: {  	[tilespmem:v1+s28+$0x0] =	vst.idx.msk $0xffff, v8;
	v8 =	vshrl.u32 v9, $0x7  }
0x36: {  	[tilespmem:v1+s29+$0x0] =	vst.idx.msk $0xffff, v8  }
0x37: {  	v8 =	vld.idx.msk [tilespmem:v2+s1+$0x0], $0xffff  }
0x38: {  	v9 =	vld.idx.msk [tilespmem:v2+s20+$0x0], $0xffff;
	_ =	sdelay $0x3  }
0x39: {  	v10 =	vshrl.u32 v8, $0x2  }
0x3a: {  	[tilespmem:v2+s23+$0x0] =	vst.idx.msk $0xffff, v10;
	v10 =	vshrl.u32 v9, $0x2  }
0x3b: {  	v8 =	vshrl.u32 v8, $0x7;
	[tilespmem:v2+s24+$0x0] =	vst.idx.msk $0xffff, v10  }
0x3c: {  	[tilespmem:v2+s28+$0x0] =	vst.idx.msk $0xffff, v8;
	v8 =	vshrl.u32 v9, $0x7  }
0x3d: {  	[tilespmem:v2+s29+$0x0] =	vst.idx.msk $0xffff, v8  }
0x3e: {  	v8 =	vld.idx.msk [tilespmem:v3+s1+$0x0], $0xffff  }
0x3f: {  	v9 =	vld.idx.msk [tilespmem:v3+s20+$0x0], $0xffff;
	_ =	sdelay $0x3  }
0x40: {  	v10 =	vshrl.u32 v8, $0x2  }
0x41: {  	[tilespmem:v3+s23+$0x0] =	vst.idx.msk $0xffff, v10;
	v10 =	vshrl.u32 v9, $0x2  }
0x42: {  	v8 =	vshrl.u32 v8, $0x7;
	[tilespmem:v3+s24+$0x0] =	vst.idx.msk $0xffff, v10  }
0x43: {  	[tilespmem:v3+s28+$0x0] =	vst.idx.msk $0xffff, v8;
	v8 =	vshrl.u32 v9, $0x7  }
0x44: {  	[tilespmem:v3+s29+$0x0] =	vst.idx.msk $0xffff, v8  }
0x45: {  	v8 =	vld.idx.msk [tilespmem:v4+s1+$0x0], $0xffff  }
0x46: {  	v9 =	vld.idx.msk [tilespmem:v4+s20+$0x0], $0xffff;
	_ =	sdelay $0x3  }
0x47: {  	v10 =	vshrl.u32 v8, $0x2  }
0x48: {  	[tilespmem:v4+s23+$0x0] =	vst.idx.msk $0xffff, v10;
	v10 =	vshrl.u32 v9, $0x2  }
0x49: {  	v8 =	vshrl.u32 v8, $0x7;
	[tilespmem:v4+s24+$0x0] =	vst.idx.msk $0xffff, v10  }
0x4a: {  	[tilespmem:v4+s28+$0x0] =	vst.idx.msk $0xffff, v8;
	v8 =	vshrl.u32 v9, $0x7  }
0x4b: {  	[tilespmem:v4+s29+$0x0] =	vst.idx.msk $0xffff, v8  }
0x4c: {  	v8 =	vld.idx.msk [tilespmem:v5+s1+$0x0], $0xffff  }
0x4d: {  	v9 =	vld.idx.msk [tilespmem:v5+s20+$0x0], $0xffff;
	_ =	sdelay $0x3  }
0x4e: {  	v10 =	vshrl.u32 v8, $0x2  }
0x4f: {  	[tilespmem:v5+s23+$0x0] =	vst.idx.msk $0xffff, v10;
	v10 =	vshrl.u32 v9, $0x2  }
0x50: {  	v8 =	vshrl.u32 v8, $0x7;
	[tilespmem:v5+s24+$0x0] =	vst.idx.msk $0xffff, v10  }
0x51: {  	[tilespmem:v5+s28+$0x0] =	vst.idx.msk $0xffff, v8;
	v8 =	vshrl.u32 v9, $0x7  }
0x52: {  	[tilespmem:v5+s29+$0x0] =	vst.idx.msk $0xffff, v8  }
0x53: {  	v8 =	vld.idx.msk [tilespmem:v6+s1+$0x0], $0xffff  }
0x54: {  	v9 =	vld.idx.msk [tilespmem:v6+s20+$0x0], $0xffff;
	_ =	sdelay $0x3  }
0x55: {  	v10 =	vshrl.u32 v8, $0x2  }
0x56: {  	[tilespmem:v6+s23+$0x0] =	vst.idx.msk $0xffff, v10;
	v10 =	vshrl.u32 v9, $0x2  }
0x57: {  	v8 =	vshrl.u32 v8, $0x7;
	[tilespmem:v6+s24+$0x0] =	vst.idx.msk $0xffff, v10  }
0x58: {  	[tilespmem:v6+s28+$0x0] =	vst.idx.msk $0xffff, v8;
	v8 =	vshrl.u32 v9, $0x7  }
0x59: {  	[tilespmem:v6+s29+$0x0] =	vst.idx.msk $0xffff, v8  }
0x5a: {  	v8 =	vld.idx.msk [tilespmem:v7+s1+$0x0], $0xffff  }
0x5b: {  	v9 =	vld.idx.msk [tilespmem:v7+s20+$0x0], $0xffff;
	_ =	sdelay $0x3  }
0x5c: {  	v10 =	vshrl.u32 v8, $0x2  }
0x5d: {  	[tilespmem:v7+s23+$0x0] =	vst.idx.msk $0xffff, v10;
	v10 =	vshrl.u32 v9, $0x2  }
0x5e: {  	v8 =	vshrl.u32 v8, $0x7;
	[tilespmem:v7+s24+$0x0] =	vst.idx.msk $0xffff, v10  }
0x5f: {  	[tilespmem:v7+s28+$0x0] =	vst.idx.msk $0xffff, v8;
	v8 =	vshrl.u32 v9, $0x7  }
0x60: {  	s18 =	rddreg [dreg:$0xc];
	[tilespmem:v7+s29+$0x0] =	vst.idx.msk $0xffff, v8  }
0x61: {  	[tilespmem:s25], [sflag:$0x2] =	stream.linear.gather [hbm4b:s18+s1], $0x80, $0x38;
	[tilespmem:$0x10E80] =	vst v63  }
0x62: {  	_ =	swait.ge [sflag:s19], $0x80  }
0x63: {  	[sflag:s19] =	ssyncset.done $0x0  }
0x64: {  	s18 =	rddreg [dreg:$0xd];
	[sflag:s19] =	ssyncadd.s32 $0xFFFFFF80  }
0x65: {  	[tilespmem:s26], [sflag:$0x2] =	stream.linear.gather [hbm4b:s18+s1], $0x80, $0x38;
	[tilespmem:$0x10E80] =	vst v63  }
0x66: {  	_ =	swait.ge [sflag:s19], $0x80  }
0x67: {  	[sflag:s19] =	ssyncset.done $0x0  }
0x68: {  	[sflag:s19] =	ssyncadd.s32 $0xFFFFFF80  }
0x69: {  	v8 =	vld.idx.msk [tilespmem:v0+s25+$0x0], $0xffff  }
0x6a: {  	v9 =	vld.idx.msk [tilespmem:v0+s26+$0x0], $0xffff;
	_ =	sdelay $0x3  }
0x6b: {  	s22 =	simm.s32 $0x400;
	v10 =	vshrl.u32 v8, $0x2  }
0x6c: {  	s30 =	simm.s32 $0x480;
	[tilespmem:v0+s22+$0x0] =	vst.idx.msk $0xffff, v10;
	v10 =	vshrl.u32 v9, $0x2  }
0x6d: {  	s31 =	simm.s32 $0x500;
	v8 =	vshrl.u32 v8, $0x7;
	[tilespmem:v0+s30+$0x0] =	vst.idx.msk $0xffff, v10  }
0x6e: {  	s18 =	simm.s32 $0x580;
	[tilespmem:v0+s31+$0x0] =	vst.idx.msk $0xffff, v8;
	v8 =	vshrl.u32 v9, $0x7  }
0x6f: {  	[tilespmem:v0+s18+$0x0] =	vst.idx.msk $0xffff, v8  }
0x70: {  	v8 =	vld.idx.msk [tilespmem:v1+s25+$0x0], $0xffff  }
0x71: {  	v9 =	vld.idx.msk [tilespmem:v1+s26+$0x0], $0xffff;
	_ =	sdelay $0x3  }
0x72: {  	v10 =	vshrl.u32 v8, $0x2  }
0x73: {  	[tilespmem:v1+s22+$0x0] =	vst.idx.msk $0xffff, v10;
	v10 =	vshrl.u32 v9, $0x2  }
0x74: {  	v8 =	vshrl.u32 v8, $0x7;
	[tilespmem:v1+s30+$0x0] =	vst.idx.msk $0xffff, v10  }
0x75: {  	[tilespmem:v1+s31+$0x0] =	vst.idx.msk $0xffff, v8;
	v8 =	vshrl.u32 v9, $0x7  }
0x76: {  	[tilespmem:v1+s18+$0x0] =	vst.idx.msk $0xffff, v8  }
0x77: {  	v8 =	vld.idx.msk [tilespmem:v2+s25+$0x0], $0xffff  }
0x78: {  	v9 =	vld.idx.msk [tilespmem:v2+s26+$0x0], $0xffff;
	_ =	sdelay $0x3  }
0x79: {  	v10 =	vshrl.u32 v8, $0x2  }
0x7a: {  	[tilespmem:v2+s22+$0x0] =	vst.idx.msk $0xffff, v10;
	v10 =	vshrl.u32 v9, $0x2  }
0x7b: {  	v8 =	vshrl.u32 v8, $0x7;
	[tilespmem:v2+s30+$0x0] =	vst.idx.msk $0xffff, v10  }
0x7c: {  	[tilespmem:v2+s31+$0x0] =	vst.idx.msk $0xffff, v8;
	v8 =	vshrl.u32 v9, $0x7  }
0x7d: {  	[tilespmem:v2+s18+$0x0] =	vst.idx.msk $0xffff, v8  }
0x7e: {  	v8 =	vld.idx.msk [tilespmem:v3+s25+$0x0], $0xffff  }
0x7f: {  	v9 =	vld.idx.msk [tilespmem:v3+s26+$0x0], $0xffff;
	_ =	sdelay $0x3  }
0x80: {  	v10 =	vshrl.u32 v8, $0x2  }
0x81: {  	[tilespmem:v3+s22+$0x0] =	vst.idx.msk $0xffff, v10;
	v10 =	vshrl.u32 v9, $0x2  }
0x82: {  	v8 =	vshrl.u32 v8, $0x7;
	[tilespmem:v3+s30+$0x0] =	vst.idx.msk $0xffff, v10  }
0x83: {  	[tilespmem:v3+s31+$0x0] =	vst.idx.msk $0xffff, v8;
	v8 =	vshrl.u32 v9, $0x7  }
0x84: {  	[tilespmem:v3+s18+$0x0] =	vst.idx.msk $0xffff, v8  }
0x85: {  	v8 =	vld.idx.msk [tilespmem:v4+s25+$0x0], $0xffff  }
0x86: {  	v9 =	vld.idx.msk [tilespmem:v4+s26+$0x0], $0xffff;
	_ =	sdelay $0x3  }
0x87: {  	v10 =	vshrl.u32 v8, $0x2  }
0x88: {  	[tilespmem:v4+s22+$0x0] =	vst.idx.msk $0xffff, v10;
	v10 =	vshrl.u32 v9, $0x2  }
0x89: {  	v8 =	vshrl.u32 v8, $0x7;
	[tilespmem:v4+s30+$0x0] =	vst.idx.msk $0xffff, v10  }
0x8a: {  	[tilespmem:v4+s31+$0x0] =	vst.idx.msk $0xffff, v8;
	v8 =	vshrl.u32 v9, $0x7  }
0x8b: {  	[tilespmem:v4+s18+$0x0] =	vst.idx.msk $0xffff, v8  }
0x8c: {  	v8 =	vld.idx.msk [tilespmem:v5+s25+$0x0], $0xffff  }
0x8d: {  	v9 =	vld.idx.msk [tilespmem:v5+s26+$0x0], $0xffff;
	_ =	sdelay $0x3  }
0x8e: {  	v10 =	vshrl.u32 v8, $0x2  }
0x8f: {  	[tilespmem:v5+s22+$0x0] =	vst.idx.msk $0xffff, v10;
	v10 =	vshrl.u32 v9, $0x2  }
0x90: {  	v8 =	vshrl.u32 v8, $0x7;
	[tilespmem:v5+s30+$0x0] =	vst.idx.msk $0xffff, v10  }
0x91: {  	[tilespmem:v5+s31+$0x0] =	vst.idx.msk $0xffff, v8;
	v8 =	vshrl.u32 v9, $0x7  }
0x92: {  	[tilespmem:v5+s18+$0x0] =	vst.idx.msk $0xffff, v8  }
0x93: {  	v8 =	vld.idx.msk [tilespmem:v6+s25+$0x0], $0xffff  }
0x94: {  	v9 =	vld.idx.msk [tilespmem:v6+s26+$0x0], $0xffff;
	_ =	sdelay $0x3  }
0x95: {  	v10 =	vshrl.u32 v8, $0x2  }
0x96: {  	[tilespmem:v6+s22+$0x0] =	vst.idx.msk $0xffff, v10;
	v10 =	vshrl.u32 v9, $0x2  }
0x97: {  	v8 =	vshrl.u32 v8, $0x7;
	[tilespmem:v6+s30+$0x0] =	vst.idx.msk $0xffff, v10  }
0x98: {  	[tilespmem:v6+s31+$0x0] =	vst.idx.msk $0xffff, v8;
	v8 =	vshrl.u32 v9, $0x7  }
0x99: {  	[tilespmem:v6+s18+$0x0] =	vst.idx.msk $0xffff, v8  }
0x9a: {  	v8 =	vld.idx.msk [tilespmem:v7+s25+$0x0], $0xffff  }
0x9b: {  	v9 =	vld.idx.msk [tilespmem:v7+s26+$0x0], $0xffff;
	_ =	sdelay $0x3  }
0x9c: {  	v10 =	vshrl.u32 v8, $0x2  }
0x9d: {  	[tilespmem:v7+s22+$0x0] =	vst.idx.msk $0xffff, v10;
	v10 =	vshrl.u32 v9, $0x2  }
0x9e: {  	v8 =	vshrl.u32 v8, $0x7;
	[tilespmem:v7+s30+$0x0] =	vst.idx.msk $0xffff, v10  }
0x9f: {  	[tilespmem:v7+s31+$0x0] =	vst.idx.msk $0xffff, v8;
	v8 =	vshrl.u32 v9, $0x7  }
0xa0: {  	s22 =	rddreg [dreg:$0xe];
	[tilespmem:v7+s18+$0x0] =	vst.idx.msk $0xffff, v8  }
0xa1: {  	[tilespmem:s0], [sflag:$0x2] =	stream.linear.gather [hbm4b:s22+s1], $0x80, $0x38;
	[tilespmem:$0x10E80] =	vst v63  }
0xa2: {  	_ =	swait.ge [sflag:s19], $0x80  }
0xa3: {  	[sflag:s19] =	ssyncset.done $0x0  }
0xa4: {  	s22 =	rddreg [dreg:$0xf];
	[sflag:s19] =	ssyncadd.s32 $0xFFFFFF80  }
0xa5: {  	[tilespmem:s3], [sflag:$0x2] =	stream.linear.gather [hbm4b:s22+s1], $0x80, $0x38;
	[tilespmem:$0x10E80] =	vst v63  }
0xa6: {  	_ =	swait.ge [sflag:s19], $0x80  }
0xa7: {  	[sflag:s19] =	ssyncset.done $0x0  }
0xa8: {  	[sflag:s19] =	ssyncadd.s32 $0xFFFFFF80  }
0xa9: {  	v8 =	vld.idx.msk [tilespmem:v0+s0+$0x0], $0xffff  }
0xaa: {  	v9 =	vld.idx.msk [tilespmem:v0+s3+$0x0], $0xffff;
	_ =	sdelay $0x3  }
0xab: {  	s18 =	simm.s32 $0x700;
	v10 =	vshrl.u32 v8, $0x2  }
0xac: {  	[tilespmem:v0+s18+$0x0] =	vst.idx.msk $0xffff, v10;
	v10 =	vshrl.u32 v9, $0x2  }
0xad: {  	v8 =	vshrl.u32 v8, $0x7;
	[tilespmem:v0+s7+$0x0] =	vst.idx.msk $0xffff, v10  }
0xae: {  	[tilespmem:v0+s8+$0x0] =	vst.idx.msk $0xffff, v8;
	v8 =	vshrl.u32 v9, $0x7  }
0xaf: {  	[tilespmem:v0+s9+$0x0] =	vst.idx.msk $0xffff, v8  }
0xb0: {  	v8 =	vld.idx.msk [tilespmem:v1+s0+$0x0], $0xffff  }
0xb1: {  	v9 =	vld.idx.msk [tilespmem:v1+s3+$0x0], $0xffff;
	_ =	sdelay $0x3  }
0xb2: {  	v10 =	vshrl.u32 v8, $0x2  }
0xb3: {  	[tilespmem:v1+s18+$0x0] =	vst.idx.msk $0xffff, v10;
	v10 =	vshrl.u32 v9, $0x2  }
0xb4: {  	v8 =	vshrl.u32 v8, $0x7;
	[tilespmem:v1+s7+$0x0] =	vst.idx.msk $0xffff, v10  }
0xb5: {  	[tilespmem:v1+s8+$0x0] =	vst.idx.msk $0xffff, v8;
	v8 =	vshrl.u32 v9, $0x7  }
0xb6: {  	[tilespmem:v1+s9+$0x0] =	vst.idx.msk $0xffff, v8  }
0xb7: {  	v8 =	vld.idx.msk [tilespmem:v2+s0+$0x0], $0xffff  }
0xb8: {  	v9 =	vld.idx.msk [tilespmem:v2+s3+$0x0], $0xffff;
	_ =	sdelay $0x3  }
0xb9: {  	v10 =	vshrl.u32 v8, $0x2  }
0xba: {  	[tilespmem:v2+s18+$0x0] =	vst.idx.msk $0xffff, v10;
	v10 =	vshrl.u32 v9, $0x2  }
0xbb: {  	v8 =	vshrl.u32 v8, $0x7;
	[tilespmem:v2+s7+$0x0] =	vst.idx.msk $0xffff, v10  }
0xbc: {  	[tilespmem:v2+s8+$0x0] =	vst.idx.msk $0xffff, v8;
	v8 =	vshrl.u32 v9, $0x7  }
0xbd: {  	[tilespmem:v2+s9+$0x0] =	vst.idx.msk $0xffff, v8  }
0xbe: {  	v8 =	vld.idx.msk [tilespmem:v3+s0+$0x0], $0xffff  }
0xbf: {  	v9 =	vld.idx.msk [tilespmem:v3+s3+$0x0], $0xffff;
	_ =	sdelay $0x3  }
0xc0: {  	v10 =	vshrl.u32 v8, $0x2  }
0xc1: {  	[tilespmem:v3+s18+$0x0] =	vst.idx.msk $0xffff, v10;
	v10 =	vshrl.u32 v9, $0x2  }
0xc2: {  	v8 =	vshrl.u32 v8, $0x7;
	[tilespmem:v3+s7+$0x0] =	vst.idx.msk $0xffff, v10  }
0xc3: {  	[tilespmem:v3+s8+$0x0] =	vst.idx.msk $0xffff, v8;
	v8 =	vshrl.u32 v9, $0x7  }
0xc4: {  	[tilespmem:v3+s9+$0x0] =	vst.idx.msk $0xffff, v8  }
0xc5: {  	v8 =	vld.idx.msk [tilespmem:v4+s0+$0x0], $0xffff  }
0xc6: {  	v9 =	vld.idx.msk [tilespmem:v4+s3+$0x0], $0xffff;
	_ =	sdelay $0x3  }
0xc7: {  	v10 =	vshrl.u32 v8, $0x2  }
0xc8: {  	[tilespmem:v4+s18+$0x0] =	vst.idx.msk $0xffff, v10;
	v10 =	vshrl.u32 v9, $0x2  }
0xc9: {  	v8 =	vshrl.u32 v8, $0x7;
	[tilespmem:v4+s7+$0x0] =	vst.idx.msk $0xffff, v10  }
0xca: {  	[tilespmem:v4+s8+$0x0] =	vst.idx.msk $0xffff, v8;
	v8 =	vshrl.u32 v9, $0x7  }
0xcb: {  	[tilespmem:v4+s9+$0x0] =	vst.idx.msk $0xffff, v8  }
0xcc: {  	v8 =	vld.idx.msk [tilespmem:v5+s0+$0x0], $0xffff  }
0xcd: {  	v9 =	vld.idx.msk [tilespmem:v5+s3+$0x0], $0xffff;
	_ =	sdelay $0x3  }
0xce: {  	v10 =	vshrl.u32 v8, $0x2  }
0xcf: {  	[tilespmem:v5+s18+$0x0] =	vst.idx.msk $0xffff, v10;
	v10 =	vshrl.u32 v9, $0x2  }
0xd0: {  	v8 =	vshrl.u32 v8, $0x7;
	[tilespmem:v5+s7+$0x0] =	vst.idx.msk $0xffff, v10  }
0xd1: {  	[tilespmem:v5+s8+$0x0] =	vst.idx.msk $0xffff, v8;
	v8 =	vshrl.u32 v9, $0x7  }
0xd2: {  	[tilespmem:v5+s9+$0x0] =	vst.idx.msk $0xffff, v8  }
0xd3: {  	v8 =	vld.idx.msk [tilespmem:v6+s0+$0x0], $0xffff  }
0xd4: {  	v9 =	vld.idx.msk [tilespmem:v6+s3+$0x0], $0xffff;
	_ =	sdelay $0x3  }
0xd5: {  	v10 =	vshrl.u32 v8, $0x2  }
0xd6: {  	[tilespmem:v6+s18+$0x0] =	vst.idx.msk $0xffff, v10;
	v10 =	vshrl.u32 v9, $0x2  }
0xd7: {  	v8 =	vshrl.u32 v8, $0x7;
	[tilespmem:v6+s7+$0x0] =	vst.idx.msk $0xffff, v10  }
0xd8: {  	[tilespmem:v6+s8+$0x0] =	vst.idx.msk $0xffff, v8;
	v8 =	vshrl.u32 v9, $0x7  }
0xd9: {  	[tilespmem:v6+s9+$0x0] =	vst.idx.msk $0xffff, v8  }
0xda: {  	v8 =	vld.idx.msk [tilespmem:v7+s0+$0x0], $0xffff  }
0xdb: {  	v9 =	vld.idx.msk [tilespmem:v7+s3+$0x0], $0xffff;
	_ =	sdelay $0x3  }
0xdc: {  	v10 =	vshrl.u32 v8, $0x2  }
0xdd: {  	[tilespmem:v7+s18+$0x0] =	vst.idx.msk $0xffff, v10;
	v10 =	vshrl.u32 v9, $0x2  }
0xde: {  	v8 =	vshrl.u32 v8, $0x7;
	[tilespmem:v7+s7+$0x0] =	vst.idx.msk $0xffff, v10  }
0xdf: {  	[tilespmem:v7+s8+$0x0] =	vst.idx.msk $0xffff, v8;
	v8 =	vshrl.u32 v9, $0x7  }
0xe0: {  	s22 =	rddreg [dreg:$0x10];
	[tilespmem:v7+s9+$0x0] =	vst.idx.msk $0xffff, v8  }
0xe1: {  	[tilespmem:s10], [sflag:$0x2] =	stream.linear.gather [hbm4b:s22+s1], $0x80, $0x38;
	[tilespmem:$0x10E80] =	vst v63  }
0xe2: {  	_ =	swait.ge [sflag:s19], $0x80  }
0xe3: {  	[sflag:s19] =	ssyncset.done $0x0  }
0xe4: {  	s22 =	rddreg [dreg:$0x11];
	[sflag:s19] =	ssyncadd.s32 $0xFFFFFF80  }
0xe5: {  	[tilespmem:s11], [sflag:$0x2] =	stream.linear.gather [hbm4b:s22+s1], $0x80, $0x38;
	[tilespmem:$0x10E80] =	vst v63  }
0xe6: {  	_ =	swait.ge [sflag:s19], $0x80  }
0xe7: {  	[sflag:s19] =	ssyncset.done $0x0  }
0xe8: {  	[sflag:s19] =	ssyncadd.s32 $0xFFFFFF80  }
0xe9: {  	v8 =	vld.idx.msk [tilespmem:v0+s10+$0x0], $0xffff  }
0xea: {  	v9 =	vld.idx.msk [tilespmem:v0+s11+$0x0], $0xffff;
	_ =	sdelay $0x3  }
0xeb: {  	v10 =	vshrl.u32 v8, $0x2  }
0xec: {  	[tilespmem:v0+s12+$0x0] =	vst.idx.msk $0xffff, v10;
	v10 =	vshrl.u32 v9, $0x2  }
0xed: {  	v8 =	vshrl.u32 v8, $0x7;
	[tilespmem:v0+s13+$0x0] =	vst.idx.msk $0xffff, v10  }
0xee: {  	[tilespmem:v0+s14+$0x0] =	vst.idx.msk $0xffff, v8;
	v8 =	vshrl.u32 v9, $0x7  }
0xef: {  	[tilespmem:v0+s15+$0x0] =	vst.idx.msk $0xffff, v8  }
0xf0: {  	v8 =	vld.idx.msk [tilespmem:v1+s10+$0x0], $0xffff  }
0xf1: {  	v9 =	vld.idx.msk [tilespmem:v1+s11+$0x0], $0xffff;
	_ =	sdelay $0x3  }
0xf2: {  	v10 =	vshrl.u32 v8, $0x2  }
0xf3: {  	[tilespmem:v1+s12+$0x0] =	vst.idx.msk $0xffff, v10;
	v10 =	vshrl.u32 v9, $0x2  }
0xf4: {  	v8 =	vshrl.u32 v8, $0x7;
	[tilespmem:v1+s13+$0x0] =	vst.idx.msk $0xffff, v10  }
0xf5: {  	[tilespmem:v1+s14+$0x0] =	vst.idx.msk $0xffff, v8;
	v8 =	vshrl.u32 v9, $0x7  }
0xf6: {  	[tilespmem:v1+s15+$0x0] =	vst.idx.msk $0xffff, v8  }
0xf7: {  	v8 =	vld.idx.msk [tilespmem:v2+s10+$0x0], $0xffff  }
0xf8: {  	v9 =	vld.idx.msk [tilespmem:v2+s11+$0x0], $0xffff;
	_ =	sdelay $0x3  }
0xf9: {  	v10 =	vshrl.u32 v8, $0x2  }
0xfa: {  	[tilespmem:v2+s12+$0x0] =	vst.idx.msk $0xffff, v10;
	v10 =	vshrl.u32 v9, $0x2  }
0xfb: {  	v8 =	vshrl.u32 v8, $0x7;
	[tilespmem:v2+s13+$0x0] =	vst.idx.msk $0xffff, v10  }
0xfc: {  	[tilespmem:v2+s14+$0x0] =	vst.idx.msk $0xffff, v8;
	v8 =	vshrl.u32 v9, $0x7  }
0xfd: {  	[tilespmem:v2+s15+$0x0] =	vst.idx.msk $0xffff, v8  }
0xfe: {  	v8 =	vld.idx.msk [tilespmem:v3+s10+$0x0], $0xffff  }
0xff: {  	v9 =	vld.idx.msk [tilespmem:v3+s11+$0x0], $0xffff;
	_ =	sdelay $0x3  }
0x100: {  	v10 =	vshrl.u32 v8, $0x2  }
0x101: {  	[tilespmem:v3+s12+$0x0] =	vst.idx.msk $0xffff, v10;
	v10 =	vshrl.u32 v9, $0x2  }
0x102: {  	v8 =	vshrl.u32 v8, $0x7;
	[tilespmem:v3+s13+$0x0] =	vst.idx.msk $0xffff, v10  }
0x103: {  	[tilespmem:v3+s14+$0x0] =	vst.idx.msk $0xffff, v8;
	v8 =	vshrl.u32 v9, $0x7  }
0x104: {  	[tilespmem:v3+s15+$0x0] =	vst.idx.msk $0xffff, v8  }
0x105: {  	v8 =	vld.idx.msk [tilespmem:v4+s10+$0x0], $0xffff  }
0x106: {  	v9 =	vld.idx.msk [tilespmem:v4+s11+$0x0], $0xffff;
	_ =	sdelay $0x3  }
0x107: {  	v10 =	vshrl.u32 v8, $0x2  }
0x108: {  	[tilespmem:v4+s12+$0x0] =	vst.idx.msk $0xffff, v10;
	v10 =	vshrl.u32 v9, $0x2  }
0x109: {  	v8 =	vshrl.u32 v8, $0x7;
	[tilespmem:v4+s13+$0x0] =	vst.idx.msk $0xffff, v10  }
0x10a: {  	[tilespmem:v4+s14+$0x0] =	vst.idx.msk $0xffff, v8;
	v8 =	vshrl.u32 v9, $0x7  }
0x10b: {  	[tilespmem:v4+s15+$0x0] =	vst.idx.msk $0xffff, v8  }
0x10c: {  	v8 =	vld.idx.msk [tilespmem:v5+s10+$0x0], $0xffff  }
0x10d: {  	v9 =	vld.idx.msk [tilespmem:v5+s11+$0x0], $0xffff;
	_ =	sdelay $0x3  }
0x10e: {  	v10 =	vshrl.u32 v8, $0x2  }
0x10f: {  	[tilespmem:v5+s12+$0x0] =	vst.idx.msk $0xffff, v10;
	v10 =	vshrl.u32 v9, $0x2  }
0x110: {  	v8 =	vshrl.u32 v8, $0x7;
	[tilespmem:v5+s13+$0x0] =	vst.idx.msk $0xffff, v10  }
0x111: {  	[tilespmem:v5+s14+$0x0] =	vst.idx.msk $0xffff, v8;
	v8 =	vshrl.u32 v9, $0x7  }
0x112: {  	[tilespmem:v5+s15+$0x0] =	vst.idx.msk $0xffff, v8  }
0x113: {  	v8 =	vld.idx.msk [tilespmem:v6+s10+$0x0], $0xffff  }
0x114: {  	v9 =	vld.idx.msk [tilespmem:v6+s11+$0x0], $0xffff;
	_ =	sdelay $0x3  }
0x115: {  	v10 =	vshrl.u32 v8, $0x2  }
0x116: {  	[tilespmem:v6+s12+$0x0] =	vst.idx.msk $0xffff, v10;
	v10 =	vshrl.u32 v9, $0x2  }
0x117: {  	v8 =	vshrl.u32 v8, $0x7;
	[tilespmem:v6+s13+$0x0] =	vst.idx.msk $0xffff, v10  }
0x118: {  	[tilespmem:v6+s14+$0x0] =	vst.idx.msk $0xffff, v8;
	v8 =	vshrl.u32 v9, $0x7  }
0x119: {  	[tilespmem:v6+s15+$0x0] =	vst.idx.msk $0xffff, v8  }
0x11a: {  	v8 =	vld.idx.msk [tilespmem:v7+s10+$0x0], $0xffff  }
0x11b: {  	v9 =	vld.idx.msk [tilespmem:v7+s11+$0x0], $0xffff;
	_ =	sdelay $0x3  }
0x11c: {  	v10 =	vshrl.u32 v8, $0x2  }
0x11d: {  	[tilespmem:v7+s12+$0x0] =	vst.idx.msk $0xffff, v10;
	v10 =	vshrl.u32 v9, $0x2  }
0x11e: {  	v8 =	vshrl.u32 v8, $0x7;
	[tilespmem:v7+s13+$0x0] =	vst.idx.msk $0xffff, v10  }
0x11f: {  	[tilespmem:v7+s14+$0x0] =	vst.idx.msk $0xffff, v8;
	v8 =	vshrl.u32 v9, $0x7  }
0x120: {  	s22 =	rddreg [dreg:$0x5];
	[tilespmem:v7+s15+$0x0] =	vst.idx.msk $0xffff, v8  }
0x121: {  	v8 =	vld [tilespmem:$0x10C00];
	[tilespmem:s16], [sflag:$0x1] =	stream.indirect.gather [hbm4b:s22+s20], $0x80, s23, s20, $0xb8  }
0x122: {  	s23 =	rddreg [dreg:$0x6]  }
0x123: {  	[tilespmem:s17], [sflag:$0x1] =	stream.indirect.gather [hbm4b:s23+s20], $0x80, s24, s20, $0xb8;
	[tilespmem:$0x10E80] =	vst v63  }
0x124: {  	s23 =	rddreg [dreg:$0x7]  }
0x125: {  	[tilespmem:s2], [sflag:$0x1] =	stream.indirect.gather [hbm4b:s23+s20], $0x80, s28, s20, $0xb8;
	[tilespmem:$0x10E80] =	vst v63  }
0x126: {  	s23 =	rddreg [dreg:$0x8]  }
0x127: {  	[tilespmem:s4], [sflag:$0x1] =	stream.indirect.gather [hbm4b:s23+s20], $0x80, s29, s20, $0xb8;
	[tilespmem:$0x10E80] =	vst v63  }
0x128: {  	_ =	swait.ge [sflag:s5], $0x4000  }
0x129: {  	[sflag:s5] =	ssyncset.done $0x0  }
0x12a: {  	[sflag:s5] =	ssyncadd.s32 $0xFFFFC000  }
0x12b: {  	_ =	swait.ge [sflag:s5], $0x4000  }
0x12c: {  	[sflag:s5] =	ssyncset.done $0x0  }
0x12d: {  	[sflag:s5] =	ssyncadd.s32 $0xFFFFC000  }
0x12e: {  	_ =	swait.ge [sflag:s5], $0x4000  }
0x12f: {  	v9 =	vor.u32 s1, v0;
	[sflag:s5] =	ssyncset.done $0x0  }
0x130: {  	[sflag:s5] =	ssyncadd.s32 $0xFFFFC000  }
0x131: {  	_ =	swait.ge [sflag:s5], $0x4000  }
0x132: {  	[sflag:s5] =	ssyncset.done $0x0  }
0x133: {  	[sflag:s5] =	ssyncadd.s32 $0xFFFFC000  }
0x134: {  	v12 =	vld.idx.msk [tilespmem:v9+s1+$0x0], $0xffff  }
0x135: {  	v10 =	vld.idx.msk [tilespmem:v9+s20+$0x0], $0xffff;
	_ =	sdelay $0x3  }
0x136: {  	v11 =	vshll.u32 v12, $0x5  }
0x137: {  	v14 =	vshll.u32 v10, $0x5;
	v13 =	vand.u32 $0x60, v11;
	v11 =	vshll.u32 v9, $0x7  }
0x138: {  	v15 =	vand.u32 $0x60, v14;
	v14 =	vor.u32 v11, v13  }
0x139: {  	v13 =	vor.u32 v11, v15  }
0x13a: {  	v56 =	vor.u32 $0x1, v14  }
0x13b: {  	v16 =	vor.u32 $0x1, v13  }
0x13c: {  	v17 =	vor.u32 $0x2, v14  }
0x13d: {  	v19 =	vor.u32 $0x2, v13;
	v18 =	vld.idx.msk [tilespmem:v14+s16+$0x0], $0xffff  }
0x13e: {  	v21 =	vor.u32 $0x3, v14;
	v20 =	vld.idx.msk [tilespmem:v13+s17+$0x0], $0xffff  }
0x13f: {  	v22 =	vor.u32 $0x3, v13;
	v15 =	vld.idx.msk [tilespmem:v56+s16+$0x0], $0xffff  }
0x140: {  	v23 =	vor.u32 $0x4, v14;
	v16 =	vld.idx.msk [tilespmem:v16+s17+$0x0], $0xffff  }
0x141: {  	v24 =	vor.u32 $0x4, v13;
	v17 =	vld.idx.msk [tilespmem:v17+s16+$0x0], $0xffff  }
0x142: {  	v25 =	vor.u32 $0x5, v14;
	v19 =	vld.idx.msk [tilespmem:v19+s17+$0x0], $0xffff  }
0x143: {  	v26 =	vor.u32 $0x5, v13;
	v21 =	vld.idx.msk [tilespmem:v21+s16+$0x0], $0xffff;
	v18 =	vmul.f32 v20, v18  }
0x144: {  	v58 =	vor.u32 $0x6, v14;
	v57 =	vld.idx.msk [tilespmem:v22+s17+$0x0], $0xffff  }
0x145: {  	v27 =	vor.u32 $0x6, v13;
	v23 =	vld.idx.msk [tilespmem:v23+s16+$0x0], $0xffff;
	v15 =	vmul.f32 v16, v15;
	v18 =	vadd.f32 v18, v8  }
0x146: {  	v60 =	vor.u32 $0x7, v14;
	v59 =	vld.idx.msk [tilespmem:v24+s17+$0x0], $0xffff  }
0x147: {  	v28 =	vor.u32 $0x7, v13;
	v25 =	vld.idx.msk [tilespmem:v25+s16+$0x0], $0xffff;
	v17 =	vmul.f32 v19, v17;
	v15 =	vadd.f32 v15, v18  }
0x148: {  	v63 =	vor.u32 $0x8, v13;
	v61 =	vld.idx.msk [tilespmem:v26+s17+$0x0], $0xffff  }
0x149: {  	v62 =	vor.u32 $0x8, v14;
	v22 =	vld.idx.msk [tilespmem:v58+s16+$0x0], $0xffff;
	v31 =	vmul.f32 v57, v21;
	v15 =	vadd.f32 v17, v15  }
0x14a: {  	v34 =	vor.u32 $0x9, v13;
	v32 =	vld.idx.msk [tilespmem:v27+s17+$0x0], $0xffff  }
0x14b: {  	v33 =	vor.u32 $0x9, v14;
	v24 =	vld.idx.msk [tilespmem:v60+s16+$0x0], $0xffff;
	v16 =	vmul.f32 v59, v23;
	v15 =	vadd.f32 v31, v15  }
0x14c: {  	v37 =	vor.u32 $0xA, v13;
	v35 =	vld.idx.msk [tilespmem:v28+s17+$0x0], $0xffff  }
0x14d: {  	v36 =	vor.u32 $0xA, v14;
	v39 =	vld.idx.msk [tilespmem:v63+s17+$0x0], $0xffff;
	v38 =	vmul.f32 v61, v25;
	v15 =	vadd.f32 v16, v15  }
0x14e: {  	v41 =	vor.u32 $0xB, v13;
	v19 =	vld.idx.msk [tilespmem:v62+s16+$0x0], $0xffff  }
0x14f: {  	v40 =	vor.u32 $0xB, v14;
	v43 =	vld.idx.msk [tilespmem:v34+s17+$0x0], $0xffff;
	v42 =	vmul.f32 v32, v22;
	v15 =	vadd.f32 v38, v15  }
0x150: {  	v45 =	vor.u32 $0xC, v13;
	v21 =	vld.idx.msk [tilespmem:v33+s16+$0x0], $0xffff  }
0x151: {  	v44 =	vor.u32 $0xC, v14;
	v47 =	vld.idx.msk [tilespmem:v37+s17+$0x0], $0xffff;
	v46 =	vmul.f32 v35, v24;
	v15 =	vadd.f32 v42, v15  }
0x152: {  	v48 =	vor.u32 $0xD, v14;
	v23 =	vld.idx.msk [tilespmem:v36+s16+$0x0], $0xffff  }
0x153: {  	v49 =	vor.u32 $0xD, v13;
	v51 =	vld.idx.msk [tilespmem:v41+s17+$0x0], $0xffff;
	v50 =	vmul.f32 v39, v19;
	v15 =	vadd.f32 v46, v15  }
0x154: {  	v53 =	vor.u32 $0xE, v13;
	v25 =	vld.idx.msk [tilespmem:v40+s16+$0x0], $0xffff  }
0x155: {  	v52 =	vor.u32 $0xE, v14;
	v55 =	vld.idx.msk [tilespmem:v45+s17+$0x0], $0xffff;
	v54 =	vmul.f32 v43, v21;
	v15 =	vadd.f32 v50, v15  }
0x156: {  	v56 =	vor.u32 $0xF, v14;
	v22 =	vld.idx.msk [tilespmem:v44+s16+$0x0], $0xffff  }
0x157: {  	v24 =	vld.idx.msk [tilespmem:v48+s16+$0x0], $0xffff;
	v57 =	vor.u32 $0xF, v13;
	v58 =	vmul.f32 v47, v23;
	v15 =	vadd.f32 v54, v15  }
0x158: {  	v60 =	vor.u32 $0x10, v14;
	v59 =	vld.idx.msk [tilespmem:v49+s17+$0x0], $0xffff  }
0x159: {  	v63 =	vld.idx.msk [tilespmem:v53+s17+$0x0], $0xffff;
	v61 =	vor.u32 $0x10, v13;
	v62 =	vmul.f32 v51, v25;
	v15 =	vadd.f32 v58, v15  }
0x15a: {  	v19 =	vld.idx.msk [tilespmem:v52+s16+$0x0], $0xffff;
	v31 =	vor.u32 $0x11, v14  }
0x15b: {  	v32 =	vor.u32 $0x11, v13;
	v21 =	vld.idx.msk [tilespmem:v56+s16+$0x0], $0xffff;
	v33 =	vmul.f32 v55, v22;
	v15 =	vadd.f32 v62, v15  }
0x15c: {  	v35 =	vor.u32 $0x12, v14;
	v34 =	vld.idx.msk [tilespmem:v57+s17+$0x0], $0xffff  }
0x15d: {  	v36 =	vor.u32 $0x12, v13;
	v23 =	vld.idx.msk [tilespmem:v60+s16+$0x0], $0xffff;
	v37 =	vmul.f32 v59, v24;
	v15 =	vadd.f32 v33, v15  }
0x15e: {  	v39 =	vor.u32 $0x13, v14;
	v38 =	vld.idx.msk [tilespmem:v61+s17+$0x0], $0xffff  }
0x15f: {  	v40 =	vor.u32 $0x13, v13;
	v41 =	vmul.f32 v63, v19;
	v25 =	vld.idx.msk [tilespmem:v31+s16+$0x0], $0xffff;
	v15 =	vadd.f32 v37, v15  }
0x160: {  	v43 =	vor.u32 $0x14, v14;
	v42 =	vld.idx.msk [tilespmem:v32+s17+$0x0], $0xffff  }
0x161: {  	v44 =	vor.u32 $0x14, v13;
	v22 =	vld.idx.msk [tilespmem:v35+s16+$0x0], $0xffff;
	v45 =	vmul.f32 v34, v21;
	v15 =	vadd.f32 v41, v15  }
0x162: {  	v47 =	vor.u32 $0x15, v14;
	v46 =	vld.idx.msk [tilespmem:v36+s17+$0x0], $0xffff  }
0x163: {  	v48 =	vor.u32 $0x15, v13;
	v24 =	vld.idx.msk [tilespmem:v39+s16+$0x0], $0xffff;
	v49 =	vmul.f32 v38, v23;
	v15 =	vadd.f32 v45, v15  }
0x164: {  	v51 =	vor.u32 $0x16, v14;
	v50 =	vld.idx.msk [tilespmem:v40+s17+$0x0], $0xffff  }
0x165: {  	v52 =	vor.u32 $0x16, v13;
	v19 =	vld.idx.msk [tilespmem:v43+s16+$0x0], $0xffff;
	v53 =	vmul.f32 v42, v25;
	v15 =	vadd.f32 v49, v15  }
0x166: {  	v56 =	vor.u32 $0x17, v13;
	v54 =	vld.idx.msk [tilespmem:v44+s17+$0x0], $0xffff  }
0x167: {  	v55 =	vor.u32 $0x17, v14;
	v21 =	vld.idx.msk [tilespmem:v47+s16+$0x0], $0xffff;
	v57 =	vmul.f32 v46, v22;
	v15 =	vadd.f32 v53, v15  }
0x168: {  	v60 =	vor.u32 $0x18, v13;
	v58 =	vld.idx.msk [tilespmem:v48+s17+$0x0], $0xffff  }
0x169: {  	v59 =	vor.u32 $0x18, v14;
	v23 =	vld.idx.msk [tilespmem:v51+s16+$0x0], $0xffff;
	v61 =	vmul.f32 v50, v24;
	v15 =	vadd.f32 v57, v15  }
0x16a: {  	v32 =	vor.u32 $0x19, v13;
	v62 =	vld.idx.msk [tilespmem:v52+s17+$0x0], $0xffff  }
0x16b: {  	v63 =	vor.u32 $0x19, v14;
	v34 =	vld.idx.msk [tilespmem:v56+s17+$0x0], $0xffff;
	v33 =	vmul.f32 v54, v19;
	v15 =	vadd.f32 v61, v15  }
0x16c: {  	v36 =	vor.u32 $0x1A, v13;
	v25 =	vld.idx.msk [tilespmem:v55+s16+$0x0], $0xffff  }
0x16d: {  	v35 =	vor.u32 $0x1A, v14;
	v38 =	vld.idx.msk [tilespmem:v60+s17+$0x0], $0xffff;
	v37 =	vmul.f32 v58, v21;
	v15 =	vadd.f32 v33, v15  }
0x16e: {  	v40 =	vor.u32 $0x1B, v13;
	v22 =	vld.idx.msk [tilespmem:v59+s16+$0x0], $0xffff  }
0x16f: {  	v39 =	vor.u32 $0x1B, v14;
	v42 =	vld.idx.msk [tilespmem:v32+s17+$0x0], $0xffff;
	v41 =	vmul.f32 v62, v23;
	v15 =	vadd.f32 v37, v15  }
0x170: {  	v44 =	vor.u32 $0x1C, v13;
	v24 =	vld.idx.msk [tilespmem:v63+s16+$0x0], $0xffff  }
0x171: {  	v43 =	vor.u32 $0x1C, v14;
	v46 =	vld.idx.msk [tilespmem:v36+s17+$0x0], $0xffff;
	v45 =	vmul.f32 v34, v25;
	v15 =	vadd.f32 v41, v15  }
0x172: {  	v47 =	vor.u32 $0x1D, v14;
	v19 =	vld.idx.msk [tilespmem:v35+s16+$0x0], $0xffff  }
0x173: {  	v48 =	vor.u32 $0x1D, v13;
	v50 =	vld.idx.msk [tilespmem:v40+s17+$0x0], $0xffff;
	v49 =	vmul.f32 v38, v22;
	v15 =	vadd.f32 v45, v15  }
0x174: {  	v51 =	vor.u32 $0x1E, v14;
	v21 =	vld.idx.msk [tilespmem:v39+s16+$0x0], $0xffff  }
0x175: {  	v52 =	vor.u32 $0x1E, v13;
	v54 =	vld.idx.msk [tilespmem:v44+s17+$0x0], $0xffff;
	v53 =	vmul.f32 v42, v24;
	v15 =	vadd.f32 v49, v15  }
0x176: {  	v14 =	vor.u32 $0x1F, v14;
	v23 =	vld.idx.msk [tilespmem:v43+s16+$0x0], $0xffff  }
0x177: {  	v55 =	vld.idx.msk [tilespmem:v47+s16+$0x0], $0xffff;
	v13 =	vor.u32 $0x1F, v13;
	v56 =	vmul.f32 v46, v19;
	v15 =	vadd.f32 v53, v15  }
0x178: {  	v57 =	vld.idx.msk [tilespmem:v48+s17+$0x0], $0xffff  }
0x179: {  	v58 =	vld.idx.msk [tilespmem:v51+s16+$0x0], $0xffff;
	v59 =	vmul.f32 v50, v21;
	v15 =	vadd.f32 v56, v15  }
0x17a: {  	v12 =	vand.u32 $0x7F, v12;
	v60 =	vld.idx.msk [tilespmem:v52+s17+$0x0], $0xffff  }
0x17b: {  	v12 =	vor.u32 v11, v12;
	v14 =	vld.idx.msk [tilespmem:v14+s16+$0x0], $0xffff;
	v61 =	vmul.f32 v54, v23;
	v15 =	vadd.f32 v59, v15  }
0x17c: {  	v10 =	vand.u32 $0x7F, v10;
	v13 =	vld.idx.msk [tilespmem:v13+s17+$0x0], $0xffff  }
0x17d: {  	v10 =	vor.u32 v11, v10;
	v62 =	vmul.f32 v57, v55;
	v11 =	vadd.f32 v61, v15;
	_ =	sdelay $0x1  }
0x17e: {  	v63 =	vmul.f32 v60, v58;
	v11 =	vadd.f32 v62, v11  }
0x17f: {  	v12 =	vld.idx.msk [tilespmem:v12+s2+$0x0], $0xffff  }
0x180: {  	v13 =	vmul.f32 v13, v14;
	v11 =	vadd.f32 v63, v11  }
0x181: {  	v10 =	vld.idx.msk [tilespmem:v10+s4+$0x0], $0xffff  }
0x182: {  	v11 =	vadd.f32 v13, v11;
	_ =	sdelay $0x1  }
0x183: {  	v11 =	vadd.f32 v11, v12;
	_ =	sdelay $0x1  }
0x184: {  	v10 =	vadd.f32 v11, v10;
	_ =	sdelay $0x1  }
0x185: {  	v10 =	vsub.f32 $0.0e+00, v10;
	_ =	sdelay $0x1  }
0x186: {  	v10 =	vmul.f32 $1.442695020e+00, v10;
	_ =	sdelay $0x1  }
0x187: {  	(erf) = vpow2.f32 v10;
	_ =	sdelay $0x8  }
0x188: {  	v10 =	vpop (erf)  }
0x189: {  	v10 =	vadd.f32 $1.000000000e+00, v10;
	_ =	sdelay $0x1  }
0x18a: {  	(erf) = vrcp.f32 v10;
	_ =	sdelay $0x8  }
0x18b: {  	v11 =	vpop (erf)  }
0x18c: {  	s23 =	simm.s32 $0x10;
	v11 =	vmul.f32 $4.000000000e+00, v11  }
0x18d: {  	s30 =	simm.s32 $0x500;
	s31 =	simm.s32 $0x580;
	s22 =	simm.s32 $0x20;
	v10 =	vor.u32 s23, v0  }
.LBB2_2:
0x18e: {  	p0 =	sne.s32 s22, $0x70;
	v11 =	vadd.f32 $1.000000000e+00, v11;
	_ =	sdelay $0x1  }
0x18f: {  	[tilespmem:v9+s6+$0x0] =	vst.idx.msk $0xffff, v11;
	v9 =	vmov v10  }
0x190: {  	v11 =	vld.idx.msk [tilespmem:v10+s1+$0x0], $0xffff  }
0x191: {  	v10 =	vld.idx.msk [tilespmem:v10+s20+$0x0], $0xffff;
	_ =	sdelay $0x4  }
0x192: {  	v12 =	vshll.u32 v11, $0x5  }
0x193: {  	v13 =	vand.u32 $0x60, v12;
	v14 =	vshll.u32 v10, $0x5;
	v12 =	vshll.u32 v9, $0x7  }
0x194: {  	v15 =	vand.u32 $0x60, v14;
	v14 =	vor.u32 v12, v13  }
0x195: {  	v13 =	vor.u32 v12, v15  }
0x196: {  	v15 =	vor.u32 $0x1, v14  }
0x197: {  	v16 =	vor.u32 $0x1, v13  }
0x198: {  	v17 =	vor.u32 $0x2, v14  }
0x199: {  	v19 =	vor.u32 $0x2, v13;
	v18 =	vld.idx.msk [tilespmem:v14+s16+$0x0], $0xffff  }
0x19a: {  	v21 =	vor.u32 $0x3, v14;
	v20 =	vld.idx.msk [tilespmem:v13+s17+$0x0], $0xffff  }
0x19b: {  	v22 =	vor.u32 $0x3, v13;
	v15 =	vld.idx.msk [tilespmem:v15+s16+$0x0], $0xffff  }
0x19c: {  	v23 =	vor.u32 $0x4, v14;
	v16 =	vld.idx.msk [tilespmem:v16+s17+$0x0], $0xffff  }
0x19d: {  	v24 =	vor.u32 $0x4, v13;
	v17 =	vld.idx.msk [tilespmem:v17+s16+$0x0], $0xffff  }
0x19e: {  	v25 =	vor.u32 $0x5, v14;
	v19 =	vld.idx.msk [tilespmem:v19+s17+$0x0], $0xffff  }
0x19f: {  	v26 =	vor.u32 $0x5, v13;
	v21 =	vld.idx.msk [tilespmem:v21+s16+$0x0], $0xffff  }
0x1a0: {  	v18 =	vmul.f32 v20, v18;
	v20 =	vld.idx.msk [tilespmem:v22+s17+$0x0], $0xffff;
	v22 =	vor.u32 $0x6, v14  }
0x1a1: {  	v27 =	vor.u32 $0x6, v13;
	v23 =	vld.idx.msk [tilespmem:v23+s16+$0x0], $0xffff  }
0x1a2: {  	v18 =	vadd.f32 v18, v8;
	v15 =	vmul.f32 v16, v15;
	v16 =	vld.idx.msk [tilespmem:v24+s17+$0x0], $0xffff;
	v24 =	vor.u32 $0x7, v14  }
0x1a3: {  	v28 =	vor.u32 $0x7, v13;
	v25 =	vld.idx.msk [tilespmem:v25+s16+$0x0], $0xffff  }
0x1a4: {  	v15 =	vadd.f32 v15, v18;
	v17 =	vmul.f32 v19, v17;
	v19 =	vor.u32 $0x8, v14;
	v18 =	vld.idx.msk [tilespmem:v26+s17+$0x0], $0xffff  }
0x1a5: {  	v26 =	vor.u32 $0x8, v13;
	v22 =	vld.idx.msk [tilespmem:v22+s16+$0x0], $0xffff  }
0x1a6: {  	v15 =	vadd.f32 v17, v15;
	v17 =	vmul.f32 v20, v21;
	v21 =	vor.u32 $0x9, v14;
	v20 =	vld.idx.msk [tilespmem:v27+s17+$0x0], $0xffff  }
0x1a7: {  	v27 =	vor.u32 $0x9, v13;
	v24 =	vld.idx.msk [tilespmem:v24+s16+$0x0], $0xffff  }
0x1a8: {  	v15 =	vadd.f32 v17, v15;
	v16 =	vmul.f32 v16, v23;
	v23 =	vor.u32 $0xA, v14;
	v17 =	vld.idx.msk [tilespmem:v28+s17+$0x0], $0xffff  }
0x1a9: {  	v28 =	vor.u32 $0xA, v13;
	v19 =	vld.idx.msk [tilespmem:v19+s16+$0x0], $0xffff  }
0x1aa: {  	v15 =	vadd.f32 v16, v15;
	v16 =	vmul.f32 v18, v25;
	v25 =	vor.u32 $0xB, v14;
	v18 =	vld.idx.msk [tilespmem:v26+s17+$0x0], $0xffff  }
0x1ab: {  	v26 =	vor.u32 $0xB, v13;
	v21 =	vld.idx.msk [tilespmem:v21+s16+$0x0], $0xffff  }
0x1ac: {  	v15 =	vadd.f32 v16, v15;
	v16 =	vmul.f32 v20, v22;
	v22 =	vor.u32 $0xC, v14;
	v20 =	vld.idx.msk [tilespmem:v27+s17+$0x0], $0xffff  }
0x1ad: {  	v27 =	vor.u32 $0xC, v13;
	v23 =	vld.idx.msk [tilespmem:v23+s16+$0x0], $0xffff  }
0x1ae: {  	v15 =	vadd.f32 v16, v15;
	v16 =	vmul.f32 v17, v24;
	v24 =	vor.u32 $0xD, v14;
	v17 =	vld.idx.msk [tilespmem:v28+s17+$0x0], $0xffff  }
0x1af: {  	v28 =	vor.u32 $0xD, v13;
	v25 =	vld.idx.msk [tilespmem:v25+s16+$0x0], $0xffff  }
0x1b0: {  	v15 =	vadd.f32 v16, v15;
	v16 =	vmul.f32 v18, v19;
	v19 =	vor.u32 $0xE, v14;
	v18 =	vld.idx.msk [tilespmem:v26+s17+$0x0], $0xffff  }
0x1b1: {  	v26 =	vor.u32 $0xE, v13;
	v22 =	vld.idx.msk [tilespmem:v22+s16+$0x0], $0xffff  }
0x1b2: {  	v15 =	vadd.f32 v16, v15;
	v16 =	vmul.f32 v20, v21;
	v21 =	vor.u32 $0xF, v14;
	v20 =	vld.idx.msk [tilespmem:v27+s17+$0x0], $0xffff  }
0x1b3: {  	v27 =	vor.u32 $0xF, v13;
	v24 =	vld.idx.msk [tilespmem:v24+s16+$0x0], $0xffff  }
0x1b4: {  	v15 =	vadd.f32 v16, v15;
	v16 =	vmul.f32 v17, v23;
	v23 =	vor.u32 $0x10, v14;
	v17 =	vld.idx.msk [tilespmem:v28+s17+$0x0], $0xffff  }
0x1b5: {  	v28 =	vor.u32 $0x10, v13;
	v19 =	vld.idx.msk [tilespmem:v19+s16+$0x0], $0xffff  }
0x1b6: {  	v15 =	vadd.f32 v16, v15;
	v16 =	vmul.f32 v18, v25;
	v25 =	vor.u32 $0x11, v14;
	v18 =	vld.idx.msk [tilespmem:v26+s17+$0x0], $0xffff  }
0x1b7: {  	v26 =	vor.u32 $0x11, v13;
	v21 =	vld.idx.msk [tilespmem:v21+s16+$0x0], $0xffff  }
0x1b8: {  	v15 =	vadd.f32 v16, v15;
	v16 =	vmul.f32 v20, v22;
	v22 =	vor.u32 $0x12, v14;
	v20 =	vld.idx.msk [tilespmem:v27+s17+$0x0], $0xffff  }
0x1b9: {  	v27 =	vor.u32 $0x12, v13;
	v23 =	vld.idx.msk [tilespmem:v23+s16+$0x0], $0xffff  }
0x1ba: {  	v15 =	vadd.f32 v16, v15;
	v16 =	vmul.f32 v17, v24;
	v24 =	vor.u32 $0x13, v14;
	v17 =	vld.idx.msk [tilespmem:v28+s17+$0x0], $0xffff  }
0x1bb: {  	v28 =	vor.u32 $0x13, v13;
	v25 =	vld.idx.msk [tilespmem:v25+s16+$0x0], $0xffff  }
0x1bc: {  	v15 =	vadd.f32 v16, v15;
	v16 =	vmul.f32 v18, v19;
	v19 =	vor.u32 $0x14, v14;
	v18 =	vld.idx.msk [tilespmem:v26+s17+$0x0], $0xffff  }
0x1bd: {  	v26 =	vor.u32 $0x14, v13;
	v22 =	vld.idx.msk [tilespmem:v22+s16+$0x0], $0xffff  }
0x1be: {  	v15 =	vadd.f32 v16, v15;
	v16 =	vmul.f32 v20, v21;
	v21 =	vor.u32 $0x15, v14;
	v20 =	vld.idx.msk [tilespmem:v27+s17+$0x0], $0xffff  }
0x1bf: {  	v27 =	vor.u32 $0x15, v13;
	v24 =	vld.idx.msk [tilespmem:v24+s16+$0x0], $0xffff  }
0x1c0: {  	v15 =	vadd.f32 v16, v15;
	v16 =	vmul.f32 v17, v23;
	v23 =	vor.u32 $0x16, v14;
	v17 =	vld.idx.msk [tilespmem:v28+s17+$0x0], $0xffff  }
0x1c1: {  	v28 =	vor.u32 $0x16, v13;
	v19 =	vld.idx.msk [tilespmem:v19+s16+$0x0], $0xffff  }
0x1c2: {  	v15 =	vadd.f32 v16, v15;
	v16 =	vmul.f32 v18, v25;
	v25 =	vor.u32 $0x17, v14;
	v18 =	vld.idx.msk [tilespmem:v26+s17+$0x0], $0xffff  }
0x1c3: {  	v26 =	vor.u32 $0x17, v13;
	v21 =	vld.idx.msk [tilespmem:v21+s16+$0x0], $0xffff  }
0x1c4: {  	v15 =	vadd.f32 v16, v15;
	v16 =	vmul.f32 v20, v22;
	v22 =	vor.u32 $0x18, v14;
	v20 =	vld.idx.msk [tilespmem:v27+s17+$0x0], $0xffff  }
0x1c5: {  	v27 =	vor.u32 $0x18, v13;
	v23 =	vld.idx.msk [tilespmem:v23+s16+$0x0], $0xffff  }
0x1c6: {  	v15 =	vadd.f32 v16, v15;
	v16 =	vmul.f32 v17, v24;
	v24 =	vor.u32 $0x19, v14;
	v17 =	vld.idx.msk [tilespmem:v28+s17+$0x0], $0xffff  }
0x1c7: {  	v28 =	vor.u32 $0x19, v13;
	v25 =	vld.idx.msk [tilespmem:v25+s16+$0x0], $0xffff  }
0x1c8: {  	v15 =	vadd.f32 v16, v15;
	v16 =	vmul.f32 v18, v19;
	v19 =	vor.u32 $0x1A, v14;
	v18 =	vld.idx.msk [tilespmem:v26+s17+$0x0], $0xffff  }
0x1c9: {  	v26 =	vor.u32 $0x1A, v13;
	v22 =	vld.idx.msk [tilespmem:v22+s16+$0x0], $0xffff  }
0x1ca: {  	v15 =	vadd.f32 v16, v15;
	v16 =	vmul.f32 v20, v21;
	v21 =	vor.u32 $0x1B, v14;
	v20 =	vld.idx.msk [tilespmem:v27+s17+$0x0], $0xffff  }
0x1cb: {  	v27 =	vor.u32 $0x1B, v13;
	v24 =	vld.idx.msk [tilespmem:v24+s16+$0x0], $0xffff  }
0x1cc: {  	v15 =	vadd.f32 v16, v15;
	v16 =	vmul.f32 v17, v23;
	v23 =	vor.u32 $0x1C, v14;
	v17 =	vld.idx.msk [tilespmem:v28+s17+$0x0], $0xffff  }
0x1cd: {  	v28 =	vor.u32 $0x1C, v13;
	v19 =	vld.idx.msk [tilespmem:v19+s16+$0x0], $0xffff  }
0x1ce: {  	v15 =	vadd.f32 v16, v15;
	v16 =	vmul.f32 v18, v25;
	v25 =	vor.u32 $0x1D, v14;
	v18 =	vld.idx.msk [tilespmem:v26+s17+$0x0], $0xffff  }
0x1cf: {  	v26 =	vor.u32 $0x1D, v13;
	v21 =	vld.idx.msk [tilespmem:v21+s16+$0x0], $0xffff  }
0x1d0: {  	v15 =	vadd.f32 v16, v15;
	v16 =	vmul.f32 v20, v22;
	v22 =	vor.u32 $0x1E, v14;
	v20 =	vld.idx.msk [tilespmem:v27+s17+$0x0], $0xffff  }
0x1d1: {  	v27 =	vor.u32 $0x1E, v13;
	v23 =	vld.idx.msk [tilespmem:v23+s16+$0x0], $0xffff  }
0x1d2: {  	v14 =	vor.u32 $0x1F, v14;
	v15 =	vadd.f32 v16, v15;
	v16 =	vmul.f32 v17, v24;
	v17 =	vld.idx.msk [tilespmem:v28+s17+$0x0], $0xffff  }
0x1d3: {  	v13 =	vor.u32 $0x1F, v13;
	v24 =	vld.idx.msk [tilespmem:v25+s16+$0x0], $0xffff  }
0x1d4: {  	v15 =	vadd.f32 v16, v15;
	v16 =	vmul.f32 v18, v19;
	v18 =	vld.idx.msk [tilespmem:v26+s17+$0x0], $0xffff  }
0x1d5: {  	v19 =	vld.idx.msk [tilespmem:v22+s16+$0x0], $0xffff  }
0x1d6: {  	v11 =	vand.u32 $0x7F, v11;
	v15 =	vadd.f32 v16, v15;
	v16 =	vmul.f32 v20, v21;
	v20 =	vld.idx.msk [tilespmem:v27+s17+$0x0], $0xffff  }
0x1d7: {  	v11 =	vor.u32 v12, v11;
	v14 =	vld.idx.msk [tilespmem:v14+s16+$0x0], $0xffff  }
0x1d8: {  	v10 =	vand.u32 $0x7F, v10;
	v15 =	vadd.f32 v16, v15;
	v16 =	vmul.f32 v17, v23;
	v13 =	vld.idx.msk [tilespmem:v13+s17+$0x0], $0xffff  }
0x1d9: {  	v10 =	vor.u32 v12, v10  }
0x1da: {  	v12 =	vadd.f32 v16, v15;
	v15 =	vmul.f32 v18, v24;
	_ =	sdelay $0x1  }
0x1db: {  	v12 =	vadd.f32 v15, v12;
	v15 =	vmul.f32 v20, v19;
	v11 =	vld.idx.msk [tilespmem:v11+s2+$0x0], $0xffff;
	_ =	sdelay $0x1  }
0x1dc: {  	v12 =	vadd.f32 v15, v12;
	v13 =	vmul.f32 v13, v14;
	v10 =	vld.idx.msk [tilespmem:v10+s4+$0x0], $0xffff;
	_ =	sdelay $0x1  }
0x1dd: {  	v12 =	vadd.f32 v13, v12;
	_ =	sdelay $0x1  }
0x1de: {  	v11 =	vadd.f32 v12, v11;
	_ =	sdelay $0x1  }
0x1df: {  	v10 =	vadd.f32 v11, v10;
	_ =	sdelay $0x1  }
0x1e0: {  	v10 =	vsub.f32 $0.0e+00, v10;
	_ =	sdelay $0x1  }
0x1e1: {  	v10 =	vmul.f32 $1.442695020e+00, v10;
	_ =	sdelay $0x1  }
0x1e2: {  	(erf) = vpow2.f32 v10;
	_ =	sdelay $0x8  }
0x1e3: {  	v10 =	vpop (erf)  }
0x1e4: {  	v10 =	vadd.f32 $1.000000000e+00, v10;
	_ =	sdelay $0x1  }
0x1e5: {  	(erf) = vrcp.f32 v10;
	_ =	sdelay $0x6  }
.Ltmp0:
0x1e6: {  	(pc) =	sbr.rel @p0 .LBB2_2-.Ltmp0, $4  }
0x1e7: {  	_ = 	snop  }
0x1e8: {  	v11 =	vpop (erf)  }
0x1e9: {  	v10 =	vor.u32 s22, v0;
	v11 =	vmul.f32 $4.000000000e+00, v11  }
0x1ea: {  	s22 =	sadd.s32 $0x10, s22  }
0x1eb: {  	_ =	sdelay $0x1  }
0x1ec: {  	v11 =	vadd.f32 $1.000000000e+00, v11;
	_ =	sdelay $0x1  }
0x1ed: {  	[tilespmem:v9+s6+$0x0] =	vst.idx.msk $0xffff, v11  }
0x1ee: {  	v12 =	vld.idx.msk [tilespmem:v10+s1+$0x0], $0xffff  }
0x1ef: {  	v9 =	vld.idx.msk [tilespmem:v10+s20+$0x0], $0xffff;
	_ =	sdelay $0x3  }
0x1f0: {  	v11 =	vshll.u32 v12, $0x5  }
0x1f1: {  	v14 =	vshll.u32 v9, $0x5;
	v13 =	vand.u32 $0x60, v11;
	v11 =	vshll.u32 v10, $0x7  }
0x1f2: {  	v15 =	vand.u32 $0x60, v14;
	v14 =	vor.u32 v11, v13  }
0x1f3: {  	v13 =	vor.u32 v11, v15  }
0x1f4: {  	v15 =	vor.u32 $0x1, v14  }
0x1f5: {  	v16 =	vor.u32 $0x1, v13  }
0x1f6: {  	v17 =	vor.u32 $0x2, v14  }
0x1f7: {  	v19 =	vor.u32 $0x2, v13;
	v18 =	vld.idx.msk [tilespmem:v14+s16+$0x0], $0xffff  }
0x1f8: {  	v21 =	vor.u32 $0x3, v14;
	v20 =	vld.idx.msk [tilespmem:v13+s17+$0x0], $0xffff  }
0x1f9: {  	v22 =	vor.u32 $0x3, v13;
	v15 =	vld.idx.msk [tilespmem:v15+s16+$0x0], $0xffff  }
0x1fa: {  	v23 =	vor.u32 $0x4, v14;
	v16 =	vld.idx.msk [tilespmem:v16+s17+$0x0], $0xffff  }
0x1fb: {  	v24 =	vor.u32 $0x4, v13;
	v17 =	vld.idx.msk [tilespmem:v17+s16+$0x0], $0xffff  }
0x1fc: {  	v25 =	vor.u32 $0x5, v14;
	v19 =	vld.idx.msk [tilespmem:v19+s17+$0x0], $0xffff  }
0x1fd: {  	v26 =	vor.u32 $0x5, v13;
	v21 =	vld.idx.msk [tilespmem:v21+s16+$0x0], $0xffff;
	v18 =	vmul.f32 v20, v18  }
0x1fe: {  	v39 =	vor.u32 $0x6, v14;
	v38 =	vld.idx.msk [tilespmem:v22+s17+$0x0], $0xffff  }
0x1ff: {  	v27 =	vor.u32 $0x6, v13;
	v23 =	vld.idx.msk [tilespmem:v23+s16+$0x0], $0xffff;
	v15 =	vmul.f32 v16, v15;
	v18 =	vadd.f32 v18, v8  }
0x200: {  	v41 =	vor.u32 $0x7, v14;
	v40 =	vld.idx.msk [tilespmem:v24+s17+$0x0], $0xffff  }
0x201: {  	v28 =	vor.u32 $0x7, v13;
	v25 =	vld.idx.msk [tilespmem:v25+s16+$0x0], $0xffff;
	v17 =	vmul.f32 v19, v17;
	v15 =	vadd.f32 v15, v18  }
0x202: {  	v44 =	vor.u32 $0x8, v13;
	v42 =	vld.idx.msk [tilespmem:v26+s17+$0x0], $0xffff  }
0x203: {  	v43 =	vor.u32 $0x8, v14;
	v22 =	vld.idx.msk [tilespmem:v39+s16+$0x0], $0xffff;
	v45 =	vmul.f32 v38, v21;
	v15 =	vadd.f32 v17, v15  }
0x204: {  	v48 =	vor.u32 $0x9, v13;
	v46 =	vld.idx.msk [tilespmem:v27+s17+$0x0], $0xffff  }
0x205: {  	v47 =	vor.u32 $0x9, v14;
	v24 =	vld.idx.msk [tilespmem:v41+s16+$0x0], $0xffff;
	v16 =	vmul.f32 v40, v23;
	v15 =	vadd.f32 v45, v15  }
0x206: {  	v51 =	vor.u32 $0xA, v13;
	v49 =	vld.idx.msk [tilespmem:v28+s17+$0x0], $0xffff  }
0x207: {  	v50 =	vor.u32 $0xA, v14;
	v53 =	vld.idx.msk [tilespmem:v44+s17+$0x0], $0xffff;
	v52 =	vmul.f32 v42, v25;
	v15 =	vadd.f32 v16, v15  }
0x208: {  	v55 =	vor.u32 $0xB, v13;
	v19 =	vld.idx.msk [tilespmem:v43+s16+$0x0], $0xffff  }
0x209: {  	v54 =	vor.u32 $0xB, v14;
	v57 =	vld.idx.msk [tilespmem:v48+s17+$0x0], $0xffff;
	v56 =	vmul.f32 v46, v22;
	v15 =	vadd.f32 v52, v15  }
0x20a: {  	v59 =	vor.u32 $0xC, v13;
	v21 =	vld.idx.msk [tilespmem:v47+s16+$0x0], $0xffff  }
0x20b: {  	v58 =	vor.u32 $0xC, v14;
	v61 =	vld.idx.msk [tilespmem:v51+s17+$0x0], $0xffff;
	v60 =	vmul.f32 v49, v24;
	v15 =	vadd.f32 v56, v15  }
0x20c: {  	v62 =	vor.u32 $0xD, v14;
	v23 =	vld.idx.msk [tilespmem:v50+s16+$0x0], $0xffff  }
0x20d: {  	v63 =	vor.u32 $0xD, v13;
	v32 =	vld.idx.msk [tilespmem:v55+s17+$0x0], $0xffff;
	v31 =	vmul.f32 v53, v19;
	v15 =	vadd.f32 v60, v15  }
0x20e: {  	v34 =	vor.u32 $0xE, v13;
	v25 =	vld.idx.msk [tilespmem:v54+s16+$0x0], $0xffff  }
0x20f: {  	v33 =	vor.u32 $0xE, v14;
	v36 =	vld.idx.msk [tilespmem:v59+s17+$0x0], $0xffff;
	v35 =	vmul.f32 v57, v21;
	v15 =	vadd.f32 v31, v15  }
0x210: {  	v37 =	vor.u32 $0xF, v14;
	v22 =	vld.idx.msk [tilespmem:v58+s16+$0x0], $0xffff  }
0x211: {  	v24 =	vld.idx.msk [tilespmem:v62+s16+$0x0], $0xffff;
	v38 =	vor.u32 $0xF, v13;
	v39 =	vmul.f32 v61, v23;
	v15 =	vadd.f32 v35, v15  }
0x212: {  	v41 =	vor.u32 $0x10, v14;
	v40 =	vld.idx.msk [tilespmem:v63+s17+$0x0], $0xffff  }
0x213: {  	v44 =	vld.idx.msk [tilespmem:v34+s17+$0x0], $0xffff;
	v42 =	vor.u32 $0x10, v13;
	v43 =	vmul.f32 v32, v25;
	v15 =	vadd.f32 v39, v15  }
0x214: {  	v19 =	vld.idx.msk [tilespmem:v33+s16+$0x0], $0xffff;
	v45 =	vor.u32 $0x11, v14  }
0x215: {  	v46 =	vor.u32 $0x11, v13;
	v21 =	vld.idx.msk [tilespmem:v37+s16+$0x0], $0xffff;
	v47 =	vmul.f32 v36, v22;
	v15 =	vadd.f32 v43, v15  }
0x216: {  	v49 =	vor.u32 $0x12, v14;
	v48 =	vld.idx.msk [tilespmem:v38+s17+$0x0], $0xffff  }
0x217: {  	v50 =	vor.u32 $0x12, v13;
	v23 =	vld.idx.msk [tilespmem:v41+s16+$0x0], $0xffff;
	v51 =	vmul.f32 v40, v24;
	v15 =	vadd.f32 v47, v15  }
0x218: {  	v54 =	vor.u32 $0x13, v13;
	v52 =	vld.idx.msk [tilespmem:v42+s17+$0x0], $0xffff  }
0x219: {  	v53 =	vor.u32 $0x13, v14;
	v55 =	vmul.f32 v44, v19;
	v25 =	vld.idx.msk [tilespmem:v45+s16+$0x0], $0xffff;
	v15 =	vadd.f32 v51, v15  }
0x21a: {  	v58 =	vor.u32 $0x14, v13;
	v56 =	vld.idx.msk [tilespmem:v46+s17+$0x0], $0xffff  }
0x21b: {  	v57 =	vor.u32 $0x14, v14;
	v22 =	vld.idx.msk [tilespmem:v49+s16+$0x0], $0xffff;
	v59 =	vmul.f32 v48, v21;
	v15 =	vadd.f32 v55, v15  }
0x21c: {  	v62 =	vor.u32 $0x15, v13;
	v60 =	vld.idx.msk [tilespmem:v50+s17+$0x0], $0xffff  }
0x21d: {  	v61 =	vor.u32 $0x15, v14;
	v32 =	vld.idx.msk [tilespmem:v54+s17+$0x0], $0xffff;
	v63 =	vmul.f32 v52, v23;
	v15 =	vadd.f32 v59, v15  }
0x21e: {  	v34 =	vor.u32 $0x16, v13;
	v24 =	vld.idx.msk [tilespmem:v53+s16+$0x0], $0xffff  }
0x21f: {  	v33 =	vor.u32 $0x16, v14;
	v36 =	vld.idx.msk [tilespmem:v58+s17+$0x0], $0xffff;
	v35 =	vmul.f32 v56, v25;
	v15 =	vadd.f32 v63, v15  }
0x220: {  	v38 =	vor.u32 $0x17, v13;
	v19 =	vld.idx.msk [tilespmem:v57+s16+$0x0], $0xffff  }
0x221: {  	v37 =	vor.u32 $0x17, v14;
	v40 =	vld.idx.msk [tilespmem:v62+s17+$0x0], $0xffff;
	v39 =	vmul.f32 v60, v22;
	v15 =	vadd.f32 v35, v15  }
0x222: {  	v21 =	vld.idx.msk [tilespmem:v61+s16+$0x0], $0xffff;
	v42 =	vor.u32 $0x18, v13  }
0x223: {  	v41 =	vor.u32 $0x18, v14;
	v44 =	vld.idx.msk [tilespmem:v34+s17+$0x0], $0xffff;
	v43 =	vmul.f32 v32, v24;
	v15 =	vadd.f32 v39, v15  }
0x224: {  	v46 =	vor.u32 $0x19, v13;
	v23 =	vld.idx.msk [tilespmem:v33+s16+$0x0], $0xffff  }
0x225: {  	v48 =	vld.idx.msk [tilespmem:v38+s17+$0x0], $0xffff;
	v45 =	vor.u32 $0x19, v14;
	v47 =	vmul.f32 v36, v19;
	v15 =	vadd.f32 v43, v15  }
0x226: {  	v50 =	vor.u32 $0x1A, v13;
	v25 =	vld.idx.msk [tilespmem:v37+s16+$0x0], $0xffff  }
0x227: {  	v49 =	vor.u32 $0x1A, v14;
	v52 =	vld.idx.msk [tilespmem:v42+s17+$0x0], $0xffff;
	v51 =	vmul.f32 v40, v21;
	v15 =	vadd.f32 v47, v15  }
0x228: {  	v54 =	vor.u32 $0x1B, v13;
	v22 =	vld.idx.msk [tilespmem:v41+s16+$0x0], $0xffff  }
0x229: {  	v53 =	vor.u32 $0x1B, v14;
	v56 =	vld.idx.msk [tilespmem:v46+s17+$0x0], $0xffff;
	v55 =	vmul.f32 v44, v23;
	v15 =	vadd.f32 v51, v15  }
0x22a: {  	v58 =	vor.u32 $0x1C, v13;
	v24 =	vld.idx.msk [tilespmem:v45+s16+$0x0], $0xffff  }
0x22b: {  	v57 =	vor.u32 $0x1C, v14;
	v60 =	vld.idx.msk [tilespmem:v50+s17+$0x0], $0xffff;
	v59 =	vmul.f32 v48, v25;
	v15 =	vadd.f32 v55, v15  }
0x22c: {  	v62 =	vor.u32 $0x1D, v13;
	v19 =	vld.idx.msk [tilespmem:v49+s16+$0x0], $0xffff  }
0x22d: {  	v61 =	vor.u32 $0x1D, v14;
	v30 =	vld.idx.msk [tilespmem:v54+s17+$0x0], $0xffff;
	v63 =	vmul.f32 v52, v22;
	v15 =	vadd.f32 v59, v15  }
0x22e: {  	v31 =	vor.u32 $0x1E, v14;
	v21 =	vld.idx.msk [tilespmem:v53+s16+$0x0], $0xffff  }
0x22f: {  	v34 =	vld.idx.msk [tilespmem:v58+s17+$0x0], $0xffff;
	v32 =	vor.u32 $0x1E, v13;
	v33 =	vmul.f32 v56, v24;
	v15 =	vadd.f32 v63, v15  }
0x230: {  	v14 =	vor.u32 $0x1F, v14;
	v23 =	vld.idx.msk [tilespmem:v57+s16+$0x0], $0xffff  }
0x231: {  	v37 =	vld.idx.msk [tilespmem:v62+s17+$0x0], $0xffff;
	v13 =	vor.u32 $0x1F, v13;
	v36 =	vmul.f32 v60, v19;
	v15 =	vadd.f32 v33, v15  }
0x232: {  	v35 =	vld.idx.msk [tilespmem:v61+s16+$0x0], $0xffff  }
0x233: {  	v38 =	vld.idx.msk [tilespmem:v31+s16+$0x0], $0xffff;
	v39 =	vmul.f32 v30, v21;
	v15 =	vadd.f32 v36, v15  }
0x234: {  	v12 =	vand.u32 $0x7F, v12;
	v40 =	vld.idx.msk [tilespmem:v32+s17+$0x0], $0xffff  }
0x235: {  	v12 =	vor.u32 v11, v12;
	v14 =	vld.idx.msk [tilespmem:v14+s16+$0x0], $0xffff;
	v41 =	vmul.f32 v34, v23;
	v15 =	vadd.f32 v39, v15  }
0x236: {  	v9 =	vand.u32 $0x7F, v9;
	v13 =	vld.idx.msk [tilespmem:v13+s17+$0x0], $0xffff  }
0x237: {  	v9 =	vor.u32 v11, v9;
	v11 =	vadd.f32 v41, v15;
	v15 =	vmul.f32 v37, v35;
	_ =	sdelay $0x1  }
0x238: {  	v11 =	vadd.f32 v15, v11;
	v15 =	vmul.f32 v40, v38  }
0x239: {  	v12 =	vld.idx.msk [tilespmem:v12+s2+$0x0], $0xffff  }
0x23a: {  	v13 =	vmul.f32 v13, v14;
	v11 =	vadd.f32 v15, v11  }
0x23b: {  	v9 =	vld.idx.msk [tilespmem:v9+s4+$0x0], $0xffff  }
0x23c: {  	v11 =	vadd.f32 v13, v11;
	_ =	sdelay $0x1  }
0x23d: {  	v11 =	vadd.f32 v11, v12;
	_ =	sdelay $0x1  }
0x23e: {  	v9 =	vadd.f32 v11, v9;
	_ =	sdelay $0x1  }
0x23f: {  	v9 =	vsub.f32 $0.0e+00, v9;
	_ =	sdelay $0x1  }
0x240: {  	v9 =	vmul.f32 $1.442695020e+00, v9;
	_ =	sdelay $0x1  }
0x241: {  	(erf) = vpow2.f32 v9;
	_ =	sdelay $0x8  }
0x242: {  	v9 =	vpop (erf)  }
0x243: {  	v9 =	vadd.f32 $1.000000000e+00, v9;
	_ =	sdelay $0x1  }
0x244: {  	(erf) = vrcp.f32 v9;
	_ =	sdelay $0x8  }
0x245: {  	v9 =	vpop (erf)  }
0x246: {  	v9 =	vmul.f32 $4.000000000e+00, v9;
	_ =	sdelay $0x1  }
0x247: {  	v9 =	vadd.f32 $1.000000000e+00, v9;
	_ =	sdelay $0x1  }
0x248: {  	s22 =	rddreg [dreg:$0x5];
	s23 =	simm.s32 $0x400;
	[tilespmem:v10+s6+$0x0] =	vst.idx.msk $0xffff, v9  }
0x249: {  	[tilespmem:s16], [sflag:$0x1] =	stream.indirect.gather [hbm4b:s22+s20], $0x80, s23, s20, $0xb8;
	[tilespmem:$0x10E80] =	vst v63  }
0x24a: {  	s22 =	rddreg [dreg:$0x6];
	s23 =	simm.s32 $0x480  }
0x24b: {  	[tilespmem:s17], [sflag:$0x1] =	stream.indirect.gather [hbm4b:s22+s20], $0x80, s23, s20, $0xb8;
	[tilespmem:$0x10E80] =	vst v63  }
0x24c: {  	s23 =	rddreg [dreg:$0x7]  }
0x24d: {  	[tilespmem:s2], [sflag:$0x1] =	stream.indirect.gather [hbm4b:s23+s20], $0x80, s30, s20, $0xb8;
	[tilespmem:$0x10E80] =	vst v63  }
0x24e: {  	s30 =	rddreg [dreg:$0x8]  }
0x24f: {  	[tilespmem:s4], [sflag:$0x1] =	stream.indirect.gather [hbm4b:s30+s20], $0x80, s31, s20, $0xb8;
	[tilespmem:$0x10E80] =	vst v63  }
0x250: {  	_ =	swait.ge [sflag:s5], $0x4000  }
0x251: {  	[sflag:s5] =	ssyncset.done $0x0  }
0x252: {  	[sflag:s5] =	ssyncadd.s32 $0xFFFFC000  }
0x253: {  	_ =	swait.ge [sflag:s5], $0x4000  }
0x254: {  	[sflag:s5] =	ssyncset.done $0x0  }
0x255: {  	[sflag:s5] =	ssyncadd.s32 $0xFFFFC000  }
0x256: {  	s31 =	simm.s32 $0x0;
	_ =	swait.ge [sflag:s5], $0x4000  }
0x257: {  	v10 =	vor.u32 s31, v0;
	[sflag:s5] =	ssyncset.done $0x0  }
0x258: {  	[sflag:s5] =	ssyncadd.s32 $0xFFFFC000  }
0x259: {  	_ =	swait.ge [sflag:s5], $0x4000  }
0x25a: {  	[sflag:s5] =	ssyncset.done $0x0  }
0x25b: {  	[sflag:s5] =	ssyncadd.s32 $0xFFFFC000  }
0x25c: {  	v11 =	vld.idx.msk [tilespmem:v10+s25+$0x0], $0xffff  }
0x25d: {  	v9 =	vld.idx.msk [tilespmem:v10+s26+$0x0], $0xffff;
	_ =	sdelay $0x3  }
0x25e: {  	v12 =	vshll.u32 v11, $0x5  }
0x25f: {  	v10 =	vshll.u32 v10, $0x7;
	v13 =	vshll.u32 v9, $0x5;
	v12 =	vand.u32 $0x60, v12  }
0x260: {  	v14 =	vand.u32 $0x60, v13;
	v13 =	vor.u32 v10, v12  }
0x261: {  	v12 =	vor.u32 v10, v14  }
0x262: {  	v14 =	vor.u32 $0x1, v13  }
0x263: {  	v15 =	vor.u32 $0x1, v12  }
0x264: {  	v42 =	vor.u32 $0x2, v13  }
0x265: {  	v44 =	vor.u32 $0x2, v12;
	v43 =	vld.idx.msk [tilespmem:v13+s16+$0x0], $0xffff  }
0x266: {  	v46 =	vor.u32 $0x3, v13;
	v45 =	vld.idx.msk [tilespmem:v12+s17+$0x0], $0xffff  }
0x267: {  	v47 =	vor.u32 $0x3, v12;
	v14 =	vld.idx.msk [tilespmem:v14+s16+$0x0], $0xffff  }
0x268: {  	v48 =	vor.u32 $0x4, v13;
	v15 =	vld.idx.msk [tilespmem:v15+s17+$0x0], $0xffff  }
0x269: {  	v49 =	vor.u32 $0x4, v12;
	v16 =	vld.idx.msk [tilespmem:v42+s16+$0x0], $0xffff  }
0x26a: {  	v50 =	vor.u32 $0x5, v13;
	v18 =	vld.idx.msk [tilespmem:v44+s17+$0x0], $0xffff  }
0x26b: {  	v51 =	vor.u32 $0x5, v12;
	v20 =	vld.idx.msk [tilespmem:v46+s16+$0x0], $0xffff;
	v17 =	vmul.f32 v45, v43  }
0x26c: {  	v53 =	vor.u32 $0x6, v13;
	v52 =	vld.idx.msk [tilespmem:v47+s17+$0x0], $0xffff  }
0x26d: {  	v54 =	vor.u32 $0x6, v12;
	v22 =	vld.idx.msk [tilespmem:v48+s16+$0x0], $0xffff;
	v14 =	vmul.f32 v15, v14;
	v17 =	vadd.f32 v17, v8  }
0x26e: {  	v55 =	vor.u32 $0x7, v13;
	v15 =	vld.idx.msk [tilespmem:v49+s17+$0x0], $0xffff  }
0x26f: {  	v56 =	vor.u32 $0x7, v12;
	v24 =	vld.idx.msk [tilespmem:v50+s16+$0x0], $0xffff;
	v16 =	vmul.f32 v18, v16;
	v14 =	vadd.f32 v14, v17  }
0x270: {  	v59 =	vor.u32 $0x8, v12;
	v57 =	vld.idx.msk [tilespmem:v51+s17+$0x0], $0xffff  }
0x271: {  	v58 =	vor.u32 $0x8, v13;
	v21 =	vld.idx.msk [tilespmem:v53+s16+$0x0], $0xffff;
	v60 =	vmul.f32 v52, v20;
	v14 =	vadd.f32 v16, v14  }
0x272: {  	v63 =	vor.u32 $0x9, v12;
	v61 =	vld.idx.msk [tilespmem:v54+s17+$0x0], $0xffff  }
0x273: {  	v62 =	vor.u32 $0x9, v13;
	v23 =	vld.idx.msk [tilespmem:v55+s16+$0x0], $0xffff;
	v15 =	vmul.f32 v15, v22;
	v14 =	vadd.f32 v60, v14  }
0x274: {  	v32 =	vor.u32 $0xA, v12;
	v30 =	vld.idx.msk [tilespmem:v56+s17+$0x0], $0xffff  }
0x275: {  	v31 =	vor.u32 $0xA, v13;
	v33 =	vld.idx.msk [tilespmem:v59+s17+$0x0], $0xffff;
	v14 =	vadd.f32 v15, v14;
	v15 =	vmul.f32 v57, v24  }
0x276: {  	v35 =	vor.u32 $0xB, v12;
	v18 =	vld.idx.msk [tilespmem:v58+s16+$0x0], $0xffff  }
0x277: {  	v34 =	vor.u32 $0xB, v13;
	v36 =	vld.idx.msk [tilespmem:v63+s17+$0x0], $0xffff;
	v14 =	vadd.f32 v15, v14;
	v15 =	vmul.f32 v61, v21  }
0x278: {  	v38 =	vor.u32 $0xC, v12;
	v20 =	vld.idx.msk [tilespmem:v62+s16+$0x0], $0xffff  }
0x279: {  	v37 =	vor.u32 $0xC, v13;
	v39 =	vld.idx.msk [tilespmem:v32+s17+$0x0], $0xffff;
	v14 =	vadd.f32 v15, v14;
	v15 =	vmul.f32 v30, v23  }
0x27a: {  	v41 =	vor.u32 $0xD, v12;
	v22 =	vld.idx.msk [tilespmem:v31+s16+$0x0], $0xffff  }
0x27b: {  	v40 =	vor.u32 $0xD, v13;
	v42 =	vld.idx.msk [tilespmem:v35+s17+$0x0], $0xffff;
	v14 =	vadd.f32 v15, v14;
	v15 =	vmul.f32 v33, v18  }
0x27c: {  	v44 =	vor.u32 $0xE, v12;
	v24 =	vld.idx.msk [tilespmem:v34+s16+$0x0], $0xffff  }
0x27d: {  	v43 =	vor.u32 $0xE, v13;
	v45 =	vld.idx.msk [tilespmem:v38+s17+$0x0], $0xffff;
	v14 =	vadd.f32 v15, v14;
	v15 =	vmul.f32 v36, v20  }
0x27e: {  	v47 =	vor.u32 $0xF, v12;
	v21 =	vld.idx.msk [tilespmem:v37+s16+$0x0], $0xffff  }
0x27f: {  	v46 =	vor.u32 $0xF, v13;
	v48 =	vld.idx.msk [tilespmem:v41+s17+$0x0], $0xffff;
	v14 =	vadd.f32 v15, v14;
	v15 =	vmul.f32 v39, v22  }
0x280: {  	v50 =	vor.u32 $0x10, v12;
	v23 =	vld.idx.msk [tilespmem:v40+s16+$0x0], $0xffff  }
0x281: {  	v49 =	vor.u32 $0x10, v13;
	v51 =	vld.idx.msk [tilespmem:v44+s17+$0x0], $0xffff;
	v14 =	vadd.f32 v15, v14;
	v15 =	vmul.f32 v42, v24  }
0x282: {  	v53 =	vor.u32 $0x11, v12;
	v18 =	vld.idx.msk [tilespmem:v43+s16+$0x0], $0xffff  }
0x283: {  	v52 =	vor.u32 $0x11, v13;
	v54 =	vld.idx.msk [tilespmem:v47+s17+$0x0], $0xffff;
	v14 =	vadd.f32 v15, v14;
	v15 =	vmul.f32 v45, v21  }
0x284: {  	v56 =	vor.u32 $0x12, v12;
	v20 =	vld.idx.msk [tilespmem:v46+s16+$0x0], $0xffff  }
0x285: {  	v55 =	vor.u32 $0x12, v13;
	v57 =	vld.idx.msk [tilespmem:v50+s17+$0x0], $0xffff;
	v14 =	vadd.f32 v15, v14;
	v15 =	vmul.f32 v48, v23  }
0x286: {  	v59 =	vor.u32 $0x13, v12;
	v22 =	vld.idx.msk [tilespmem:v49+s16+$0x0], $0xffff  }
0x287: {  	v58 =	vor.u32 $0x13, v13;
	v60 =	vld.idx.msk [tilespmem:v53+s17+$0x0], $0xffff;
	v14 =	vadd.f32 v15, v14;
	v15 =	vmul.f32 v51, v18  }
0x288: {  	v62 =	vor.u32 $0x14, v12;
	v24 =	vld.idx.msk [tilespmem:v52+s16+$0x0], $0xffff  }
0x289: {  	v63 =	vld.idx.msk [tilespmem:v56+s17+$0x0], $0xffff;
	v61 =	vor.u32 $0x14, v13;
	v14 =	vadd.f32 v15, v14;
	v15 =	vmul.f32 v54, v20  }
0x28a: {  	v31 =	vor.u32 $0x15, v12;
	v21 =	vld.idx.msk [tilespmem:v55+s16+$0x0], $0xffff  }
0x28b: {  	v32 =	vld.idx.msk [tilespmem:v59+s17+$0x0], $0xffff;
	v30 =	vor.u32 $0x15, v13;
	v14 =	vadd.f32 v15, v14;
	v15 =	vmul.f32 v57, v22  }
0x28c: {  	v34 =	vor.u32 $0x16, v12;
	v23 =	vld.idx.msk [tilespmem:v58+s16+$0x0], $0xffff  }
0x28d: {  	v35 =	vld.idx.msk [tilespmem:v62+s17+$0x0], $0xffff;
	v33 =	vor.u32 $0x16, v13;
	v14 =	vadd.f32 v15, v14;
	v15 =	vmul.f32 v60, v24  }
0x28e: {  	v37 =	vor.u32 $0x17, v12;
	v18 =	vld.idx.msk [tilespmem:v61+s16+$0x0], $0xffff  }
0x28f: {  	v38 =	vld.idx.msk [tilespmem:v31+s17+$0x0], $0xffff;
	v36 =	vor.u32 $0x17, v13;
	v14 =	vadd.f32 v15, v14;
	v15 =	vmul.f32 v63, v21  }
0x290: {  	v40 =	vor.u32 $0x18, v12;
	v20 =	vld.idx.msk [tilespmem:v30+s16+$0x0], $0xffff  }
0x291: {  	v41 =	vld.idx.msk [tilespmem:v34+s17+$0x0], $0xffff;
	v39 =	vor.u32 $0x18, v13;
	v14 =	vadd.f32 v15, v14;
	v15 =	vmul.f32 v32, v23  }
0x292: {  	v43 =	vor.u32 $0x19, v12;
	v22 =	vld.idx.msk [tilespmem:v33+s16+$0x0], $0xffff  }
0x293: {  	v44 =	vld.idx.msk [tilespmem:v37+s17+$0x0], $0xffff;
	v42 =	vor.u32 $0x19, v13;
	v14 =	vadd.f32 v15, v14;
	v15 =	vmul.f32 v35, v18  }
0x294: {  	v46 =	vor.u32 $0x1A, v12;
	v24 =	vld.idx.msk [tilespmem:v36+s16+$0x0], $0xffff  }
0x295: {  	v47 =	vld.idx.msk [tilespmem:v40+s17+$0x0], $0xffff;
	v45 =	vor.u32 $0x1A, v13;
	v14 =	vadd.f32 v15, v14;
	v15 =	vmul.f32 v38, v20  }
0x296: {  	v49 =	vor.u32 $0x1B, v12;
	v21 =	vld.idx.msk [tilespmem:v39+s16+$0x0], $0xffff  }
0x297: {  	v50 =	vld.idx.msk [tilespmem:v43+s17+$0x0], $0xffff;
	v48 =	vor.u32 $0x1B, v13;
	v14 =	vadd.f32 v15, v14;
	v15 =	vmul.f32 v41, v22  }
0x298: {  	v52 =	vor.u32 $0x1C, v12;
	v23 =	vld.idx.msk [tilespmem:v42+s16+$0x0], $0xffff  }
0x299: {  	v53 =	vld.idx.msk [tilespmem:v46+s17+$0x0], $0xffff;
	v51 =	vor.u32 $0x1C, v13;
	v14 =	vadd.f32 v15, v14;
	v15 =	vmul.f32 v44, v24  }
0x29a: {  	v55 =	vor.u32 $0x1D, v12;
	v18 =	vld.idx.msk [tilespmem:v45+s16+$0x0], $0xffff  }
0x29b: {  	v56 =	vld.idx.msk [tilespmem:v49+s17+$0x0], $0xffff;
	v54 =	vor.u32 $0x1D, v13;
	v14 =	vadd.f32 v15, v14;
	v15 =	vmul.f32 v47, v21  }
0x29c: {  	v58 =	vor.u32 $0x1E, v12;
	v20 =	vld.idx.msk [tilespmem:v48+s16+$0x0], $0xffff  }
0x29d: {  	v59 =	vld.idx.msk [tilespmem:v52+s17+$0x0], $0xffff;
	v57 =	vor.u32 $0x1E, v13;
	v14 =	vadd.f32 v15, v14;
	v15 =	vmul.f32 v50, v23  }
0x29e: {  	v12 =	vor.u32 $0x1F, v12;
	v22 =	vld.idx.msk [tilespmem:v51+s16+$0x0], $0xffff  }
0x29f: {  	v61 =	vld.idx.msk [tilespmem:v55+s17+$0x0], $0xffff;
	v13 =	vor.u32 $0x1F, v13;
	v14 =	vadd.f32 v15, v14;
	v15 =	vmul.f32 v53, v18  }
0x2a0: {  	v60 =	vld.idx.msk [tilespmem:v54+s16+$0x0], $0xffff  }
0x2a1: {  	v63 =	vld.idx.msk [tilespmem:v58+s17+$0x0], $0xffff;
	v14 =	vadd.f32 v15, v14;
	v15 =	vmul.f32 v56, v20  }
0x2a2: {  	v11 =	vand.u32 $0x7F, v11;
	v62 =	vld.idx.msk [tilespmem:v57+s16+$0x0], $0xffff  }
0x2a3: {  	v11 =	vor.u32 v10, v11;
	v12 =	vld.idx.msk [tilespmem:v12+s17+$0x0], $0xffff;
	v14 =	vadd.f32 v15, v14;
	v15 =	vmul.f32 v59, v22  }
0x2a4: {  	v9 =	vand.u32 $0x7F, v9;
	v13 =	vld.idx.msk [tilespmem:v13+s16+$0x0], $0xffff  }
0x2a5: {  	v9 =	vor.u32 v10, v9;
	v10 =	vadd.f32 v15, v14;
	v14 =	vmul.f32 v61, v60;
	_ =	sdelay $0x1  }
0x2a6: {  	v10 =	vadd.f32 v14, v10;
	v14 =	vmul.f32 v63, v62  }
0x2a7: {  	v11 =	vld.idx.msk [tilespmem:v11+s2+$0x0], $0xffff  }
0x2a8: {  	v12 =	vmul.f32 v12, v13;
	v10 =	vadd.f32 v14, v10  }
0x2a9: {  	v9 =	vld.idx.msk [tilespmem:v9+s4+$0x0], $0xffff  }
0x2aa: {  	v10 =	vadd.f32 v12, v10;
	_ =	sdelay $0x1  }
0x2ab: {  	v10 =	vadd.f32 v10, v11;
	_ =	sdelay $0x1  }
0x2ac: {  	v9 =	vadd.f32 v10, v9;
	_ =	sdelay $0x1  }
0x2ad: {  	v9 =	vsub.f32 $0.0e+00, v9;
	_ =	sdelay $0x1  }
0x2ae: {  	v9 =	vmul.f32 $1.442695020e+00, v9;
	_ =	sdelay $0x1  }
0x2af: {  	(erf) = vpow2.f32 v9;
	_ =	sdelay $0x8  }
0x2b0: {  	v9 =	vpop (erf)  }
0x2b1: {  	v9 =	vadd.f32 $1.000000000e+00, v9;
	_ =	sdelay $0x1  }
0x2b2: {  	(erf) = vrcp.f32 v9;
	_ =	sdelay $0x7  }
0x2b3: {  	v9 =	vor.u32 $0x80, v0  }
0x2b4: {  	s22 =	simm.s32 $0x10;
	v10 =	vor.u32 s31, v9;
	v11 =	vpop (erf)  }
0x2b5: {  	v13 =	vor.u32 s22, v0;
	v11 =	vmul.f32 $4.000000000e+00, v11  }
0x2b6: {  	s23 =	simm.s32 $0x20  }
.LBB2_4:
0x2b7: {  	p0 =	sne.s32 s23, $0x70;
	v11 =	vadd.f32 $1.000000000e+00, v11;
	_ =	sdelay $0x1  }
0x2b8: {  	[tilespmem:v10+s6+$0x0] =	vst.idx.msk $0xffff, v11  }
0x2b9: {  	v11 =	vld.idx.msk [tilespmem:v13+s25+$0x0], $0xffff  }
0x2ba: {  	v10 =	vld.idx.msk [tilespmem:v13+s26+$0x0], $0xffff;
	_ =	sdelay $0x4  }
0x2bb: {  	v12 =	vshll.u32 v11, $0x5  }
0x2bc: {  	v14 =	vand.u32 $0x60, v12;
	v15 =	vshll.u32 v10, $0x5;
	v12 =	vshll.u32 v13, $0x7  }
0x2bd: {  	v13 =	vand.u32 $0x60, v15;
	v14 =	vor.u32 v12, v14  }
0x2be: {  	v13 =	vor.u32 v12, v13  }
0x2bf: {  	v15 =	vor.u32 $0x1, v14  }
0x2c0: {  	v16 =	vor.u32 $0x1, v13  }
0x2c1: {  	v17 =	vor.u32 $0x2, v14  }
0x2c2: {  	v19 =	vor.u32 $0x2, v13;
	v18 =	vld.idx.msk [tilespmem:v14+s16+$0x0], $0xffff  }
0x2c3: {  	v21 =	vor.u32 $0x3, v14;
	v20 =	vld.idx.msk [tilespmem:v13+s17+$0x0], $0xffff  }
0x2c4: {  	v22 =	vor.u32 $0x3, v13;
	v15 =	vld.idx.msk [tilespmem:v15+s16+$0x0], $0xffff  }
0x2c5: {  	v23 =	vor.u32 $0x4, v14;
	v16 =	vld.idx.msk [tilespmem:v16+s17+$0x0], $0xffff  }
0x2c6: {  	v24 =	vor.u32 $0x4, v13;
	v17 =	vld.idx.msk [tilespmem:v17+s16+$0x0], $0xffff  }
0x2c7: {  	v25 =	vor.u32 $0x5, v14;
	v19 =	vld.idx.msk [tilespmem:v19+s17+$0x0], $0xffff  }
0x2c8: {  	v26 =	vor.u32 $0x5, v13;
	v21 =	vld.idx.msk [tilespmem:v21+s16+$0x0], $0xffff  }
0x2c9: {  	v18 =	vmul.f32 v20, v18;
	v20 =	vld.idx.msk [tilespmem:v22+s17+$0x0], $0xffff;
	v22 =	vor.u32 $0x6, v14  }
0x2ca: {  	v27 =	vor.u32 $0x6, v13;
	v23 =	vld.idx.msk [tilespmem:v23+s16+$0x0], $0xffff  }
0x2cb: {  	v18 =	vadd.f32 v18, v8;
	v15 =	vmul.f32 v16, v15;
	v16 =	vld.idx.msk [tilespmem:v24+s17+$0x0], $0xffff;
	v24 =	vor.u32 $0x7, v14  }
0x2cc: {  	v28 =	vor.u32 $0x7, v13;
	v25 =	vld.idx.msk [tilespmem:v25+s16+$0x0], $0xffff  }
0x2cd: {  	v15 =	vadd.f32 v15, v18;
	v17 =	vmul.f32 v19, v17;
	v19 =	vor.u32 $0x8, v14;
	v18 =	vld.idx.msk [tilespmem:v26+s17+$0x0], $0xffff  }
0x2ce: {  	v26 =	vor.u32 $0x8, v13;
	v22 =	vld.idx.msk [tilespmem:v22+s16+$0x0], $0xffff  }
0x2cf: {  	v15 =	vadd.f32 v17, v15;
	v17 =	vmul.f32 v20, v21;
	v21 =	vor.u32 $0x9, v14;
	v20 =	vld.idx.msk [tilespmem:v27+s17+$0x0], $0xffff  }
0x2d0: {  	v27 =	vor.u32 $0x9, v13;
	v24 =	vld.idx.msk [tilespmem:v24+s16+$0x0], $0xffff  }
0x2d1: {  	v15 =	vadd.f32 v17, v15;
	v16 =	vmul.f32 v16, v23;
	v23 =	vor.u32 $0xA, v14;
	v17 =	vld.idx.msk [tilespmem:v28+s17+$0x0], $0xffff  }
0x2d2: {  	v28 =	vor.u32 $0xA, v13;
	v19 =	vld.idx.msk [tilespmem:v19+s16+$0x0], $0xffff  }
0x2d3: {  	v15 =	vadd.f32 v16, v15;
	v16 =	vmul.f32 v18, v25;
	v25 =	vor.u32 $0xB, v14;
	v18 =	vld.idx.msk [tilespmem:v26+s17+$0x0], $0xffff  }
0x2d4: {  	v26 =	vor.u32 $0xB, v13;
	v21 =	vld.idx.msk [tilespmem:v21+s16+$0x0], $0xffff  }
0x2d5: {  	v15 =	vadd.f32 v16, v15;
	v16 =	vmul.f32 v20, v22;
	v22 =	vor.u32 $0xC, v14;
	v20 =	vld.idx.msk [tilespmem:v27+s17+$0x0], $0xffff  }
0x2d6: {  	v27 =	vor.u32 $0xC, v13;
	v23 =	vld.idx.msk [tilespmem:v23+s16+$0x0], $0xffff  }
0x2d7: {  	v15 =	vadd.f32 v16, v15;
	v16 =	vmul.f32 v17, v24;
	v24 =	vor.u32 $0xD, v14;
	v17 =	vld.idx.msk [tilespmem:v28+s17+$0x0], $0xffff  }
0x2d8: {  	v28 =	vor.u32 $0xD, v13;
	v25 =	vld.idx.msk [tilespmem:v25+s16+$0x0], $0xffff  }
0x2d9: {  	v15 =	vadd.f32 v16, v15;
	v16 =	vmul.f32 v18, v19;
	v19 =	vor.u32 $0xE, v14;
	v18 =	vld.idx.msk [tilespmem:v26+s17+$0x0], $0xffff  }
0x2da: {  	v26 =	vor.u32 $0xE, v13;
	v22 =	vld.idx.msk [tilespmem:v22+s16+$0x0], $0xffff  }
0x2db: {  	v15 =	vadd.f32 v16, v15;
	v16 =	vmul.f32 v20, v21;
	v21 =	vor.u32 $0xF, v14;
	v20 =	vld.idx.msk [tilespmem:v27+s17+$0x0], $0xffff  }
0x2dc: {  	v27 =	vor.u32 $0xF, v13;
	v24 =	vld.idx.msk [tilespmem:v24+s16+$0x0], $0xffff  }
0x2dd: {  	v15 =	vadd.f32 v16, v15;
	v16 =	vmul.f32 v17, v23;
	v23 =	vor.u32 $0x10, v14;
	v17 =	vld.idx.msk [tilespmem:v28+s17+$0x0], $0xffff  }
0x2de: {  	v28 =	vor.u32 $0x10, v13;
	v19 =	vld.idx.msk [tilespmem:v19+s16+$0x0], $0xffff  }
0x2df: {  	v15 =	vadd.f32 v16, v15;
	v16 =	vmul.f32 v18, v25;
	v25 =	vor.u32 $0x11, v14;
	v18 =	vld.idx.msk [tilespmem:v26+s17+$0x0], $0xffff  }
0x2e0: {  	v26 =	vor.u32 $0x11, v13;
	v21 =	vld.idx.msk [tilespmem:v21+s16+$0x0], $0xffff  }
0x2e1: {  	v15 =	vadd.f32 v16, v15;
	v16 =	vmul.f32 v20, v22;
	v22 =	vor.u32 $0x12, v14;
	v20 =	vld.idx.msk [tilespmem:v27+s17+$0x0], $0xffff  }
0x2e2: {  	v27 =	vor.u32 $0x12, v13;
	v23 =	vld.idx.msk [tilespmem:v23+s16+$0x0], $0xffff  }
0x2e3: {  	v15 =	vadd.f32 v16, v15;
	v16 =	vmul.f32 v17, v24;
	v24 =	vor.u32 $0x13, v14;
	v17 =	vld.idx.msk [tilespmem:v28+s17+$0x0], $0xffff  }
0x2e4: {  	v28 =	vor.u32 $0x13, v13;
	v25 =	vld.idx.msk [tilespmem:v25+s16+$0x0], $0xffff  }
0x2e5: {  	v15 =	vadd.f32 v16, v15;
	v16 =	vmul.f32 v18, v19;
	v19 =	vor.u32 $0x14, v14;
	v18 =	vld.idx.msk [tilespmem:v26+s17+$0x0], $0xffff  }
0x2e6: {  	v26 =	vor.u32 $0x14, v13;
	v22 =	vld.idx.msk [tilespmem:v22+s16+$0x0], $0xffff  }
0x2e7: {  	v15 =	vadd.f32 v16, v15;
	v16 =	vmul.f32 v20, v21;
	v21 =	vor.u32 $0x15, v14;
	v20 =	vld.idx.msk [tilespmem:v27+s17+$0x0], $0xffff  }
0x2e8: {  	v27 =	vor.u32 $0x15, v13;
	v24 =	vld.idx.msk [tilespmem:v24+s16+$0x0], $0xffff  }
0x2e9: {  	v15 =	vadd.f32 v16, v15;
	v16 =	vmul.f32 v17, v23;
	v23 =	vor.u32 $0x16, v14;
	v17 =	vld.idx.msk [tilespmem:v28+s17+$0x0], $0xffff  }
0x2ea: {  	v28 =	vor.u32 $0x16, v13;
	v19 =	vld.idx.msk [tilespmem:v19+s16+$0x0], $0xffff  }
0x2eb: {  	v15 =	vadd.f32 v16, v15;
	v16 =	vmul.f32 v18, v25;
	v25 =	vor.u32 $0x17, v14;
	v18 =	vld.idx.msk [tilespmem:v26+s17+$0x0], $0xffff  }
0x2ec: {  	v26 =	vor.u32 $0x17, v13;
	v21 =	vld.idx.msk [tilespmem:v21+s16+$0x0], $0xffff  }
0x2ed: {  	v15 =	vadd.f32 v16, v15;
	v16 =	vmul.f32 v20, v22;
	v22 =	vor.u32 $0x18, v14;
	v20 =	vld.idx.msk [tilespmem:v27+s17+$0x0], $0xffff  }
0x2ee: {  	v27 =	vor.u32 $0x18, v13;
	v23 =	vld.idx.msk [tilespmem:v23+s16+$0x0], $0xffff  }
0x2ef: {  	v15 =	vadd.f32 v16, v15;
	v16 =	vmul.f32 v17, v24;
	v24 =	vor.u32 $0x19, v14;
	v17 =	vld.idx.msk [tilespmem:v28+s17+$0x0], $0xffff  }
0x2f0: {  	v28 =	vor.u32 $0x19, v13;
	v25 =	vld.idx.msk [tilespmem:v25+s16+$0x0], $0xffff  }
0x2f1: {  	v15 =	vadd.f32 v16, v15;
	v16 =	vmul.f32 v18, v19;
	v19 =	vor.u32 $0x1A, v14;
	v18 =	vld.idx.msk [tilespmem:v26+s17+$0x0], $0xffff  }
0x2f2: {  	v26 =	vor.u32 $0x1A, v13;
	v22 =	vld.idx.msk [tilespmem:v22+s16+$0x0], $0xffff  }
0x2f3: {  	v15 =	vadd.f32 v16, v15;
	v16 =	vmul.f32 v20, v21;
	v21 =	vor.u32 $0x1B, v14;
	v20 =	vld.idx.msk [tilespmem:v27+s17+$0x0], $0xffff  }
0x2f4: {  	v27 =	vor.u32 $0x1B, v13;
	v24 =	vld.idx.msk [tilespmem:v24+s16+$0x0], $0xffff  }
0x2f5: {  	v15 =	vadd.f32 v16, v15;
	v16 =	vmul.f32 v17, v23;
	v23 =	vor.u32 $0x1C, v14;
	v17 =	vld.idx.msk [tilespmem:v28+s17+$0x0], $0xffff  }
0x2f6: {  	v28 =	vor.u32 $0x1C, v13;
	v19 =	vld.idx.msk [tilespmem:v19+s16+$0x0], $0xffff  }
0x2f7: {  	v15 =	vadd.f32 v16, v15;
	v16 =	vmul.f32 v18, v25;
	v25 =	vor.u32 $0x1D, v14;
	v18 =	vld.idx.msk [tilespmem:v26+s17+$0x0], $0xffff  }
0x2f8: {  	v26 =	vor.u32 $0x1D, v13;
	v21 =	vld.idx.msk [tilespmem:v21+s16+$0x0], $0xffff  }
0x2f9: {  	v15 =	vadd.f32 v16, v15;
	v16 =	vmul.f32 v20, v22;
	v22 =	vor.u32 $0x1E, v14;
	v20 =	vld.idx.msk [tilespmem:v27+s17+$0x0], $0xffff  }
0x2fa: {  	v27 =	vor.u32 $0x1E, v13;
	v23 =	vld.idx.msk [tilespmem:v23+s16+$0x0], $0xffff  }
0x2fb: {  	v14 =	vor.u32 $0x1F, v14;
	v15 =	vadd.f32 v16, v15;
	v16 =	vmul.f32 v17, v24;
	v17 =	vld.idx.msk [tilespmem:v28+s17+$0x0], $0xffff  }
0x2fc: {  	v13 =	vor.u32 $0x1F, v13;
	v24 =	vld.idx.msk [tilespmem:v25+s16+$0x0], $0xffff  }
0x2fd: {  	v15 =	vadd.f32 v16, v15;
	v16 =	vmul.f32 v18, v19;
	v18 =	vld.idx.msk [tilespmem:v26+s17+$0x0], $0xffff  }
0x2fe: {  	v19 =	vld.idx.msk [tilespmem:v22+s16+$0x0], $0xffff  }
0x2ff: {  	v11 =	vand.u32 $0x7F, v11;
	v15 =	vadd.f32 v16, v15;
	v16 =	vmul.f32 v20, v21;
	v20 =	vld.idx.msk [tilespmem:v27+s17+$0x0], $0xffff  }
0x300: {  	v11 =	vor.u32 v12, v11;
	v14 =	vld.idx.msk [tilespmem:v14+s16+$0x0], $0xffff  }
0x301: {  	v10 =	vand.u32 $0x7F, v10;
	v15 =	vadd.f32 v16, v15;
	v16 =	vmul.f32 v17, v23;
	v13 =	vld.idx.msk [tilespmem:v13+s17+$0x0], $0xffff  }
0x302: {  	v10 =	vor.u32 v12, v10  }
0x303: {  	v12 =	vadd.f32 v16, v15;
	v15 =	vmul.f32 v18, v24;
	_ =	sdelay $0x1  }
0x304: {  	v12 =	vadd.f32 v15, v12;
	v15 =	vmul.f32 v20, v19;
	v11 =	vld.idx.msk [tilespmem:v11+s2+$0x0], $0xffff;
	_ =	sdelay $0x1  }
0x305: {  	v12 =	vadd.f32 v15, v12;
	v13 =	vmul.f32 v13, v14;
	v10 =	vld.idx.msk [tilespmem:v10+s4+$0x0], $0xffff;
	_ =	sdelay $0x1  }
0x306: {  	v12 =	vadd.f32 v13, v12;
	_ =	sdelay $0x1  }
0x307: {  	v11 =	vadd.f32 v12, v11;
	_ =	sdelay $0x1  }
0x308: {  	v10 =	vadd.f32 v11, v10;
	_ =	sdelay $0x1  }
0x309: {  	v10 =	vsub.f32 $0.0e+00, v10;
	_ =	sdelay $0x1  }
0x30a: {  	v10 =	vmul.f32 $1.442695020e+00, v10;
	_ =	sdelay $0x1  }
0x30b: {  	(erf) = vpow2.f32 v10;
	_ =	sdelay $0x8  }
0x30c: {  	v10 =	vpop (erf)  }
0x30d: {  	v10 =	vadd.f32 $1.000000000e+00, v10;
	_ =	sdelay $0x1  }
0x30e: {  	(erf) = vrcp.f32 v10;
	_ =	sdelay $0x6  }
.Ltmp1:
0x30f: {  	(pc) =	sbr.rel @p0 .LBB2_4-.Ltmp1, $4  }
0x310: {  	_ = 	snop  }
0x311: {  	v10 =	vor.u32 s22, v9;
	s22 =	smov.u32 s23;
	v11 =	vpop (erf)  }
0x312: {  	v13 =	vor.u32 s23, v0;
	v11 =	vmul.f32 $4.000000000e+00, v11  }
0x313: {  	s23 =	sadd.s32 $0x10, s23  }
0x314: {  	_ =	sdelay $0x1  }
0x315: {  	v11 =	vadd.f32 $1.000000000e+00, v11;
	_ =	sdelay $0x1  }
0x316: {  	[tilespmem:v10+s6+$0x0] =	vst.idx.msk $0xffff, v11  }
0x317: {  	v12 =	vld.idx.msk [tilespmem:v13+s25+$0x0], $0xffff  }
0x318: {  	v10 =	vld.idx.msk [tilespmem:v13+s26+$0x0], $0xffff;
	_ =	sdelay $0x3  }
0x319: {  	v11 =	vshll.u32 v12, $0x5  }
0x31a: {  	v15 =	vshll.u32 v10, $0x5;
	v14 =	vand.u32 $0x60, v11;
	v11 =	vshll.u32 v13, $0x7  }
0x31b: {  	v13 =	vand.u32 $0x60, v15;
	v14 =	vor.u32 v11, v14  }
0x31c: {  	v13 =	vor.u32 v11, v13  }
0x31d: {  	v15 =	vor.u32 $0x1, v14  }
0x31e: {  	v16 =	vor.u32 $0x1, v13  }
0x31f: {  	v17 =	vor.u32 $0x2, v14  }
0x320: {  	v19 =	vor.u32 $0x2, v13;
	v18 =	vld.idx.msk [tilespmem:v14+s16+$0x0], $0xffff  }
0x321: {  	v21 =	vor.u32 $0x3, v14;
	v20 =	vld.idx.msk [tilespmem:v13+s17+$0x0], $0xffff  }
0x322: {  	v22 =	vor.u32 $0x3, v13;
	v15 =	vld.idx.msk [tilespmem:v15+s16+$0x0], $0xffff  }
0x323: {  	v23 =	vor.u32 $0x4, v14;
	v16 =	vld.idx.msk [tilespmem:v16+s17+$0x0], $0xffff  }
0x324: {  	v24 =	vor.u32 $0x4, v13;
	v17 =	vld.idx.msk [tilespmem:v17+s16+$0x0], $0xffff  }
0x325: {  	v25 =	vor.u32 $0x5, v14;
	v19 =	vld.idx.msk [tilespmem:v19+s17+$0x0], $0xffff  }
0x326: {  	v26 =	vor.u32 $0x5, v13;
	v21 =	vld.idx.msk [tilespmem:v21+s16+$0x0], $0xffff;
	v18 =	vmul.f32 v20, v18  }
0x327: {  	v39 =	vor.u32 $0x6, v14;
	v38 =	vld.idx.msk [tilespmem:v22+s17+$0x0], $0xffff  }
0x328: {  	v27 =	vor.u32 $0x6, v13;
	v23 =	vld.idx.msk [tilespmem:v23+s16+$0x0], $0xffff;
	v15 =	vmul.f32 v16, v15;
	v18 =	vadd.f32 v18, v8  }
0x329: {  	v41 =	vor.u32 $0x7, v14;
	v40 =	vld.idx.msk [tilespmem:v24+s17+$0x0], $0xffff  }
0x32a: {  	v28 =	vor.u32 $0x7, v13;
	v25 =	vld.idx.msk [tilespmem:v25+s16+$0x0], $0xffff;
	v17 =	vmul.f32 v19, v17;
	v15 =	vadd.f32 v15, v18  }
0x32b: {  	v44 =	vor.u32 $0x8, v13;
	v42 =	vld.idx.msk [tilespmem:v26+s17+$0x0], $0xffff  }
0x32c: {  	v43 =	vor.u32 $0x8, v14;
	v22 =	vld.idx.msk [tilespmem:v39+s16+$0x0], $0xffff;
	v45 =	vmul.f32 v38, v21;
	v15 =	vadd.f32 v17, v15  }
0x32d: {  	v48 =	vor.u32 $0x9, v13;
	v46 =	vld.idx.msk [tilespmem:v27+s17+$0x0], $0xffff  }
0x32e: {  	v47 =	vor.u32 $0x9, v14;
	v24 =	vld.idx.msk [tilespmem:v41+s16+$0x0], $0xffff;
	v16 =	vmul.f32 v40, v23;
	v15 =	vadd.f32 v45, v15  }
0x32f: {  	v51 =	vor.u32 $0xA, v13;
	v49 =	vld.idx.msk [tilespmem:v28+s17+$0x0], $0xffff  }
0x330: {  	v50 =	vor.u32 $0xA, v14;
	v53 =	vld.idx.msk [tilespmem:v44+s17+$0x0], $0xffff;
	v52 =	vmul.f32 v42, v25;
	v15 =	vadd.f32 v16, v15  }
0x331: {  	v55 =	vor.u32 $0xB, v13;
	v19 =	vld.idx.msk [tilespmem:v43+s16+$0x0], $0xffff  }
0x332: {  	v54 =	vor.u32 $0xB, v14;
	v57 =	vld.idx.msk [tilespmem:v48+s17+$0x0], $0xffff;
	v56 =	vmul.f32 v46, v22;
	v15 =	vadd.f32 v52, v15  }
0x333: {  	v59 =	vor.u32 $0xC, v13;
	v21 =	vld.idx.msk [tilespmem:v47+s16+$0x0], $0xffff  }
0x334: {  	v58 =	vor.u32 $0xC, v14;
	v61 =	vld.idx.msk [tilespmem:v51+s17+$0x0], $0xffff;
	v60 =	vmul.f32 v49, v24;
	v15 =	vadd.f32 v56, v15  }
0x335: {  	v62 =	vor.u32 $0xD, v14;
	v23 =	vld.idx.msk [tilespmem:v50+s16+$0x0], $0xffff  }
0x336: {  	v63 =	vor.u32 $0xD, v13;
	v32 =	vld.idx.msk [tilespmem:v55+s17+$0x0], $0xffff;
	v31 =	vmul.f32 v53, v19;
	v15 =	vadd.f32 v60, v15  }
0x337: {  	v34 =	vor.u32 $0xE, v13;
	v25 =	vld.idx.msk [tilespmem:v54+s16+$0x0], $0xffff  }
0x338: {  	v33 =	vor.u32 $0xE, v14;
	v36 =	vld.idx.msk [tilespmem:v59+s17+$0x0], $0xffff;
	v35 =	vmul.f32 v57, v21;
	v15 =	vadd.f32 v31, v15  }
0x339: {  	v37 =	vor.u32 $0xF, v14;
	v22 =	vld.idx.msk [tilespmem:v58+s16+$0x0], $0xffff  }
0x33a: {  	v24 =	vld.idx.msk [tilespmem:v62+s16+$0x0], $0xffff;
	v38 =	vor.u32 $0xF, v13;
	v39 =	vmul.f32 v61, v23;
	v15 =	vadd.f32 v35, v15  }
0x33b: {  	v41 =	vor.u32 $0x10, v14;
	v40 =	vld.idx.msk [tilespmem:v63+s17+$0x0], $0xffff  }
0x33c: {  	v44 =	vld.idx.msk [tilespmem:v34+s17+$0x0], $0xffff;
	v42 =	vor.u32 $0x10, v13;
	v43 =	vmul.f32 v32, v25;
	v15 =	vadd.f32 v39, v15  }
0x33d: {  	v19 =	vld.idx.msk [tilespmem:v33+s16+$0x0], $0xffff;
	v45 =	vor.u32 $0x11, v14  }
0x33e: {  	v46 =	vor.u32 $0x11, v13;
	v21 =	vld.idx.msk [tilespmem:v37+s16+$0x0], $0xffff;
	v47 =	vmul.f32 v36, v22;
	v15 =	vadd.f32 v43, v15  }
0x33f: {  	v49 =	vor.u32 $0x12, v14;
	v48 =	vld.idx.msk [tilespmem:v38+s17+$0x0], $0xffff  }
0x340: {  	v50 =	vor.u32 $0x12, v13;
	v23 =	vld.idx.msk [tilespmem:v41+s16+$0x0], $0xffff;
	v51 =	vmul.f32 v40, v24;
	v15 =	vadd.f32 v47, v15  }
0x341: {  	v54 =	vor.u32 $0x13, v13;
	v52 =	vld.idx.msk [tilespmem:v42+s17+$0x0], $0xffff  }
0x342: {  	v53 =	vor.u32 $0x13, v14;
	v55 =	vmul.f32 v44, v19;
	v25 =	vld.idx.msk [tilespmem:v45+s16+$0x0], $0xffff;
	v15 =	vadd.f32 v51, v15  }
0x343: {  	v58 =	vor.u32 $0x14, v13;
	v56 =	vld.idx.msk [tilespmem:v46+s17+$0x0], $0xffff  }
0x344: {  	v57 =	vor.u32 $0x14, v14;
	v22 =	vld.idx.msk [tilespmem:v49+s16+$0x0], $0xffff;
	v59 =	vmul.f32 v48, v21;
	v15 =	vadd.f32 v55, v15  }
0x345: {  	v62 =	vor.u32 $0x15, v13;
	v60 =	vld.idx.msk [tilespmem:v50+s17+$0x0], $0xffff  }
0x346: {  	v61 =	vor.u32 $0x15, v14;
	v32 =	vld.idx.msk [tilespmem:v54+s17+$0x0], $0xffff;
	v63 =	vmul.f32 v52, v23;
	v15 =	vadd.f32 v59, v15  }
0x347: {  	v34 =	vor.u32 $0x16, v13;
	v24 =	vld.idx.msk [tilespmem:v53+s16+$0x0], $0xffff  }
0x348: {  	v33 =	vor.u32 $0x16, v14;
	v36 =	vld.idx.msk [tilespmem:v58+s17+$0x0], $0xffff;
	v35 =	vmul.f32 v56, v25;
	v15 =	vadd.f32 v63, v15  }
0x349: {  	v38 =	vor.u32 $0x17, v13;
	v19 =	vld.idx.msk [tilespmem:v57+s16+$0x0], $0xffff  }
0x34a: {  	v37 =	vor.u32 $0x17, v14;
	v40 =	vld.idx.msk [tilespmem:v62+s17+$0x0], $0xffff;
	v39 =	vmul.f32 v60, v22;
	v15 =	vadd.f32 v35, v15  }
0x34b: {  	v21 =	vld.idx.msk [tilespmem:v61+s16+$0x0], $0xffff;
	v42 =	vor.u32 $0x18, v13  }
0x34c: {  	v41 =	vor.u32 $0x18, v14;
	v44 =	vld.idx.msk [tilespmem:v34+s17+$0x0], $0xffff;
	v43 =	vmul.f32 v32, v24;
	v15 =	vadd.f32 v39, v15  }
0x34d: {  	v46 =	vor.u32 $0x19, v13;
	v23 =	vld.idx.msk [tilespmem:v33+s16+$0x0], $0xffff  }
0x34e: {  	v48 =	vld.idx.msk [tilespmem:v38+s17+$0x0], $0xffff;
	v45 =	vor.u32 $0x19, v14;
	v47 =	vmul.f32 v36, v19;
	v15 =	vadd.f32 v43, v15  }
0x34f: {  	v50 =	vor.u32 $0x1A, v13;
	v25 =	vld.idx.msk [tilespmem:v37+s16+$0x0], $0xffff  }
0x350: {  	v49 =	vor.u32 $0x1A, v14;
	v52 =	vld.idx.msk [tilespmem:v42+s17+$0x0], $0xffff;
	v51 =	vmul.f32 v40, v21;
	v15 =	vadd.f32 v47, v15  }
0x351: {  	v54 =	vor.u32 $0x1B, v13;
	v22 =	vld.idx.msk [tilespmem:v41+s16+$0x0], $0xffff  }
0x352: {  	v53 =	vor.u32 $0x1B, v14;
	v56 =	vld.idx.msk [tilespmem:v46+s17+$0x0], $0xffff;
	v55 =	vmul.f32 v44, v23;
	v15 =	vadd.f32 v51, v15  }
0x353: {  	v58 =	vor.u32 $0x1C, v13;
	v24 =	vld.idx.msk [tilespmem:v45+s16+$0x0], $0xffff  }
0x354: {  	v57 =	vor.u32 $0x1C, v14;
	v60 =	vld.idx.msk [tilespmem:v50+s17+$0x0], $0xffff;
	v59 =	vmul.f32 v48, v25;
	v15 =	vadd.f32 v55, v15  }
0x355: {  	v62 =	vor.u32 $0x1D, v13;
	v19 =	vld.idx.msk [tilespmem:v49+s16+$0x0], $0xffff  }
0x356: {  	v61 =	vor.u32 $0x1D, v14;
	v30 =	vld.idx.msk [tilespmem:v54+s17+$0x0], $0xffff;
	v63 =	vmul.f32 v52, v22;
	v15 =	vadd.f32 v59, v15  }
0x357: {  	v31 =	vor.u32 $0x1E, v14;
	v21 =	vld.idx.msk [tilespmem:v53+s16+$0x0], $0xffff  }
0x358: {  	v34 =	vld.idx.msk [tilespmem:v58+s17+$0x0], $0xffff;
	v32 =	vor.u32 $0x1E, v13;
	v33 =	vmul.f32 v56, v24;
	v15 =	vadd.f32 v63, v15  }
0x359: {  	v14 =	vor.u32 $0x1F, v14;
	v23 =	vld.idx.msk [tilespmem:v57+s16+$0x0], $0xffff  }
0x35a: {  	v37 =	vld.idx.msk [tilespmem:v62+s17+$0x0], $0xffff;
	v13 =	vor.u32 $0x1F, v13;
	v36 =	vmul.f32 v60, v19;
	v15 =	vadd.f32 v33, v15  }
0x35b: {  	v35 =	vld.idx.msk [tilespmem:v61+s16+$0x0], $0xffff  }
0x35c: {  	v38 =	vld.idx.msk [tilespmem:v31+s16+$0x0], $0xffff;
	v39 =	vmul.f32 v30, v21;
	v15 =	vadd.f32 v36, v15  }
0x35d: {  	v12 =	vand.u32 $0x7F, v12;
	v40 =	vld.idx.msk [tilespmem:v32+s17+$0x0], $0xffff  }
0x35e: {  	v12 =	vor.u32 v11, v12;
	v14 =	vld.idx.msk [tilespmem:v14+s16+$0x0], $0xffff;
	v41 =	vmul.f32 v34, v23;
	v15 =	vadd.f32 v39, v15  }
0x35f: {  	v10 =	vand.u32 $0x7F, v10;
	v13 =	vld.idx.msk [tilespmem:v13+s17+$0x0], $0xffff  }
0x360: {  	v10 =	vor.u32 v11, v10;
	v11 =	vadd.f32 v41, v15;
	v15 =	vmul.f32 v37, v35;
	_ =	sdelay $0x1  }
0x361: {  	v11 =	vadd.f32 v15, v11;
	v15 =	vmul.f32 v40, v38  }
0x362: {  	v12 =	vld.idx.msk [tilespmem:v12+s2+$0x0], $0xffff  }
0x363: {  	v13 =	vmul.f32 v13, v14;
	v11 =	vadd.f32 v15, v11  }
0x364: {  	v10 =	vld.idx.msk [tilespmem:v10+s4+$0x0], $0xffff  }
0x365: {  	v11 =	vadd.f32 v13, v11;
	_ =	sdelay $0x1  }
0x366: {  	v11 =	vadd.f32 v11, v12;
	_ =	sdelay $0x1  }
0x367: {  	v10 =	vadd.f32 v11, v10;
	_ =	sdelay $0x1  }
0x368: {  	v10 =	vsub.f32 $0.0e+00, v10;
	_ =	sdelay $0x1  }
0x369: {  	v10 =	vmul.f32 $1.442695020e+00, v10;
	_ =	sdelay $0x1  }
0x36a: {  	(erf) = vpow2.f32 v10;
	_ =	sdelay $0x8  }
0x36b: {  	v10 =	vpop (erf)  }
0x36c: {  	v10 =	vadd.f32 $1.000000000e+00, v10;
	_ =	sdelay $0x1  }
0x36d: {  	(erf) = vrcp.f32 v10;
	_ =	sdelay $0x8  }
0x36e: {  	v9 =	vor.u32 s22, v9;
	v10 =	vpop (erf)  }
0x36f: {  	v10 =	vmul.f32 $4.000000000e+00, v10;
	_ =	sdelay $0x1  }
0x370: {  	v10 =	vadd.f32 $1.000000000e+00, v10;
	_ =	sdelay $0x1  }
0x371: {  	s31 =	rddreg [dreg:$0x5];
	[tilespmem:v9+s6+$0x0] =	vst.idx.msk $0xffff, v10  }
0x372: {  	[tilespmem:s16], [sflag:$0x1] =	stream.indirect.gather [hbm4b:s31+s20], $0x80, s18, s20, $0xb8;
	[tilespmem:$0x10E80] =	vst v63  }
0x373: {  	s23 =	rddreg [dreg:$0x6]  }
0x374: {  	[tilespmem:s17], [sflag:$0x1] =	stream.indirect.gather [hbm4b:s23+s20], $0x80, s7, s20, $0xb8;
	[tilespmem:$0x10E80] =	vst v63  }
0x375: {  	s30 =	rddreg [dreg:$0x7]  }
0x376: {  	[tilespmem:s2], [sflag:$0x1] =	stream.indirect.gather [hbm4b:s30+s20], $0x80, s8, s20, $0xb8;
	[tilespmem:$0x10E80] =	vst v63  }
0x377: {  	s31 =	rddreg [dreg:$0x8]  }
0x378: {  	[tilespmem:s4], [sflag:$0x1] =	stream.indirect.gather [hbm4b:s31+s20], $0x80, s9, s20, $0xb8;
	[tilespmem:$0x10E80] =	vst v63  }
0x379: {  	_ =	swait.ge [sflag:s5], $0x4000  }
0x37a: {  	[sflag:s5] =	ssyncset.done $0x0  }
0x37b: {  	[sflag:s5] =	ssyncadd.s32 $0xFFFFC000  }
0x37c: {  	_ =	swait.ge [sflag:s5], $0x4000  }
0x37d: {  	[sflag:s5] =	ssyncset.done $0x0  }
0x37e: {  	[sflag:s5] =	ssyncadd.s32 $0xFFFFC000  }
0x37f: {  	s23 =	simm.s32 $0x0;
	_ =	swait.ge [sflag:s5], $0x4000  }
0x380: {  	v10 =	vor.u32 s23, v0;
	[sflag:s5] =	ssyncset.done $0x0  }
0x381: {  	[sflag:s5] =	ssyncadd.s32 $0xFFFFC000  }
0x382: {  	_ =	swait.ge [sflag:s5], $0x4000  }
0x383: {  	[sflag:s5] =	ssyncset.done $0x0  }
0x384: {  	[sflag:s5] =	ssyncadd.s32 $0xFFFFC000  }
0x385: {  	v11 =	vld.idx.msk [tilespmem:v10+s0+$0x0], $0xffff  }
0x386: {  	v9 =	vld.idx.msk [tilespmem:v10+s3+$0x0], $0xffff;
	_ =	sdelay $0x3  }
0x387: {  	v12 =	vshll.u32 v11, $0x5  }
0x388: {  	v10 =	vshll.u32 v10, $0x7;
	v13 =	vshll.u32 v9, $0x5;
	v12 =	vand.u32 $0x60, v12  }
0x389: {  	v14 =	vand.u32 $0x60, v13;
	v13 =	vor.u32 v10, v12  }
0x38a: {  	v12 =	vor.u32 v10, v14  }
0x38b: {  	v14 =	vor.u32 $0x1, v13  }
0x38c: {  	v15 =	vor.u32 $0x1, v12  }
0x38d: {  	v42 =	vor.u32 $0x2, v13  }
0x38e: {  	v44 =	vor.u32 $0x2, v12;
	v43 =	vld.idx.msk [tilespmem:v13+s16+$0x0], $0xffff  }
0x38f: {  	v46 =	vor.u32 $0x3, v13;
	v45 =	vld.idx.msk [tilespmem:v12+s17+$0x0], $0xffff  }
0x390: {  	v47 =	vor.u32 $0x3, v12;
	v14 =	vld.idx.msk [tilespmem:v14+s16+$0x0], $0xffff  }
0x391: {  	v48 =	vor.u32 $0x4, v13;
	v15 =	vld.idx.msk [tilespmem:v15+s17+$0x0], $0xffff  }
0x392: {  	v49 =	vor.u32 $0x4, v12;
	v16 =	vld.idx.msk [tilespmem:v42+s16+$0x0], $0xffff  }
0x393: {  	v50 =	vor.u32 $0x5, v13;
	v18 =	vld.idx.msk [tilespmem:v44+s17+$0x0], $0xffff  }
0x394: {  	v51 =	vor.u32 $0x5, v12;
	v20 =	vld.idx.msk [tilespmem:v46+s16+$0x0], $0xffff;
	v17 =	vmul.f32 v45, v43  }
0x395: {  	v53 =	vor.u32 $0x6, v13;
	v52 =	vld.idx.msk [tilespmem:v47+s17+$0x0], $0xffff  }
0x396: {  	v54 =	vor.u32 $0x6, v12;
	v22 =	vld.idx.msk [tilespmem:v48+s16+$0x0], $0xffff;
	v14 =	vmul.f32 v15, v14;
	v17 =	vadd.f32 v17, v8  }
0x397: {  	v55 =	vor.u32 $0x7, v13;
	v15 =	vld.idx.msk [tilespmem:v49+s17+$0x0], $0xffff  }
0x398: {  	v56 =	vor.u32 $0x7, v12;
	v24 =	vld.idx.msk [tilespmem:v50+s16+$0x0], $0xffff;
	v16 =	vmul.f32 v18, v16;
	v14 =	vadd.f32 v14, v17  }
0x399: {  	v59 =	vor.u32 $0x8, v12;
	v57 =	vld.idx.msk [tilespmem:v51+s17+$0x0], $0xffff  }
0x39a: {  	v58 =	vor.u32 $0x8, v13;
	v21 =	vld.idx.msk [tilespmem:v53+s16+$0x0], $0xffff;
	v60 =	vmul.f32 v52, v20;
	v14 =	vadd.f32 v16, v14  }
0x39b: {  	v63 =	vor.u32 $0x9, v12;
	v61 =	vld.idx.msk [tilespmem:v54+s17+$0x0], $0xffff  }
0x39c: {  	v62 =	vor.u32 $0x9, v13;
	v23 =	vld.idx.msk [tilespmem:v55+s16+$0x0], $0xffff;
	v15 =	vmul.f32 v15, v22;
	v14 =	vadd.f32 v60, v14  }
0x39d: {  	v32 =	vor.u32 $0xA, v12;
	v30 =	vld.idx.msk [tilespmem:v56+s17+$0x0], $0xffff  }
0x39e: {  	v31 =	vor.u32 $0xA, v13;
	v33 =	vld.idx.msk [tilespmem:v59+s17+$0x0], $0xffff;
	v14 =	vadd.f32 v15, v14;
	v15 =	vmul.f32 v57, v24  }
0x39f: {  	v35 =	vor.u32 $0xB, v12;
	v18 =	vld.idx.msk [tilespmem:v58+s16+$0x0], $0xffff  }
0x3a0: {  	v34 =	vor.u32 $0xB, v13;
	v36 =	vld.idx.msk [tilespmem:v63+s17+$0x0], $0xffff;
	v14 =	vadd.f32 v15, v14;
	v15 =	vmul.f32 v61, v21  }
0x3a1: {  	v38 =	vor.u32 $0xC, v12;
	v20 =	vld.idx.msk [tilespmem:v62+s16+$0x0], $0xffff  }
0x3a2: {  	v37 =	vor.u32 $0xC, v13;
	v39 =	vld.idx.msk [tilespmem:v32+s17+$0x0], $0xffff;
	v14 =	vadd.f32 v15, v14;
	v15 =	vmul.f32 v30, v23  }
0x3a3: {  	v41 =	vor.u32 $0xD, v12;
	v22 =	vld.idx.msk [tilespmem:v31+s16+$0x0], $0xffff  }
0x3a4: {  	v40 =	vor.u32 $0xD, v13;
	v42 =	vld.idx.msk [tilespmem:v35+s17+$0x0], $0xffff;
	v14 =	vadd.f32 v15, v14;
	v15 =	vmul.f32 v33, v18  }
0x3a5: {  	v44 =	vor.u32 $0xE, v12;
	v24 =	vld.idx.msk [tilespmem:v34+s16+$0x0], $0xffff  }
0x3a6: {  	v43 =	vor.u32 $0xE, v13;
	v45 =	vld.idx.msk [tilespmem:v38+s17+$0x0], $0xffff;
	v14 =	vadd.f32 v15, v14;
	v15 =	vmul.f32 v36, v20  }
0x3a7: {  	v47 =	vor.u32 $0xF, v12;
	v21 =	vld.idx.msk [tilespmem:v37+s16+$0x0], $0xffff  }
0x3a8: {  	v46 =	vor.u32 $0xF, v13;
	v48 =	vld.idx.msk [tilespmem:v41+s17+$0x0], $0xffff;
	v14 =	vadd.f32 v15, v14;
	v15 =	vmul.f32 v39, v22  }
0x3a9: {  	v50 =	vor.u32 $0x10, v12;
	v23 =	vld.idx.msk [tilespmem:v40+s16+$0x0], $0xffff  }
0x3aa: {  	v49 =	vor.u32 $0x10, v13;
	v51 =	vld.idx.msk [tilespmem:v44+s17+$0x0], $0xffff;
	v14 =	vadd.f32 v15, v14;
	v15 =	vmul.f32 v42, v24  }
0x3ab: {  	v53 =	vor.u32 $0x11, v12;
	v18 =	vld.idx.msk [tilespmem:v43+s16+$0x0], $0xffff  }
0x3ac: {  	v52 =	vor.u32 $0x11, v13;
	v54 =	vld.idx.msk [tilespmem:v47+s17+$0x0], $0xffff;
	v14 =	vadd.f32 v15, v14;
	v15 =	vmul.f32 v45, v21  }
0x3ad: {  	v56 =	vor.u32 $0x12, v12;
	v20 =	vld.idx.msk [tilespmem:v46+s16+$0x0], $0xffff  }
0x3ae: {  	v55 =	vor.u32 $0x12, v13;
	v57 =	vld.idx.msk [tilespmem:v50+s17+$0x0], $0xffff;
	v14 =	vadd.f32 v15, v14;
	v15 =	vmul.f32 v48, v23  }
0x3af: {  	v59 =	vor.u32 $0x13, v12;
	v22 =	vld.idx.msk [tilespmem:v49+s16+$0x0], $0xffff  }
0x3b0: {  	v58 =	vor.u32 $0x13, v13;
	v60 =	vld.idx.msk [tilespmem:v53+s17+$0x0], $0xffff;
	v14 =	vadd.f32 v15, v14;
	v15 =	vmul.f32 v51, v18  }
0x3b1: {  	v62 =	vor.u32 $0x14, v12;
	v24 =	vld.idx.msk [tilespmem:v52+s16+$0x0], $0xffff  }
0x3b2: {  	v63 =	vld.idx.msk [tilespmem:v56+s17+$0x0], $0xffff;
	v61 =	vor.u32 $0x14, v13;
	v14 =	vadd.f32 v15, v14;
	v15 =	vmul.f32 v54, v20  }
0x3b3: {  	v31 =	vor.u32 $0x15, v12;
	v21 =	vld.idx.msk [tilespmem:v55+s16+$0x0], $0xffff  }
0x3b4: {  	v32 =	vld.idx.msk [tilespmem:v59+s17+$0x0], $0xffff;
	v30 =	vor.u32 $0x15, v13;
	v14 =	vadd.f32 v15, v14;
	v15 =	vmul.f32 v57, v22  }
0x3b5: {  	v34 =	vor.u32 $0x16, v12;
	v23 =	vld.idx.msk [tilespmem:v58+s16+$0x0], $0xffff  }
0x3b6: {  	v35 =	vld.idx.msk [tilespmem:v62+s17+$0x0], $0xffff;
	v33 =	vor.u32 $0x16, v13;
	v14 =	vadd.f32 v15, v14;
	v15 =	vmul.f32 v60, v24  }
0x3b7: {  	v37 =	vor.u32 $0x17, v12;
	v18 =	vld.idx.msk [tilespmem:v61+s16+$0x0], $0xffff  }
0x3b8: {  	v38 =	vld.idx.msk [tilespmem:v31+s17+$0x0], $0xffff;
	v36 =	vor.u32 $0x17, v13;
	v14 =	vadd.f32 v15, v14;
	v15 =	vmul.f32 v63, v21  }
0x3b9: {  	v40 =	vor.u32 $0x18, v12;
	v20 =	vld.idx.msk [tilespmem:v30+s16+$0x0], $0xffff  }
0x3ba: {  	v41 =	vld.idx.msk [tilespmem:v34+s17+$0x0], $0xffff;
	v39 =	vor.u32 $0x18, v13;
	v14 =	vadd.f32 v15, v14;
	v15 =	vmul.f32 v32, v23  }
0x3bb: {  	v43 =	vor.u32 $0x19, v12;
	v22 =	vld.idx.msk [tilespmem:v33+s16+$0x0], $0xffff  }
0x3bc: {  	v44 =	vld.idx.msk [tilespmem:v37+s17+$0x0], $0xffff;
	v42 =	vor.u32 $0x19, v13;
	v14 =	vadd.f32 v15, v14;
	v15 =	vmul.f32 v35, v18  }
0x3bd: {  	v46 =	vor.u32 $0x1A, v12;
	v24 =	vld.idx.msk [tilespmem:v36+s16+$0x0], $0xffff  }
0x3be: {  	v47 =	vld.idx.msk [tilespmem:v40+s17+$0x0], $0xffff;
	v45 =	vor.u32 $0x1A, v13;
	v14 =	vadd.f32 v15, v14;
	v15 =	vmul.f32 v38, v20  }
0x3bf: {  	v49 =	vor.u32 $0x1B, v12;
	v21 =	vld.idx.msk [tilespmem:v39+s16+$0x0], $0xffff  }
0x3c0: {  	v50 =	vld.idx.msk [tilespmem:v43+s17+$0x0], $0xffff;
	v48 =	vor.u32 $0x1B, v13;
	v14 =	vadd.f32 v15, v14;
	v15 =	vmul.f32 v41, v22  }
0x3c1: {  	v52 =	vor.u32 $0x1C, v12;
	v23 =	vld.idx.msk [tilespmem:v42+s16+$0x0], $0xffff  }
0x3c2: {  	v53 =	vld.idx.msk [tilespmem:v46+s17+$0x0], $0xffff;
	v51 =	vor.u32 $0x1C, v13;
	v14 =	vadd.f32 v15, v14;
	v15 =	vmul.f32 v44, v24  }
0x3c3: {  	v55 =	vor.u32 $0x1D, v12;
	v18 =	vld.idx.msk [tilespmem:v45+s16+$0x0], $0xffff  }
0x3c4: {  	v56 =	vld.idx.msk [tilespmem:v49+s17+$0x0], $0xffff;
	v54 =	vor.u32 $0x1D, v13;
	v14 =	vadd.f32 v15, v14;
	v15 =	vmul.f32 v47, v21  }
0x3c5: {  	v58 =	vor.u32 $0x1E, v12;
	v20 =	vld.idx.msk [tilespmem:v48+s16+$0x0], $0xffff  }
0x3c6: {  	v59 =	vld.idx.msk [tilespmem:v52+s17+$0x0], $0xffff;
	v57 =	vor.u32 $0x1E, v13;
	v14 =	vadd.f32 v15, v14;
	v15 =	vmul.f32 v50, v23  }
0x3c7: {  	v12 =	vor.u32 $0x1F, v12;
	v22 =	vld.idx.msk [tilespmem:v51+s16+$0x0], $0xffff  }
0x3c8: {  	v61 =	vld.idx.msk [tilespmem:v55+s17+$0x0], $0xffff;
	v13 =	vor.u32 $0x1F, v13;
	v14 =	vadd.f32 v15, v14;
	v15 =	vmul.f32 v53, v18  }
0x3c9: {  	v60 =	vld.idx.msk [tilespmem:v54+s16+$0x0], $0xffff  }
0x3ca: {  	v63 =	vld.idx.msk [tilespmem:v58+s17+$0x0], $0xffff;
	v14 =	vadd.f32 v15, v14;
	v15 =	vmul.f32 v56, v20  }
0x3cb: {  	v11 =	vand.u32 $0x7F, v11;
	v62 =	vld.idx.msk [tilespmem:v57+s16+$0x0], $0xffff  }
0x3cc: {  	v11 =	vor.u32 v10, v11;
	v12 =	vld.idx.msk [tilespmem:v12+s17+$0x0], $0xffff;
	v14 =	vadd.f32 v15, v14;
	v15 =	vmul.f32 v59, v22  }
0x3cd: {  	v9 =	vand.u32 $0x7F, v9;
	v13 =	vld.idx.msk [tilespmem:v13+s16+$0x0], $0xffff  }
0x3ce: {  	v9 =	vor.u32 v10, v9;
	v10 =	vadd.f32 v15, v14;
	v14 =	vmul.f32 v61, v60;
	_ =	sdelay $0x1  }
0x3cf: {  	v10 =	vadd.f32 v14, v10;
	v14 =	vmul.f32 v63, v62  }
0x3d0: {  	v11 =	vld.idx.msk [tilespmem:v11+s2+$0x0], $0xffff  }
0x3d1: {  	v12 =	vmul.f32 v12, v13;
	v10 =	vadd.f32 v14, v10  }
0x3d2: {  	v9 =	vld.idx.msk [tilespmem:v9+s4+$0x0], $0xffff  }
0x3d3: {  	v10 =	vadd.f32 v12, v10;
	_ =	sdelay $0x1  }
0x3d4: {  	v10 =	vadd.f32 v10, v11;
	_ =	sdelay $0x1  }
0x3d5: {  	v9 =	vadd.f32 v10, v9;
	_ =	sdelay $0x1  }
0x3d6: {  	v9 =	vsub.f32 $0.0e+00, v9;
	_ =	sdelay $0x1  }
0x3d7: {  	v9 =	vmul.f32 $1.442695020e+00, v9;
	_ =	sdelay $0x1  }
0x3d8: {  	(erf) = vpow2.f32 v9;
	_ =	sdelay $0x8  }
0x3d9: {  	v9 =	vpop (erf)  }
0x3da: {  	v9 =	vadd.f32 $1.000000000e+00, v9;
	_ =	sdelay $0x1  }
0x3db: {  	(erf) = vrcp.f32 v9;
	_ =	sdelay $0x7  }
0x3dc: {  	v9 =	vor.u32 $0x100, v0  }
0x3dd: {  	s22 =	simm.s32 $0x10;
	v10 =	vor.u32 s23, v9;
	v11 =	vpop (erf)  }
0x3de: {  	v13 =	vor.u32 s22, v0;
	v11 =	vmul.f32 $4.000000000e+00, v11  }
0x3df: {  	s23 =	simm.s32 $0x20  }
.LBB2_6:
0x3e0: {  	p0 =	sne.s32 s23, $0x70;
	v11 =	vadd.f32 $1.000000000e+00, v11;
	_ =	sdelay $0x1  }
0x3e1: {  	[tilespmem:v10+s6+$0x0] =	vst.idx.msk $0xffff, v11  }
0x3e2: {  	v11 =	vld.idx.msk [tilespmem:v13+s0+$0x0], $0xffff  }
0x3e3: {  	v10 =	vld.idx.msk [tilespmem:v13+s3+$0x0], $0xffff;
	_ =	sdelay $0x4  }
0x3e4: {  	v12 =	vshll.u32 v11, $0x5  }
0x3e5: {  	v14 =	vand.u32 $0x60, v12;
	v15 =	vshll.u32 v10, $0x5;
	v12 =	vshll.u32 v13, $0x7  }
0x3e6: {  	v13 =	vand.u32 $0x60, v15;
	v14 =	vor.u32 v12, v14  }
0x3e7: {  	v13 =	vor.u32 v12, v13  }
0x3e8: {  	v15 =	vor.u32 $0x1, v14  }
0x3e9: {  	v16 =	vor.u32 $0x1, v13  }
0x3ea: {  	v17 =	vor.u32 $0x2, v14  }
0x3eb: {  	v19 =	vor.u32 $0x2, v13;
	v18 =	vld.idx.msk [tilespmem:v14+s16+$0x0], $0xffff  }
0x3ec: {  	v21 =	vor.u32 $0x3, v14;
	v20 =	vld.idx.msk [tilespmem:v13+s17+$0x0], $0xffff  }
0x3ed: {  	v22 =	vor.u32 $0x3, v13;
	v15 =	vld.idx.msk [tilespmem:v15+s16+$0x0], $0xffff  }
0x3ee: {  	v23 =	vor.u32 $0x4, v14;
	v16 =	vld.idx.msk [tilespmem:v16+s17+$0x0], $0xffff  }
0x3ef: {  	v24 =	vor.u32 $0x4, v13;
	v17 =	vld.idx.msk [tilespmem:v17+s16+$0x0], $0xffff  }
0x3f0: {  	v25 =	vor.u32 $0x5, v14;
	v19 =	vld.idx.msk [tilespmem:v19+s17+$0x0], $0xffff  }
0x3f1: {  	v26 =	vor.u32 $0x5, v13;
	v21 =	vld.idx.msk [tilespmem:v21+s16+$0x0], $0xffff  }
0x3f2: {  	v18 =	vmul.f32 v20, v18;
	v20 =	vld.idx.msk [tilespmem:v22+s17+$0x0], $0xffff;
	v22 =	vor.u32 $0x6, v14  }
0x3f3: {  	v27 =	vor.u32 $0x6, v13;
	v23 =	vld.idx.msk [tilespmem:v23+s16+$0x0], $0xffff  }
0x3f4: {  	v18 =	vadd.f32 v18, v8;
	v15 =	vmul.f32 v16, v15;
	v16 =	vld.idx.msk [tilespmem:v24+s17+$0x0], $0xffff;
	v24 =	vor.u32 $0x7, v14  }
0x3f5: {  	v28 =	vor.u32 $0x7, v13;
	v25 =	vld.idx.msk [tilespmem:v25+s16+$0x0], $0xffff  }
0x3f6: {  	v15 =	vadd.f32 v15, v18;
	v17 =	vmul.f32 v19, v17;
	v19 =	vor.u32 $0x8, v14;
	v18 =	vld.idx.msk [tilespmem:v26+s17+$0x0], $0xffff  }
0x3f7: {  	v26 =	vor.u32 $0x8, v13;
	v22 =	vld.idx.msk [tilespmem:v22+s16+$0x0], $0xffff  }
0x3f8: {  	v15 =	vadd.f32 v17, v15;
	v17 =	vmul.f32 v20, v21;
	v21 =	vor.u32 $0x9, v14;
	v20 =	vld.idx.msk [tilespmem:v27+s17+$0x0], $0xffff  }
0x3f9: {  	v27 =	vor.u32 $0x9, v13;
	v24 =	vld.idx.msk [tilespmem:v24+s16+$0x0], $0xffff  }
0x3fa: {  	v15 =	vadd.f32 v17, v15;
	v16 =	vmul.f32 v16, v23;
	v23 =	vor.u32 $0xA, v14;
	v17 =	vld.idx.msk [tilespmem:v28+s17+$0x0], $0xffff  }
0x3fb: {  	v28 =	vor.u32 $0xA, v13;
	v19 =	vld.idx.msk [tilespmem:v19+s16+$0x0], $0xffff  }
0x3fc: {  	v15 =	vadd.f32 v16, v15;
	v16 =	vmul.f32 v18, v25;
	v25 =	vor.u32 $0xB, v14;
	v18 =	vld.idx.msk [tilespmem:v26+s17+$0x0], $0xffff  }
0x3fd: {  	v26 =	vor.u32 $0xB, v13;
	v21 =	vld.idx.msk [tilespmem:v21+s16+$0x0], $0xffff  }
0x3fe: {  	v15 =	vadd.f32 v16, v15;
	v16 =	vmul.f32 v20, v22;
	v22 =	vor.u32 $0xC, v14;
	v20 =	vld.idx.msk [tilespmem:v27+s17+$0x0], $0xffff  }
0x3ff: {  	v27 =	vor.u32 $0xC, v13;
	v23 =	vld.idx.msk [tilespmem:v23+s16+$0x0], $0xffff  }
0x400: {  	v15 =	vadd.f32 v16, v15;
	v16 =	vmul.f32 v17, v24;
	v24 =	vor.u32 $0xD, v14;
	v17 =	vld.idx.msk [tilespmem:v28+s17+$0x0], $0xffff  }
0x401: {  	v28 =	vor.u32 $0xD, v13;
	v25 =	vld.idx.msk [tilespmem:v25+s16+$0x0], $0xffff  }
0x402: {  	v15 =	vadd.f32 v16, v15;
	v16 =	vmul.f32 v18, v19;
	v19 =	vor.u32 $0xE, v14;
	v18 =	vld.idx.msk [tilespmem:v26+s17+$0x0], $0xffff  }
0x403: {  	v26 =	vor.u32 $0xE, v13;
	v22 =	vld.idx.msk [tilespmem:v22+s16+$0x0], $0xffff  }
0x404: {  	v15 =	vadd.f32 v16, v15;
	v16 =	vmul.f32 v20, v21;
	v21 =	vor.u32 $0xF, v14;
	v20 =	vld.idx.msk [tilespmem:v27+s17+$0x0], $0xffff  }
0x405: {  	v27 =	vor.u32 $0xF, v13;
	v24 =	vld.idx.msk [tilespmem:v24+s16+$0x0], $0xffff  }
0x406: {  	v15 =	vadd.f32 v16, v15;
	v16 =	vmul.f32 v17, v23;
	v23 =	vor.u32 $0x10, v14;
	v17 =	vld.idx.msk [tilespmem:v28+s17+$0x0], $0xffff  }
0x407: {  	v28 =	vor.u32 $0x10, v13;
	v19 =	vld.idx.msk [tilespmem:v19+s16+$0x0], $0xffff  }
0x408: {  	v15 =	vadd.f32 v16, v15;
	v16 =	vmul.f32 v18, v25;
	v25 =	vor.u32 $0x11, v14;
	v18 =	vld.idx.msk [tilespmem:v26+s17+$0x0], $0xffff  }
0x409: {  	v26 =	vor.u32 $0x11, v13;
	v21 =	vld.idx.msk [tilespmem:v21+s16+$0x0], $0xffff  }
0x40a: {  	v15 =	vadd.f32 v16, v15;
	v16 =	vmul.f32 v20, v22;
	v22 =	vor.u32 $0x12, v14;
	v20 =	vld.idx.msk [tilespmem:v27+s17+$0x0], $0xffff  }
0x40b: {  	v27 =	vor.u32 $0x12, v13;
	v23 =	vld.idx.msk [tilespmem:v23+s16+$0x0], $0xffff  }
0x40c: {  	v15 =	vadd.f32 v16, v15;
	v16 =	vmul.f32 v17, v24;
	v24 =	vor.u32 $0x13, v14;
	v17 =	vld.idx.msk [tilespmem:v28+s17+$0x0], $0xffff  }
0x40d: {  	v28 =	vor.u32 $0x13, v13;
	v25 =	vld.idx.msk [tilespmem:v25+s16+$0x0], $0xffff  }
0x40e: {  	v15 =	vadd.f32 v16, v15;
	v16 =	vmul.f32 v18, v19;
	v19 =	vor.u32 $0x14, v14;
	v18 =	vld.idx.msk [tilespmem:v26+s17+$0x0], $0xffff  }
0x40f: {  	v26 =	vor.u32 $0x14, v13;
	v22 =	vld.idx.msk [tilespmem:v22+s16+$0x0], $0xffff  }
0x410: {  	v15 =	vadd.f32 v16, v15;
	v16 =	vmul.f32 v20, v21;
	v21 =	vor.u32 $0x15, v14;
	v20 =	vld.idx.msk [tilespmem:v27+s17+$0x0], $0xffff  }
0x411: {  	v27 =	vor.u32 $0x15, v13;
	v24 =	vld.idx.msk [tilespmem:v24+s16+$0x0], $0xffff  }
0x412: {  	v15 =	vadd.f32 v16, v15;
	v16 =	vmul.f32 v17, v23;
	v23 =	vor.u32 $0x16, v14;
	v17 =	vld.idx.msk [tilespmem:v28+s17+$0x0], $0xffff  }
0x413: {  	v28 =	vor.u32 $0x16, v13;
	v19 =	vld.idx.msk [tilespmem:v19+s16+$0x0], $0xffff  }
0x414: {  	v15 =	vadd.f32 v16, v15;
	v16 =	vmul.f32 v18, v25;
	v25 =	vor.u32 $0x17, v14;
	v18 =	vld.idx.msk [tilespmem:v26+s17+$0x0], $0xffff  }
0x415: {  	v26 =	vor.u32 $0x17, v13;
	v21 =	vld.idx.msk [tilespmem:v21+s16+$0x0], $0xffff  }
0x416: {  	v15 =	vadd.f32 v16, v15;
	v16 =	vmul.f32 v20, v22;
	v22 =	vor.u32 $0x18, v14;
	v20 =	vld.idx.msk [tilespmem:v27+s17+$0x0], $0xffff  }
0x417: {  	v27 =	vor.u32 $0x18, v13;
	v23 =	vld.idx.msk [tilespmem:v23+s16+$0x0], $0xffff  }
0x418: {  	v15 =	vadd.f32 v16, v15;
	v16 =	vmul.f32 v17, v24;
	v24 =	vor.u32 $0x19, v14;
	v17 =	vld.idx.msk [tilespmem:v28+s17+$0x0], $0xffff  }
0x419: {  	v28 =	vor.u32 $0x19, v13;
	v25 =	vld.idx.msk [tilespmem:v25+s16+$0x0], $0xffff  }
0x41a: {  	v15 =	vadd.f32 v16, v15;
	v16 =	vmul.f32 v18, v19;
	v19 =	vor.u32 $0x1A, v14;
	v18 =	vld.idx.msk [tilespmem:v26+s17+$0x0], $0xffff  }
0x41b: {  	v26 =	vor.u32 $0x1A, v13;
	v22 =	vld.idx.msk [tilespmem:v22+s16+$0x0], $0xffff  }
0x41c: {  	v15 =	vadd.f32 v16, v15;
	v16 =	vmul.f32 v20, v21;
	v21 =	vor.u32 $0x1B, v14;
	v20 =	vld.idx.msk [tilespmem:v27+s17+$0x0], $0xffff  }
0x41d: {  	v27 =	vor.u32 $0x1B, v13;
	v24 =	vld.idx.msk [tilespmem:v24+s16+$0x0], $0xffff  }
0x41e: {  	v15 =	vadd.f32 v16, v15;
	v16 =	vmul.f32 v17, v23;
	v23 =	vor.u32 $0x1C, v14;
	v17 =	vld.idx.msk [tilespmem:v28+s17+$0x0], $0xffff  }
0x41f: {  	v28 =	vor.u32 $0x1C, v13;
	v19 =	vld.idx.msk [tilespmem:v19+s16+$0x0], $0xffff  }
0x420: {  	v15 =	vadd.f32 v16, v15;
	v16 =	vmul.f32 v18, v25;
	v25 =	vor.u32 $0x1D, v14;
	v18 =	vld.idx.msk [tilespmem:v26+s17+$0x0], $0xffff  }
0x421: {  	v26 =	vor.u32 $0x1D, v13;
	v21 =	vld.idx.msk [tilespmem:v21+s16+$0x0], $0xffff  }
0x422: {  	v15 =	vadd.f32 v16, v15;
	v16 =	vmul.f32 v20, v22;
	v22 =	vor.u32 $0x1E, v14;
	v20 =	vld.idx.msk [tilespmem:v27+s17+$0x0], $0xffff  }
0x423: {  	v27 =	vor.u32 $0x1E, v13;
	v23 =	vld.idx.msk [tilespmem:v23+s16+$0x0], $0xffff  }
0x424: {  	v14 =	vor.u32 $0x1F, v14;
	v15 =	vadd.f32 v16, v15;
	v16 =	vmul.f32 v17, v24;
	v17 =	vld.idx.msk [tilespmem:v28+s17+$0x0], $0xffff  }
0x425: {  	v13 =	vor.u32 $0x1F, v13;
	v24 =	vld.idx.msk [tilespmem:v25+s16+$0x0], $0xffff  }
0x426: {  	v15 =	vadd.f32 v16, v15;
	v16 =	vmul.f32 v18, v19;
	v18 =	vld.idx.msk [tilespmem:v26+s17+$0x0], $0xffff  }
0x427: {  	v19 =	vld.idx.msk [tilespmem:v22+s16+$0x0], $0xffff  }
0x428: {  	v11 =	vand.u32 $0x7F, v11;
	v15 =	vadd.f32 v16, v15;
	v16 =	vmul.f32 v20, v21;
	v20 =	vld.idx.msk [tilespmem:v27+s17+$0x0], $0xffff  }
0x429: {  	v11 =	vor.u32 v12, v11;
	v14 =	vld.idx.msk [tilespmem:v14+s16+$0x0], $0xffff  }
0x42a: {  	v10 =	vand.u32 $0x7F, v10;
	v15 =	vadd.f32 v16, v15;
	v16 =	vmul.f32 v17, v23;
	v13 =	vld.idx.msk [tilespmem:v13+s17+$0x0], $0xffff  }
0x42b: {  	v10 =	vor.u32 v12, v10  }
0x42c: {  	v12 =	vadd.f32 v16, v15;
	v15 =	vmul.f32 v18, v24;
	_ =	sdelay $0x1  }
0x42d: {  	v12 =	vadd.f32 v15, v12;
	v15 =	vmul.f32 v20, v19;
	v11 =	vld.idx.msk [tilespmem:v11+s2+$0x0], $0xffff;
	_ =	sdelay $0x1  }
0x42e: {  	v12 =	vadd.f32 v15, v12;
	v13 =	vmul.f32 v13, v14;
	v10 =	vld.idx.msk [tilespmem:v10+s4+$0x0], $0xffff;
	_ =	sdelay $0x1  }
0x42f: {  	v12 =	vadd.f32 v13, v12;
	_ =	sdelay $0x1  }
0x430: {  	v11 =	vadd.f32 v12, v11;
	_ =	sdelay $0x1  }
0x431: {  	v10 =	vadd.f32 v11, v10;
	_ =	sdelay $0x1  }
0x432: {  	v10 =	vsub.f32 $0.0e+00, v10;
	_ =	sdelay $0x1  }
0x433: {  	v10 =	vmul.f32 $1.442695020e+00, v10;
	_ =	sdelay $0x1  }
0x434: {  	(erf) = vpow2.f32 v10;
	_ =	sdelay $0x8  }
0x435: {  	v10 =	vpop (erf)  }
0x436: {  	v10 =	vadd.f32 $1.000000000e+00, v10;
	_ =	sdelay $0x1  }
0x437: {  	(erf) = vrcp.f32 v10;
	_ =	sdelay $0x6  }
.Ltmp2:
0x438: {  	(pc) =	sbr.rel @p0 .LBB2_6-.Ltmp2, $4  }
0x439: {  	_ = 	snop  }
0x43a: {  	v10 =	vor.u32 s22, v9;
	s22 =	smov.u32 s23;
	v11 =	vpop (erf)  }
0x43b: {  	v13 =	vor.u32 s23, v0;
	v11 =	vmul.f32 $4.000000000e+00, v11  }
0x43c: {  	s23 =	sadd.s32 $0x10, s23  }
0x43d: {  	_ =	sdelay $0x1  }
0x43e: {  	v11 =	vadd.f32 $1.000000000e+00, v11;
	_ =	sdelay $0x1  }
0x43f: {  	[tilespmem:v10+s6+$0x0] =	vst.idx.msk $0xffff, v11  }
0x440: {  	v12 =	vld.idx.msk [tilespmem:v13+s0+$0x0], $0xffff  }
0x441: {  	v10 =	vld.idx.msk [tilespmem:v13+s3+$0x0], $0xffff;
	_ =	sdelay $0x3  }
0x442: {  	v11 =	vshll.u32 v12, $0x5  }
0x443: {  	v15 =	vshll.u32 v10, $0x5;
	v14 =	vand.u32 $0x60, v11;
	v11 =	vshll.u32 v13, $0x7  }
0x444: {  	v13 =	vand.u32 $0x60, v15;
	v14 =	vor.u32 v11, v14  }
0x445: {  	v13 =	vor.u32 v11, v13  }
0x446: {  	v15 =	vor.u32 $0x1, v14  }
0x447: {  	v16 =	vor.u32 $0x1, v13  }
0x448: {  	v17 =	vor.u32 $0x2, v14  }
0x449: {  	v19 =	vor.u32 $0x2, v13;
	v18 =	vld.idx.msk [tilespmem:v14+s16+$0x0], $0xffff  }
0x44a: {  	v21 =	vor.u32 $0x3, v14;
	v20 =	vld.idx.msk [tilespmem:v13+s17+$0x0], $0xffff  }
0x44b: {  	v22 =	vor.u32 $0x3, v13;
	v15 =	vld.idx.msk [tilespmem:v15+s16+$0x0], $0xffff  }
0x44c: {  	v23 =	vor.u32 $0x4, v14;
	v16 =	vld.idx.msk [tilespmem:v16+s17+$0x0], $0xffff  }
0x44d: {  	v24 =	vor.u32 $0x4, v13;
	v17 =	vld.idx.msk [tilespmem:v17+s16+$0x0], $0xffff  }
0x44e: {  	v25 =	vor.u32 $0x5, v14;
	v19 =	vld.idx.msk [tilespmem:v19+s17+$0x0], $0xffff  }
0x44f: {  	v26 =	vor.u32 $0x5, v13;
	v21 =	vld.idx.msk [tilespmem:v21+s16+$0x0], $0xffff;
	v18 =	vmul.f32 v20, v18  }
0x450: {  	v39 =	vor.u32 $0x6, v14;
	v38 =	vld.idx.msk [tilespmem:v22+s17+$0x0], $0xffff  }
0x451: {  	v27 =	vor.u32 $0x6, v13;
	v23 =	vld.idx.msk [tilespmem:v23+s16+$0x0], $0xffff;
	v15 =	vmul.f32 v16, v15;
	v18 =	vadd.f32 v18, v8  }
0x452: {  	v41 =	vor.u32 $0x7, v14;
	v40 =	vld.idx.msk [tilespmem:v24+s17+$0x0], $0xffff  }
0x453: {  	v28 =	vor.u32 $0x7, v13;
	v25 =	vld.idx.msk [tilespmem:v25+s16+$0x0], $0xffff;
	v17 =	vmul.f32 v19, v17;
	v15 =	vadd.f32 v15, v18  }
0x454: {  	v44 =	vor.u32 $0x8, v13;
	v42 =	vld.idx.msk [tilespmem:v26+s17+$0x0], $0xffff  }
0x455: {  	v43 =	vor.u32 $0x8, v14;
	v22 =	vld.idx.msk [tilespmem:v39+s16+$0x0], $0xffff;
	v45 =	vmul.f32 v38, v21;
	v15 =	vadd.f32 v17, v15  }
0x456: {  	v48 =	vor.u32 $0x9, v13;
	v46 =	vld.idx.msk [tilespmem:v27+s17+$0x0], $0xffff  }
0x457: {  	v47 =	vor.u32 $0x9, v14;
	v24 =	vld.idx.msk [tilespmem:v41+s16+$0x0], $0xffff;
	v16 =	vmul.f32 v40, v23;
	v15 =	vadd.f32 v45, v15  }
0x458: {  	v51 =	vor.u32 $0xA, v13;
	v49 =	vld.idx.msk [tilespmem:v28+s17+$0x0], $0xffff  }
0x459: {  	v50 =	vor.u32 $0xA, v14;
	v53 =	vld.idx.msk [tilespmem:v44+s17+$0x0], $0xffff;
	v52 =	vmul.f32 v42, v25;
	v15 =	vadd.f32 v16, v15  }
0x45a: {  	v55 =	vor.u32 $0xB, v13;
	v19 =	vld.idx.msk [tilespmem:v43+s16+$0x0], $0xffff  }
0x45b: {  	v54 =	vor.u32 $0xB, v14;
	v57 =	vld.idx.msk [tilespmem:v48+s17+$0x0], $0xffff;
	v56 =	vmul.f32 v46, v22;
	v15 =	vadd.f32 v52, v15  }
0x45c: {  	v59 =	vor.u32 $0xC, v13;
	v21 =	vld.idx.msk [tilespmem:v47+s16+$0x0], $0xffff  }
0x45d: {  	v58 =	vor.u32 $0xC, v14;
	v61 =	vld.idx.msk [tilespmem:v51+s17+$0x0], $0xffff;
	v60 =	vmul.f32 v49, v24;
	v15 =	vadd.f32 v56, v15  }
0x45e: {  	v62 =	vor.u32 $0xD, v14;
	v23 =	vld.idx.msk [tilespmem:v50+s16+$0x0], $0xffff  }
0x45f: {  	v63 =	vor.u32 $0xD, v13;
	v32 =	vld.idx.msk [tilespmem:v55+s17+$0x0], $0xffff;
	v31 =	vmul.f32 v53, v19;
	v15 =	vadd.f32 v60, v15  }
0x460: {  	v34 =	vor.u32 $0xE, v13;
	v25 =	vld.idx.msk [tilespmem:v54+s16+$0x0], $0xffff  }
0x461: {  	v33 =	vor.u32 $0xE, v14;
	v36 =	vld.idx.msk [tilespmem:v59+s17+$0x0], $0xffff;
	v35 =	vmul.f32 v57, v21;
	v15 =	vadd.f32 v31, v15  }
0x462: {  	v37 =	vor.u32 $0xF, v14;
	v22 =	vld.idx.msk [tilespmem:v58+s16+$0x0], $0xffff  }
0x463: {  	v24 =	vld.idx.msk [tilespmem:v62+s16+$0x0], $0xffff;
	v38 =	vor.u32 $0xF, v13;
	v39 =	vmul.f32 v61, v23;
	v15 =	vadd.f32 v35, v15  }
0x464: {  	v41 =	vor.u32 $0x10, v14;
	v40 =	vld.idx.msk [tilespmem:v63+s17+$0x0], $0xffff  }
0x465: {  	v44 =	vld.idx.msk [tilespmem:v34+s17+$0x0], $0xffff;
	v42 =	vor.u32 $0x10, v13;
	v43 =	vmul.f32 v32, v25;
	v15 =	vadd.f32 v39, v15  }
0x466: {  	v19 =	vld.idx.msk [tilespmem:v33+s16+$0x0], $0xffff;
	v45 =	vor.u32 $0x11, v14  }
0x467: {  	v46 =	vor.u32 $0x11, v13;
	v21 =	vld.idx.msk [tilespmem:v37+s16+$0x0], $0xffff;
	v47 =	vmul.f32 v36, v22;
	v15 =	vadd.f32 v43, v15  }
0x468: {  	v49 =	vor.u32 $0x12, v14;
	v48 =	vld.idx.msk [tilespmem:v38+s17+$0x0], $0xffff  }
0x469: {  	v50 =	vor.u32 $0x12, v13;
	v23 =	vld.idx.msk [tilespmem:v41+s16+$0x0], $0xffff;
	v51 =	vmul.f32 v40, v24;
	v15 =	vadd.f32 v47, v15  }
0x46a: {  	v54 =	vor.u32 $0x13, v13;
	v52 =	vld.idx.msk [tilespmem:v42+s17+$0x0], $0xffff  }
0x46b: {  	v53 =	vor.u32 $0x13, v14;
	v55 =	vmul.f32 v44, v19;
	v25 =	vld.idx.msk [tilespmem:v45+s16+$0x0], $0xffff;
	v15 =	vadd.f32 v51, v15  }
0x46c: {  	v58 =	vor.u32 $0x14, v13;
	v56 =	vld.idx.msk [tilespmem:v46+s17+$0x0], $0xffff  }
0x46d: {  	v57 =	vor.u32 $0x14, v14;
	v22 =	vld.idx.msk [tilespmem:v49+s16+$0x0], $0xffff;
	v59 =	vmul.f32 v48, v21;
	v15 =	vadd.f32 v55, v15  }
0x46e: {  	v62 =	vor.u32 $0x15, v13;
	v60 =	vld.idx.msk [tilespmem:v50+s17+$0x0], $0xffff  }
0x46f: {  	v61 =	vor.u32 $0x15, v14;
	v32 =	vld.idx.msk [tilespmem:v54+s17+$0x0], $0xffff;
	v63 =	vmul.f32 v52, v23;
	v15 =	vadd.f32 v59, v15  }
0x470: {  	v34 =	vor.u32 $0x16, v13;
	v24 =	vld.idx.msk [tilespmem:v53+s16+$0x0], $0xffff  }
0x471: {  	v33 =	vor.u32 $0x16, v14;
	v36 =	vld.idx.msk [tilespmem:v58+s17+$0x0], $0xffff;
	v35 =	vmul.f32 v56, v25;
	v15 =	vadd.f32 v63, v15  }
0x472: {  	v38 =	vor.u32 $0x17, v13;
	v19 =	vld.idx.msk [tilespmem:v57+s16+$0x0], $0xffff  }
0x473: {  	v37 =	vor.u32 $0x17, v14;
	v40 =	vld.idx.msk [tilespmem:v62+s17+$0x0], $0xffff;
	v39 =	vmul.f32 v60, v22;
	v15 =	vadd.f32 v35, v15  }
0x474: {  	v21 =	vld.idx.msk [tilespmem:v61+s16+$0x0], $0xffff;
	v42 =	vor.u32 $0x18, v13  }
0x475: {  	v41 =	vor.u32 $0x18, v14;
	v44 =	vld.idx.msk [tilespmem:v34+s17+$0x0], $0xffff;
	v43 =	vmul.f32 v32, v24;
	v15 =	vadd.f32 v39, v15  }
0x476: {  	v46 =	vor.u32 $0x19, v13;
	v23 =	vld.idx.msk [tilespmem:v33+s16+$0x0], $0xffff  }
0x477: {  	v48 =	vld.idx.msk [tilespmem:v38+s17+$0x0], $0xffff;
	v45 =	vor.u32 $0x19, v14;
	v47 =	vmul.f32 v36, v19;
	v15 =	vadd.f32 v43, v15  }
0x478: {  	v50 =	vor.u32 $0x1A, v13;
	v25 =	vld.idx.msk [tilespmem:v37+s16+$0x0], $0xffff  }
0x479: {  	v49 =	vor.u32 $0x1A, v14;
	v52 =	vld.idx.msk [tilespmem:v42+s17+$0x0], $0xffff;
	v51 =	vmul.f32 v40, v21;
	v15 =	vadd.f32 v47, v15  }
0x47a: {  	v54 =	vor.u32 $0x1B, v13;
	v22 =	vld.idx.msk [tilespmem:v41+s16+$0x0], $0xffff  }
0x47b: {  	v53 =	vor.u32 $0x1B, v14;
	v56 =	vld.idx.msk [tilespmem:v46+s17+$0x0], $0xffff;
	v55 =	vmul.f32 v44, v23;
	v15 =	vadd.f32 v51, v15  }
0x47c: {  	v58 =	vor.u32 $0x1C, v13;
	v24 =	vld.idx.msk [tilespmem:v45+s16+$0x0], $0xffff  }
0x47d: {  	v57 =	vor.u32 $0x1C, v14;
	v60 =	vld.idx.msk [tilespmem:v50+s17+$0x0], $0xffff;
	v59 =	vmul.f32 v48, v25;
	v15 =	vadd.f32 v55, v15  }
0x47e: {  	v62 =	vor.u32 $0x1D, v13;
	v19 =	vld.idx.msk [tilespmem:v49+s16+$0x0], $0xffff  }
0x47f: {  	v61 =	vor.u32 $0x1D, v14;
	v30 =	vld.idx.msk [tilespmem:v54+s17+$0x0], $0xffff;
	v63 =	vmul.f32 v52, v22;
	v15 =	vadd.f32 v59, v15  }
0x480: {  	v31 =	vor.u32 $0x1E, v14;
	v21 =	vld.idx.msk [tilespmem:v53+s16+$0x0], $0xffff  }
0x481: {  	v34 =	vld.idx.msk [tilespmem:v58+s17+$0x0], $0xffff;
	v32 =	vor.u32 $0x1E, v13;
	v33 =	vmul.f32 v56, v24;
	v15 =	vadd.f32 v63, v15  }
0x482: {  	v14 =	vor.u32 $0x1F, v14;
	v23 =	vld.idx.msk [tilespmem:v57+s16+$0x0], $0xffff  }
0x483: {  	v37 =	vld.idx.msk [tilespmem:v62+s17+$0x0], $0xffff;
	v13 =	vor.u32 $0x1F, v13;
	v36 =	vmul.f32 v60, v19;
	v15 =	vadd.f32 v33, v15  }
0x484: {  	v35 =	vld.idx.msk [tilespmem:v61+s16+$0x0], $0xffff  }
0x485: {  	v38 =	vld.idx.msk [tilespmem:v31+s16+$0x0], $0xffff;
	v39 =	vmul.f32 v30, v21;
	v15 =	vadd.f32 v36, v15  }
0x486: {  	v12 =	vand.u32 $0x7F, v12;
	v40 =	vld.idx.msk [tilespmem:v32+s17+$0x0], $0xffff  }
0x487: {  	v12 =	vor.u32 v11, v12;
	v14 =	vld.idx.msk [tilespmem:v14+s16+$0x0], $0xffff;
	v41 =	vmul.f32 v34, v23;
	v15 =	vadd.f32 v39, v15  }
0x488: {  	v10 =	vand.u32 $0x7F, v10;
	v13 =	vld.idx.msk [tilespmem:v13+s17+$0x0], $0xffff  }
0x489: {  	v10 =	vor.u32 v11, v10;
	v11 =	vadd.f32 v41, v15;
	v15 =	vmul.f32 v37, v35;
	_ =	sdelay $0x1  }
0x48a: {  	v11 =	vadd.f32 v15, v11;
	v15 =	vmul.f32 v40, v38  }
0x48b: {  	v12 =	vld.idx.msk [tilespmem:v12+s2+$0x0], $0xffff  }
0x48c: {  	v13 =	vmul.f32 v13, v14;
	v11 =	vadd.f32 v15, v11  }
0x48d: {  	v10 =	vld.idx.msk [tilespmem:v10+s4+$0x0], $0xffff  }
0x48e: {  	v11 =	vadd.f32 v13, v11;
	_ =	sdelay $0x1  }
0x48f: {  	v11 =	vadd.f32 v11, v12;
	_ =	sdelay $0x1  }
0x490: {  	v10 =	vadd.f32 v11, v10;
	_ =	sdelay $0x1  }
0x491: {  	v10 =	vsub.f32 $0.0e+00, v10;
	_ =	sdelay $0x1  }
0x492: {  	v10 =	vmul.f32 $1.442695020e+00, v10;
	_ =	sdelay $0x1  }
0x493: {  	(erf) = vpow2.f32 v10;
	_ =	sdelay $0x8  }
0x494: {  	v10 =	vpop (erf)  }
0x495: {  	v10 =	vadd.f32 $1.000000000e+00, v10;
	_ =	sdelay $0x1  }
0x496: {  	(erf) = vrcp.f32 v10;
	_ =	sdelay $0x8  }
0x497: {  	v9 =	vor.u32 s22, v9;
	v10 =	vpop (erf)  }
0x498: {  	v10 =	vmul.f32 $4.000000000e+00, v10;
	_ =	sdelay $0x1  }
0x499: {  	v10 =	vadd.f32 $1.000000000e+00, v10;
	_ =	sdelay $0x1  }
0x49a: {  	s18 =	rddreg [dreg:$0x5];
	[tilespmem:v9+s6+$0x0] =	vst.idx.msk $0xffff, v10  }
0x49b: {  	[tilespmem:s16], [sflag:$0x1] =	stream.indirect.gather [hbm4b:s18+s20], $0x80, s12, s20, $0xb8;
	[tilespmem:$0x10E80] =	vst v63  }
0x49c: {  	s23 =	rddreg [dreg:$0x6]  }
0x49d: {  	[tilespmem:s17], [sflag:$0x1] =	stream.indirect.gather [hbm4b:s23+s20], $0x80, s13, s20, $0xb8;
	[tilespmem:$0x10E80] =	vst v63  }
0x49e: {  	s30 =	rddreg [dreg:$0x7]  }
0x49f: {  	[tilespmem:s2], [sflag:$0x1] =	stream.indirect.gather [hbm4b:s30+s20], $0x80, s14, s20, $0xb8;
	[tilespmem:$0x10E80] =	vst v63  }
0x4a0: {  	s31 =	rddreg [dreg:$0x8]  }
0x4a1: {  	[tilespmem:s4], [sflag:$0x1] =	stream.indirect.gather [hbm4b:s31+s20], $0x80, s15, s20, $0xb8;
	[tilespmem:$0x10E80] =	vst v63  }
0x4a2: {  	_ =	swait.ge [sflag:s5], $0x4000  }
0x4a3: {  	[sflag:s5] =	ssyncset.done $0x0  }
0x4a4: {  	[sflag:s5] =	ssyncadd.s32 $0xFFFFC000  }
0x4a5: {  	_ =	swait.ge [sflag:s5], $0x4000  }
0x4a6: {  	[sflag:s5] =	ssyncset.done $0x0  }
0x4a7: {  	[sflag:s5] =	ssyncadd.s32 $0xFFFFC000  }
0x4a8: {  	s23 =	simm.s32 $0x0;
	_ =	swait.ge [sflag:s5], $0x4000  }
0x4a9: {  	v10 =	vor.u32 s23, v0;
	[sflag:s5] =	ssyncset.done $0x0  }
0x4aa: {  	[sflag:s5] =	ssyncadd.s32 $0xFFFFC000  }
0x4ab: {  	_ =	swait.ge [sflag:s5], $0x4000  }
0x4ac: {  	[sflag:s5] =	ssyncset.done $0x0  }
0x4ad: {  	[sflag:s5] =	ssyncadd.s32 $0xFFFFC000  }
0x4ae: {  	v11 =	vld.idx.msk [tilespmem:v10+s10+$0x0], $0xffff  }
0x4af: {  	v9 =	vld.idx.msk [tilespmem:v10+s11+$0x0], $0xffff;
	_ =	sdelay $0x3  }
0x4b0: {  	v12 =	vshll.u32 v11, $0x5  }
0x4b1: {  	v10 =	vshll.u32 v10, $0x7;
	v13 =	vshll.u32 v9, $0x5;
	v12 =	vand.u32 $0x60, v12  }
0x4b2: {  	v14 =	vand.u32 $0x60, v13;
	v13 =	vor.u32 v10, v12  }
0x4b3: {  	v12 =	vor.u32 v10, v14  }
0x4b4: {  	v14 =	vor.u32 $0x1, v13  }
0x4b5: {  	v15 =	vor.u32 $0x1, v12  }
0x4b6: {  	v42 =	vor.u32 $0x2, v13  }
0x4b7: {  	v44 =	vor.u32 $0x2, v12;
	v43 =	vld.idx.msk [tilespmem:v13+s16+$0x0], $0xffff  }
0x4b8: {  	v46 =	vor.u32 $0x3, v13;
	v45 =	vld.idx.msk [tilespmem:v12+s17+$0x0], $0xffff  }
0x4b9: {  	v47 =	vor.u32 $0x3, v12;
	v14 =	vld.idx.msk [tilespmem:v14+s16+$0x0], $0xffff  }
0x4ba: {  	v48 =	vor.u32 $0x4, v13;
	v15 =	vld.idx.msk [tilespmem:v15+s17+$0x0], $0xffff  }
0x4bb: {  	v49 =	vor.u32 $0x4, v12;
	v16 =	vld.idx.msk [tilespmem:v42+s16+$0x0], $0xffff  }
0x4bc: {  	v50 =	vor.u32 $0x5, v13;
	v18 =	vld.idx.msk [tilespmem:v44+s17+$0x0], $0xffff  }
0x4bd: {  	v51 =	vor.u32 $0x5, v12;
	v20 =	vld.idx.msk [tilespmem:v46+s16+$0x0], $0xffff;
	v17 =	vmul.f32 v45, v43  }
0x4be: {  	v53 =	vor.u32 $0x6, v13;
	v52 =	vld.idx.msk [tilespmem:v47+s17+$0x0], $0xffff  }
0x4bf: {  	v54 =	vor.u32 $0x6, v12;
	v22 =	vld.idx.msk [tilespmem:v48+s16+$0x0], $0xffff;
	v14 =	vmul.f32 v15, v14;
	v17 =	vadd.f32 v17, v8  }
0x4c0: {  	v55 =	vor.u32 $0x7, v13;
	v15 =	vld.idx.msk [tilespmem:v49+s17+$0x0], $0xffff  }
0x4c1: {  	v56 =	vor.u32 $0x7, v12;
	v24 =	vld.idx.msk [tilespmem:v50+s16+$0x0], $0xffff;
	v16 =	vmul.f32 v18, v16;
	v14 =	vadd.f32 v14, v17  }
0x4c2: {  	v59 =	vor.u32 $0x8, v12;
	v57 =	vld.idx.msk [tilespmem:v51+s17+$0x0], $0xffff  }
0x4c3: {  	v58 =	vor.u32 $0x8, v13;
	v21 =	vld.idx.msk [tilespmem:v53+s16+$0x0], $0xffff;
	v60 =	vmul.f32 v52, v20;
	v14 =	vadd.f32 v16, v14  }
0x4c4: {  	v63 =	vor.u32 $0x9, v12;
	v61 =	vld.idx.msk [tilespmem:v54+s17+$0x0], $0xffff  }
0x4c5: {  	v62 =	vor.u32 $0x9, v13;
	v23 =	vld.idx.msk [tilespmem:v55+s16+$0x0], $0xffff;
	v15 =	vmul.f32 v15, v22;
	v14 =	vadd.f32 v60, v14  }
0x4c6: {  	v32 =	vor.u32 $0xA, v12;
	v30 =	vld.idx.msk [tilespmem:v56+s17+$0x0], $0xffff  }
0x4c7: {  	v31 =	vor.u32 $0xA, v13;
	v33 =	vld.idx.msk [tilespmem:v59+s17+$0x0], $0xffff;
	v14 =	vadd.f32 v15, v14;
	v15 =	vmul.f32 v57, v24  }
0x4c8: {  	v35 =	vor.u32 $0xB, v12;
	v18 =	vld.idx.msk [tilespmem:v58+s16+$0x0], $0xffff  }
0x4c9: {  	v34 =	vor.u32 $0xB, v13;
	v36 =	vld.idx.msk [tilespmem:v63+s17+$0x0], $0xffff;
	v14 =	vadd.f32 v15, v14;
	v15 =	vmul.f32 v61, v21  }
0x4ca: {  	v38 =	vor.u32 $0xC, v12;
	v20 =	vld.idx.msk [tilespmem:v62+s16+$0x0], $0xffff  }
0x4cb: {  	v37 =	vor.u32 $0xC, v13;
	v39 =	vld.idx.msk [tilespmem:v32+s17+$0x0], $0xffff;
	v14 =	vadd.f32 v15, v14;
	v15 =	vmul.f32 v30, v23  }
0x4cc: {  	v41 =	vor.u32 $0xD, v12;
	v22 =	vld.idx.msk [tilespmem:v31+s16+$0x0], $0xffff  }
0x4cd: {  	v40 =	vor.u32 $0xD, v13;
	v42 =	vld.idx.msk [tilespmem:v35+s17+$0x0], $0xffff;
	v14 =	vadd.f32 v15, v14;
	v15 =	vmul.f32 v33, v18  }
0x4ce: {  	v44 =	vor.u32 $0xE, v12;
	v24 =	vld.idx.msk [tilespmem:v34+s16+$0x0], $0xffff  }
0x4cf: {  	v43 =	vor.u32 $0xE, v13;
	v45 =	vld.idx.msk [tilespmem:v38+s17+$0x0], $0xffff;
	v14 =	vadd.f32 v15, v14;
	v15 =	vmul.f32 v36, v20  }
0x4d0: {  	v47 =	vor.u32 $0xF, v12;
	v21 =	vld.idx.msk [tilespmem:v37+s16+$0x0], $0xffff  }
0x4d1: {  	v46 =	vor.u32 $0xF, v13;
	v48 =	vld.idx.msk [tilespmem:v41+s17+$0x0], $0xffff;
	v14 =	vadd.f32 v15, v14;
	v15 =	vmul.f32 v39, v22  }
0x4d2: {  	v50 =	vor.u32 $0x10, v12;
	v23 =	vld.idx.msk [tilespmem:v40+s16+$0x0], $0xffff  }
0x4d3: {  	v49 =	vor.u32 $0x10, v13;
	v51 =	vld.idx.msk [tilespmem:v44+s17+$0x0], $0xffff;
	v14 =	vadd.f32 v15, v14;
	v15 =	vmul.f32 v42, v24  }
0x4d4: {  	v53 =	vor.u32 $0x11, v12;
	v18 =	vld.idx.msk [tilespmem:v43+s16+$0x0], $0xffff  }
0x4d5: {  	v52 =	vor.u32 $0x11, v13;
	v54 =	vld.idx.msk [tilespmem:v47+s17+$0x0], $0xffff;
	v14 =	vadd.f32 v15, v14;
	v15 =	vmul.f32 v45, v21  }
0x4d6: {  	v56 =	vor.u32 $0x12, v12;
	v20 =	vld.idx.msk [tilespmem:v46+s16+$0x0], $0xffff  }
0x4d7: {  	v55 =	vor.u32 $0x12, v13;
	v57 =	vld.idx.msk [tilespmem:v50+s17+$0x0], $0xffff;
	v14 =	vadd.f32 v15, v14;
	v15 =	vmul.f32 v48, v23  }
0x4d8: {  	v59 =	vor.u32 $0x13, v12;
	v22 =	vld.idx.msk [tilespmem:v49+s16+$0x0], $0xffff  }
0x4d9: {  	v58 =	vor.u32 $0x13, v13;
	v60 =	vld.idx.msk [tilespmem:v53+s17+$0x0], $0xffff;
	v14 =	vadd.f32 v15, v14;
	v15 =	vmul.f32 v51, v18  }
0x4da: {  	v62 =	vor.u32 $0x14, v12;
	v24 =	vld.idx.msk [tilespmem:v52+s16+$0x0], $0xffff  }
0x4db: {  	v63 =	vld.idx.msk [tilespmem:v56+s17+$0x0], $0xffff;
	v61 =	vor.u32 $0x14, v13;
	v14 =	vadd.f32 v15, v14;
	v15 =	vmul.f32 v54, v20  }
0x4dc: {  	v31 =	vor.u32 $0x15, v12;
	v21 =	vld.idx.msk [tilespmem:v55+s16+$0x0], $0xffff  }
0x4dd: {  	v32 =	vld.idx.msk [tilespmem:v59+s17+$0x0], $0xffff;
	v30 =	vor.u32 $0x15, v13;
	v14 =	vadd.f32 v15, v14;
	v15 =	vmul.f32 v57, v22  }
0x4de: {  	v34 =	vor.u32 $0x16, v12;
	v23 =	vld.idx.msk [tilespmem:v58+s16+$0x0], $0xffff  }
0x4df: {  	v35 =	vld.idx.msk [tilespmem:v62+s17+$0x0], $0xffff;
	v33 =	vor.u32 $0x16, v13;
	v14 =	vadd.f32 v15, v14;
	v15 =	vmul.f32 v60, v24  }
0x4e0: {  	v37 =	vor.u32 $0x17, v12;
	v18 =	vld.idx.msk [tilespmem:v61+s16+$0x0], $0xffff  }
0x4e1: {  	v38 =	vld.idx.msk [tilespmem:v31+s17+$0x0], $0xffff;
	v36 =	vor.u32 $0x17, v13;
	v14 =	vadd.f32 v15, v14;
	v15 =	vmul.f32 v63, v21  }
0x4e2: {  	v40 =	vor.u32 $0x18, v12;
	v20 =	vld.idx.msk [tilespmem:v30+s16+$0x0], $0xffff  }
0x4e3: {  	v41 =	vld.idx.msk [tilespmem:v34+s17+$0x0], $0xffff;
	v39 =	vor.u32 $0x18, v13;
	v14 =	vadd.f32 v15, v14;
	v15 =	vmul.f32 v32, v23  }
0x4e4: {  	v43 =	vor.u32 $0x19, v12;
	v22 =	vld.idx.msk [tilespmem:v33+s16+$0x0], $0xffff  }
0x4e5: {  	v44 =	vld.idx.msk [tilespmem:v37+s17+$0x0], $0xffff;
	v42 =	vor.u32 $0x19, v13;
	v14 =	vadd.f32 v15, v14;
	v15 =	vmul.f32 v35, v18  }
0x4e6: {  	v46 =	vor.u32 $0x1A, v12;
	v24 =	vld.idx.msk [tilespmem:v36+s16+$0x0], $0xffff  }
0x4e7: {  	v47 =	vld.idx.msk [tilespmem:v40+s17+$0x0], $0xffff;
	v45 =	vor.u32 $0x1A, v13;
	v14 =	vadd.f32 v15, v14;
	v15 =	vmul.f32 v38, v20  }
0x4e8: {  	v49 =	vor.u32 $0x1B, v12;
	v21 =	vld.idx.msk [tilespmem:v39+s16+$0x0], $0xffff  }
0x4e9: {  	v50 =	vld.idx.msk [tilespmem:v43+s17+$0x0], $0xffff;
	v48 =	vor.u32 $0x1B, v13;
	v14 =	vadd.f32 v15, v14;
	v15 =	vmul.f32 v41, v22  }
0x4ea: {  	v52 =	vor.u32 $0x1C, v12;
	v23 =	vld.idx.msk [tilespmem:v42+s16+$0x0], $0xffff  }
0x4eb: {  	v53 =	vld.idx.msk [tilespmem:v46+s17+$0x0], $0xffff;
	v51 =	vor.u32 $0x1C, v13;
	v14 =	vadd.f32 v15, v14;
	v15 =	vmul.f32 v44, v24  }
0x4ec: {  	v55 =	vor.u32 $0x1D, v12;
	v18 =	vld.idx.msk [tilespmem:v45+s16+$0x0], $0xffff  }
0x4ed: {  	v56 =	vld.idx.msk [tilespmem:v49+s17+$0x0], $0xffff;
	v54 =	vor.u32 $0x1D, v13;
	v14 =	vadd.f32 v15, v14;
	v15 =	vmul.f32 v47, v21  }
0x4ee: {  	v58 =	vor.u32 $0x1E, v12;
	v20 =	vld.idx.msk [tilespmem:v48+s16+$0x0], $0xffff  }
0x4ef: {  	v59 =	vld.idx.msk [tilespmem:v52+s17+$0x0], $0xffff;
	v57 =	vor.u32 $0x1E, v13;
	v14 =	vadd.f32 v15, v14;
	v15 =	vmul.f32 v50, v23  }
0x4f0: {  	v12 =	vor.u32 $0x1F, v12;
	v22 =	vld.idx.msk [tilespmem:v51+s16+$0x0], $0xffff  }
0x4f1: {  	v61 =	vld.idx.msk [tilespmem:v55+s17+$0x0], $0xffff;
	v13 =	vor.u32 $0x1F, v13;
	v14 =	vadd.f32 v15, v14;
	v15 =	vmul.f32 v53, v18  }
0x4f2: {  	v60 =	vld.idx.msk [tilespmem:v54+s16+$0x0], $0xffff  }
0x4f3: {  	v63 =	vld.idx.msk [tilespmem:v58+s17+$0x0], $0xffff;
	v14 =	vadd.f32 v15, v14;
	v15 =	vmul.f32 v56, v20  }
0x4f4: {  	v11 =	vand.u32 $0x7F, v11;
	v62 =	vld.idx.msk [tilespmem:v57+s16+$0x0], $0xffff  }
0x4f5: {  	v11 =	vor.u32 v10, v11;
	v12 =	vld.idx.msk [tilespmem:v12+s17+$0x0], $0xffff;
	v14 =	vadd.f32 v15, v14;
	v15 =	vmul.f32 v59, v22  }
0x4f6: {  	v9 =	vand.u32 $0x7F, v9;
	v13 =	vld.idx.msk [tilespmem:v13+s16+$0x0], $0xffff  }
0x4f7: {  	v9 =	vor.u32 v10, v9;
	v10 =	vadd.f32 v15, v14;
	v14 =	vmul.f32 v61, v60;
	_ =	sdelay $0x1  }
0x4f8: {  	v10 =	vadd.f32 v14, v10;
	v14 =	vmul.f32 v63, v62  }
0x4f9: {  	v11 =	vld.idx.msk [tilespmem:v11+s2+$0x0], $0xffff  }
0x4fa: {  	v12 =	vmul.f32 v12, v13;
	v10 =	vadd.f32 v14, v10  }
0x4fb: {  	v9 =	vld.idx.msk [tilespmem:v9+s4+$0x0], $0xffff  }
0x4fc: {  	v10 =	vadd.f32 v12, v10;
	_ =	sdelay $0x1  }
0x4fd: {  	v10 =	vadd.f32 v10, v11;
	_ =	sdelay $0x1  }
0x4fe: {  	v9 =	vadd.f32 v10, v9;
	_ =	sdelay $0x1  }
0x4ff: {  	v9 =	vsub.f32 $0.0e+00, v9;
	_ =	sdelay $0x1  }
0x500: {  	v9 =	vmul.f32 $1.442695020e+00, v9;
	_ =	sdelay $0x1  }
0x501: {  	(erf) = vpow2.f32 v9;
	_ =	sdelay $0x8  }
0x502: {  	v9 =	vpop (erf)  }
0x503: {  	v9 =	vadd.f32 $1.000000000e+00, v9;
	_ =	sdelay $0x1  }
0x504: {  	(erf) = vrcp.f32 v9;
	_ =	sdelay $0x7  }
0x505: {  	v9 =	vor.u32 $0x180, v0  }
0x506: {  	s22 =	simm.s32 $0x10;
	v10 =	vor.u32 s23, v9;
	v11 =	vpop (erf)  }
0x507: {  	v13 =	vor.u32 s22, v0;
	v11 =	vmul.f32 $4.000000000e+00, v11  }
0x508: {  	s23 =	simm.s32 $0x20  }
.LBB2_8:
0x509: {  	p0 =	sne.s32 s23, $0x70;
	v11 =	vadd.f32 $1.000000000e+00, v11;
	_ =	sdelay $0x1  }
0x50a: {  	[tilespmem:v10+s6+$0x0] =	vst.idx.msk $0xffff, v11  }
0x50b: {  	v11 =	vld.idx.msk [tilespmem:v13+s10+$0x0], $0xffff  }
0x50c: {  	v10 =	vld.idx.msk [tilespmem:v13+s11+$0x0], $0xffff;
	_ =	sdelay $0x4  }
0x50d: {  	v12 =	vshll.u32 v11, $0x5  }
0x50e: {  	v14 =	vand.u32 $0x60, v12;
	v15 =	vshll.u32 v10, $0x5;
	v12 =	vshll.u32 v13, $0x7  }
0x50f: {  	v13 =	vand.u32 $0x60, v15;
	v14 =	vor.u32 v12, v14  }
0x510: {  	v13 =	vor.u32 v12, v13  }
0x511: {  	v15 =	vor.u32 $0x1, v14  }
0x512: {  	v16 =	vor.u32 $0x1, v13  }
0x513: {  	v17 =	vor.u32 $0x2, v14  }
0x514: {  	v19 =	vor.u32 $0x2, v13;
	v18 =	vld.idx.msk [tilespmem:v14+s16+$0x0], $0xffff  }
0x515: {  	v21 =	vor.u32 $0x3, v14;
	v20 =	vld.idx.msk [tilespmem:v13+s17+$0x0], $0xffff  }
0x516: {  	v22 =	vor.u32 $0x3, v13;
	v15 =	vld.idx.msk [tilespmem:v15+s16+$0x0], $0xffff  }
0x517: {  	v23 =	vor.u32 $0x4, v14;
	v16 =	vld.idx.msk [tilespmem:v16+s17+$0x0], $0xffff  }
0x518: {  	v24 =	vor.u32 $0x4, v13;
	v17 =	vld.idx.msk [tilespmem:v17+s16+$0x0], $0xffff  }
0x519: {  	v25 =	vor.u32 $0x5, v14;
	v19 =	vld.idx.msk [tilespmem:v19+s17+$0x0], $0xffff  }
0x51a: {  	v26 =	vor.u32 $0x5, v13;
	v21 =	vld.idx.msk [tilespmem:v21+s16+$0x0], $0xffff  }
0x51b: {  	v18 =	vmul.f32 v20, v18;
	v20 =	vld.idx.msk [tilespmem:v22+s17+$0x0], $0xffff;
	v22 =	vor.u32 $0x6, v14  }
0x51c: {  	v27 =	vor.u32 $0x6, v13;
	v23 =	vld.idx.msk [tilespmem:v23+s16+$0x0], $0xffff  }
0x51d: {  	v18 =	vadd.f32 v18, v8;
	v15 =	vmul.f32 v16, v15;
	v16 =	vld.idx.msk [tilespmem:v24+s17+$0x0], $0xffff;
	v24 =	vor.u32 $0x7, v14  }
0x51e: {  	v28 =	vor.u32 $0x7, v13;
	v25 =	vld.idx.msk [tilespmem:v25+s16+$0x0], $0xffff  }
0x51f: {  	v15 =	vadd.f32 v15, v18;
	v17 =	vmul.f32 v19, v17;
	v19 =	vor.u32 $0x8, v14;
	v18 =	vld.idx.msk [tilespmem:v26+s17+$0x0], $0xffff  }
0x520: {  	v26 =	vor.u32 $0x8, v13;
	v22 =	vld.idx.msk [tilespmem:v22+s16+$0x0], $0xffff  }
0x521: {  	v15 =	vadd.f32 v17, v15;
	v17 =	vmul.f32 v20, v21;
	v21 =	vor.u32 $0x9, v14;
	v20 =	vld.idx.msk [tilespmem:v27+s17+$0x0], $0xffff  }
0x522: {  	v27 =	vor.u32 $0x9, v13;
	v24 =	vld.idx.msk [tilespmem:v24+s16+$0x0], $0xffff  }
0x523: {  	v15 =	vadd.f32 v17, v15;
	v16 =	vmul.f32 v16, v23;
	v23 =	vor.u32 $0xA, v14;
	v17 =	vld.idx.msk [tilespmem:v28+s17+$0x0], $0xffff  }
0x524: {  	v28 =	vor.u32 $0xA, v13;
	v19 =	vld.idx.msk [tilespmem:v19+s16+$0x0], $0xffff  }
0x525: {  	v15 =	vadd.f32 v16, v15;
	v16 =	vmul.f32 v18, v25;
	v25 =	vor.u32 $0xB, v14;
	v18 =	vld.idx.msk [tilespmem:v26+s17+$0x0], $0xffff  }
0x526: {  	v26 =	vor.u32 $0xB, v13;
	v21 =	vld.idx.msk [tilespmem:v21+s16+$0x0], $0xffff  }
0x527: {  	v15 =	vadd.f32 v16, v15;
	v16 =	vmul.f32 v20, v22;
	v22 =	vor.u32 $0xC, v14;
	v20 =	vld.idx.msk [tilespmem:v27+s17+$0x0], $0xffff  }
0x528: {  	v27 =	vor.u32 $0xC, v13;
	v23 =	vld.idx.msk [tilespmem:v23+s16+$0x0], $0xffff  }
0x529: {  	v15 =	vadd.f32 v16, v15;
	v16 =	vmul.f32 v17, v24;
	v24 =	vor.u32 $0xD, v14;
	v17 =	vld.idx.msk [tilespmem:v28+s17+$0x0], $0xffff  }
0x52a: {  	v28 =	vor.u32 $0xD, v13;
	v25 =	vld.idx.msk [tilespmem:v25+s16+$0x0], $0xffff  }
0x52b: {  	v15 =	vadd.f32 v16, v15;
	v16 =	vmul.f32 v18, v19;
	v19 =	vor.u32 $0xE, v14;
	v18 =	vld.idx.msk [tilespmem:v26+s17+$0x0], $0xffff  }
0x52c: {  	v26 =	vor.u32 $0xE, v13;
	v22 =	vld.idx.msk [tilespmem:v22+s16+$0x0], $0xffff  }
0x52d: {  	v15 =	vadd.f32 v16, v15;
	v16 =	vmul.f32 v20, v21;
	v21 =	vor.u32 $0xF, v14;
	v20 =	vld.idx.msk [tilespmem:v27+s17+$0x0], $0xffff  }
0x52e: {  	v27 =	vor.u32 $0xF, v13;
	v24 =	vld.idx.msk [tilespmem:v24+s16+$0x0], $0xffff  }
0x52f: {  	v15 =	vadd.f32 v16, v15;
	v16 =	vmul.f32 v17, v23;
	v23 =	vor.u32 $0x10, v14;
	v17 =	vld.idx.msk [tilespmem:v28+s17+$0x0], $0xffff  }
0x530: {  	v28 =	vor.u32 $0x10, v13;
	v19 =	vld.idx.msk [tilespmem:v19+s16+$0x0], $0xffff  }
0x531: {  	v15 =	vadd.f32 v16, v15;
	v16 =	vmul.f32 v18, v25;
	v25 =	vor.u32 $0x11, v14;
	v18 =	vld.idx.msk [tilespmem:v26+s17+$0x0], $0xffff  }
0x532: {  	v26 =	vor.u32 $0x11, v13;
	v21 =	vld.idx.msk [tilespmem:v21+s16+$0x0], $0xffff  }
0x533: {  	v15 =	vadd.f32 v16, v15;
	v16 =	vmul.f32 v20, v22;
	v22 =	vor.u32 $0x12, v14;
	v20 =	vld.idx.msk [tilespmem:v27+s17+$0x0], $0xffff  }
0x534: {  	v27 =	vor.u32 $0x12, v13;
	v23 =	vld.idx.msk [tilespmem:v23+s16+$0x0], $0xffff  }
0x535: {  	v15 =	vadd.f32 v16, v15;
	v16 =	vmul.f32 v17, v24;
	v24 =	vor.u32 $0x13, v14;
	v17 =	vld.idx.msk [tilespmem:v28+s17+$0x0], $0xffff  }
0x536: {  	v28 =	vor.u32 $0x13, v13;
	v25 =	vld.idx.msk [tilespmem:v25+s16+$0x0], $0xffff  }
0x537: {  	v15 =	vadd.f32 v16, v15;
	v16 =	vmul.f32 v18, v19;
	v19 =	vor.u32 $0x14, v14;
	v18 =	vld.idx.msk [tilespmem:v26+s17+$0x0], $0xffff  }
0x538: {  	v26 =	vor.u32 $0x14, v13;
	v22 =	vld.idx.msk [tilespmem:v22+s16+$0x0], $0xffff  }
0x539: {  	v15 =	vadd.f32 v16, v15;
	v16 =	vmul.f32 v20, v21;
	v21 =	vor.u32 $0x15, v14;
	v20 =	vld.idx.msk [tilespmem:v27+s17+$0x0], $0xffff  }
0x53a: {  	v27 =	vor.u32 $0x15, v13;
	v24 =	vld.idx.msk [tilespmem:v24+s16+$0x0], $0xffff  }
0x53b: {  	v15 =	vadd.f32 v16, v15;
	v16 =	vmul.f32 v17, v23;
	v23 =	vor.u32 $0x16, v14;
	v17 =	vld.idx.msk [tilespmem:v28+s17+$0x0], $0xffff  }
0x53c: {  	v28 =	vor.u32 $0x16, v13;
	v19 =	vld.idx.msk [tilespmem:v19+s16+$0x0], $0xffff  }
0x53d: {  	v15 =	vadd.f32 v16, v15;
	v16 =	vmul.f32 v18, v25;
	v25 =	vor.u32 $0x17, v14;
	v18 =	vld.idx.msk [tilespmem:v26+s17+$0x0], $0xffff  }
0x53e: {  	v26 =	vor.u32 $0x17, v13;
	v21 =	vld.idx.msk [tilespmem:v21+s16+$0x0], $0xffff  }
0x53f: {  	v15 =	vadd.f32 v16, v15;
	v16 =	vmul.f32 v20, v22;
	v22 =	vor.u32 $0x18, v14;
	v20 =	vld.idx.msk [tilespmem:v27+s17+$0x0], $0xffff  }
0x540: {  	v27 =	vor.u32 $0x18, v13;
	v23 =	vld.idx.msk [tilespmem:v23+s16+$0x0], $0xffff  }
0x541: {  	v15 =	vadd.f32 v16, v15;
	v16 =	vmul.f32 v17, v24;
	v24 =	vor.u32 $0x19, v14;
	v17 =	vld.idx.msk [tilespmem:v28+s17+$0x0], $0xffff  }
0x542: {  	v28 =	vor.u32 $0x19, v13;
	v25 =	vld.idx.msk [tilespmem:v25+s16+$0x0], $0xffff  }
0x543: {  	v15 =	vadd.f32 v16, v15;
	v16 =	vmul.f32 v18, v19;
	v19 =	vor.u32 $0x1A, v14;
	v18 =	vld.idx.msk [tilespmem:v26+s17+$0x0], $0xffff  }
0x544: {  	v26 =	vor.u32 $0x1A, v13;
	v22 =	vld.idx.msk [tilespmem:v22+s16+$0x0], $0xffff  }
0x545: {  	v15 =	vadd.f32 v16, v15;
	v16 =	vmul.f32 v20, v21;
	v21 =	vor.u32 $0x1B, v14;
	v20 =	vld.idx.msk [tilespmem:v27+s17+$0x0], $0xffff  }
0x546: {  	v27 =	vor.u32 $0x1B, v13;
	v24 =	vld.idx.msk [tilespmem:v24+s16+$0x0], $0xffff  }
0x547: {  	v15 =	vadd.f32 v16, v15;
	v16 =	vmul.f32 v17, v23;
	v23 =	vor.u32 $0x1C, v14;
	v17 =	vld.idx.msk [tilespmem:v28+s17+$0x0], $0xffff  }
0x548: {  	v28 =	vor.u32 $0x1C, v13;
	v19 =	vld.idx.msk [tilespmem:v19+s16+$0x0], $0xffff  }
0x549: {  	v15 =	vadd.f32 v16, v15;
	v16 =	vmul.f32 v18, v25;
	v25 =	vor.u32 $0x1D, v14;
	v18 =	vld.idx.msk [tilespmem:v26+s17+$0x0], $0xffff  }
0x54a: {  	v26 =	vor.u32 $0x1D, v13;
	v21 =	vld.idx.msk [tilespmem:v21+s16+$0x0], $0xffff  }
0x54b: {  	v15 =	vadd.f32 v16, v15;
	v16 =	vmul.f32 v20, v22;
	v22 =	vor.u32 $0x1E, v14;
	v20 =	vld.idx.msk [tilespmem:v27+s17+$0x0], $0xffff  }
0x54c: {  	v27 =	vor.u32 $0x1E, v13;
	v23 =	vld.idx.msk [tilespmem:v23+s16+$0x0], $0xffff  }
0x54d: {  	v14 =	vor.u32 $0x1F, v14;
	v15 =	vadd.f32 v16, v15;
	v16 =	vmul.f32 v17, v24;
	v17 =	vld.idx.msk [tilespmem:v28+s17+$0x0], $0xffff  }
0x54e: {  	v13 =	vor.u32 $0x1F, v13;
	v24 =	vld.idx.msk [tilespmem:v25+s16+$0x0], $0xffff  }
0x54f: {  	v15 =	vadd.f32 v16, v15;
	v16 =	vmul.f32 v18, v19;
	v18 =	vld.idx.msk [tilespmem:v26+s17+$0x0], $0xffff  }
0x550: {  	v19 =	vld.idx.msk [tilespmem:v22+s16+$0x0], $0xffff  }
0x551: {  	v11 =	vand.u32 $0x7F, v11;
	v15 =	vadd.f32 v16, v15;
	v16 =	vmul.f32 v20, v21;
	v20 =	vld.idx.msk [tilespmem:v27+s17+$0x0], $0xffff  }
0x552: {  	v11 =	vor.u32 v12, v11;
	v14 =	vld.idx.msk [tilespmem:v14+s16+$0x0], $0xffff  }
0x553: {  	v10 =	vand.u32 $0x7F, v10;
	v15 =	vadd.f32 v16, v15;
	v16 =	vmul.f32 v17, v23;
	v13 =	vld.idx.msk [tilespmem:v13+s17+$0x0], $0xffff  }
0x554: {  	v10 =	vor.u32 v12, v10  }
0x555: {  	v12 =	vadd.f32 v16, v15;
	v15 =	vmul.f32 v18, v24;
	_ =	sdelay $0x1  }
0x556: {  	v12 =	vadd.f32 v15, v12;
	v15 =	vmul.f32 v20, v19;
	v11 =	vld.idx.msk [tilespmem:v11+s2+$0x0], $0xffff;
	_ =	sdelay $0x1  }
0x557: {  	v12 =	vadd.f32 v15, v12;
	v13 =	vmul.f32 v13, v14;
	v10 =	vld.idx.msk [tilespmem:v10+s4+$0x0], $0xffff;
	_ =	sdelay $0x1  }
0x558: {  	v12 =	vadd.f32 v13, v12;
	_ =	sdelay $0x1  }
0x559: {  	v11 =	vadd.f32 v12, v11;
	_ =	sdelay $0x1  }
0x55a: {  	v10 =	vadd.f32 v11, v10;
	_ =	sdelay $0x1  }
0x55b: {  	v10 =	vsub.f32 $0.0e+00, v10;
	_ =	sdelay $0x1  }
0x55c: {  	v10 =	vmul.f32 $1.442695020e+00, v10;
	_ =	sdelay $0x1  }
0x55d: {  	(erf) = vpow2.f32 v10;
	_ =	sdelay $0x8  }
0x55e: {  	v10 =	vpop (erf)  }
0x55f: {  	v10 =	vadd.f32 $1.000000000e+00, v10;
	_ =	sdelay $0x1  }
0x560: {  	(erf) = vrcp.f32 v10;
	_ =	sdelay $0x6  }
.Ltmp3:
0x561: {  	(pc) =	sbr.rel @p0 .LBB2_8-.Ltmp3, $4  }
0x562: {  	_ = 	snop  }
0x563: {  	v10 =	vor.u32 s22, v9;
	s22 =	smov.u32 s23;
	v11 =	vpop (erf)  }
0x564: {  	v13 =	vor.u32 s23, v0;
	v11 =	vmul.f32 $4.000000000e+00, v11  }
0x565: {  	s23 =	sadd.s32 $0x10, s23  }
0x566: {  	_ =	sdelay $0x1  }
0x567: {  	v11 =	vadd.f32 $1.000000000e+00, v11;
	_ =	sdelay $0x1  }
0x568: {  	[tilespmem:v10+s6+$0x0] =	vst.idx.msk $0xffff, v11  }
0x569: {  	v12 =	vld.idx.msk [tilespmem:v13+s10+$0x0], $0xffff  }
0x56a: {  	v10 =	vld.idx.msk [tilespmem:v13+s11+$0x0], $0xffff;
	_ =	sdelay $0x3  }
0x56b: {  	v53 =	vshll.u32 v12, $0x5  }
0x56c: {  	v11 =	vshll.u32 v13, $0x7;
	v15 =	vshll.u32 v10, $0x5;
	v14 =	vand.u32 $0x60, v53  }
0x56d: {  	v54 =	vand.u32 $0x60, v15;
	v14 =	vor.u32 v11, v14  }
0x56e: {  	v13 =	vor.u32 v11, v54  }
0x56f: {  	v55 =	vor.u32 $0x1, v14  }
0x570: {  	v16 =	vor.u32 $0x1, v13  }
0x571: {  	v17 =	vor.u32 $0x2, v14  }
0x572: {  	v19 =	vor.u32 $0x2, v13;
	v18 =	vld.idx.msk [tilespmem:v14+s16+$0x0], $0xffff  }
0x573: {  	v21 =	vor.u32 $0x3, v14;
	v20 =	vld.idx.msk [tilespmem:v13+s17+$0x0], $0xffff  }
0x574: {  	v22 =	vor.u32 $0x3, v13;
	v15 =	vld.idx.msk [tilespmem:v55+s16+$0x0], $0xffff  }
0x575: {  	v23 =	vor.u32 $0x4, v14;
	v16 =	vld.idx.msk [tilespmem:v16+s17+$0x0], $0xffff  }
0x576: {  	v24 =	vor.u32 $0x4, v13;
	v17 =	vld.idx.msk [tilespmem:v17+s16+$0x0], $0xffff  }
0x577: {  	v25 =	vor.u32 $0x5, v14;
	v19 =	vld.idx.msk [tilespmem:v19+s17+$0x0], $0xffff  }
0x578: {  	v26 =	vor.u32 $0x5, v13;
	v21 =	vld.idx.msk [tilespmem:v21+s16+$0x0], $0xffff;
	v18 =	vmul.f32 v20, v18  }
0x579: {  	v57 =	vor.u32 $0x6, v14;
	v56 =	vld.idx.msk [tilespmem:v22+s17+$0x0], $0xffff  }
0x57a: {  	v27 =	vor.u32 $0x6, v13;
	v23 =	vld.idx.msk [tilespmem:v23+s16+$0x0], $0xffff;
	v15 =	vmul.f32 v16, v15;
	v8 =	vadd.f32 v18, v8  }
0x57b: {  	v61 =	vor.u32 $0x7, v13;
	v58 =	vld.idx.msk [tilespmem:v24+s17+$0x0], $0xffff  }
0x57c: {  	v59 =	vor.u32 $0x7, v14;
	v60 =	vld.idx.msk [tilespmem:v25+s16+$0x0], $0xffff;
	v62 =	vmul.f32 v19, v17;
	v8 =	vadd.f32 v15, v8  }
0x57d: {  	v31 =	vor.u32 $0x8, v13;
	v63 =	vld.idx.msk [tilespmem:v26+s17+$0x0], $0xffff  }
0x57e: {  	v30 =	vor.u32 $0x8, v14;
	v22 =	vld.idx.msk [tilespmem:v57+s16+$0x0], $0xffff;
	v32 =	vmul.f32 v56, v21;
	v8 =	vadd.f32 v62, v8  }
0x57f: {  	v35 =	vor.u32 $0x9, v13;
	v33 =	vld.idx.msk [tilespmem:v27+s17+$0x0], $0xffff  }
0x580: {  	v34 =	vor.u32 $0x9, v14;
	v37 =	vld.idx.msk [tilespmem:v61+s17+$0x0], $0xffff;
	v36 =	vmul.f32 v58, v23;
	v8 =	vadd.f32 v32, v8  }
0x581: {  	v39 =	vor.u32 $0xA, v13;
	v18 =	vld.idx.msk [tilespmem:v59+s16+$0x0], $0xffff  }
0x582: {  	v38 =	vor.u32 $0xA, v14;
	v41 =	vld.idx.msk [tilespmem:v31+s17+$0x0], $0xffff;
	v40 =	vmul.f32 v63, v60;
	v8 =	vadd.f32 v36, v8  }
0x583: {  	v42 =	vor.u32 $0xB, v14;
	v19 =	vld.idx.msk [tilespmem:v30+s16+$0x0], $0xffff  }
0x584: {  	v43 =	vor.u32 $0xB, v13;
	v45 =	vld.idx.msk [tilespmem:v35+s17+$0x0], $0xffff;
	v44 =	vmul.f32 v33, v22;
	v8 =	vadd.f32 v40, v8  }
0x585: {  	v47 =	vor.u32 $0xC, v13;
	v21 =	vld.idx.msk [tilespmem:v34+s16+$0x0], $0xffff  }
0x586: {  	v46 =	vor.u32 $0xC, v14;
	v49 =	vld.idx.msk [tilespmem:v39+s17+$0x0], $0xffff;
	v48 =	vmul.f32 v37, v18;
	v8 =	vadd.f32 v44, v8  }
0x587: {  	v51 =	vor.u32 $0xD, v13;
	v23 =	vld.idx.msk [tilespmem:v38+s16+$0x0], $0xffff  }
0x588: {  	v50 =	vor.u32 $0xD, v14;
	v24 =	vld.idx.msk [tilespmem:v42+s16+$0x0], $0xffff;
	v52 =	vmul.f32 v41, v19;
	v8 =	vadd.f32 v48, v8  }
0x589: {  	v53 =	vld.idx.msk [tilespmem:v43+s17+$0x0], $0xffff;
	v55 =	vor.u32 $0xE, v13  }
0x58a: {  	v54 =	vor.u32 $0xE, v14;
	v57 =	vld.idx.msk [tilespmem:v47+s17+$0x0], $0xffff;
	v56 =	vmul.f32 v45, v21;
	v8 =	vadd.f32 v52, v8  }
0x58b: {  	v22 =	vld.idx.msk [tilespmem:v46+s16+$0x0], $0xffff;
	v58 =	vor.u32 $0xF, v14  }
0x58c: {  	v61 =	vld.idx.msk [tilespmem:v51+s17+$0x0], $0xffff;
	v59 =	vor.u32 $0xF, v13;
	v60 =	vmul.f32 v49, v23;
	v8 =	vadd.f32 v56, v8  }
0x58d: {  	v63 =	vor.u32 $0x10, v13;
	v18 =	vld.idx.msk [tilespmem:v50+s16+$0x0], $0xffff  }
0x58e: {  	v30 =	vmul.f32 v53, v24;
	v31 =	vld.idx.msk [tilespmem:v55+s17+$0x0], $0xffff;
	v62 =	vor.u32 $0x10, v14;
	v8 =	vadd.f32 v60, v8  }
0x58f: {  	v33 =	vor.u32 $0x11, v13;
	v19 =	vld.idx.msk [tilespmem:v54+s16+$0x0], $0xffff  }
0x590: {  	v21 =	vld.idx.msk [tilespmem:v58+s16+$0x0], $0xffff;
	v34 =	vmul.f32 v57, v22;
	v32 =	vor.u32 $0x11, v14;
	v8 =	vadd.f32 v30, v8  }
0x591: {  	v35 =	vld.idx.msk [tilespmem:v59+s17+$0x0], $0xffff;
	v37 =	vor.u32 $0x12, v13  }
0x592: {  	v39 =	vld.idx.msk [tilespmem:v63+s17+$0x0], $0xffff;
	v36 =	vor.u32 $0x12, v14;
	v38 =	vmul.f32 v61, v18;
	v8 =	vadd.f32 v34, v8  }
0x593: {  	v41 =	vor.u32 $0x13, v13;
	v23 =	vld.idx.msk [tilespmem:v62+s16+$0x0], $0xffff  }
0x594: {  	v43 =	vld.idx.msk [tilespmem:v33+s17+$0x0], $0xffff;
	v42 =	vmul.f32 v31, v19;
	v40 =	vor.u32 $0x13, v14;
	v8 =	vadd.f32 v38, v8  }
0x595: {  	v45 =	vor.u32 $0x14, v13;
	v24 =	vld.idx.msk [tilespmem:v32+s16+$0x0], $0xffff  }
0x596: {  	v46 =	vmul.f32 v35, v21;
	v47 =	vld.idx.msk [tilespmem:v37+s17+$0x0], $0xffff;
	v44 =	vor.u32 $0x14, v14;
	v8 =	vadd.f32 v42, v8  }
0x597: {  	v49 =	vor.u32 $0x15, v13;
	v22 =	vld.idx.msk [tilespmem:v36+s16+$0x0], $0xffff  }
0x598: {  	v51 =	vld.idx.msk [tilespmem:v41+s17+$0x0], $0xffff;
	v48 =	vor.u32 $0x15, v14;
	v50 =	vmul.f32 v39, v23;
	v8 =	vadd.f32 v46, v8  }
0x599: {  	v53 =	vor.u32 $0x16, v13;
	v18 =	vld.idx.msk [tilespmem:v40+s16+$0x0], $0xffff  }
0x59a: {  	v55 =	vld.idx.msk [tilespmem:v45+s17+$0x0], $0xffff;
	v52 =	vor.u32 $0x16, v14;
	v54 =	vmul.f32 v43, v24;
	v8 =	vadd.f32 v50, v8  }
0x59b: {  	v57 =	vor.u32 $0x17, v13;
	v19 =	vld.idx.msk [tilespmem:v44+s16+$0x0], $0xffff  }
0x59c: {  	v59 =	vld.idx.msk [tilespmem:v49+s17+$0x0], $0xffff;
	v56 =	vor.u32 $0x17, v14;
	v58 =	vmul.f32 v47, v22;
	v8 =	vadd.f32 v54, v8  }
0x59d: {  	v61 =	vor.u32 $0x18, v13;
	v21 =	vld.idx.msk [tilespmem:v48+s16+$0x0], $0xffff  }
0x59e: {  	v63 =	vld.idx.msk [tilespmem:v53+s17+$0x0], $0xffff;
	v60 =	vor.u32 $0x18, v14;
	v62 =	vmul.f32 v51, v18;
	v8 =	vadd.f32 v58, v8  }
0x59f: {  	v29 =	vor.u32 $0x19, v14;
	v23 =	vld.idx.msk [tilespmem:v52+s16+$0x0], $0xffff  }
0x5a0: {  	v32 =	vld.idx.msk [tilespmem:v57+s17+$0x0], $0xffff;
	v30 =	vor.u32 $0x19, v13;
	v31 =	vmul.f32 v55, v19;
	v8 =	vadd.f32 v62, v8  }
0x5a1: {  	v33 =	vor.u32 $0x1A, v14;
	v24 =	vld.idx.msk [tilespmem:v56+s16+$0x0], $0xffff  }
0x5a2: {  	v36 =	vld.idx.msk [tilespmem:v61+s17+$0x0], $0xffff;
	v34 =	vor.u32 $0x1A, v13;
	v35 =	vmul.f32 v59, v21;
	v8 =	vadd.f32 v31, v8  }
0x5a3: {  	v37 =	vor.u32 $0x1B, v14;
	v22 =	vld.idx.msk [tilespmem:v60+s16+$0x0], $0xffff  }
0x5a4: {  	v18 =	vld.idx.msk [tilespmem:v29+s16+$0x0], $0xffff;
	v38 =	vor.u32 $0x1B, v13;
	v39 =	vmul.f32 v63, v23;
	v8 =	vadd.f32 v35, v8  }
0x5a5: {  	v41 =	vor.u32 $0x1C, v14;
	v40 =	vld.idx.msk [tilespmem:v30+s17+$0x0], $0xffff  }
0x5a6: {  	v19 =	vld.idx.msk [tilespmem:v33+s16+$0x0], $0xffff;
	v42 =	vor.u32 $0x1C, v13;
	v43 =	vmul.f32 v32, v24;
	v8 =	vadd.f32 v39, v8  }
0x5a7: {  	v45 =	vor.u32 $0x1D, v14;
	v44 =	vld.idx.msk [tilespmem:v34+s17+$0x0], $0xffff  }
0x5a8: {  	v21 =	vld.idx.msk [tilespmem:v37+s16+$0x0], $0xffff;
	v46 =	vor.u32 $0x1D, v13;
	v47 =	vmul.f32 v36, v22;
	v8 =	vadd.f32 v43, v8  }
0x5a9: {  	v49 =	vor.u32 $0x1E, v14;
	v48 =	vld.idx.msk [tilespmem:v38+s17+$0x0], $0xffff  }
0x5aa: {  	v23 =	vld.idx.msk [tilespmem:v41+s16+$0x0], $0xffff;
	v50 =	vor.u32 $0x1E, v13;
	v51 =	vmul.f32 v40, v18;
	v8 =	vadd.f32 v47, v8  }
0x5ab: {  	v14 =	vor.u32 $0x1F, v14;
	v52 =	vld.idx.msk [tilespmem:v42+s17+$0x0], $0xffff  }
0x5ac: {  	v53 =	vld.idx.msk [tilespmem:v45+s16+$0x0], $0xffff;
	v13 =	vor.u32 $0x1F, v13;
	v54 =	vmul.f32 v44, v19;
	v8 =	vadd.f32 v51, v8  }
0x5ad: {  	v55 =	vld.idx.msk [tilespmem:v46+s17+$0x0], $0xffff  }
0x5ae: {  	v56 =	vld.idx.msk [tilespmem:v49+s16+$0x0], $0xffff;
	v57 =	vmul.f32 v48, v21;
	v8 =	vadd.f32 v54, v8  }
0x5af: {  	v12 =	vand.u32 $0x7F, v12;
	v58 =	vld.idx.msk [tilespmem:v50+s17+$0x0], $0xffff  }
0x5b0: {  	v12 =	vor.u32 v11, v12;
	v14 =	vld.idx.msk [tilespmem:v14+s16+$0x0], $0xffff;
	v59 =	vmul.f32 v52, v23;
	v8 =	vadd.f32 v57, v8  }
0x5b1: {  	v10 =	vand.u32 $0x7F, v10;
	v13 =	vld.idx.msk [tilespmem:v13+s17+$0x0], $0xffff  }
0x5b2: {  	v10 =	vor.u32 v11, v10;
	v60 =	vmul.f32 v55, v53;
	v8 =	vadd.f32 v59, v8;
	_ =	sdelay $0x1  }
0x5b3: {  	v61 =	vmul.f32 v58, v56;
	v8 =	vadd.f32 v60, v8  }
0x5b4: {  	v12 =	vld.idx.msk [tilespmem:v12+s2+$0x0], $0xffff  }
0x5b5: {  	v62 =	vmul.f32 v13, v14;
	v8 =	vadd.f32 v61, v8  }
0x5b6: {  	v10 =	vld.idx.msk [tilespmem:v10+s4+$0x0], $0xffff  }
0x5b7: {  	v8 =	vadd.f32 v62, v8;
	_ =	sdelay $0x1  }
0x5b8: {  	v8 =	vadd.f32 v8, v12;
	_ =	sdelay $0x1  }
0x5b9: {  	v8 =	vadd.f32 v8, v10;
	_ =	sdelay $0x1  }
0x5ba: {  	v8 =	vsub.f32 $0.0e+00, v8;
	_ =	sdelay $0x1  }
0x5bb: {  	v8 =	vmul.f32 $1.442695020e+00, v8;
	_ =	sdelay $0x1  }
0x5bc: {  	(erf) = vpow2.f32 v8;
	_ =	sdelay $0x8  }
0x5bd: {  	v8 =	vpop (erf)  }
0x5be: {  	v8 =	vadd.f32 $1.000000000e+00, v8;
	_ =	sdelay $0x1  }
0x5bf: {  	(erf) = vrcp.f32 v8;
	_ =	sdelay $0x8  }
0x5c0: {  	v8 =	vor.u32 s22, v9;
	v63 =	vpop (erf)  }
0x5c1: {  	v9 =	vmul.f32 $4.000000000e+00, v63;
	_ =	sdelay $0x1  }
0x5c2: {  	v9 =	vadd.f32 $1.000000000e+00, v9;
	_ =	sdelay $0x1  }
0x5c3: {  	s30 =	rddreg [dreg:$0x12];
	[tilespmem:v8+s6+$0x0] =	vst.idx.msk $0xffff, v9  }
0x5c4: {  	[hbm4b:s30+s1] =	stream.linear.scatter [tilespmem:s6], [sflag:$0x2], $0x200, $0x38;
	[tilespmem:$0x10E80] =	vst v63  }
0x5c5: {  	_ =	swait.ge [sflag:s19], $0x200  }
0x5c6: {  	s21 =	sadd.s32 $0x1, s21;
	s31 =	rddreg [dreg:$0x13]  }
0x5c7: {  	p0 =	sne.s32 s21, s31  }
.Ltmp4:
0x5c8: {  	_ = 	snop;
	(pc) =	sbr.rel @p0 .LBB2_1-.Ltmp4, $3  }
0x5c9: {  	_ =	sdelay $0x1  }
0x5ca: {  	[sflag:s19] =	ssyncset.done $0x0  }
0x5cb: {  	[sflag:s19] =	ssyncadd.s32 $0xFFFFFE00  }
0x5cc: {  	_ =	sfence.sel $0x180000  }
0x5cd: {  	[bflag:$0x0] =	sbarrier.arrive $0xFFFF  }
0x5ce: {  	_ =	strace $0x9000004D  }
0x5cf: {  	s0 =	stileid.u32;
	[bflag:$0x2] =	sbarrier.arrive $0xFFFF  }
0x5d0: {  	p0 =	sne.s32 s0, $0x0;
	s0 =	rddreg [dreg:$0x4]  }
0x5d1: {  	s0 =	sadd.s32 @!p0 $0x100000, s0  }
0x5d2: {  	[sflag:s0] =	ssyncadd.tile.s32 @!p0 $0x1;
	_ =	shalt  }
.Lfunc_end2:
_tile_overlayer_lowered:
.L_overlay_start_2:
0x5d3: {  	(tag) =	ssettag $0x2  }
0x5d4: {  	s0 =	rddreg [dreg:$0x0];
	s2 =	stileid.u32  }
0x5d5: {  	s1 =	rddreg [dreg:$0x1];
	p0 =	sne.s32 s2, $0x0  }
0x5d6: {  	s3 =	rddreg [dreg:$0x2];
	[bflag:$0x3] =	sbarrier.arrive $0xFFFF;
	s2 =	simm.s32 @!p0 $0x1C02  }
0x5d7: {  	[timem:s3], [sflag:s2] =	dma.local @!p0 [hbm:s0], s1  }
0x5d8: {  	s0 =	simm.s32 @!p0 $0x2  }
0x5d9: {  	_ =	swait.ge @!p0 [sflag:s0], s1  }
0x5da: {  	s1 =	ssub.s32 @!p0 $0x0, s1;
	[sflag:s0] =	ssyncset.done @!p0 $0x0  }
0x5db: {  	[sflag:s0] =	ssyncadd.s32 @!p0 s1  }
0x5dc: {  	[bflag:$0x3] =	sbarrier.arrive $0xFFFF  }
0x5dd: {  	_ =	shalt  }

// kernel: sparse-core-data-format-call.1.cloned.1.call-start
scs
called_computation.1_lowered:
.L_overlay_start_0:
0x0: {  	s2 =	sld [smem:$0x3FD9]  }
0x1: {  	s3 =	sld [smem:$0x3FFE];
	_ =	sdelay $0x1  }
0x2: {  	s1 =	srdreg.scid  }
0x3: {  	s0 =	sand.u32 $0x1, s1  }
0x4: {  	s18 =	sshll.u32 s0, $0xA;
	s2 =	sadd.s32 s3, s2  }
0x5: {  	s2 =	sadd.s32 s2, s18  }
0x6: {  	[smem:$0x3FC1] =	sst s2  }
0x7: {  	_ = 	snop  }
0x8: {  	s2 =	sld [smem:$0x3FC7];
	(tm) =	ssettm $0x1  }
0x9: {  	s19 =	sld [smem:$0x3FFB];
	_ =	sdelay $0x3  }
0xa: {  	_ =	strace s19  }
0xb: {  	s3 =	sld [smem:$0x3FFC];
	_ =	sdelay $0x3  }
0xc: {  	_ =	strace s3  }
0xd: {  	s3 =	sld [smem:$0x3FFD];
	_ =	sdelay $0x3  }
0xe: {  	_ =	strace s3  }
0xf: {  	_ =	strace $0x8FFFFFFF  }
0x10: {  	s20 =	sld [smem:$0x3FDB];
	_ =	sdelay $0x1  }
0x11: {  	s4 =	simm.s32 $_scs_section_size  }
0x12: {  	s5 =	simm.s32 $_size__tile_overlayer_lowered;
	s6 =	simm.s32 $_tile_overlayer_lowered  }
0x13: {  	s23 =	simm.s32 $0x1BFF;
	s22 =	sshll.u32 s6, $0x1;
	s3 =	sadd.s32 s4, s20  }
0x14: {  	s7 =	simm.s32 $0x0;
	s21 =	sshll.u32 s5, $0x1;
	s5 =	sadd.s32 s22, s3  }
0x15: {  	[timem:s7], [sflag:s23] =	dma.local [hbm:s5], s21  }
0x16: {  	_ =	swait.ge [sflag:s23], s21  }
0x17: {  	s4 =	ssub.s32 $0x0, s21;
	[sflag:s23] =	ssyncset.done $0x0  }
0x18: {  	[sflag:s23] =	ssyncadd.s32 s4;
	_ =	sdelay $0x1  }
0x19: {  	s24 =	simm.s32 $0x1B8B  }
0x1a: {  	_ =	swait.ge [sflag:s24], $0x1  }
0x1b: {  	[sflag:s24] =	ssyncset.done $0x0  }
0x1c: {  	s26 =	simm.s32 $0x1B8E;
	s25 =	sld [smem:$0x3FFE];
	[sflag:s24] =	ssyncadd.s32 $0xFFFFFFFF  }
0x1d: {  	s27 =	simm.s32 $execute0_lowered;
	[smem:$0x3FD2] =	sst s26  }
0x1e: {  	s5 =	sshll.u32 s27, $0x1;
	_ =	strace $0x80000046;
	[dreg:$0x1] =	wrdreg $0xFFFFFFFF  }
0x1f: {  	s28 =	simm.s32 $_size_execute0_lowered;
	s3 =	sadd.s32 s3, s5;
	[dreg:$0x0] =	wrdreg $0x0  }
0x20: {  	s5 =	sshll.u32 s28, $0x1;
	[dreg:$0x2] =	wrdreg s3  }
0x21: {  	[dreg:$0x3] =	wrdreg s5  }
0x22: {  	[dreg:$0x4] =	wrdreg $0xC0  }
0x23: {  	_ =	task [dreg:s7], $0x5FFFF  }
0x24: {  	[dreg:$0x1] =	wrdreg $0xFFFFFFFF  }
0x25: {  	[dreg:$0x0] =	wrdreg $0x60  }
0x26: {  	[dreg:$0x2] =	wrdreg s2  }
0x27: {  	[dreg:$0x3] =	wrdreg s25  }
0x28: {  	[dreg:$0x4] =	wrdreg $0x9  }
0x29: {  	_ =	task.clear_ibuf [dreg:s7], $0x5FFFF;
	_ =	strace $0x90000046  }
0x2a: {  	s29 =	simm.s32 $0x9;
	_ =	strace $0x80000048  }
0x2b: {  	_ =	swait.ge [sflag:s29], $0x1  }
0x2c: {  	[sflag:s29] =	ssyncadd.s32 $0xFFFFFFFF  }
0x2d: {  	_ =	strace $0x90000048  }
0x2e: {  	_ =	sfence  }
0x2f: {  	s30 =	sld [smem:$0x0];
	_ =	sdelay $0x2  }
0x30: {  	s31 =	sshll.u32 s1, $0xD;
	s1 =	sshrl.u32 s1, $0x2  }
0x31: {  	s3 =	sand.u32 $0x4000, s31;
	s1 =	sadd.s32 s1, s30  }
0x32: {  	s0 =	sor.u32 s3, s0;
	s1 =	sshll.u32 s1, $0x11  }
0x33: {  	s0 =	sor.u32 s1, s0  }
0x34: {  	s0 =	sadd.s32 $0x8F2B, s0  }
0x35: {  	[sflag:s0] =	ssyncadd.remote.s32 $0x1  }
0x36: {  	_ =	sfence.sel $0xFFFF  }
0x37: {  	[dreg:$0x0] =	wrdreg $0xFFFFFFFF;
	(pc) =	sbr.abs _section_cstart, $3  }
0x38: {  	[dreg:$0x1] =	wrdreg $0xFFFFFFFF  }
0x39: {  	_ =	task.clear_ibuf [dreg:s7], $0x2FFFF;
	_ =	strace $0x9FFFFFFF  }
0x3a: {  	(tm) =	ssettm $0x7FFFFFFF  }
0x3b: {  	_ =	shalt  }
tec
execute0_lowered:
.L_overlay_start_1:
0x0: {  	(tag) =	ssettag $0x1  }
0x1: {  	s0 =	srdreg.scid;
	s2 =	rddreg [dreg:$0x0]  }
0x2: {  	s5 =	rddreg [dreg:$0x1];
	s1 =	stileid.u32  }
0x3: {  	s4 =	simm.s32 $0x1;
	s6 =	simm.s32 $0x2;
	s15 =	simm.s32 $0x0  }
0x4: {  	p0 =	por $0x0, $0x0;
	s8 =	simm.s32 $0x80;
	s0 =	sshll.u32 s0, $0x4  }
0x5: {  	s14 =	simm.s32 $0x0;
	s9 =	simm.s32 $0x0;
	s3 =	sand.u32 $0x10, s0  }
.Ltmp0:
0x6: {  	s10 =	simm.s32 $0x0;
	s3 =	sor.u32 s1, s3;
	(pc) =	sbr.rel .LBB1_1-.Ltmp0, $4  }
0x7: {  	s0 =	rddreg [dreg:$0x2];
	_ =	strace $0x80000047;
	s3 =	sshll.u32 s3, $0x7  }
0x8: {  	s12 =	simm.s32 $0x0;
	[sflag:s4] =	ssyncpa.u1 $0x0;
	s7 =	ssub.s32 $0xF4200, s3  }
0x9: {  	s13 =	simm.s32 $0x0;
	[sflag:s6] =	ssyncpa.u1 $0x0;
	s6 =	sshrl.u32 s7, $0xC  }
0xa: {  	s5 =	sadd.s32 $0x600, s5;
	s11 =	smov.u32 s3;
	s7 =	sadd.s32 $0x2, s6  }
.LBB1_5:
0xb: {  	p1 =	slt.u32 s13, $0x2  }
0xc: {  	s17 =	smov.u32 s15;
	p2 =	sgt.s32 @!p1 s15, $0xF41C0;
	s16 =	sshra.s32 @!p1 s15, $0x1F  }
0xd: {  	p3 =	sgt.s32 @!p1 s14, $0x60;
	s18 =	sshra.s32 @!p1 s14, $0x1F;
	p2 =	por !p2, p1  }
0xe: {  	s15 =	sand.u32 @!p1 s16, s15;
	p3 =	por !p3, p1;
	s16 =	smov.u32 s14  }
0xf: {  	s14 =	sand.u32 @!p1 s18, s14;
	s17 =	simm.s32 @p2 $0xF41C0;
	s16 =	simm.s32 @p3 $0x60  }
0x10: {  	s15 =	ssub.s32 @!p1 s17, s15;
	s14 =	ssub.s32 @!p1 s16, s14  }
0x11: {  	s18 =	smov.u32 s12;
	s16 =	sadd.s32 @!p1 $0xFFF0BE40, s15;
	s17 =	sadd.s32 @!p1 $0xFFFFFFA0, s14  }
0x12: {  	s15 =	ssub.s32 @!p1 $0xF4240, s15;
	p2 =	sgt.s32 @!p1 s16, $0x7F;
	p3 =	sgt.s32 @!p1 s17, $0x1F  }
0x13: {  	s14 =	ssub.s32 @!p1 $0x80, s14;
	p2 =	por !p2, p1;
	p3 =	por !p3, p1  }
0x14: {  	s16 =	sadd.s32 $0x1000, s11;
	s15 =	simm.s32 @!p2 $0x0;
	s14 =	simm.s32 @!p3 $0x0  }
0x15: {  	p2 =	sgt.s32 s16, $0xF423F;
	s14 =	smul.u32 @!p1 s14, s15;
	s15 =	sadd.s32 $0x20, s12  }
0x16: {  	s18 =	smov.u32 @p2 s15  }
0x17: {  	s16 =	smov.u32 @p2 s3;
	p2 =	sgt.s32 s18, $0x1F  }
0x18: {  	s18 =	simm.s32 @p2 $0x0;
	p2 =	sne.s32 s13, s7  }
.Ltmp1:
0x19: {  	p0 =	por !p0, !p0;
	s17 =	simm.s32 @!p1 $0x2;
	(pc) =	sbr.rel @!p2 .LBB1_6-.Ltmp1, $4  }
0x1a: {  	s15 =	smov.u32 s9;
	s9 =	smov.u32 s11;
	s14 =	sand.u32 @!p1 $0x3FFFFFFF, s14  }
0x1b: {  	s11 =	smov.u32 s16;
	_ =	swait.ge @!p1 [sflag:s17], s14;
	s19 =	ssub.s32 @!p1 $0x0, s14  }
0x1c: {  	s14 =	smov.u32 s10;
	s13 =	sadd.s32 $0x1, s13;
	[sflag:s17] =	ssyncset.done @!p1 $0x0  }
0x1d: {  	s10 =	smov.u32 s12;
	s12 =	smov.u32 s18;
	[sflag:s17] =	ssyncadd.s32 @!p1 s19  }
.LBB1_1:
0x1e: {  	p1 =	sgt.u32 s13, s6  }
0x1f: {  	s16 =	sshrl.u32 @!p1 s12, $0x3  }
0x20: {  	s17 =	sshll.u32 @!p1 s11, $0x3;
	s16 =	smul.u32 @!p1 $0x7A1400, s16  }
0x21: {  	s18 =	sshll.u32 @!p1 s12, $0x7;
	s17 =	sand.u32 @!p1 $0xFFFFFC00, s17  }
0x22: {  	s16 =	sadd.s32 @!p1 s16, s17;
	s17 =	sand.u32 @!p1 $0x380, s18  }
0x23: {  	s18 =	sand.u32 @!p1 $0x7F, s11;
	s16 =	sor.u32 @!p1 s17, s16  }
0x24: {  	s17 =	sor.u32 @!p1 s18, s16  }
0x25: {  	s18 =	smulhi.u32 @!p1 $0x218D6287, s17;
	_ =	sdelay $0x1  }
0x26: {  	s16 =	smulhi.u32 @!p1 $0x218D6287, s16;
	s18 =	sshrl.u32 @!p1 s18, $0x11  }
0x27: {  	s18 =	smul.u32 @!p1 $0xF4280, s18  }
0x28: {  	s19 =	sxor.u32 @!p1 $0xFFFFFFFF, s13;
	s16 =	sshrl.u32 @!p1 s16, $0x11  }
0x29: {  	s19 =	sshll.u32 @!p1 s19, $0xC;
	s16 =	sand.u32 @!p1 $0x1F, s16;
	s17 =	ssub.s32 @!p1 s17, s18  }
0x2a: {  	s16 =	smul.u32 @!p1 $0x1E850, s16;
	s18 =	sshrl.u32 @!p1 s17, $0x3;
	s17 =	sand.u32 @!p1 $0x7, s17  }
0x2b: {  	s19 =	sand.u32 @!p1 $0x1000, s19;
	s18 =	sadd.s32 @!p1 s2, s18;
	s17 =	sshll.u32 @!p1 s17, $0x12  }
0x2c: {  	s16 =	sadd.s32 @!p1 s16, s18;
	s17 =	sor.u32 @!p1 $0x400, s17;
	s18 =	simm.s32 @!p1 $0x7A1400  }
0x2d: {  	[tilespmem:s19], [sflag:$0x1] =	stream.strided.gather @!p1 [hbm4b:s16+s17], $0x1000, s18, s17, $0x38;
	[tilespmem:$0x4100] =	vst v63  }
0x2e: {  	p1 =	seq.s32 s13, $0x0  }
0x2f: {  	p2 =	sge.u32 @!p1 s13, s7  }
0x30: {  	p1 =	por p1, p2  }
.Ltmp2:
0x31: {  	_ = 	snop;
	(pc) =	sbr.rel @p1 .LBB1_5-.Ltmp2, $1  }
0x32: {  	_ =	sdelay $0x3  }
0x33: {  	s16 =	simm.s32 $0x1  }
0x34: {  	_ =	swait.ge [sflag:s4], $0x1000;
	s16 =	simm.s32 @!p0 $0x0  }
0x35: {  	[sflag:s4] =	ssyncset.done $0x0;
	s17 =	sshll.u32 s16, $0xC  }
0x36: {  	[sflag:s4] =	ssyncadd.s32 $0xFFFFF000;
	s17 =	sor.u32 $0x40, s17  }
0x37: {  	s16 =	smul.u32 $0x4200, s16;
	v0 =	vld [tilespmem:s17+$0x30]  }
0x38: {  	v1 =	vld [tilespmem:s17+$0xFFFFFFD0]  }
0x39: {  	s16 =	sshrl.u32 s16, $0x2;
	v5 =	vld [tilespmem:s17+$0xFFFFFFE0]  }
0x3a: {  	v6 =	vld [tilespmem:s17+$0xFFFFFFF0];
	s19 =	sor.u32 $0x2000, s16  }
0x3b: {  	s31 =	sand.u32 $0x1, s13;
	v4 =	vld [tilespmem:s17+$0x0];
	s18 =	sadd.s32 $0x0, s19  }
0x3c: {  	v3 =	vld [tilespmem:s17+$0x10];
	s16 =	smul.u32 $0x4200, s31;
	[tilespmem:s18+$0xE70 ss:$0x21] =	vst.msk $0xffff, v0  }
0x3d: {  	v2 =	vld [tilespmem:s17+$0x20];
	[tilespmem:s18+$0x210 ss:$0x21] =	vst.msk $0xffff, v1  }
0x3e: {  	s16 =	sshrl.u32 s16, $0x2;
	v1 =	vld [tilespmem:s17+$0xFFFFFFC0];
	[tilespmem:s18+$0x420 ss:$0x21] =	vst.msk $0xffff, v5;
	s17 =	sadd.s32 $0x80, s17  }
0x3f: {  	s20 =	simm.s32 $0x4;
	s21 =	simm.s32 $0x8;
	s16 =	sor.u32 $0x2000, s16;
	[tilespmem:s18+$0x630 ss:$0x21] =	vst.msk $0xffff, v6;
	v0 =	vld [tilespmem:s17+$0x30]  }
.LBB1_3:
0x40: {  	p1 =	sne.s32 s21, $0x7C;
	v5 =	vld [tilespmem:s17+$0xFFFFFFD0];
	[tilespmem:s18+$0x840 ss:$0x21] =	vst.msk $0xffff, v4  }
0x41: {  	v6 =	vld [tilespmem:s17+$0xFFFFFFE0];
	[tilespmem:s18+$0xA50 ss:$0x21] =	vst.msk $0xffff, v3  }
0x42: {  	s22 =	sshra.s32 s20, $0x2;
	s20 =	smov.u32 s21;
	v7 =	vld [tilespmem:s17+$0xFFFFFFF0];
	[tilespmem:s18+$0xC60 ss:$0x21] =	vst.msk $0xffff, v2  }
.Ltmp3:
0x43: {  	v4 =	vld [tilespmem:s17+$0x0];
	[tilespmem:s18+$0x0 ss:$0x21] =	vst.msk $0xffff, v1;
	s18 =	sadd.s32 s22, s19;
	(pc) =	sbr.rel @p1 .LBB1_3-.Ltmp3, $4  }
0x44: {  	v3 =	vld [tilespmem:s17+$0x10];
	[tilespmem:s18+$0xE70 ss:$0x21] =	vst.msk $0xffff, v0  }
0x45: {  	[tilespmem:s18+$0x210 ss:$0x21] =	vst.msk $0xffff, v5;
	v2 =	vld [tilespmem:s17+$0x20]  }
0x46: {  	v1 =	vld [tilespmem:s17+$0xFFFFFFC0];
	[tilespmem:s18+$0x420 ss:$0x21] =	vst.msk $0xffff, v6;
	s17 =	sadd.s32 $0x80, s17  }
0x47: {  	s21 =	sadd.s32 $0x4, s21;
	v0 =	vld [tilespmem:s17+$0x30];
	[tilespmem:s18+$0x630 ss:$0x21] =	vst.msk $0xffff, v7  }
0x48: {  	s21 =	sshll.u32 s9, $0x7;
	s22 =	sshll.u32 s10, $0x3;
	s20 =	sshra.s32 s20, $0x2  }
0x49: {  	p1 =	sgt.s32 s9, $0xF41C0;
	s30 =	sshra.s32 s9, $0x1F;
	s25 =	sshra.s32 s10, $0x1F  }
0x4a: {  	v5 =	vld [tilespmem:s17+$0xFFFFFFD0];
	s28 =	sshrl.u32 s10, $0x3;
	s23 =	sand.u32 $0xFFFFFC00, s21;
	s22 =	sand.u32 $0xFFFFFC00, s22  }
0x4b: {  	[tilespmem:s18+$0x840 ss:$0x21] =	vst.msk $0xffff, v4;
	v58 =	vld [tilespmem:s17+$0xFFFFFFE0];
	s21 =	sand.u32 $0x380, s21;
	s19 =	sadd.s32 s20, s19;
	s22 =	sadd.s32 s22, s23  }
0x4c: {  	v59 =	vld [tilespmem:s17+$0xFFFFFFF0];
	[tilespmem:s18+$0xA50 ss:$0x21] =	vst.msk $0xffff, v3;
	s29 =	sor.u32 s21, s22;
	s21 =	smov.u32 s9;
	s22 =	sand.u32 s30, s9  }
0x4d: {  	v60 =	vld [tilespmem:s17+$0x0];
	[tilespmem:s18+$0xC60 ss:$0x21] =	vst.msk $0xffff, v2;
	s30 =	sand.u32 $0x7, s10;
	s20 =	sshrl.u32 s29, $0x7;
	s21 =	simm.s32 @!p1 $0xF41C0  }
0x4e: {  	v61 =	vld [tilespmem:s17+$0x10];
	[tilespmem:s18+$0x0 ss:$0x21] =	vst.msk $0xffff, v1;
	p1 =	sgt.s32 s10, $0x60;
	s24 =	ssub.s32 s21, s22;
	s21 =	smov.u32 s10  }
0x4f: {  	v62 =	vld [tilespmem:s17+$0x20];
	[tilespmem:s19+$0xE70 ss:$0x21] =	vst.msk $0xffff, v0;
	s31 =	smulhi.u32 $0x218DEF5, s20;
	s22 =	sand.u32 s25, s10;
	s21 =	simm.s32 @!p1 $0x60  }
0x50: {  	v63 =	vld [tilespmem:s17+$0xFFFFFFC0];
	[tilespmem:s19+$0x210 ss:$0x21] =	vst.msk $0xffff, v5;
	s26 =	sadd.s32 $0xFFF0BE40, s24;
	s17 =	ssub.s32 $0xF4240, s24;
	s21 =	ssub.s32 s21, s22  }
0x51: {  	[tilespmem:s19+$0x420 ss:$0x21] =	vst.msk $0xffff, v58;
	s23 =	sshrl.u32 s31, $0xD;
	p1 =	sgt.s32 s26, $0x7F;
	s27 =	sadd.s32 $0xFFFFFFA0, s21  }
0x52: {  	[tilespmem:s19+$0x630 ss:$0x21] =	vst.msk $0xffff, v59;
	s23 =	smul.u32 $0xF4240, s23;
	s18 =	ssub.s32 $0x80, s21;
	p2 =	sgt.s32 s27, $0x1F  }
.Ltmp4:
0x53: {  	[tilespmem:s19+$0x840 ss:$0x21] =	vst.msk $0xffff, v60;
	s17 =	simm.s32 @p1 $0x0;
	s18 =	simm.s32 @p2 $0x0;
	(pc) =	sbr.rel .LBB1_5-.Ltmp4, $4  }
0x54: {  	s29 =	sand.u32 $0xF, s28;
	[tilespmem:s19+$0xA50 ss:$0x21] =	vst.msk $0xffff, v61;
	s20 =	ssub.s32 s20, s23;
	s17 =	smul.u32 s18, s17  }
0x55: {  	[tilespmem:s19+$0xC60 ss:$0x21] =	vst.msk $0xffff, v62;
	s21 =	sshll.u32 s30, $0x12;
	s20 =	sshll.u32 s20, $0x4;
	s18 =	sadd.s32 s5, s29  }
0x56: {  	[tilespmem:s19+$0x0 ss:$0x21] =	vst.msk $0xffff, v63;
	s31 =	sor.u32 $0x20, s21;
	s18 =	sadd.s32 s20, s18;
	s17 =	sand.u32 $0x3FFFFFFF, s17  }
0x57: {  	[hbm4b:s18+s31] =	stream.strided.scatter [tilespmem:s16], [sflag:$0x2], s17, s8, s31, $0x10;
	[tilespmem:$0x4100] =	vst v63  }
.LBB1_6:
0x58: {  	_ =	sfence.sel $0x180000  }
0x59: {  	s2 =	simm.s32 $0x1;
	[bflag:$0x0] =	sbarrier.arrive $0xFFFF  }
0x5a: {  	s31 =	simm.s32 $0x2;
	[sflag:s2] =	ssyncpa.u1 $0x1  }
0x5b: {  	[sflag:s31] =	ssyncpa.u1 $0x1  }
0x5c: {  	p0 =	sne.s32 s1, $0x0;
	_ =	strace $0x90000047  }
0x5d: {  	s0 =	sadd.s32 @!p0 $0x100000, s0;
	[bflag:$0x2] =	sbarrier.arrive $0xFFFF  }
0x5e: {  	[sflag:s0] =	ssyncadd.tile.s32 @!p0 $0x1;
	_ =	shalt  }
.Lfunc_end1:
_tile_overlayer_lowered:
.L_overlay_start_2:
0x5f: {  	(tag) =	ssettag $0x2  }
0x60: {  	s0 =	rddreg [dreg:$0x0];
	s2 =	stileid.u32  }
0x61: {  	s1 =	rddreg [dreg:$0x1];
	p0 =	sne.s32 s2, $0x0  }
0x62: {  	s3 =	rddreg [dreg:$0x2];
	[bflag:$0x3] =	sbarrier.arrive $0xFFFF;
	s2 =	simm.s32 @!p0 $0x1C01  }
0x63: {  	[timem:s3], [sflag:s2] =	dma.local @!p0 [hbm:s0], s1  }
0x64: {  	s0 =	simm.s32 @!p0 $0x1  }
0x65: {  	_ =	swait.ge @!p0 [sflag:s0], s1  }
0x66: {  	s1 =	ssub.s32 @!p0 $0x0, s1;
	[sflag:s0] =	ssyncset.done @!p0 $0x0  }
0x67: {  	[sflag:s0] =	ssyncadd.s32 @!p0 s1  }
0x68: {  	[bflag:$0x3] =	sbarrier.arrive $0xFFFF  }
0x69: {  	_ =	shalt  }

// kernel: sparse-core-data-format-call.cloned.1.call-start
scs
called_computation_lowered:
.L_overlay_start_0:
0x0: {  	s1 =	sld [smem:$0x3FD9]  }
0x1: {  	s2 =	sld [smem:$0x3FFE];
	_ =	sdelay $0x1  }
0x2: {  	s3 =	srdreg.scid  }
0x3: {  	s0 =	sand.u32 $0x1, s3  }
0x4: {  	s17 =	sshll.u32 s0, $0xA;
	s1 =	sadd.s32 s2, s1  }
0x5: {  	s1 =	sadd.s32 s1, s17  }
0x6: {  	[smem:$0x3FC1] =	sst s1  }
0x7: {  	_ = 	snop  }
0x8: {  	(tm) =	ssettm $0x1  }
0x9: {  	s18 =	sld [smem:$0x3FFB];
	_ =	sdelay $0x3  }
0xa: {  	_ =	strace s18  }
0xb: {  	s1 =	sld [smem:$0x3FFC];
	_ =	sdelay $0x3  }
0xc: {  	_ =	strace s1  }
0xd: {  	s1 =	sld [smem:$0x3FFD];
	_ =	sdelay $0x3  }
0xe: {  	_ =	strace s1  }
0xf: {  	_ =	strace $0x8FFFFFFF  }
0x10: {  	s19 =	sld [smem:$0x3FDB];
	_ =	sdelay $0x1  }
0x11: {  	s20 =	simm.s32 $_scs_section_size  }
0x12: {  	s4 =	simm.s32 $_size__tile_overlayer_lowered;
	s5 =	simm.s32 $_tile_overlayer_lowered  }
0x13: {  	s23 =	simm.s32 $0x1BFF;
	s22 =	sshll.u32 s5, $0x1;
	s1 =	sadd.s32 s20, s19  }
0x14: {  	s6 =	simm.s32 $0x0;
	s21 =	sshll.u32 s4, $0x1;
	s4 =	sadd.s32 s22, s1  }
0x15: {  	[timem:s6], [sflag:s23] =	dma.local [hbm:s4], s21  }
0x16: {  	_ =	swait.ge [sflag:s23], s21  }
0x17: {  	s2 =	ssub.s32 $0x0, s21;
	[sflag:s23] =	ssyncset.done $0x0  }
0x18: {  	[sflag:s23] =	ssyncadd.s32 s2;
	_ =	sdelay $0x1  }
0x19: {  	s24 =	simm.s32 $0x1B8B  }
0x1a: {  	_ =	swait.ge [sflag:s24], $0x1  }
0x1b: {  	[sflag:s24] =	ssyncset.done $0x0  }
0x1c: {  	s26 =	simm.s32 $0x1B8E;
	s25 =	sld [smem:$0x3FFE];
	[sflag:s24] =	ssyncadd.s32 $0xFFFFFFFF  }
0x1d: {  	s27 =	simm.s32 $execute0_lowered;
	[smem:$0x3FD2] =	sst s26  }
0x1e: {  	s4 =	sshll.u32 s27, $0x1;
	_ =	strace $0x80000049;
	[dreg:$0x1] =	wrdreg $0xFFFFFFFF  }
0x1f: {  	s28 =	simm.s32 $_size_execute0_lowered;
	s1 =	sadd.s32 s1, s4;
	[dreg:$0x0] =	wrdreg $0x0  }
0x20: {  	s4 =	sshll.u32 s28, $0x1;
	[dreg:$0x2] =	wrdreg s1  }
0x21: {  	[dreg:$0x3] =	wrdreg s4  }
0x22: {  	[dreg:$0x4] =	wrdreg $0xC0  }
0x23: {  	_ =	task [dreg:s6], $0x5FFFF  }
0x24: {  	[dreg:$0x1] =	wrdreg $0xFFFFFFFF  }
0x25: {  	[dreg:$0x0] =	wrdreg $0x60  }
0x26: {  	[dreg:$0x2] =	wrdreg s25  }
0x27: {  	[dreg:$0x3] =	wrdreg $0x9  }
0x28: {  	_ =	task.clear_ibuf [dreg:s6], $0x4FFFF;
	_ =	strace $0x90000049  }
0x29: {  	s29 =	simm.s32 $0x9;
	_ =	strace $0x8000004B  }
0x2a: {  	_ =	swait.ge [sflag:s29], $0x1  }
0x2b: {  	[sflag:s29] =	ssyncadd.s32 $0xFFFFFFFF  }
0x2c: {  	_ =	strace $0x9000004B  }
0x2d: {  	_ =	sfence  }
0x2e: {  	s30 =	sld [smem:$0x0];
	_ =	sdelay $0x2  }
0x2f: {  	s31 =	sshll.u32 s3, $0xD;
	s3 =	sshrl.u32 s3, $0x2  }
0x30: {  	s2 =	sand.u32 $0x4000, s31;
	s1 =	sadd.s32 s3, s30  }
0x31: {  	s0 =	sor.u32 s2, s0;
	s1 =	sshll.u32 s1, $0x11  }
0x32: {  	s0 =	sor.u32 s1, s0  }
0x33: {  	s0 =	sadd.s32 $0x8F2B, s0  }
0x34: {  	[sflag:s0] =	ssyncadd.remote.s32 $0x1  }
0x35: {  	_ =	sfence.sel $0xFFFF  }
0x36: {  	[dreg:$0x0] =	wrdreg $0xFFFFFFFF;
	(pc) =	sbr.abs _section_cstart, $3  }
0x37: {  	[dreg:$0x1] =	wrdreg $0xFFFFFFFF  }
0x38: {  	_ =	task.clear_ibuf [dreg:s6], $0x2FFFF;
	_ =	strace $0x9FFFFFFF  }
0x39: {  	(tm) =	ssettm $0x7FFFFFFF  }
tec
execute0_lowered:
.L_overlay_start_1:
0x0: {  	(tag) =	ssettag $0x1  }
0x1: {  	s0 =	srdreg.scid  }
0x2: {  	s4 =	rddreg [dreg:$0x0];
	s1 =	stileid.u32  }
0x3: {  	s5 =	simm.s32 $0x1;
	s7 =	simm.s32 $0x2;
	s0 =	sshll.u32 s0, $0x4  }
0x4: {  	s11 =	simm.s32 $0x0;
	p0 =	por $0x0, $0x0;
	s2 =	sand.u32 $0x10, s0  }
.Ltmp0:
0x5: {  	s8 =	simm.s32 $0x1E8800;
	s3 =	sor.u32 s1, s2;
	(pc) =	sbr.rel .LBB1_1-.Ltmp0, $4  }
0x6: {  	s10 =	simm.s32 $0x0;
	s0 =	rddreg [dreg:$0x1];
	s3 =	sshll.u32 s3, $0x7  }
0x7: {  	_ =	strace $0x8000004A;
	s2 =	sadd.s32 $0x600, s4;
	s6 =	ssub.s32 $0x3D080, s3  }
0x8: {  	s4 =	sadd.s32 $0xF42A00, s4;
	[sflag:s5] =	ssyncpa.u1 $0x0;
	s6 =	sshrl.u32 s6, $0xC  }
0x9: {  	[sflag:s7] =	ssyncpa.u1 $0x0;
	s9 =	smov.u32 s3;
	s7 =	sor.u32 $0x2, s6  }
.LBB1_7:
0xa: {  	s13 =	sadd.s32 $0x1000, s9  }
0xb: {  	p2 =	sgt.s32 s13, $0x3D08F  }
0xc: {  	s13 =	smov.u32 @p2 s3;
	p2 =	sne.s32 s10, s7  }
.Ltmp1:
0xd: {  	p1 =	slt.u32 s10, $0x2;
	(pc) =	sbr.rel @!p2 .LBB1_8-.Ltmp1, $4  }
0xe: {  	s12 =	simm.s32 @!p1 $0x2  }
0xf: {  	s14 =	sadd.s32 $0x1, s10;
	_ =	swait.ge @!p1 [sflag:s12], $0x4000  }
0x10: {  	s11 =	smov.u32 s9;
	p0 =	por !p0, !p0;
	[sflag:s12] =	ssyncset.done @!p1 $0x0  }
0x11: {  	s10 =	smov.u32 s14;
	s9 =	smov.u32 s13;
	[sflag:s12] =	ssyncadd.s32 @!p1 $0xFFFFC000  }
.LBB1_1:
0x12: {  	p1 =	sgt.u32 s10, s6  }
0x13: {  	p2 =	sgt.s32 @!p1 s9, $0x3D010  }
0x14: {  	s12 =	smov.u32 s9;
	s13 =	sshra.s32 @!p1 s9, $0x1F;
	p2 =	por !p2, p1  }
0x15: {  	s13 =	sand.u32 @!p1 s13, s9;
	s12 =	simm.s32 @p2 $0x3D010  }
0x16: {  	s12 =	ssub.s32 @!p1 s12, s13  }
0x17: {  	s14 =	sxor.u32 @!p1 $0xFFFFFFFF, s10;
	s12 =	sadd.s32 @!p1 $0xFFFC2FF0, s12  }
0x18: {  	s15 =	simm.s32 @!p1 $0x20;
	s16 =	simm.s32 @!p1 $0x80;
	s13 =	sshll.u32 @!p1 s12, $0x9  }
0x19: {  	p2 =	sgt.s32 @!p1 s12, $0x7F;
	s12 =	ssub.s32 @!p1 $0x10000, s13;
	s13 =	sshll.u32 @!p1 s14, $0xE  }
0x1a: {  	p2 =	por !p2, p1;
	s14 =	sshll.u32 @!p1 s9, $0x6;
	s12 =	sshrl.u32 @!p1 s12, $0x2  }
0x1b: {  	s13 =	sand.u32 @!p1 $0x4000, s13;
	s14 =	sadd.s32 @!p1 s2, s14;
	s12 =	simm.s32 @!p2 $0x0  }
0x1c: {  	[tilespmem:s13], [sflag:$0x1] =	stream.strided.gather @!p1 [hbm4b:s14+s15], s12, s16, s15, $0x38;
	[tilespmem:$0x10100] =	vst v63  }
0x1d: {  	p1 =	seq.s32 s10, $0x0  }
0x1e: {  	p2 =	sge.u32 @!p1 s10, s7  }
0x1f: {  	p1 =	por p1, p2  }
.Ltmp2:
0x20: {  	_ = 	snop;
	(pc) =	sbr.rel @p1 .LBB1_7-.Ltmp2, $1  }
0x21: {  	_ =	sdelay $0x3  }
0x22: {  	p1 =	sgt.s32 s11, $0x3D010;
	s12 =	smov.u32 s11;
	s13 =	sshra.s32 s11, $0x1F  }
0x23: {  	s12 =	simm.s32 @!p1 $0x3D010;
	s13 =	sand.u32 s13, s11  }
0x24: {  	s12 =	ssub.s32 s12, s13  }
0x25: {  	s12 =	sadd.s32 $0xFFFC2FF0, s12  }
0x26: {  	s14 =	simm.s32 $0x1;
	s16 =	sand.u32 $0x1, s10;
	s29 =	sshll.u32 s12, $0x9  }
0x27: {  	s14 =	simm.s32 @!p0 $0x0;
	s31 =	smul.u32 $0x10200, s16;
	s13 =	ssub.s32 $0x10000, s29  }
0x28: {  	s15 =	smul.u32 $0x10200, s14;
	p1 =	sgt.s32 s12, $0x7F;
	s12 =	sshrl.u32 s13, $0x2  }
0x29: {  	s14 =	sshll.u32 s14, $0xE;
	s12 =	simm.s32 @p1 $0x0  }
0x2a: {  	s30 =	sshrl.u32 s15, $0x2;
	s15 =	sshrl.u32 s31, $0x2;
	_ =	swait.ge [sflag:s5], s12  }
0x2b: {  	s13 =	sadd.s32 $0x8810, s30;
	s12 =	ssub.s32 $0x0, s12;
	[sflag:s5] =	ssyncset.done $0x0  }
0x2c: {  	[sflag:s5] =	ssyncadd.s32 s12;
	s12 =	sor.u32 $0x8000, s15;
	s15 =	simm.s32 $0x0  }
.LBB1_3:
0x2d: {  	v0 =	vmov s14;
	_ =	sdelay $0x3  }
0x2e: {  	s16 =	simm.s32 $0x0  }
0x2f: {  	v1 =	vld.idx.msk [tilespmem:v0+s16+$0x10 ss:$0x1], $0xffff  }
0x30: {  	v2 =	vld.idx.msk [tilespmem:v0+s16+$0x0 ss:$0x1], $0xffff;
	_ =	sdelay $0x1  }
0x31: {  	s17 =	simm.s32 $0x80;
	s16 =	smov.u32 s13  }
.LBB1_4:
0x32: {  	s18 =	sshra.s32 s17, $0x2;
	p1 =	sne.s32 s17, $0x180;
	s17 =	sadd.s32 $0x80, s17  }
.Ltmp3:
0x33: {  	[tilespmem:s16+$0x0 ss:$0x81] =	vst.msk $0xffff, v1;
	v1 =	vld.idx.msk [tilespmem:v0+s18+$0x10 ss:$0x1], $0xffff;
	(pc) =	sbr.rel @p1 .LBB1_4-.Ltmp3, $2  }
0x34: {  	[tilespmem:s16+$0xFFFFF7F0 ss:$0x81] =	vst.msk $0xffff, v2;
	v2 =	vld.idx.msk [tilespmem:v0+s18+$0x0 ss:$0x1], $0xffff;
	_ =	sdelay $0x2  }
0x35: {  	s16 =	sadd.s32 $0x1020, s16  }
0x36: {  	s15 =	sadd.s32 $0x1, s15  }
0x37: {  	p1 =	sne.s32 s15, $0x80  }
.Ltmp4:
0x38: {  	_ = 	snop;
	(pc) =	sbr.rel @p1 .LBB1_3-.Ltmp4, $3  }
0x39: {  	_ =	sdelay $0x1  }
0x3a: {  	[tilespmem:s16+$0x0 ss:$0x81] =	vst.msk $0xffff, v1  }
0x3b: {  	s13 =	sadd.s32 $0x1, s13;
	s14 =	sadd.s32 $0x80, s14;
	[tilespmem:s16+$0xFFFFF7F0 ss:$0x81] =	vst.msk $0xffff, v2  }
0x3c: {  	s13 =	sshll.u32 s11, $0x3  }
0x3d: {  	s13 =	sand.u32 $0xFFFFFC00, s13  }
0x3e: {  	s14 =	sshrl.u32 s13, $0x8  }
0x3f: {  	s14 =	smulhi.u32 $0x10C50B5, s14;
	_ =	sdelay $0x1  }
0x40: {  	s14 =	sshrl.u32 s14, $0x2  }
0x41: {  	s29 =	sand.u32 $0x7F, s11;
	s15 =	smul.u32 $0x3D100, s14  }
0x42: {  	s11 =	sor.u32 s29, s13  }
.Ltmp5:
0x43: {  	s30 =	sand.u32 $0x1F, s14;
	s11 =	ssub.s32 s11, s15;
	(pc) =	sbr.rel .LBB1_7-.Ltmp5, $4  }
0x44: {  	s13 =	smul.u32 $0x7A20, s30;
	s31 =	sshrl.u32 s11, $0x3;
	s11 =	sand.u32 $0x7, s11  }
0x45: {  	s14 =	sadd.s32 s4, s31;
	s11 =	sshll.u32 s11, $0x12  }
0x46: {  	s13 =	sadd.s32 s13, s14;
	s11 =	sor.u32 $0x400, s11  }
0x47: {  	[hbm4b:s13+s11] =	stream.strided.scatter [tilespmem:s12], [sflag:$0x2], $0x4000, s8, s11, $0x20;
	[tilespmem:$0x10100] =	vst v63  }
.LBB1_8:
0x48: {  	_ =	sfence.sel $0x180000  }
0x49: {  	s2 =	simm.s32 $0x1;
	[bflag:$0x0] =	sbarrier.arrive $0xFFFF  }
0x4a: {  	s31 =	simm.s32 $0x2;
	[sflag:s2] =	ssyncpa.u1 $0x1  }
0x4b: {  	[sflag:s31] =	ssyncpa.u1 $0x1  }
0x4c: {  	p0 =	sne.s32 s1, $0x0;
	_ =	strace $0x9000004A  }
0x4d: {  	s0 =	sadd.s32 @!p0 $0x100000, s0;
	[bflag:$0x2] =	sbarrier.arrive $0xFFFF  }
0x4e: {  	[sflag:s0] =	ssyncadd.tile.s32 @!p0 $0x1;
	_ =	shalt  }
.Lfunc_end1:
_tile_overlayer_lowered:
.L_overlay_start_2:
0x4f: {  	(tag) =	ssettag $0x2  }
0x50: {  	s0 =	rddreg [dreg:$0x0];
	s2 =	stileid.u32  }
0x51: {  	s1 =	rddreg [dreg:$0x1];
	p0 =	sne.s32 s2, $0x0  }
0x52: {  	s3 =	rddreg [dreg:$0x2];
	[bflag:$0x3] =	sbarrier.arrive $0xFFFF;
	s2 =	simm.s32 @!p0 $0x1C01  }
0x53: {  	[timem:s3], [sflag:s2] =	dma.local @!p0 [hbm:s0], s1  }
0x54: {  	s0 =	simm.s32 @!p0 $0x1  }
0x55: {  	_ =	swait.ge @!p0 [sflag:s0], s1  }
0x56: {  	s1 =	ssub.s32 @!p0 $0x0, s1;
	[sflag:s0] =	ssyncset.done @!p0 $0x0  }
0x57: {  	[sflag:s0] =	ssyncadd.s32 @!p0 s1  }
0x58: {  	[bflag:$0x3] =	sbarrier.arrive $0xFFFF  }
0x59: {  	_ =	shalt  }

</sc_bundles>
